<compile_context>
chip_gen: v7x
topology: tpu7x:2x2x1
jax: 0.10.2.dev20260603
libtpu: 0.0.44.dev20260713+nightly
codegen_flags: <defaults>
</compile_context>

<pallas_src>
import functools

import jax
import jax.numpy as jnp
from jax import lax
from jax.experimental import pallas as pl
from jax.experimental.pallas import tpu as pltpu
from jax.experimental.pallas import tpu_sc as plsc

BATCH = 1024
INPUT_SIZE = 2048
OUTPUT_SIZE = 2048
N_INPUTS = 4
NUM_COMBOS = 16
LANES = 16

NUM_CORES = 2
NUM_SUBCORES = 16
NUM_WORKERS = NUM_CORES * NUM_SUBCORES
ROWS_PER_WORKER = BATCH // NUM_WORKERS
GROUPS_PER_SLAB = 8
SLAB = LANES * GROUPS_PER_SLAB
NUM_SLABS = OUTPUT_SIZE // SLAB

_MESH = plsc.VectorSubcoreMesh(core_axis_name="c", subcore_axis_name="s")


@functools.partial(
    pl.kernel,
    mesh=_MESH,
    compiler_params=pltpu.CompilerParams(
        use_tc_tiling_on_sc=False, needs_layout_passes=False),
    out_type=jax.ShapeDtypeStruct((BATCH // 8, NUM_SLABS, 8, SLAB),
                                  jnp.float32),
    scratch_types=[
        pltpu.VMEM((ROWS_PER_WORKER * INPUT_SIZE,), jnp.float32),
        pltpu.VMEM((OUTPUT_SIZE, NUM_COMBOS), jnp.float32),
        pltpu.VMEM((OUTPUT_SIZE, N_INPUTS), jnp.int32),
        pltpu.VMEM((2, ROWS_PER_WORKER // 8, 8, SLAB), jnp.float32),
        pltpu.SemaphoreType.DMA,
        pltpu.SemaphoreType.DMA,
    ],
)
def _lut_sc(x_hbm, tab_hbm, map_hbm, out_hbm, x_v, tab_v, map_v, ostage_v,
            osem, isem):
    wid = lax.axis_index("s") * NUM_CORES + lax.axis_index("c")
    rblk_base = wid * (ROWS_PER_WORKER // 8)
    in_x = pltpu.make_async_copy(
        x_hbm.at[pl.ds(wid * ROWS_PER_WORKER * INPUT_SIZE,
                       ROWS_PER_WORKER * INPUT_SIZE)], x_v, isem)
    in_tab = pltpu.make_async_copy(tab_hbm, tab_v, isem)
    in_map = pltpu.make_async_copy(map_hbm, map_v, isem)
    in_x.start()
    in_tab.start()
    in_map.start()
    in_x.wait()
    in_tab.wait()
    in_map.wait()

    iota = lax.iota(jnp.int32, LANES)

    def slab_body(gg, carry):
        cbase = gg * SLAB
        obuf = ostage_v.at[gg & 1]
        for gi in range(GROUPS_PER_SLAB):
            nbase = cbase + gi * LANES
            nodes = iota + nbase
            c = [plsc.load_gather(tab_v, [nodes, jnp.full((LANES,), s, jnp.int32)])
                 for s in range(NUM_COMBOS)]
            for maskb in (1, 2, 4, 8):
                for s in range(NUM_COMBOS):
                    if s & maskb:
                        c[s] = c[s] - c[s ^ maskb]
            midx = [plsc.load_gather(map_v, [nodes, jnp.full((LANES,), k, jnp.int32)])
                    for k in range(N_INPUTS)]
            gidx = [((midx[k] >> 7) << 10) | (midx[k] & (SLAB - 1))
                    for k in range(N_INPUTS)]

            @plsc.parallel_loop(0, ROWS_PER_WORKER, unroll=4)
            def row_body(r, c=c, gidx=gidx, gi=gi):
                rb = r >> 3
                rm = r & 7
                roff = pl.multiple_of((rb << 14) | (rm << 7), SLAB)
                x_row = x_v.at[pl.ds(roff, (INPUT_SIZE - SLAB) * 8 + SLAB)]
                m = [plsc.load_gather(x_row, [gidx[k]])
                     for k in range(N_INPUTS)]
                h = {s: c[s] for s in range(NUM_COMBOS)}
                for maskb, kbit in ((8, 3), (4, 2), (2, 1), (1, 0)):
                    h = {s: h[s] + m[kbit] * h[s | maskb]
                         for s in h if not s & maskb}
                obuf[rb, rm, pl.ds(gi * LANES, LANES)] = h[0]
        dst = out_hbm.at[pl.ds(rblk_base, ROWS_PER_WORKER // 8), gg]

        @pl.when(gg > 0)
        def _():
            pltpu.make_async_copy(obuf, dst, osem).wait()

        pltpu.make_async_copy(obuf, dst, osem).start()
        return carry

    lax.fori_loop(0, NUM_SLABS, slab_body, 0)
    pltpu.make_async_copy(
        ostage_v.at[(NUM_SLABS - 1) & 1],
        out_hbm.at[pl.ds(rblk_base, ROWS_PER_WORKER // 8), NUM_SLABS - 1],
        osem,
    ).wait()


def kernel(x, mapping, table):
    x4 = x.reshape(BATCH // 8, 8, INPUT_SIZE // SLAB, SLAB).transpose(0, 2, 1, 3)
    out4 = _lut_sc(x4.reshape(-1), table, mapping)
    return out4.transpose(0, 2, 1, 3).reshape(BATCH, OUTPUT_SIZE)

# --- scband reference (transcript-rebuilt; emitter-appended) ---
"""Pipeline reference for scband-base-lutlayer-15917148799724 (READ-ONLY COPY).

The authoritative reference and input builder live on the scoring server;
editing this copy changes nothing except your own understanding.
"""

import jax, jax.numpy as jnp
import numpy as np

BATCH = 1024
INPUT_SIZE = 2048
OUTPUT_SIZE = 2048
N_INPUTS = 4
NUM_COMBOS = 2 ** N_INPUTS


def setup_inputs(seed: int = 0) -> dict:
    key = jax.random.key(seed)
    k1, k2, k3 = jax.random.split(key, 3)
    # Forward input: soft bits in [0, 1]
    x = jax.random.uniform(k1, (BATCH, INPUT_SIZE), dtype=jnp.float32)
    # Learned/fixed connectivity: each node selects n input features (gather indices)
    mapping = jax.random.randint(k2, (OUTPUT_SIZE, N_INPUTS), 0, INPUT_SIZE, dtype=jnp.int32)
    # Learned truth tables: one 2^n-entry table per node
    table = jax.random.normal(k3, (OUTPUT_SIZE, NUM_COMBOS), dtype=jnp.float32)
    return {"x": x, "mapping": mapping, "table": table}


def reference(x, mapping, table):
    # get_mapping: (B, input_size) -> (B, output_size, n) via feature gather
    B = x.shape[0]
    mapped = jnp.take(x, mapping.reshape(-1), axis=1).reshape(B, OUTPUT_SIZE, N_INPUTS)
    # Soft (differentiable) LUT evaluation:
    # weight(combo) = prod_k [ bit_k ? mapped_k : (1 - mapped_k) ]
    bits = ((jnp.arange(NUM_COMBOS)[:, None] >> jnp.arange(N_INPUTS)[None, :]) & 1).astype(jnp.float32)  # (2^n, n)
    w = jnp.ones((B, OUTPUT_SIZE, NUM_COMBOS), dtype=jnp.float32)
    for k in range(N_INPUTS):
        mk = mapped[:, :, k][:, :, None]              # (B, O, 1)
        bk = bits[:, k][None, None, :]                # (1, 1, 2^n)
        w = w * (mk * bk + (1.0 - mk) * (1.0 - bk))
    # out_j = sum_combo table[j, combo] * w[:, j, combo]  -> (B, output_size)
    out = jnp.einsum('boc,oc->bo', w, table)
    return out

if __name__ == "__main__":
    import jax
    _d = setup_inputs()
    print(jax.jit(kernel)(*tuple(_d.values())))

</pallas_src>

<mosaic_0001>
#map = affine_map<(d0, d1) -> (0)>
#map1 = affine_map<(d0, d1) -> (0, 0)>
#map2 = affine_map<(d0, d1) -> (0, 0, 0, 0)>
module attributes {stable_mosaic.version = 14 : i64} {
  func.func @_lut_sc(%arg0: i32, %arg1: i32, %arg2: memref<2097152xf32, #tpu.memory_space<hbm>>, %arg3: memref<2048x16xf32, #tpu.memory_space<hbm>>, %arg4: memref<2048x4xi32, #tpu.memory_space<hbm>>, %arg5: memref<128x16x8x128xf32, #tpu.memory_space<hbm>>, %arg6: memref<65536xf32, #tpu.memory_space<vmem>>, %arg7: memref<2048x16xf32, #tpu.memory_space<vmem>>, %arg8: memref<2048x4xi32, #tpu.memory_space<vmem>>, %arg9: memref<2x4x8x128xf32, #tpu.memory_space<vmem>>, %arg10: memref<!tpu.dma_semaphore, #tpu.memory_space<semaphore_mem>>, %arg11: memref<!tpu.dma_semaphore, #tpu.memory_space<semaphore_mem>>) attributes {dimension_semantics = [#tpu.dimension_semantics<core_parallel>, #tpu.dimension_semantics<subcore_parallel>], iteration_bounds = array<i64: 2, 16>, scalar_prefetch = 0 : i64, scratch_operands = 6 : i64, tpu.core_type = #tpu.core_type<sc_vector_subcore>, window_params = [{transform_indices = #map}, {transform_indices = #map1}, {transform_indices = #map1}, {transform_indices = #map2}]} {
    %mul3A = arith.constant 2 : i32
    %mul3A_0 = arith.muli %arg1, %mul3A : i32
    %add3A = arith.addi %mul3A_0, %arg0 : i32
    %mul3A_1 = arith.constant 4 : i32
    %mul3A_2 = arith.muli %add3A, %mul3A_1 : i32
    %mul3A_3 = arith.constant 32 : i32
    %mul3A_4 = arith.muli %add3A, %mul3A_3 : i32
    %mul3A_5 = arith.constant 2048 : i32
    %mul3A_6 = arith.muli %mul3A_4, %mul3A_5 : i32
    %dma_start3A = tpu.memref_slice %arg2[%mul3A_6] : memref<2097152xf32, #tpu.memory_space<hbm>> -> memref<65536xf32, #tpu.memory_space<hbm>>
    %dma_start3A_7 = tpu.memref_slice %arg2[%mul3A_6] : memref<2097152xf32, #tpu.memory_space<hbm>> -> memref<65536xf32, #tpu.memory_space<hbm>>
    tpu.enqueue_dma source(%dma_start3A_7 : memref<65536xf32, #tpu.memory_space<hbm>>) target(%arg6 : memref<65536xf32, #tpu.memory_space<vmem>>) target_semaphore(%arg11 : memref<!tpu.dma_semaphore, #tpu.memory_space<semaphore_mem>>)
    tpu.enqueue_dma source(%arg3 : memref<2048x16xf32, #tpu.memory_space<hbm>>) target(%arg7 : memref<2048x16xf32, #tpu.memory_space<vmem>>) target_semaphore(%arg11 : memref<!tpu.dma_semaphore, #tpu.memory_space<semaphore_mem>>)
    tpu.enqueue_dma source(%arg4 : memref<2048x4xi32, #tpu.memory_space<hbm>>) target(%arg8 : memref<2048x4xi32, #tpu.memory_space<vmem>>) target_semaphore(%arg11 : memref<!tpu.dma_semaphore, #tpu.memory_space<semaphore_mem>>)
    %dma_wait3A = tpu.memref_slice %arg2[%mul3A_6] : memref<2097152xf32, #tpu.memory_space<hbm>> -> memref<65536xf32, #tpu.memory_space<hbm>>
    %dma_wait3A_8 = tpu.memref_slice %arg2[%mul3A_6] : memref<2097152xf32, #tpu.memory_space<hbm>> -> memref<65536xf32, #tpu.memory_space<hbm>>
    tpu.wait_dma2 semaphore(%arg11 : memref<!tpu.dma_semaphore, #tpu.memory_space<semaphore_mem>>) src(%dma_wait3A_8 : memref<65536xf32, #tpu.memory_space<hbm>>) dst(%arg6 : memref<65536xf32, #tpu.memory_space<vmem>>)
    tpu.wait_dma2 semaphore(%arg11 : memref<!tpu.dma_semaphore, #tpu.memory_space<semaphore_mem>>) src(%arg3 : memref<2048x16xf32, #tpu.memory_space<hbm>>) dst(%arg7 : memref<2048x16xf32, #tpu.memory_space<vmem>>)
    tpu.wait_dma2 semaphore(%arg11 : memref<!tpu.dma_semaphore, #tpu.memory_space<semaphore_mem>>) src(%arg4 : memref<2048x4xi32, #tpu.memory_space<hbm>>) dst(%arg8 : memref<2048x4xi32, #tpu.memory_space<vmem>>)
    %iota3A = tpu.iota {dimensions = array<i32: 0>} : vector<16xi32>
    %scan3A = arith.constant 0 : i32
    %scan3A_9 = arith.constant 0 : i32
    %scan3A_10 = arith.constant 16 : i32
    %scan3A_11 = arith.addi %scan3A_9, %scan3A_10 : i32
    %scan3A_12 = arith.constant 1 : i32
    scf.for %scan3A_34 = %scan3A_9 to %scan3A_11 step %scan3A_12  : i32 {
      %mul3A_35 = arith.constant 128 : i32
      %mul3A_36 = arith.muli %scan3A_34, %mul3A_35 : i32
      %and3A = arith.constant 1 : i32
      %and3A_37 = arith.andi %scan3A_34, %and3A : i32
      %add3A_38 = arith.constant 0 : i32
      %add3A_39 = arith.addi %mul3A_36, %add3A_38 : i32
      %add3A_40 = vector.broadcast %add3A_39 : i32 to vector<16xi32>
      %add3A_41 = arith.addi %iota3A, %add3A_40 : vector<16xi32>
      %broadcast_in_dim3A = arith.constant 0 : i32
      %broadcast_in_dim3A_42 = vector.broadcast %broadcast_in_dim3A : i32 to vector<16xi32>
      %gather3A = tpu.vector_load_idx %arg7[%add3A_41, %broadcast_in_dim3A_42] : memref<2048x16xf32, #tpu.memory_space<vmem>>[vector<16xi32>, vector<16xi32>], vector<16xf32>,
      %broadcast_in_dim3A_43 = arith.constant 1 : i32
      %broadcast_in_dim3A_44 = vector.broadcast %broadcast_in_dim3A_43 : i32 to vector<16xi32>
      %gather3A_45 = tpu.vector_load_idx %arg7[%add3A_41, %broadcast_in_dim3A_44] : memref<2048x16xf32, #tpu.memory_space<vmem>>[vector<16xi32>, vector<16xi32>], vector<16xf32>,
      %broadcast_in_dim3A_46 = arith.constant 2 : i32
      %broadcast_in_dim3A_47 = vector.broadcast %broadcast_in_dim3A_46 : i32 to vector<16xi32>
      %gather3A_48 = tpu.vector_load_idx %arg7[%add3A_41, %broadcast_in_dim3A_47] : memref<2048x16xf32, #tpu.memory_space<vmem>>[vector<16xi32>, vector<16xi32>], vector<16xf32>,
      %broadcast_in_dim3A_49 = arith.constant 3 : i32
      %broadcast_in_dim3A_50 = vector.broadcast %broadcast_in_dim3A_49 : i32 to vector<16xi32>
      %gather3A_51 = tpu.vector_load_idx %arg7[%add3A_41, %broadcast_in_dim3A_50] : memref<2048x16xf32, #tpu.memory_space<vmem>>[vector<16xi32>, vector<16xi32>], vector<16xf32>,
      %broadcast_in_dim3A_52 = arith.constant 4 : i32
      %broadcast_in_dim3A_53 = vector.broadcast %broadcast_in_dim3A_52 : i32 to vector<16xi32>
      %gather3A_54 = tpu.vector_load_idx %arg7[%add3A_41, %broadcast_in_dim3A_53] : memref<2048x16xf32, #tpu.memory_space<vmem>>[vector<16xi32>, vector<16xi32>], vector<16xf32>,
      %broadcast_in_dim3A_55 = arith.constant 5 : i32
      %broadcast_in_dim3A_56 = vector.broadcast %broadcast_in_dim3A_55 : i32 to vector<16xi32>
      %gather3A_57 = tpu.vector_load_idx %arg7[%add3A_41, %broadcast_in_dim3A_56] : memref<2048x16xf32, #tpu.memory_space<vmem>>[vector<16xi32>, vector<16xi32>], vector<16xf32>,
      %broadcast_in_dim3A_58 = arith.constant 6 : i32
      %broadcast_in_dim3A_59 = vector.broadcast %broadcast_in_dim3A_58 : i32 to vector<16xi32>
      %gather3A_60 = tpu.vector_load_idx %arg7[%add3A_41, %broadcast_in_dim3A_59] : memref<2048x16xf32, #tpu.memory_space<vmem>>[vector<16xi32>, vector<16xi32>], vector<16xf32>,
      %broadcast_in_dim3A_61 = arith.constant 7 : i32
      %broadcast_in_dim3A_62 = vector.broadcast %broadcast_in_dim3A_61 : i32 to vector<16xi32>
      %gather3A_63 = tpu.vector_load_idx %arg7[%add3A_41, %broadcast_in_dim3A_62] : memref<2048x16xf32, #tpu.memory_space<vmem>>[vector<16xi32>, vector<16xi32>], vector<16xf32>,
      %broadcast_in_dim3A_64 = arith.constant 8 : i32
      %broadcast_in_dim3A_65 = vector.broadcast %broadcast_in_dim3A_64 : i32 to vector<16xi32>
      %gather3A_66 = tpu.vector_load_idx %arg7[%add3A_41, %broadcast_in_dim3A_65] : memref<2048x16xf32, #tpu.memory_space<vmem>>[vector<16xi32>, vector<16xi32>], vector<16xf32>,
      %broadcast_in_dim3A_67 = arith.constant 9 : i32
      %broadcast_in_dim3A_68 = vector.broadcast %broadcast_in_dim3A_67 : i32 to vector<16xi32>
      %gather3A_69 = tpu.vector_load_idx %arg7[%add3A_41, %broadcast_in_dim3A_68] : memref<2048x16xf32, #tpu.memory_space<vmem>>[vector<16xi32>, vector<16xi32>], vector<16xf32>,
      %broadcast_in_dim3A_70 = arith.constant 10 : i32
      %broadcast_in_dim3A_71 = vector.broadcast %broadcast_in_dim3A_70 : i32 to vector<16xi32>
      %gather3A_72 = tpu.vector_load_idx %arg7[%add3A_41, %broadcast_in_dim3A_71] : memref<2048x16xf32, #tpu.memory_space<vmem>>[vector<16xi32>, vector<16xi32>], vector<16xf32>,
      %broadcast_in_dim3A_73 = arith.constant 11 : i32
      %broadcast_in_dim3A_74 = vector.broadcast %broadcast_in_dim3A_73 : i32 to vector<16xi32>
      %gather3A_75 = tpu.vector_load_idx %arg7[%add3A_41, %broadcast_in_dim3A_74] : memref<2048x16xf32, #tpu.memory_space<vmem>>[vector<16xi32>, vector<16xi32>], vector<16xf32>,
      %broadcast_in_dim3A_76 = arith.constant 12 : i32
      %broadcast_in_dim3A_77 = vector.broadcast %broadcast_in_dim3A_76 : i32 to vector<16xi32>
      %gather3A_78 = tpu.vector_load_idx %arg7[%add3A_41, %broadcast_in_dim3A_77] : memref<2048x16xf32, #tpu.memory_space<vmem>>[vector<16xi32>, vector<16xi32>], vector<16xf32>,
      %broadcast_in_dim3A_79 = arith.constant 13 : i32
      %broadcast_in_dim3A_80 = vector.broadcast %broadcast_in_dim3A_79 : i32 to vector<16xi32>
      %gather3A_81 = tpu.vector_load_idx %arg7[%add3A_41, %broadcast_in_dim3A_80] : memref<2048x16xf32, #tpu.memory_space<vmem>>[vector<16xi32>, vector<16xi32>], vector<16xf32>,
      %broadcast_in_dim3A_82 = arith.constant 14 : i32
      %broadcast_in_dim3A_83 = vector.broadcast %broadcast_in_dim3A_82 : i32 to vector<16xi32>
      %gather3A_84 = tpu.vector_load_idx %arg7[%add3A_41, %broadcast_in_dim3A_83] : memref<2048x16xf32, #tpu.memory_space<vmem>>[vector<16xi32>, vector<16xi32>], vector<16xf32>,
      %broadcast_in_dim3A_85 = arith.constant 15 : i32
      %broadcast_in_dim3A_86 = vector.broadcast %broadcast_in_dim3A_85 : i32 to vector<16xi32>
      %gather3A_87 = tpu.vector_load_idx %arg7[%add3A_41, %broadcast_in_dim3A_86] : memref<2048x16xf32, #tpu.memory_space<vmem>>[vector<16xi32>, vector<16xi32>], vector<16xf32>,
      %sub3A = arith.subf %gather3A_45, %gather3A : vector<16xf32>
      %sub3A_88 = arith.subf %gather3A_51, %gather3A_48 : vector<16xf32>
      %sub3A_89 = arith.subf %gather3A_57, %gather3A_54 : vector<16xf32>
      %sub3A_90 = arith.subf %gather3A_63, %gather3A_60 : vector<16xf32>
      %sub3A_91 = arith.subf %gather3A_69, %gather3A_66 : vector<16xf32>
      %sub3A_92 = arith.subf %gather3A_75, %gather3A_72 : vector<16xf32>
      %sub3A_93 = arith.subf %gather3A_81, %gather3A_78 : vector<16xf32>
      %sub3A_94 = arith.subf %gather3A_87, %gather3A_84 : vector<16xf32>
      %sub3A_95 = arith.subf %gather3A_48, %gather3A : vector<16xf32>
      %sub3A_96 = arith.subf %sub3A_88, %sub3A : vector<16xf32>
      %sub3A_97 = arith.subf %gather3A_60, %gather3A_54 : vector<16xf32>
      %sub3A_98 = arith.subf %sub3A_90, %sub3A_89 : vector<16xf32>
      %sub3A_99 = arith.subf %gather3A_72, %gather3A_66 : vector<16xf32>
      %sub3A_100 = arith.subf %sub3A_92, %sub3A_91 : vector<16xf32>
      %sub3A_101 = arith.subf %gather3A_84, %gather3A_78 : vector<16xf32>
      %sub3A_102 = arith.subf %sub3A_94, %sub3A_93 : vector<16xf32>
      %sub3A_103 = arith.subf %gather3A_54, %gather3A : vector<16xf32>
      %sub3A_104 = arith.subf %sub3A_89, %sub3A : vector<16xf32>
      %sub3A_105 = arith.subf %sub3A_97, %sub3A_95 : vector<16xf32>
      %sub3A_106 = arith.subf %sub3A_98, %sub3A_96 : vector<16xf32>
      %sub3A_107 = arith.subf %gather3A_78, %gather3A_66 : vector<16xf32>
      %sub3A_108 = arith.subf %sub3A_93, %sub3A_91 : vector<16xf32>
      %sub3A_109 = arith.subf %sub3A_101, %sub3A_99 : vector<16xf32>
      %sub3A_110 = arith.subf %sub3A_102, %sub3A_100 : vector<16xf32>
      %sub3A_111 = arith.subf %gather3A_66, %gather3A : vector<16xf32>
      %sub3A_112 = arith.subf %sub3A_91, %sub3A : vector<16xf32>
      %sub3A_113 = arith.subf %sub3A_99, %sub3A_95 : vector<16xf32>
      %sub3A_114 = arith.subf %sub3A_100, %sub3A_96 : vector<16xf32>
      %sub3A_115 = arith.subf %sub3A_107, %sub3A_103 : vector<16xf32>
      %sub3A_116 = arith.subf %sub3A_108, %sub3A_104 : vector<16xf32>
      %sub3A_117 = arith.subf %sub3A_109, %sub3A_105 : vector<16xf32>
      %sub3A_118 = arith.subf %sub3A_110, %sub3A_106 : vector<16xf32>
      %broadcast_in_dim3A_119 = arith.constant 0 : i32
      %broadcast_in_dim3A_120 = vector.broadcast %broadcast_in_dim3A_119 : i32 to vector<16xi32>
      %gather3A_121 = tpu.vector_load_idx %arg8[%add3A_41, %broadcast_in_dim3A_120] : memref<2048x4xi32, #tpu.memory_space<vmem>>[vector<16xi32>, vector<16xi32>], vector<16xi32>,
      %broadcast_in_dim3A_122 = arith.constant 1 : i32
      %broadcast_in_dim3A_123 = vector.broadcast %broadcast_in_dim3A_122 : i32 to vector<16xi32>
      %gather3A_124 = tpu.vector_load_idx %arg8[%add3A_41, %broadcast_in_dim3A_123] : memref<2048x4xi32, #tpu.memory_space<vmem>>[vector<16xi32>, vector<16xi32>], vector<16xi32>,
      %broadcast_in_dim3A_125 = arith.constant 2 : i32
      %broadcast_in_dim3A_126 = vector.broadcast %broadcast_in_dim3A_125 : i32 to vector<16xi32>
      %gather3A_127 = tpu.vector_load_idx %arg8[%add3A_41, %broadcast_in_dim3A_126] : memref<2048x4xi32, #tpu.memory_space<vmem>>[vector<16xi32>, vector<16xi32>], vector<16xi32>,
      %broadcast_in_dim3A_128 = arith.constant 3 : i32
      %broadcast_in_dim3A_129 = vector.broadcast %broadcast_in_dim3A_128 : i32 to vector<16xi32>
      %gather3A_130 = tpu.vector_load_idx %arg8[%add3A_41, %broadcast_in_dim3A_129] : memref<2048x4xi32, #tpu.memory_space<vmem>>[vector<16xi32>, vector<16xi32>], vector<16xi32>,
      %shift_right_arithmetic3A = arith.constant 7 : i32
      %shift_right_arithmetic3A_131 = vector.broadcast %shift_right_arithmetic3A : i32 to vector<16xi32>
      %shift_right_arithmetic3A_132 = arith.shrsi %gather3A_121, %shift_right_arithmetic3A_131 : vector<16xi32>
      %shift_left3A = arith.constant 10 : i32
      %shift_left3A_133 = vector.broadcast %shift_left3A : i32 to vector<16xi32>
      %shift_left3A_134 = arith.shli %shift_right_arithmetic3A_132, %shift_left3A_133 : vector<16xi32>
      %and3A_135 = arith.constant 127 : i32
      %and3A_136 = vector.broadcast %and3A_135 : i32 to vector<16xi32>
      %and3A_137 = arith.andi %gather3A_121, %and3A_136 : vector<16xi32>
      %or3A = arith.ori %shift_left3A_134, %and3A_137 : vector<16xi32>
      %shift_right_arithmetic3A_138 = arith.constant 7 : i32
      %shift_right_arithmetic3A_139 = vector.broadcast %shift_right_arithmetic3A_138 : i32 to vector<16xi32>
      %shift_right_arithmetic3A_140 = arith.shrsi %gather3A_124, %shift_right_arithmetic3A_139 : vector<16xi32>
      %shift_left3A_141 = arith.constant 10 : i32
      %shift_left3A_142 = vector.broadcast %shift_left3A_141 : i32 to vector<16xi32>
      %shift_left3A_143 = arith.shli %shift_right_arithmetic3A_140, %shift_left3A_142 : vector<16xi32>
      %and3A_144 = arith.constant 127 : i32
      %and3A_145 = vector.broadcast %and3A_144 : i32 to vector<16xi32>
      %and3A_146 = arith.andi %gather3A_124, %and3A_145 : vector<16xi32>
      %or3A_147 = arith.ori %shift_left3A_143, %and3A_146 : vector<16xi32>
      %shift_right_arithmetic3A_148 = arith.constant 7 : i32
      %shift_right_arithmetic3A_149 = vector.broadcast %shift_right_arithmetic3A_148 : i32 to vector<16xi32>
      %shift_right_arithmetic3A_150 = arith.shrsi %gather3A_127, %shift_right_arithmetic3A_149 : vector<16xi32>
      %shift_left3A_151 = arith.constant 10 : i32
      %shift_left3A_152 = vector.broadcast %shift_left3A_151 : i32 to vector<16xi32>
      %shift_left3A_153 = arith.shli %shift_right_arithmetic3A_150, %shift_left3A_152 : vector<16xi32>
      %and3A_154 = arith.constant 127 : i32
      %and3A_155 = vector.broadcast %and3A_154 : i32 to vector<16xi32>
      %and3A_156 = arith.andi %gather3A_127, %and3A_155 : vector<16xi32>
      %or3A_157 = arith.ori %shift_left3A_153, %and3A_156 : vector<16xi32>
      %shift_right_arithmetic3A_158 = arith.constant 7 : i32
      %shift_right_arithmetic3A_159 = vector.broadcast %shift_right_arithmetic3A_158 : i32 to vector<16xi32>
      %shift_right_arithmetic3A_160 = arith.shrsi %gather3A_130, %shift_right_arithmetic3A_159 : vector<16xi32>
      %shift_left3A_161 = arith.constant 10 : i32
      %shift_left3A_162 = vector.broadcast %shift_left3A_161 : i32 to vector<16xi32>
      %shift_left3A_163 = arith.shli %shift_right_arithmetic3A_160, %shift_left3A_162 : vector<16xi32>
      %and3A_164 = arith.constant 127 : i32
      %and3A_165 = vector.broadcast %and3A_164 : i32 to vector<16xi32>
      %and3A_166 = arith.andi %gather3A_130, %and3A_165 : vector<16xi32>
      %or3A_167 = arith.ori %shift_left3A_163, %and3A_166 : vector<16xi32>
      %parallel_loop3A = arith.constant 0 : i32
      %parallel_loop3A_168 = arith.constant 32 : i32
      %parallel_loop3A_169 = arith.constant 1 : i32
      scf.for %parallel_loop3A_1163 = %parallel_loop3A to %parallel_loop3A_168 step %parallel_loop3A_169  : i32 {
        %parallel_loop3A_1164 = arith.constant 3 : i32
        %parallel_loop3A_1165 = arith.shrsi %parallel_loop3A_1163, %parallel_loop3A_1164 : i32
        %parallel_loop3A_1166 = arith.constant 7 : i32
        %parallel_loop3A_1167 = arith.andi %parallel_loop3A_1163, %parallel_loop3A_1166 : i32
        %parallel_loop3A_1168 = arith.constant 14 : i32
        %parallel_loop3A_1169 = arith.shli %parallel_loop3A_1165, %parallel_loop3A_1168 : i32
        %parallel_loop3A_1170 = arith.constant 7 : i32
        %parallel_loop3A_1171 = arith.shli %parallel_loop3A_1167, %parallel_loop3A_1170 : i32
        %parallel_loop3A_1172 = arith.ori %parallel_loop3A_1169, %parallel_loop3A_1171 : i32
        %parallel_loop3A_1173 = tpu.assume_multiple %parallel_loop3A_1172, 128 : i32
        %parallel_loop3A_1174 = tpu.memref_slice %arg6[%parallel_loop3A_1173] : memref<65536xf32, #tpu.memory_space<vmem>> -> memref<15488xf32, #tpu.memory_space<vmem>>
        %parallel_loop3A_1175 = tpu.vector_load_idx %parallel_loop3A_1174[%or3A] : memref<15488xf32, #tpu.memory_space<vmem>>[vector<16xi32>], vector<16xf32>,
        %parallel_loop3A_1176 = tpu.memref_slice %arg6[%parallel_loop3A_1173] : memref<65536xf32, #tpu.memory_space<vmem>> -> memref<15488xf32, #tpu.memory_space<vmem>>
        %parallel_loop3A_1177 = tpu.vector_load_idx %parallel_loop3A_1176[%or3A_147] : memref<15488xf32, #tpu.memory_space<vmem>>[vector<16xi32>], vector<16xf32>,
        %parallel_loop3A_1178 = tpu.memref_slice %arg6[%parallel_loop3A_1173] : memref<65536xf32, #tpu.memory_space<vmem>> -> memref<15488xf32, #tpu.memory_space<vmem>>
        %parallel_loop3A_1179 = tpu.vector_load_idx %parallel_loop3A_1178[%or3A_157] : memref<15488xf32, #tpu.memory_space<vmem>>[vector<16xi32>], vector<16xf32>,
        %parallel_loop3A_1180 = tpu.memref_slice %arg6[%parallel_loop3A_1173] : memref<65536xf32, #tpu.memory_space<vmem>> -> memref<15488xf32, #tpu.memory_space<vmem>>
        %parallel_loop3A_1181 = tpu.vector_load_idx %parallel_loop3A_1180[%or3A_167] : memref<15488xf32, #tpu.memory_space<vmem>>[vector<16xi32>], vector<16xf32>,
        %parallel_loop3A_1182 = arith.mulf %parallel_loop3A_1181, %sub3A_111 : vector<16xf32>
        %parallel_loop3A_1183 = arith.addf %gather3A, %parallel_loop3A_1182 : vector<16xf32>
        %parallel_loop3A_1184 = arith.mulf %parallel_loop3A_1181, %sub3A_112 : vector<16xf32>
        %parallel_loop3A_1185 = arith.addf %sub3A, %parallel_loop3A_1184 : vector<16xf32>
        %parallel_loop3A_1186 = arith.mulf %parallel_loop3A_1181, %sub3A_113 : vector<16xf32>
        %parallel_loop3A_1187 = arith.addf %sub3A_95, %parallel_loop3A_1186 : vector<16xf32>
        %parallel_loop3A_1188 = arith.mulf %parallel_loop3A_1181, %sub3A_114 : vector<16xf32>
        %parallel_loop3A_1189 = arith.addf %sub3A_96, %parallel_loop3A_1188 : vector<16xf32>
        %parallel_loop3A_1190 = arith.mulf %parallel_loop3A_1181, %sub3A_115 : vector<16xf32>
        %parallel_loop3A_1191 = arith.addf %sub3A_103, %parallel_loop3A_1190 : vector<16xf32>
        %parallel_loop3A_1192 = arith.mulf %parallel_loop3A_1181, %sub3A_116 : vector<16xf32>
        %parallel_loop3A_1193 = arith.addf %sub3A_104, %parallel_loop3A_1192 : vector<16xf32>
        %parallel_loop3A_1194 = arith.mulf %parallel_loop3A_1181, %sub3A_117 : vector<16xf32>
        %parallel_loop3A_1195 = arith.addf %sub3A_105, %parallel_loop3A_1194 : vector<16xf32>
        %parallel_loop3A_1196 = arith.mulf %parallel_loop3A_1181, %sub3A_118 : vector<16xf32>
        %parallel_loop3A_1197 = arith.addf %sub3A_106, %parallel_loop3A_1196 : vector<16xf32>
        %parallel_loop3A_1198 = arith.mulf %parallel_loop3A_1179, %parallel_loop3A_1191 : vector<16xf32>
        %parallel_loop3A_1199 = arith.addf %parallel_loop3A_1183, %parallel_loop3A_1198 : vector<16xf32>
        %parallel_loop3A_1200 = arith.mulf %parallel_loop3A_1179, %parallel_loop3A_1193 : vector<16xf32>
        %parallel_loop3A_1201 = arith.addf %parallel_loop3A_1185, %parallel_loop3A_1200 : vector<16xf32>
        %parallel_loop3A_1202 = arith.mulf %parallel_loop3A_1179, %parallel_loop3A_1195 : vector<16xf32>
        %parallel_loop3A_1203 = arith.addf %parallel_loop3A_1187, %parallel_loop3A_1202 : vector<16xf32>
        %parallel_loop3A_1204 = arith.mulf %parallel_loop3A_1179, %parallel_loop3A_1197 : vector<16xf32>
        %parallel_loop3A_1205 = arith.addf %parallel_loop3A_1189, %parallel_loop3A_1204 : vector<16xf32>
        %parallel_loop3A_1206 = arith.mulf %parallel_loop3A_1177, %parallel_loop3A_1203 : vector<16xf32>
        %parallel_loop3A_1207 = arith.addf %parallel_loop3A_1199, %parallel_loop3A_1206 : vector<16xf32>
        %parallel_loop3A_1208 = arith.mulf %parallel_loop3A_1177, %parallel_loop3A_1205 : vector<16xf32>
        %parallel_loop3A_1209 = arith.addf %parallel_loop3A_1201, %parallel_loop3A_1208 : vector<16xf32>
        %parallel_loop3A_1210 = arith.mulf %parallel_loop3A_1175, %parallel_loop3A_1209 : vector<16xf32>
        %parallel_loop3A_1211 = arith.addf %parallel_loop3A_1207, %parallel_loop3A_1210 : vector<16xf32>
        %parallel_loop3A_1212 = arith.constant 0 : i32
        %parallel_loop3A_1213 = arith.constant 0 : i32
        %parallel_loop3A_1214 = arith.constant 0 : i32
        %parallel_loop3A_1215 = tpu.memref_slice %arg9[%and3A_37, %parallel_loop3A_1212, %parallel_loop3A_1213, %parallel_loop3A_1214] : memref<2x4x8x128xf32, #tpu.memory_space<vmem>> -> memref<1x4x8x128xf32, #tpu.memory_space<vmem>>
        %parallel_loop3A_1216 = tpu.memref_squeeze %parallel_loop3A_1215 : memref<1x4x8x128xf32, #tpu.memory_space<vmem>> -> memref<4x8x128xf32, #tpu.memory_space<vmem>>
        %parallel_loop3A_1217 = arith.index_cast %parallel_loop3A_1165 : i32 to index
        %parallel_loop3A_1218 = arith.index_cast %parallel_loop3A_1167 : i32 to index
        %parallel_loop3A_1219 = arith.constant 0 : index
        %parallel_loop3A_1220 = tpu.vector_load %parallel_loop3A_1216[%parallel_loop3A_1217, %parallel_loop3A_1218, %parallel_loop3A_1219] {strides = array<i32>} : memref<4x8x128xf32, #tpu.memory_space<vmem>>, vector<16xf32>,
        tpu.vector_store %parallel_loop3A_1216[%parallel_loop3A_1217, %parallel_loop3A_1218, %parallel_loop3A_1219], %parallel_loop3A_1211 {strides = array<i32>} : memref<4x8x128xf32, #tpu.memory_space<vmem>>, vector<16xf32>,
      } {sc.loop_unroll_factor = 4 : i64, sc.parallel_access}
      %add3A_170 = arith.constant 16 : i32
      %add3A_171 = arith.addi %mul3A_36, %add3A_170 : i32
      %add3A_172 = vector.broadcast %add3A_171 : i32 to vector<16xi32>
      %add3A_173 = arith.addi %iota3A, %add3A_172 : vector<16xi32>
      %broadcast_in_dim3A_174 = arith.constant 0 : i32
      %broadcast_in_dim3A_175 = vector.broadcast %broadcast_in_dim3A_174 : i32 to vector<16xi32>
      %gather3A_176 = tpu.vector_load_idx %arg7[%add3A_173, %broadcast_in_dim3A_175] : memref<2048x16xf32, #tpu.memory_space<vmem>>[vector<16xi32>, vector<16xi32>], vector<16xf32>,
      %broadcast_in_dim3A_177 = arith.constant 1 : i32
      %broadcast_in_dim3A_178 = vector.broadcast %broadcast_in_dim3A_177 : i32 to vector<16xi32>
      %gather3A_179 = tpu.vector_load_idx %arg7[%add3A_173, %broadcast_in_dim3A_178] : memref<2048x16xf32, #tpu.memory_space<vmem>>[vector<16xi32>, vector<16xi32>], vector<16xf32>,
      %broadcast_in_dim3A_180 = arith.constant 2 : i32
      %broadcast_in_dim3A_181 = vector.broadcast %broadcast_in_dim3A_180 : i32 to vector<16xi32>
      %gather3A_182 = tpu.vector_load_idx %arg7[%add3A_173, %broadcast_in_dim3A_181] : memref<2048x16xf32, #tpu.memory_space<vmem>>[vector<16xi32>, vector<16xi32>], vector<16xf32>,
      %broadcast_in_dim3A_183 = arith.constant 3 : i32
      %broadcast_in_dim3A_184 = vector.broadcast %broadcast_in_dim3A_183 : i32 to vector<16xi32>
      %gather3A_185 = tpu.vector_load_idx %arg7[%add3A_173, %broadcast_in_dim3A_184] : memref<2048x16xf32, #tpu.memory_space<vmem>>[vector<16xi32>, vector<16xi32>], vector<16xf32>,
      %broadcast_in_dim3A_186 = arith.constant 4 : i32
      %broadcast_in_dim3A_187 = vector.broadcast %broadcast_in_dim3A_186 : i32 to vector<16xi32>
      %gather3A_188 = tpu.vector_load_idx %arg7[%add3A_173, %broadcast_in_dim3A_187] : memref<2048x16xf32, #tpu.memory_space<vmem>>[vector<16xi32>, vector<16xi32>], vector<16xf32>,
      %broadcast_in_dim3A_189 = arith.constant 5 : i32
      %broadcast_in_dim3A_190 = vector.broadcast %broadcast_in_dim3A_189 : i32 to vector<16xi32>
      %gather3A_191 = tpu.vector_load_idx %arg7[%add3A_173, %broadcast_in_dim3A_190] : memref<2048x16xf32, #tpu.memory_space<vmem>>[vector<16xi32>, vector<16xi32>], vector<16xf32>,
      %broadcast_in_dim3A_192 = arith.constant 6 : i32
      %broadcast_in_dim3A_193 = vector.broadcast %broadcast_in_dim3A_192 : i32 to vector<16xi32>
      %gather3A_194 = tpu.vector_load_idx %arg7[%add3A_173, %broadcast_in_dim3A_193] : memref<2048x16xf32, #tpu.memory_space<vmem>>[vector<16xi32>, vector<16xi32>], vector<16xf32>,
      %broadcast_in_dim3A_195 = arith.constant 7 : i32
      %broadcast_in_dim3A_196 = vector.broadcast %broadcast_in_dim3A_195 : i32 to vector<16xi32>
      %gather3A_197 = tpu.vector_load_idx %arg7[%add3A_173, %broadcast_in_dim3A_196] : memref<2048x16xf32, #tpu.memory_space<vmem>>[vector<16xi32>, vector<16xi32>], vector<16xf32>,
      %broadcast_in_dim3A_198 = arith.constant 8 : i32
      %broadcast_in_dim3A_199 = vector.broadcast %broadcast_in_dim3A_198 : i32 to vector<16xi32>
      %gather3A_200 = tpu.vector_load_idx %arg7[%add3A_173, %broadcast_in_dim3A_199] : memref<2048x16xf32, #tpu.memory_space<vmem>>[vector<16xi32>, vector<16xi32>], vector<16xf32>,
      %broadcast_in_dim3A_201 = arith.constant 9 : i32
      %broadcast_in_dim3A_202 = vector.broadcast %broadcast_in_dim3A_201 : i32 to vector<16xi32>
      %gather3A_203 = tpu.vector_load_idx %arg7[%add3A_173, %broadcast_in_dim3A_202] : memref<2048x16xf32, #tpu.memory_space<vmem>>[vector<16xi32>, vector<16xi32>], vector<16xf32>,
      %broadcast_in_dim3A_204 = arith.constant 10 : i32
      %broadcast_in_dim3A_205 = vector.broadcast %broadcast_in_dim3A_204 : i32 to vector<16xi32>
      %gather3A_206 = tpu.vector_load_idx %arg7[%add3A_173, %broadcast_in_dim3A_205] : memref<2048x16xf32, #tpu.memory_space<vmem>>[vector<16xi32>, vector<16xi32>], vector<16xf32>,
      %broadcast_in_dim3A_207 = arith.constant 11 : i32
      %broadcast_in_dim3A_208 = vector.broadcast %broadcast_in_dim3A_207 : i32 to vector<16xi32>
      %gather3A_209 = tpu.vector_load_idx %arg7[%add3A_173, %broadcast_in_dim3A_208] : memref<2048x16xf32, #tpu.memory_space<vmem>>[vector<16xi32>, vector<16xi32>], vector<16xf32>,
      %broadcast_in_dim3A_210 = arith.constant 12 : i32
      %broadcast_in_dim3A_211 = vector.broadcast %broadcast_in_dim3A_210 : i32 to vector<16xi32>
      %gather3A_212 = tpu.vector_load_idx %arg7[%add3A_173, %broadcast_in_dim3A_211] : memref<2048x16xf32, #tpu.memory_space<vmem>>[vector<16xi32>, vector<16xi32>], vector<16xf32>,
      %broadcast_in_dim3A_213 = arith.constant 13 : i32
      %broadcast_in_dim3A_214 = vector.broadcast %broadcast_in_dim3A_213 : i32 to vector<16xi32>
      %gather3A_215 = tpu.vector_load_idx %arg7[%add3A_173, %broadcast_in_dim3A_214] : memref<2048x16xf32, #tpu.memory_space<vmem>>[vector<16xi32>, vector<16xi32>], vector<16xf32>,
      %broadcast_in_dim3A_216 = arith.constant 14 : i32
      %broadcast_in_dim3A_217 = vector.broadcast %broadcast_in_dim3A_216 : i32 to vector<16xi32>
      %gather3A_218 = tpu.vector_load_idx %arg7[%add3A_173, %broadcast_in_dim3A_217] : memref<2048x16xf32, #tpu.memory_space<vmem>>[vector<16xi32>, vector<16xi32>], vector<16xf32>,
      %broadcast_in_dim3A_219 = arith.constant 15 : i32
      %broadcast_in_dim3A_220 = vector.broadcast %broadcast_in_dim3A_219 : i32 to vector<16xi32>
      %gather3A_221 = tpu.vector_load_idx %arg7[%add3A_173, %broadcast_in_dim3A_220] : memref<2048x16xf32, #tpu.memory_space<vmem>>[vector<16xi32>, vector<16xi32>], vector<16xf32>,
      %sub3A_222 = arith.subf %gather3A_179, %gather3A_176 : vector<16xf32>
      %sub3A_223 = arith.subf %gather3A_185, %gather3A_182 : vector<16xf32>
      %sub3A_224 = arith.subf %gather3A_191, %gather3A_188 : vector<16xf32>
      %sub3A_225 = arith.subf %gather3A_197, %gather3A_194 : vector<16xf32>
      %sub3A_226 = arith.subf %gather3A_203, %gather3A_200 : vector<16xf32>
      %sub3A_227 = arith.subf %gather3A_209, %gather3A_206 : vector<16xf32>
      %sub3A_228 = arith.subf %gather3A_215, %gather3A_212 : vector<16xf32>
      %sub3A_229 = arith.subf %gather3A_221, %gather3A_218 : vector<16xf32>
      %sub3A_230 = arith.subf %gather3A_182, %gather3A_176 : vector<16xf32>
      %sub3A_231 = arith.subf %sub3A_223, %sub3A_222 : vector<16xf32>
      %sub3A_232 = arith.subf %gather3A_194, %gather3A_188 : vector<16xf32>
      %sub3A_233 = arith.subf %sub3A_225, %sub3A_224 : vector<16xf32>
      %sub3A_234 = arith.subf %gather3A_206, %gather3A_200 : vector<16xf32>
      %sub3A_235 = arith.subf %sub3A_227, %sub3A_226 : vector<16xf32>
      %sub3A_236 = arith.subf %gather3A_218, %gather3A_212 : vector<16xf32>
      %sub3A_237 = arith.subf %sub3A_229, %sub3A_228 : vector<16xf32>
      %sub3A_238 = arith.subf %gather3A_188, %gather3A_176 : vector<16xf32>
      %sub3A_239 = arith.subf %sub3A_224, %sub3A_222 : vector<16xf32>
      %sub3A_240 = arith.subf %sub3A_232, %sub3A_230 : vector<16xf32>
      %sub3A_241 = arith.subf %sub3A_233, %sub3A_231 : vector<16xf32>
      %sub3A_242 = arith.subf %gather3A_212, %gather3A_200 : vector<16xf32>
      %sub3A_243 = arith.subf %sub3A_228, %sub3A_226 : vector<16xf32>
      %sub3A_244 = arith.subf %sub3A_236, %sub3A_234 : vector<16xf32>
      %sub3A_245 = arith.subf %sub3A_237, %sub3A_235 : vector<16xf32>
      %sub3A_246 = arith.subf %gather3A_200, %gather3A_176 : vector<16xf32>
      %sub3A_247 = arith.subf %sub3A_226, %sub3A_222 : vector<16xf32>
      %sub3A_248 = arith.subf %sub3A_234, %sub3A_230 : vector<16xf32>
      %sub3A_249 = arith.subf %sub3A_235, %sub3A_231 : vector<16xf32>
      %sub3A_250 = arith.subf %sub3A_242, %sub3A_238 : vector<16xf32>
      %sub3A_251 = arith.subf %sub3A_243, %sub3A_239 : vector<16xf32>
      %sub3A_252 = arith.subf %sub3A_244, %sub3A_240 : vector<16xf32>
      %sub3A_253 = arith.subf %sub3A_245, %sub3A_241 : vector<16xf32>
      %broadcast_in_dim3A_254 = arith.constant 0 : i32
      %broadcast_in_dim3A_255 = vector.broadcast %broadcast_in_dim3A_254 : i32 to vector<16xi32>
      %gather3A_256 = tpu.vector_load_idx %arg8[%add3A_173, %broadcast_in_dim3A_255] : memref<2048x4xi32, #tpu.memory_space<vmem>>[vector<16xi32>, vector<16xi32>], vector<16xi32>,
      %broadcast_in_dim3A_257 = arith.constant 1 : i32
      %broadcast_in_dim3A_258 = vector.broadcast %broadcast_in_dim3A_257 : i32 to vector<16xi32>
      %gather3A_259 = tpu.vector_load_idx %arg8[%add3A_173, %broadcast_in_dim3A_258] : memref<2048x4xi32, #tpu.memory_space<vmem>>[vector<16xi32>, vector<16xi32>], vector<16xi32>,
      %broadcast_in_dim3A_260 = arith.constant 2 : i32
      %broadcast_in_dim3A_261 = vector.broadcast %broadcast_in_dim3A_260 : i32 to vector<16xi32>
      %gather3A_262 = tpu.vector_load_idx %arg8[%add3A_173, %broadcast_in_dim3A_261] : memref<2048x4xi32, #tpu.memory_space<vmem>>[vector<16xi32>, vector<16xi32>], vector<16xi32>,
      %broadcast_in_dim3A_263 = arith.constant 3 : i32
      %broadcast_in_dim3A_264 = vector.broadcast %broadcast_in_dim3A_263 : i32 to vector<16xi32>
      %gather3A_265 = tpu.vector_load_idx %arg8[%add3A_173, %broadcast_in_dim3A_264] : memref<2048x4xi32, #tpu.memory_space<vmem>>[vector<16xi32>, vector<16xi32>], vector<16xi32>,
      %shift_right_arithmetic3A_266 = arith.constant 7 : i32
      %shift_right_arithmetic3A_267 = vector.broadcast %shift_right_arithmetic3A_266 : i32 to vector<16xi32>
      %shift_right_arithmetic3A_268 = arith.shrsi %gather3A_256, %shift_right_arithmetic3A_267 : vector<16xi32>
      %shift_left3A_269 = arith.constant 10 : i32
      %shift_left3A_270 = vector.broadcast %shift_left3A_269 : i32 to vector<16xi32>
      %shift_left3A_271 = arith.shli %shift_right_arithmetic3A_268, %shift_left3A_270 : vector<16xi32>
      %and3A_272 = arith.constant 127 : i32
      %and3A_273 = vector.broadcast %and3A_272 : i32 to vector<16xi32>
      %and3A_274 = arith.andi %gather3A_256, %and3A_273 : vector<16xi32>
      %or3A_275 = arith.ori %shift_left3A_271, %and3A_274 : vector<16xi32>
      %shift_right_arithmetic3A_276 = arith.constant 7 : i32
      %shift_right_arithmetic3A_277 = vector.broadcast %shift_right_arithmetic3A_276 : i32 to vector<16xi32>
      %shift_right_arithmetic3A_278 = arith.shrsi %gather3A_259, %shift_right_arithmetic3A_277 : vector<16xi32>
      %shift_left3A_279 = arith.constant 10 : i32
      %shift_left3A_280 = vector.broadcast %shift_left3A_279 : i32 to vector<16xi32>
      %shift_left3A_281 = arith.shli %shift_right_arithmetic3A_278, %shift_left3A_280 : vector<16xi32>
      %and3A_282 = arith.constant 127 : i32
      %and3A_283 = vector.broadcast %and3A_282 : i32 to vector<16xi32>
      %and3A_284 = arith.andi %gather3A_259, %and3A_283 : vector<16xi32>
      %or3A_285 = arith.ori %shift_left3A_281, %and3A_284 : vector<16xi32>
      %shift_right_arithmetic3A_286 = arith.constant 7 : i32
      %shift_right_arithmetic3A_287 = vector.broadcast %shift_right_arithmetic3A_286 : i32 to vector<16xi32>
      %shift_right_arithmetic3A_288 = arith.shrsi %gather3A_262, %shift_right_arithmetic3A_287 : vector<16xi32>
      %shift_left3A_289 = arith.constant 10 : i32
      %shift_left3A_290 = vector.broadcast %shift_left3A_289 : i32 to vector<16xi32>
      %shift_left3A_291 = arith.shli %shift_right_arithmetic3A_288, %shift_left3A_290 : vector<16xi32>
      %and3A_292 = arith.constant 127 : i32
      %and3A_293 = vector.broadcast %and3A_292 : i32 to vector<16xi32>
      %and3A_294 = arith.andi %gather3A_262, %and3A_293 : vector<16xi32>
      %or3A_295 = arith.ori %shift_left3A_291, %and3A_294 : vector<16xi32>
      %shift_right_arithmetic3A_296 = arith.constant 7 : i32
      %shift_right_arithmetic3A_297 = vector.broadcast %shift_right_arithmetic3A_296 : i32 to vector<16xi32>
      %shift_right_arithmetic3A_298 = arith.shrsi %gather3A_265, %shift_right_arithmetic3A_297 : vector<16xi32>
      %shift_left3A_299 = arith.constant 10 : i32
      %shift_left3A_300 = vector.broadcast %shift_left3A_299 : i32 to vector<16xi32>
      %shift_left3A_301 = arith.shli %shift_right_arithmetic3A_298, %shift_left3A_300 : vector<16xi32>
      %and3A_302 = arith.constant 127 : i32
      %and3A_303 = vector.broadcast %and3A_302 : i32 to vector<16xi32>
      %and3A_304 = arith.andi %gather3A_265, %and3A_303 : vector<16xi32>
      %or3A_305 = arith.ori %shift_left3A_301, %and3A_304 : vector<16xi32>
      %parallel_loop3A_306 = arith.constant 0 : i32
      %parallel_loop3A_307 = arith.constant 32 : i32
      %parallel_loop3A_308 = arith.constant 1 : i32
      scf.for %parallel_loop3A_1163 = %parallel_loop3A_306 to %parallel_loop3A_307 step %parallel_loop3A_308  : i32 {
        %parallel_loop3A_1164 = arith.constant 3 : i32
        %parallel_loop3A_1165 = arith.shrsi %parallel_loop3A_1163, %parallel_loop3A_1164 : i32
        %parallel_loop3A_1166 = arith.constant 7 : i32
        %parallel_loop3A_1167 = arith.andi %parallel_loop3A_1163, %parallel_loop3A_1166 : i32
        %parallel_loop3A_1168 = arith.constant 14 : i32
        %parallel_loop3A_1169 = arith.shli %parallel_loop3A_1165, %parallel_loop3A_1168 : i32
        %parallel_loop3A_1170 = arith.constant 7 : i32
        %parallel_loop3A_1171 = arith.shli %parallel_loop3A_1167, %parallel_loop3A_1170 : i32
        %parallel_loop3A_1172 = arith.ori %parallel_loop3A_1169, %parallel_loop3A_1171 : i32
        %parallel_loop3A_1173 = tpu.assume_multiple %parallel_loop3A_1172, 128 : i32
        %parallel_loop3A_1174 = tpu.memref_slice %arg6[%parallel_loop3A_1173] : memref<65536xf32, #tpu.memory_space<vmem>> -> memref<15488xf32, #tpu.memory_space<vmem>>
        %parallel_loop3A_1175 = tpu.vector_load_idx %parallel_loop3A_1174[%or3A_275] : memref<15488xf32, #tpu.memory_space<vmem>>[vector<16xi32>], vector<16xf32>,
        %parallel_loop3A_1176 = tpu.memref_slice %arg6[%parallel_loop3A_1173] : memref<65536xf32, #tpu.memory_space<vmem>> -> memref<15488xf32, #tpu.memory_space<vmem>>
        %parallel_loop3A_1177 = tpu.vector_load_idx %parallel_loop3A_1176[%or3A_285] : memref<15488xf32, #tpu.memory_space<vmem>>[vector<16xi32>], vector<16xf32>,
        %parallel_loop3A_1178 = tpu.memref_slice %arg6[%parallel_loop3A_1173] : memref<65536xf32, #tpu.memory_space<vmem>> -> memref<15488xf32, #tpu.memory_space<vmem>>
        %parallel_loop3A_1179 = tpu.vector_load_idx %parallel_loop3A_1178[%or3A_295] : memref<15488xf32, #tpu.memory_space<vmem>>[vector<16xi32>], vector<16xf32>,
        %parallel_loop3A_1180 = tpu.memref_slice %arg6[%parallel_loop3A_1173] : memref<65536xf32, #tpu.memory_space<vmem>> -> memref<15488xf32, #tpu.memory_space<vmem>>
        %parallel_loop3A_1181 = tpu.vector_load_idx %parallel_loop3A_1180[%or3A_305] : memref<15488xf32, #tpu.memory_space<vmem>>[vector<16xi32>], vector<16xf32>,
        %parallel_loop3A_1182 = arith.mulf %parallel_loop3A_1181, %sub3A_246 : vector<16xf32>
        %parallel_loop3A_1183 = arith.addf %gather3A_176, %parallel_loop3A_1182 : vector<16xf32>
        %parallel_loop3A_1184 = arith.mulf %parallel_loop3A_1181, %sub3A_247 : vector<16xf32>
        %parallel_loop3A_1185 = arith.addf %sub3A_222, %parallel_loop3A_1184 : vector<16xf32>
        %parallel_loop3A_1186 = arith.mulf %parallel_loop3A_1181, %sub3A_248 : vector<16xf32>
        %parallel_loop3A_1187 = arith.addf %sub3A_230, %parallel_loop3A_1186 : vector<16xf32>
        %parallel_loop3A_1188 = arith.mulf %parallel_loop3A_1181, %sub3A_249 : vector<16xf32>
        %parallel_loop3A_1189 = arith.addf %sub3A_231, %parallel_loop3A_1188 : vector<16xf32>
        %parallel_loop3A_1190 = arith.mulf %parallel_loop3A_1181, %sub3A_250 : vector<16xf32>
        %parallel_loop3A_1191 = arith.addf %sub3A_238, %parallel_loop3A_1190 : vector<16xf32>
        %parallel_loop3A_1192 = arith.mulf %parallel_loop3A_1181, %sub3A_251 : vector<16xf32>
        %parallel_loop3A_1193 = arith.addf %sub3A_239, %parallel_loop3A_1192 : vector<16xf32>
        %parallel_loop3A_1194 = arith.mulf %parallel_loop3A_1181, %sub3A_252 : vector<16xf32>
        %parallel_loop3A_1195 = arith.addf %sub3A_240, %parallel_loop3A_1194 : vector<16xf32>
        %parallel_loop3A_1196 = arith.mulf %parallel_loop3A_1181, %sub3A_253 : vector<16xf32>
        %parallel_loop3A_1197 = arith.addf %sub3A_241, %parallel_loop3A_1196 : vector<16xf32>
        %parallel_loop3A_1198 = arith.mulf %parallel_loop3A_1179, %parallel_loop3A_1191 : vector<16xf32>
        %parallel_loop3A_1199 = arith.addf %parallel_loop3A_1183, %parallel_loop3A_1198 : vector<16xf32>
        %parallel_loop3A_1200 = arith.mulf %parallel_loop3A_1179, %parallel_loop3A_1193 : vector<16xf32>
        %parallel_loop3A_1201 = arith.addf %parallel_loop3A_1185, %parallel_loop3A_1200 : vector<16xf32>
        %parallel_loop3A_1202 = arith.mulf %parallel_loop3A_1179, %parallel_loop3A_1195 : vector<16xf32>
        %parallel_loop3A_1203 = arith.addf %parallel_loop3A_1187, %parallel_loop3A_1202 : vector<16xf32>
        %parallel_loop3A_1204 = arith.mulf %parallel_loop3A_1179, %parallel_loop3A_1197 : vector<16xf32>
        %parallel_loop3A_1205 = arith.addf %parallel_loop3A_1189, %parallel_loop3A_1204 : vector<16xf32>
        %parallel_loop3A_1206 = arith.mulf %parallel_loop3A_1177, %parallel_loop3A_1203 : vector<16xf32>
        %parallel_loop3A_1207 = arith.addf %parallel_loop3A_1199, %parallel_loop3A_1206 : vector<16xf32>
        %parallel_loop3A_1208 = arith.mulf %parallel_loop3A_1177, %parallel_loop3A_1205 : vector<16xf32>
        %parallel_loop3A_1209 = arith.addf %parallel_loop3A_1201, %parallel_loop3A_1208 : vector<16xf32>
        %parallel_loop3A_1210 = arith.mulf %parallel_loop3A_1175, %parallel_loop3A_1209 : vector<16xf32>
        %parallel_loop3A_1211 = arith.addf %parallel_loop3A_1207, %parallel_loop3A_1210 : vector<16xf32>
        %parallel_loop3A_1212 = arith.constant 0 : i32
        %parallel_loop3A_1213 = arith.constant 0 : i32
        %parallel_loop3A_1214 = arith.constant 0 : i32
        %parallel_loop3A_1215 = tpu.memref_slice %arg9[%and3A_37, %parallel_loop3A_1212, %parallel_loop3A_1213, %parallel_loop3A_1214] : memref<2x4x8x128xf32, #tpu.memory_space<vmem>> -> memref<1x4x8x128xf32, #tpu.memory_space<vmem>>
        %parallel_loop3A_1216 = tpu.memref_squeeze %parallel_loop3A_1215 : memref<1x4x8x128xf32, #tpu.memory_space<vmem>> -> memref<4x8x128xf32, #tpu.memory_space<vmem>>
        %parallel_loop3A_1217 = arith.index_cast %parallel_loop3A_1165 : i32 to index
        %parallel_loop3A_1218 = arith.index_cast %parallel_loop3A_1167 : i32 to index
        %parallel_loop3A_1219 = arith.constant 16 : index
        %parallel_loop3A_1220 = tpu.vector_load %parallel_loop3A_1216[%parallel_loop3A_1217, %parallel_loop3A_1218, %parallel_loop3A_1219] {strides = array<i32>} : memref<4x8x128xf32, #tpu.memory_space<vmem>>, vector<16xf32>,
        tpu.vector_store %parallel_loop3A_1216[%parallel_loop3A_1217, %parallel_loop3A_1218, %parallel_loop3A_1219], %parallel_loop3A_1211 {strides = array<i32>} : memref<4x8x128xf32, #tpu.memory_space<vmem>>, vector<16xf32>,
      } {sc.loop_unroll_factor = 4 : i64, sc.parallel_access}
      %add3A_309 = arith.constant 32 : i32
      %add3A_310 = arith.addi %mul3A_36, %add3A_309 : i32
      %add3A_311 = vector.broadcast %add3A_310 : i32 to vector<16xi32>
      %add3A_312 = arith.addi %iota3A, %add3A_311 : vector<16xi32>
      %broadcast_in_dim3A_313 = arith.constant 0 : i32
      %broadcast_in_dim3A_314 = vector.broadcast %broadcast_in_dim3A_313 : i32 to vector<16xi32>
      %gather3A_315 = tpu.vector_load_idx %arg7[%add3A_312, %broadcast_in_dim3A_314] : memref<2048x16xf32, #tpu.memory_space<vmem>>[vector<16xi32>, vector<16xi32>], vector<16xf32>,
      %broadcast_in_dim3A_316 = arith.constant 1 : i32
      %broadcast_in_dim3A_317 = vector.broadcast %broadcast_in_dim3A_316 : i32 to vector<16xi32>
      %gather3A_318 = tpu.vector_load_idx %arg7[%add3A_312, %broadcast_in_dim3A_317] : memref<2048x16xf32, #tpu.memory_space<vmem>>[vector<16xi32>, vector<16xi32>], vector<16xf32>,
      %broadcast_in_dim3A_319 = arith.constant 2 : i32
      %broadcast_in_dim3A_320 = vector.broadcast %broadcast_in_dim3A_319 : i32 to vector<16xi32>
      %gather3A_321 = tpu.vector_load_idx %arg7[%add3A_312, %broadcast_in_dim3A_320] : memref<2048x16xf32, #tpu.memory_space<vmem>>[vector<16xi32>, vector<16xi32>], vector<16xf32>,
      %broadcast_in_dim3A_322 = arith.constant 3 : i32
      %broadcast_in_dim3A_323 = vector.broadcast %broadcast_in_dim3A_322 : i32 to vector<16xi32>
      %gather3A_324 = tpu.vector_load_idx %arg7[%add3A_312, %broadcast_in_dim3A_323] : memref<2048x16xf32, #tpu.memory_space<vmem>>[vector<16xi32>, vector<16xi32>], vector<16xf32>,
      %broadcast_in_dim3A_325 = arith.constant 4 : i32
      %broadcast_in_dim3A_326 = vector.broadcast %broadcast_in_dim3A_325 : i32 to vector<16xi32>
      %gather3A_327 = tpu.vector_load_idx %arg7[%add3A_312, %broadcast_in_dim3A_326] : memref<2048x16xf32, #tpu.memory_space<vmem>>[vector<16xi32>, vector<16xi32>], vector<16xf32>,
      %broadcast_in_dim3A_328 = arith.constant 5 : i32
      %broadcast_in_dim3A_329 = vector.broadcast %broadcast_in_dim3A_328 : i32 to vector<16xi32>
      %gather3A_330 = tpu.vector_load_idx %arg7[%add3A_312, %broadcast_in_dim3A_329] : memref<2048x16xf32, #tpu.memory_space<vmem>>[vector<16xi32>, vector<16xi32>], vector<16xf32>,
      %broadcast_in_dim3A_331 = arith.constant 6 : i32
      %broadcast_in_dim3A_332 = vector.broadcast %broadcast_in_dim3A_331 : i32 to vector<16xi32>
      %gather3A_333 = tpu.vector_load_idx %arg7[%add3A_312, %broadcast_in_dim3A_332] : memref<2048x16xf32, #tpu.memory_space<vmem>>[vector<16xi32>, vector<16xi32>], vector<16xf32>,
      %broadcast_in_dim3A_334 = arith.constant 7 : i32
      %broadcast_in_dim3A_335 = vector.broadcast %broadcast_in_dim3A_334 : i32 to vector<16xi32>
      %gather3A_336 = tpu.vector_load_idx %arg7[%add3A_312, %broadcast_in_dim3A_335] : memref<2048x16xf32, #tpu.memory_space<vmem>>[vector<16xi32>, vector<16xi32>], vector<16xf32>,
      %broadcast_in_dim3A_337 = arith.constant 8 : i32
      %broadcast_in_dim3A_338 = vector.broadcast %broadcast_in_dim3A_337 : i32 to vector<16xi32>
      %gather3A_339 = tpu.vector_load_idx %arg7[%add3A_312, %broadcast_in_dim3A_338] : memref<2048x16xf32, #tpu.memory_space<vmem>>[vector<16xi32>, vector<16xi32>], vector<16xf32>,
      %broadcast_in_dim3A_340 = arith.constant 9 : i32
      %broadcast_in_dim3A_341 = vector.broadcast %broadcast_in_dim3A_340 : i32 to vector<16xi32>
      %gather3A_342 = tpu.vector_load_idx %arg7[%add3A_312, %broadcast_in_dim3A_341] : memref<2048x16xf32, #tpu.memory_space<vmem>>[vector<16xi32>, vector<16xi32>], vector<16xf32>,
      %broadcast_in_dim3A_343 = arith.constant 10 : i32
      %broadcast_in_dim3A_344 = vector.broadcast %broadcast_in_dim3A_343 : i32 to vector<16xi32>
      %gather3A_345 = tpu.vector_load_idx %arg7[%add3A_312, %broadcast_in_dim3A_344] : memref<2048x16xf32, #tpu.memory_space<vmem>>[vector<16xi32>, vector<16xi32>], vector<16xf32>,
      %broadcast_in_dim3A_346 = arith.constant 11 : i32
      %broadcast_in_dim3A_347 = vector.broadcast %broadcast_in_dim3A_346 : i32 to vector<16xi32>
      %gather3A_348 = tpu.vector_load_idx %arg7[%add3A_312, %broadcast_in_dim3A_347] : memref<2048x16xf32, #tpu.memory_space<vmem>>[vector<16xi32>, vector<16xi32>], vector<16xf32>,
      %broadcast_in_dim3A_349 = arith.constant 12 : i32
      %broadcast_in_dim3A_350 = vector.broadcast %broadcast_in_dim3A_349 : i32 to vector<16xi32>
      %gather3A_351 = tpu.vector_load_idx %arg7[%add3A_312, %broadcast_in_dim3A_350] : memref<2048x16xf32, #tpu.memory_space<vmem>>[vector<16xi32>, vector<16xi32>], vector<16xf32>,
      %broadcast_in_dim3A_352 = arith.constant 13 : i32
      %broadcast_in_dim3A_353 = vector.broadcast %broadcast_in_dim3A_352 : i32 to vector<16xi32>
      %gather3A_354 = tpu.vector_load_idx %arg7[%add3A_312, %broadcast_in_dim3A_353] : memref<2048x16xf32, #tpu.memory_space<vmem>>[vector<16xi32>, vector<16xi32>], vector<16xf32>,
      %broadcast_in_dim3A_355 = arith.constant 14 : i32
      %broadcast_in_dim3A_356 = vector.broadcast %broadcast_in_dim3A_355 : i32 to vector<16xi32>
      %gather3A_357 = tpu.vector_load_idx %arg7[%add3A_312, %broadcast_in_dim3A_356] : memref<2048x16xf32, #tpu.memory_space<vmem>>[vector<16xi32>, vector<16xi32>], vector<16xf32>,
      %broadcast_in_dim3A_358 = arith.constant 15 : i32
      %broadcast_in_dim3A_359 = vector.broadcast %broadcast_in_dim3A_358 : i32 to vector<16xi32>
      %gather3A_360 = tpu.vector_load_idx %arg7[%add3A_312, %broadcast_in_dim3A_359] : memref<2048x16xf32, #tpu.memory_space<vmem>>[vector<16xi32>, vector<16xi32>], vector<16xf32>,
      %sub3A_361 = arith.subf %gather3A_318, %gather3A_315 : vector<16xf32>
      %sub3A_362 = arith.subf %gather3A_324, %gather3A_321 : vector<16xf32>
      %sub3A_363 = arith.subf %gather3A_330, %gather3A_327 : vector<16xf32>
      %sub3A_364 = arith.subf %gather3A_336, %gather3A_333 : vector<16xf32>
      %sub3A_365 = arith.subf %gather3A_342, %gather3A_339 : vector<16xf32>
      %sub3A_366 = arith.subf %gather3A_348, %gather3A_345 : vector<16xf32>
      %sub3A_367 = arith.subf %gather3A_354, %gather3A_351 : vector<16xf32>
      %sub3A_368 = arith.subf %gather3A_360, %gather3A_357 : vector<16xf32>
      %sub3A_369 = arith.subf %gather3A_321, %gather3A_315 : vector<16xf32>
      %sub3A_370 = arith.subf %sub3A_362, %sub3A_361 : vector<16xf32>
      %sub3A_371 = arith.subf %gather3A_333, %gather3A_327 : vector<16xf32>
      %sub3A_372 = arith.subf %sub3A_364, %sub3A_363 : vector<16xf32>
      %sub3A_373 = arith.subf %gather3A_345, %gather3A_339 : vector<16xf32>
      %sub3A_374 = arith.subf %sub3A_366, %sub3A_365 : vector<16xf32>
      %sub3A_375 = arith.subf %gather3A_357, %gather3A_351 : vector<16xf32>
      %sub3A_376 = arith.subf %sub3A_368, %sub3A_367 : vector<16xf32>
      %sub3A_377 = arith.subf %gather3A_327, %gather3A_315 : vector<16xf32>
      %sub3A_378 = arith.subf %sub3A_363, %sub3A_361 : vector<16xf32>
      %sub3A_379 = arith.subf %sub3A_371, %sub3A_369 : vector<16xf32>
      %sub3A_380 = arith.subf %sub3A_372, %sub3A_370 : vector<16xf32>
      %sub3A_381 = arith.subf %gather3A_351, %gather3A_339 : vector<16xf32>
      %sub3A_382 = arith.subf %sub3A_367, %sub3A_365 : vector<16xf32>
      %sub3A_383 = arith.subf %sub3A_375, %sub3A_373 : vector<16xf32>
      %sub3A_384 = arith.subf %sub3A_376, %sub3A_374 : vector<16xf32>
      %sub3A_385 = arith.subf %gather3A_339, %gather3A_315 : vector<16xf32>
      %sub3A_386 = arith.subf %sub3A_365, %sub3A_361 : vector<16xf32>
      %sub3A_387 = arith.subf %sub3A_373, %sub3A_369 : vector<16xf32>
      %sub3A_388 = arith.subf %sub3A_374, %sub3A_370 : vector<16xf32>
      %sub3A_389 = arith.subf %sub3A_381, %sub3A_377 : vector<16xf32>
      %sub3A_390 = arith.subf %sub3A_382, %sub3A_378 : vector<16xf32>
      %sub3A_391 = arith.subf %sub3A_383, %sub3A_379 : vector<16xf32>
      %sub3A_392 = arith.subf %sub3A_384, %sub3A_380 : vector<16xf32>
      %broadcast_in_dim3A_393 = arith.constant 0 : i32
      %broadcast_in_dim3A_394 = vector.broadcast %broadcast_in_dim3A_393 : i32 to vector<16xi32>
      %gather3A_395 = tpu.vector_load_idx %arg8[%add3A_312, %broadcast_in_dim3A_394] : memref<2048x4xi32, #tpu.memory_space<vmem>>[vector<16xi32>, vector<16xi32>], vector<16xi32>,
      %broadcast_in_dim3A_396 = arith.constant 1 : i32
      %broadcast_in_dim3A_397 = vector.broadcast %broadcast_in_dim3A_396 : i32 to vector<16xi32>
      %gather3A_398 = tpu.vector_load_idx %arg8[%add3A_312, %broadcast_in_dim3A_397] : memref<2048x4xi32, #tpu.memory_space<vmem>>[vector<16xi32>, vector<16xi32>], vector<16xi32>,
      %broadcast_in_dim3A_399 = arith.constant 2 : i32
      %broadcast_in_dim3A_400 = vector.broadcast %broadcast_in_dim3A_399 : i32 to vector<16xi32>
      %gather3A_401 = tpu.vector_load_idx %arg8[%add3A_312, %broadcast_in_dim3A_400] : memref<2048x4xi32, #tpu.memory_space<vmem>>[vector<16xi32>, vector<16xi32>], vector<16xi32>,
      %broadcast_in_dim3A_402 = arith.constant 3 : i32
      %broadcast_in_dim3A_403 = vector.broadcast %broadcast_in_dim3A_402 : i32 to vector<16xi32>
      %gather3A_404 = tpu.vector_load_idx %arg8[%add3A_312, %broadcast_in_dim3A_403] : memref<2048x4xi32, #tpu.memory_space<vmem>>[vector<16xi32>, vector<16xi32>], vector<16xi32>,
      %shift_right_arithmetic3A_405 = arith.constant 7 : i32
      %shift_right_arithmetic3A_406 = vector.broadcast %shift_right_arithmetic3A_405 : i32 to vector<16xi32>
      %shift_right_arithmetic3A_407 = arith.shrsi %gather3A_395, %shift_right_arithmetic3A_406 : vector<16xi32>
      %shift_left3A_408 = arith.constant 10 : i32
      %shift_left3A_409 = vector.broadcast %shift_left3A_408 : i32 to vector<16xi32>
      %shift_left3A_410 = arith.shli %shift_right_arithmetic3A_407, %shift_left3A_409 : vector<16xi32>
      %and3A_411 = arith.constant 127 : i32
      %and3A_412 = vector.broadcast %and3A_411 : i32 to vector<16xi32>
      %and3A_413 = arith.andi %gather3A_395, %and3A_412 : vector<16xi32>
      %or3A_414 = arith.ori %shift_left3A_410, %and3A_413 : vector<16xi32>
      %shift_right_arithmetic3A_415 = arith.constant 7 : i32
      %shift_right_arithmetic3A_416 = vector.broadcast %shift_right_arithmetic3A_415 : i32 to vector<16xi32>
      %shift_right_arithmetic3A_417 = arith.shrsi %gather3A_398, %shift_right_arithmetic3A_416 : vector<16xi32>
      %shift_left3A_418 = arith.constant 10 : i32
      %shift_left3A_419 = vector.broadcast %shift_left3A_418 : i32 to vector<16xi32>
      %shift_left3A_420 = arith.shli %shift_right_arithmetic3A_417, %shift_left3A_419 : vector<16xi32>
      %and3A_421 = arith.constant 127 : i32
      %and3A_422 = vector.broadcast %and3A_421 : i32 to vector<16xi32>
      %and3A_423 = arith.andi %gather3A_398, %and3A_422 : vector<16xi32>
      %or3A_424 = arith.ori %shift_left3A_420, %and3A_423 : vector<16xi32>
      %shift_right_arithmetic3A_425 = arith.constant 7 : i32
      %shift_right_arithmetic3A_426 = vector.broadcast %shift_right_arithmetic3A_425 : i32 to vector<16xi32>
      %shift_right_arithmetic3A_427 = arith.shrsi %gather3A_401, %shift_right_arithmetic3A_426 : vector<16xi32>
      %shift_left3A_428 = arith.constant 10 : i32
      %shift_left3A_429 = vector.broadcast %shift_left3A_428 : i32 to vector<16xi32>
      %shift_left3A_430 = arith.shli %shift_right_arithmetic3A_427, %shift_left3A_429 : vector<16xi32>
      %and3A_431 = arith.constant 127 : i32
      %and3A_432 = vector.broadcast %and3A_431 : i32 to vector<16xi32>
      %and3A_433 = arith.andi %gather3A_401, %and3A_432 : vector<16xi32>
      %or3A_434 = arith.ori %shift_left3A_430, %and3A_433 : vector<16xi32>
      %shift_right_arithmetic3A_435 = arith.constant 7 : i32
      %shift_right_arithmetic3A_436 = vector.broadcast %shift_right_arithmetic3A_435 : i32 to vector<16xi32>
      %shift_right_arithmetic3A_437 = arith.shrsi %gather3A_404, %shift_right_arithmetic3A_436 : vector<16xi32>
      %shift_left3A_438 = arith.constant 10 : i32
      %shift_left3A_439 = vector.broadcast %shift_left3A_438 : i32 to vector<16xi32>
      %shift_left3A_440 = arith.shli %shift_right_arithmetic3A_437, %shift_left3A_439 : vector<16xi32>
      %and3A_441 = arith.constant 127 : i32
      %and3A_442 = vector.broadcast %and3A_441 : i32 to vector<16xi32>
      %and3A_443 = arith.andi %gather3A_404, %and3A_442 : vector<16xi32>
      %or3A_444 = arith.ori %shift_left3A_440, %and3A_443 : vector<16xi32>
      %parallel_loop3A_445 = arith.constant 0 : i32
      %parallel_loop3A_446 = arith.constant 32 : i32
      %parallel_loop3A_447 = arith.constant 1 : i32
      scf.for %parallel_loop3A_1163 = %parallel_loop3A_445 to %parallel_loop3A_446 step %parallel_loop3A_447  : i32 {
        %parallel_loop3A_1164 = arith.constant 3 : i32
        %parallel_loop3A_1165 = arith.shrsi %parallel_loop3A_1163, %parallel_loop3A_1164 : i32
        %parallel_loop3A_1166 = arith.constant 7 : i32
        %parallel_loop3A_1167 = arith.andi %parallel_loop3A_1163, %parallel_loop3A_1166 : i32
        %parallel_loop3A_1168 = arith.constant 14 : i32
        %parallel_loop3A_1169 = arith.shli %parallel_loop3A_1165, %parallel_loop3A_1168 : i32
        %parallel_loop3A_1170 = arith.constant 7 : i32
        %parallel_loop3A_1171 = arith.shli %parallel_loop3A_1167, %parallel_loop3A_1170 : i32
        %parallel_loop3A_1172 = arith.ori %parallel_loop3A_1169, %parallel_loop3A_1171 : i32
        %parallel_loop3A_1173 = tpu.assume_multiple %parallel_loop3A_1172, 128 : i32
        %parallel_loop3A_1174 = tpu.memref_slice %arg6[%parallel_loop3A_1173] : memref<65536xf32, #tpu.memory_space<vmem>> -> memref<15488xf32, #tpu.memory_space<vmem>>
        %parallel_loop3A_1175 = tpu.vector_load_idx %parallel_loop3A_1174[%or3A_414] : memref<15488xf32, #tpu.memory_space<vmem>>[vector<16xi32>], vector<16xf32>,
        %parallel_loop3A_1176 = tpu.memref_slice %arg6[%parallel_loop3A_1173] : memref<65536xf32, #tpu.memory_space<vmem>> -> memref<15488xf32, #tpu.memory_space<vmem>>
        %parallel_loop3A_1177 = tpu.vector_load_idx %parallel_loop3A_1176[%or3A_424] : memref<15488xf32, #tpu.memory_space<vmem>>[vector<16xi32>], vector<16xf32>,
        %parallel_loop3A_1178 = tpu.memref_slice %arg6[%parallel_loop3A_1173] : memref<65536xf32, #tpu.memory_space<vmem>> -> memref<15488xf32, #tpu.memory_space<vmem>>
        %parallel_loop3A_1179 = tpu.vector_load_idx %parallel_loop3A_1178[%or3A_434] : memref<15488xf32, #tpu.memory_space<vmem>>[vector<16xi32>], vector<16xf32>,
        %parallel_loop3A_1180 = tpu.memref_slice %arg6[%parallel_loop3A_1173] : memref<65536xf32, #tpu.memory_space<vmem>> -> memref<15488xf32, #tpu.memory_space<vmem>>
        %parallel_loop3A_1181 = tpu.vector_load_idx %parallel_loop3A_1180[%or3A_444] : memref<15488xf32, #tpu.memory_space<vmem>>[vector<16xi32>], vector<16xf32>,
        %parallel_loop3A_1182 = arith.mulf %parallel_loop3A_1181, %sub3A_385 : vector<16xf32>
        %parallel_loop3A_1183 = arith.addf %gather3A_315, %parallel_loop3A_1182 : vector<16xf32>
        %parallel_loop3A_1184 = arith.mulf %parallel_loop3A_1181, %sub3A_386 : vector<16xf32>
        %parallel_loop3A_1185 = arith.addf %sub3A_361, %parallel_loop3A_1184 : vector<16xf32>
        %parallel_loop3A_1186 = arith.mulf %parallel_loop3A_1181, %sub3A_387 : vector<16xf32>
        %parallel_loop3A_1187 = arith.addf %sub3A_369, %parallel_loop3A_1186 : vector<16xf32>
        %parallel_loop3A_1188 = arith.mulf %parallel_loop3A_1181, %sub3A_388 : vector<16xf32>
        %parallel_loop3A_1189 = arith.addf %sub3A_370, %parallel_loop3A_1188 : vector<16xf32>
        %parallel_loop3A_1190 = arith.mulf %parallel_loop3A_1181, %sub3A_389 : vector<16xf32>
        %parallel_loop3A_1191 = arith.addf %sub3A_377, %parallel_loop3A_1190 : vector<16xf32>
        %parallel_loop3A_1192 = arith.mulf %parallel_loop3A_1181, %sub3A_390 : vector<16xf32>
        %parallel_loop3A_1193 = arith.addf %sub3A_378, %parallel_loop3A_1192 : vector<16xf32>
        %parallel_loop3A_1194 = arith.mulf %parallel_loop3A_1181, %sub3A_391 : vector<16xf32>
        %parallel_loop3A_1195 = arith.addf %sub3A_379, %parallel_loop3A_1194 : vector<16xf32>
        %parallel_loop3A_1196 = arith.mulf %parallel_loop3A_1181, %sub3A_392 : vector<16xf32>
        %parallel_loop3A_1197 = arith.addf %sub3A_380, %parallel_loop3A_1196 : vector<16xf32>
        %parallel_loop3A_1198 = arith.mulf %parallel_loop3A_1179, %parallel_loop3A_1191 : vector<16xf32>
        %parallel_loop3A_1199 = arith.addf %parallel_loop3A_1183, %parallel_loop3A_1198 : vector<16xf32>
        %parallel_loop3A_1200 = arith.mulf %parallel_loop3A_1179, %parallel_loop3A_1193 : vector<16xf32>
        %parallel_loop3A_1201 = arith.addf %parallel_loop3A_1185, %parallel_loop3A_1200 : vector<16xf32>
        %parallel_loop3A_1202 = arith.mulf %parallel_loop3A_1179, %parallel_loop3A_1195 : vector<16xf32>
        %parallel_loop3A_1203 = arith.addf %parallel_loop3A_1187, %parallel_loop3A_1202 : vector<16xf32>
        %parallel_loop3A_1204 = arith.mulf %parallel_loop3A_1179, %parallel_loop3A_1197 : vector<16xf32>
        %parallel_loop3A_1205 = arith.addf %parallel_loop3A_1189, %parallel_loop3A_1204 : vector<16xf32>
        %parallel_loop3A_1206 = arith.mulf %parallel_loop3A_1177, %parallel_loop3A_1203 : vector<16xf32>
        %parallel_loop3A_1207 = arith.addf %parallel_loop3A_1199, %parallel_loop3A_1206 : vector<16xf32>
        %parallel_loop3A_1208 = arith.mulf %parallel_loop3A_1177, %parallel_loop3A_1205 : vector<16xf32>
        %parallel_loop3A_1209 = arith.addf %parallel_loop3A_1201, %parallel_loop3A_1208 : vector<16xf32>
        %parallel_loop3A_1210 = arith.mulf %parallel_loop3A_1175, %parallel_loop3A_1209 : vector<16xf32>
        %parallel_loop3A_1211 = arith.addf %parallel_loop3A_1207, %parallel_loop3A_1210 : vector<16xf32>
        %parallel_loop3A_1212 = arith.constant 0 : i32
        %parallel_loop3A_1213 = arith.constant 0 : i32
        %parallel_loop3A_1214 = arith.constant 0 : i32
        %parallel_loop3A_1215 = tpu.memref_slice %arg9[%and3A_37, %parallel_loop3A_1212, %parallel_loop3A_1213, %parallel_loop3A_1214] : memref<2x4x8x128xf32, #tpu.memory_space<vmem>> -> memref<1x4x8x128xf32, #tpu.memory_space<vmem>>
        %parallel_loop3A_1216 = tpu.memref_squeeze %parallel_loop3A_1215 : memref<1x4x8x128xf32, #tpu.memory_space<vmem>> -> memref<4x8x128xf32, #tpu.memory_space<vmem>>
        %parallel_loop3A_1217 = arith.index_cast %parallel_loop3A_1165 : i32 to index
        %parallel_loop3A_1218 = arith.index_cast %parallel_loop3A_1167 : i32 to index
        %parallel_loop3A_1219 = arith.constant 32 : index
        %parallel_loop3A_1220 = tpu.vector_load %parallel_loop3A_1216[%parallel_loop3A_1217, %parallel_loop3A_1218, %parallel_loop3A_1219] {strides = array<i32>} : memref<4x8x128xf32, #tpu.memory_space<vmem>>, vector<16xf32>,
        tpu.vector_store %parallel_loop3A_1216[%parallel_loop3A_1217, %parallel_loop3A_1218, %parallel_loop3A_1219], %parallel_loop3A_1211 {strides = array<i32>} : memref<4x8x128xf32, #tpu.memory_space<vmem>>, vector<16xf32>,
      } {sc.loop_unroll_factor = 4 : i64, sc.parallel_access}
      %add3A_448 = arith.constant 48 : i32
      %add3A_449 = arith.addi %mul3A_36, %add3A_448 : i32
      %add3A_450 = vector.broadcast %add3A_449 : i32 to vector<16xi32>
      %add3A_451 = arith.addi %iota3A, %add3A_450 : vector<16xi32>
      %broadcast_in_dim3A_452 = arith.constant 0 : i32
      %broadcast_in_dim3A_453 = vector.broadcast %broadcast_in_dim3A_452 : i32 to vector<16xi32>
      %gather3A_454 = tpu.vector_load_idx %arg7[%add3A_451, %broadcast_in_dim3A_453] : memref<2048x16xf32, #tpu.memory_space<vmem>>[vector<16xi32>, vector<16xi32>], vector<16xf32>,
      %broadcast_in_dim3A_455 = arith.constant 1 : i32
      %broadcast_in_dim3A_456 = vector.broadcast %broadcast_in_dim3A_455 : i32 to vector<16xi32>
      %gather3A_457 = tpu.vector_load_idx %arg7[%add3A_451, %broadcast_in_dim3A_456] : memref<2048x16xf32, #tpu.memory_space<vmem>>[vector<16xi32>, vector<16xi32>], vector<16xf32>,
      %broadcast_in_dim3A_458 = arith.constant 2 : i32
      %broadcast_in_dim3A_459 = vector.broadcast %broadcast_in_dim3A_458 : i32 to vector<16xi32>
      %gather3A_460 = tpu.vector_load_idx %arg7[%add3A_451, %broadcast_in_dim3A_459] : memref<2048x16xf32, #tpu.memory_space<vmem>>[vector<16xi32>, vector<16xi32>], vector<16xf32>,
      %broadcast_in_dim3A_461 = arith.constant 3 : i32
      %broadcast_in_dim3A_462 = vector.broadcast %broadcast_in_dim3A_461 : i32 to vector<16xi32>
      %gather3A_463 = tpu.vector_load_idx %arg7[%add3A_451, %broadcast_in_dim3A_462] : memref<2048x16xf32, #tpu.memory_space<vmem>>[vector<16xi32>, vector<16xi32>], vector<16xf32>,
      %broadcast_in_dim3A_464 = arith.constant 4 : i32
      %broadcast_in_dim3A_465 = vector.broadcast %broadcast_in_dim3A_464 : i32 to vector<16xi32>
      %gather3A_466 = tpu.vector_load_idx %arg7[%add3A_451, %broadcast_in_dim3A_465] : memref<2048x16xf32, #tpu.memory_space<vmem>>[vector<16xi32>, vector<16xi32>], vector<16xf32>,
      %broadcast_in_dim3A_467 = arith.constant 5 : i32
      %broadcast_in_dim3A_468 = vector.broadcast %broadcast_in_dim3A_467 : i32 to vector<16xi32>
      %gather3A_469 = tpu.vector_load_idx %arg7[%add3A_451, %broadcast_in_dim3A_468] : memref<2048x16xf32, #tpu.memory_space<vmem>>[vector<16xi32>, vector<16xi32>], vector<16xf32>,
      %broadcast_in_dim3A_470 = arith.constant 6 : i32
      %broadcast_in_dim3A_471 = vector.broadcast %broadcast_in_dim3A_470 : i32 to vector<16xi32>
      %gather3A_472 = tpu.vector_load_idx %arg7[%add3A_451, %broadcast_in_dim3A_471] : memref<2048x16xf32, #tpu.memory_space<vmem>>[vector<16xi32>, vector<16xi32>], vector<16xf32>,
      %broadcast_in_dim3A_473 = arith.constant 7 : i32
      %broadcast_in_dim3A_474 = vector.broadcast %broadcast_in_dim3A_473 : i32 to vector<16xi32>
      %gather3A_475 = tpu.vector_load_idx %arg7[%add3A_451, %broadcast_in_dim3A_474] : memref<2048x16xf32, #tpu.memory_space<vmem>>[vector<16xi32>, vector<16xi32>], vector<16xf32>,
      %broadcast_in_dim3A_476 = arith.constant 8 : i32
      %broadcast_in_dim3A_477 = vector.broadcast %broadcast_in_dim3A_476 : i32 to vector<16xi32>
      %gather3A_478 = tpu.vector_load_idx %arg7[%add3A_451, %broadcast_in_dim3A_477] : memref<2048x16xf32, #tpu.memory_space<vmem>>[vector<16xi32>, vector<16xi32>], vector<16xf32>,
      %broadcast_in_dim3A_479 = arith.constant 9 : i32
      %broadcast_in_dim3A_480 = vector.broadcast %broadcast_in_dim3A_479 : i32 to vector<16xi32>
      %gather3A_481 = tpu.vector_load_idx %arg7[%add3A_451, %broadcast_in_dim3A_480] : memref<2048x16xf32, #tpu.memory_space<vmem>>[vector<16xi32>, vector<16xi32>], vector<16xf32>,
      %broadcast_in_dim3A_482 = arith.constant 10 : i32
      %broadcast_in_dim3A_483 = vector.broadcast %broadcast_in_dim3A_482 : i32 to vector<16xi32>
      %gather3A_484 = tpu.vector_load_idx %arg7[%add3A_451, %broadcast_in_dim3A_483] : memref<2048x16xf32, #tpu.memory_space<vmem>>[vector<16xi32>, vector<16xi32>], vector<16xf32>,
      %broadcast_in_dim3A_485 = arith.constant 11 : i32
      %broadcast_in_dim3A_486 = vector.broadcast %broadcast_in_dim3A_485 : i32 to vector<16xi32>
      %gather3A_487 = tpu.vector_load_idx %arg7[%add3A_451, %broadcast_in_dim3A_486] : memref<2048x16xf32, #tpu.memory_space<vmem>>[vector<16xi32>, vector<16xi32>], vector<16xf32>,
      %broadcast_in_dim3A_488 = arith.constant 12 : i32
      %broadcast_in_dim3A_489 = vector.broadcast %broadcast_in_dim3A_488 : i32 to vector<16xi32>
      %gather3A_490 = tpu.vector_load_idx %arg7[%add3A_451, %broadcast_in_dim3A_489] : memref<2048x16xf32, #tpu.memory_space<vmem>>[vector<16xi32>, vector<16xi32>], vector<16xf32>,
      %broadcast_in_dim3A_491 = arith.constant 13 : i32
      %broadcast_in_dim3A_492 = vector.broadcast %broadcast_in_dim3A_491 : i32 to vector<16xi32>
      %gather3A_493 = tpu.vector_load_idx %arg7[%add3A_451, %broadcast_in_dim3A_492] : memref<2048x16xf32, #tpu.memory_space<vmem>>[vector<16xi32>, vector<16xi32>], vector<16xf32>,
      %broadcast_in_dim3A_494 = arith.constant 14 : i32
      %broadcast_in_dim3A_495 = vector.broadcast %broadcast_in_dim3A_494 : i32 to vector<16xi32>
      %gather3A_496 = tpu.vector_load_idx %arg7[%add3A_451, %broadcast_in_dim3A_495] : memref<2048x16xf32, #tpu.memory_space<vmem>>[vector<16xi32>, vector<16xi32>], vector<16xf32>,
      %broadcast_in_dim3A_497 = arith.constant 15 : i32
      %broadcast_in_dim3A_498 = vector.broadcast %broadcast_in_dim3A_497 : i32 to vector<16xi32>
      %gather3A_499 = tpu.vector_load_idx %arg7[%add3A_451, %broadcast_in_dim3A_498] : memref<2048x16xf32, #tpu.memory_space<vmem>>[vector<16xi32>, vector<16xi32>], vector<16xf32>,
      %sub3A_500 = arith.subf %gather3A_457, %gather3A_454 : vector<16xf32>
      %sub3A_501 = arith.subf %gather3A_463, %gather3A_460 : vector<16xf32>
      %sub3A_502 = arith.subf %gather3A_469, %gather3A_466 : vector<16xf32>
      %sub3A_503 = arith.subf %gather3A_475, %gather3A_472 : vector<16xf32>
      %sub3A_504 = arith.subf %gather3A_481, %gather3A_478 : vector<16xf32>
      %sub3A_505 = arith.subf %gather3A_487, %gather3A_484 : vector<16xf32>
      %sub3A_506 = arith.subf %gather3A_493, %gather3A_490 : vector<16xf32>
      %sub3A_507 = arith.subf %gather3A_499, %gather3A_496 : vector<16xf32>
      %sub3A_508 = arith.subf %gather3A_460, %gather3A_454 : vector<16xf32>
      %sub3A_509 = arith.subf %sub3A_501, %sub3A_500 : vector<16xf32>
      %sub3A_510 = arith.subf %gather3A_472, %gather3A_466 : vector<16xf32>
      %sub3A_511 = arith.subf %sub3A_503, %sub3A_502 : vector<16xf32>
      %sub3A_512 = arith.subf %gather3A_484, %gather3A_478 : vector<16xf32>
      %sub3A_513 = arith.subf %sub3A_505, %sub3A_504 : vector<16xf32>
      %sub3A_514 = arith.subf %gather3A_496, %gather3A_490 : vector<16xf32>
      %sub3A_515 = arith.subf %sub3A_507, %sub3A_506 : vector<16xf32>
      %sub3A_516 = arith.subf %gather3A_466, %gather3A_454 : vector<16xf32>
      %sub3A_517 = arith.subf %sub3A_502, %sub3A_500 : vector<16xf32>
      %sub3A_518 = arith.subf %sub3A_510, %sub3A_508 : vector<16xf32>
      %sub3A_519 = arith.subf %sub3A_511, %sub3A_509 : vector<16xf32>
      %sub3A_520 = arith.subf %gather3A_490, %gather3A_478 : vector<16xf32>
      %sub3A_521 = arith.subf %sub3A_506, %sub3A_504 : vector<16xf32>
      %sub3A_522 = arith.subf %sub3A_514, %sub3A_512 : vector<16xf32>
      %sub3A_523 = arith.subf %sub3A_515, %sub3A_513 : vector<16xf32>
      %sub3A_524 = arith.subf %gather3A_478, %gather3A_454 : vector<16xf32>
      %sub3A_525 = arith.subf %sub3A_504, %sub3A_500 : vector<16xf32>
      %sub3A_526 = arith.subf %sub3A_512, %sub3A_508 : vector<16xf32>
      %sub3A_527 = arith.subf %sub3A_513, %sub3A_509 : vector<16xf32>
      %sub3A_528 = arith.subf %sub3A_520, %sub3A_516 : vector<16xf32>
      %sub3A_529 = arith.subf %sub3A_521, %sub3A_517 : vector<16xf32>
      %sub3A_530 = arith.subf %sub3A_522, %sub3A_518 : vector<16xf32>
      %sub3A_531 = arith.subf %sub3A_523, %sub3A_519 : vector<16xf32>
      %broadcast_in_dim3A_532 = arith.constant 0 : i32
      %broadcast_in_dim3A_533 = vector.broadcast %broadcast_in_dim3A_532 : i32 to vector<16xi32>
      %gather3A_534 = tpu.vector_load_idx %arg8[%add3A_451, %broadcast_in_dim3A_533] : memref<2048x4xi32, #tpu.memory_space<vmem>>[vector<16xi32>, vector<16xi32>], vector<16xi32>,
      %broadcast_in_dim3A_535 = arith.constant 1 : i32
      %broadcast_in_dim3A_536 = vector.broadcast %broadcast_in_dim3A_535 : i32 to vector<16xi32>
      %gather3A_537 = tpu.vector_load_idx %arg8[%add3A_451, %broadcast_in_dim3A_536] : memref<2048x4xi32, #tpu.memory_space<vmem>>[vector<16xi32>, vector<16xi32>], vector<16xi32>,
      %broadcast_in_dim3A_538 = arith.constant 2 : i32
      %broadcast_in_dim3A_539 = vector.broadcast %broadcast_in_dim3A_538 : i32 to vector<16xi32>
      %gather3A_540 = tpu.vector_load_idx %arg8[%add3A_451, %broadcast_in_dim3A_539] : memref<2048x4xi32, #tpu.memory_space<vmem>>[vector<16xi32>, vector<16xi32>], vector<16xi32>,
      %broadcast_in_dim3A_541 = arith.constant 3 : i32
      %broadcast_in_dim3A_542 = vector.broadcast %broadcast_in_dim3A_541 : i32 to vector<16xi32>
      %gather3A_543 = tpu.vector_load_idx %arg8[%add3A_451, %broadcast_in_dim3A_542] : memref<2048x4xi32, #tpu.memory_space<vmem>>[vector<16xi32>, vector<16xi32>], vector<16xi32>,
      %shift_right_arithmetic3A_544 = arith.constant 7 : i32
      %shift_right_arithmetic3A_545 = vector.broadcast %shift_right_arithmetic3A_544 : i32 to vector<16xi32>
      %shift_right_arithmetic3A_546 = arith.shrsi %gather3A_534, %shift_right_arithmetic3A_545 : vector<16xi32>
      %shift_left3A_547 = arith.constant 10 : i32
      %shift_left3A_548 = vector.broadcast %shift_left3A_547 : i32 to vector<16xi32>
      %shift_left3A_549 = arith.shli %shift_right_arithmetic3A_546, %shift_left3A_548 : vector<16xi32>
      %and3A_550 = arith.constant 127 : i32
      %and3A_551 = vector.broadcast %and3A_550 : i32 to vector<16xi32>
      %and3A_552 = arith.andi %gather3A_534, %and3A_551 : vector<16xi32>
      %or3A_553 = arith.ori %shift_left3A_549, %and3A_552 : vector<16xi32>
      %shift_right_arithmetic3A_554 = arith.constant 7 : i32
      %shift_right_arithmetic3A_555 = vector.broadcast %shift_right_arithmetic3A_554 : i32 to vector<16xi32>
      %shift_right_arithmetic3A_556 = arith.shrsi %gather3A_537, %shift_right_arithmetic3A_555 : vector<16xi32>
      %shift_left3A_557 = arith.constant 10 : i32
      %shift_left3A_558 = vector.broadcast %shift_left3A_557 : i32 to vector<16xi32>
      %shift_left3A_559 = arith.shli %shift_right_arithmetic3A_556, %shift_left3A_558 : vector<16xi32>
      %and3A_560 = arith.constant 127 : i32
      %and3A_561 = vector.broadcast %and3A_560 : i32 to vector<16xi32>
      %and3A_562 = arith.andi %gather3A_537, %and3A_561 : vector<16xi32>
      %or3A_563 = arith.ori %shift_left3A_559, %and3A_562 : vector<16xi32>
      %shift_right_arithmetic3A_564 = arith.constant 7 : i32
      %shift_right_arithmetic3A_565 = vector.broadcast %shift_right_arithmetic3A_564 : i32 to vector<16xi32>
      %shift_right_arithmetic3A_566 = arith.shrsi %gather3A_540, %shift_right_arithmetic3A_565 : vector<16xi32>
      %shift_left3A_567 = arith.constant 10 : i32
      %shift_left3A_568 = vector.broadcast %shift_left3A_567 : i32 to vector<16xi32>
      %shift_left3A_569 = arith.shli %shift_right_arithmetic3A_566, %shift_left3A_568 : vector<16xi32>
      %and3A_570 = arith.constant 127 : i32
      %and3A_571 = vector.broadcast %and3A_570 : i32 to vector<16xi32>
      %and3A_572 = arith.andi %gather3A_540, %and3A_571 : vector<16xi32>
      %or3A_573 = arith.ori %shift_left3A_569, %and3A_572 : vector<16xi32>
      %shift_right_arithmetic3A_574 = arith.constant 7 : i32
      %shift_right_arithmetic3A_575 = vector.broadcast %shift_right_arithmetic3A_574 : i32 to vector<16xi32>
      %shift_right_arithmetic3A_576 = arith.shrsi %gather3A_543, %shift_right_arithmetic3A_575 : vector<16xi32>
      %shift_left3A_577 = arith.constant 10 : i32
      %shift_left3A_578 = vector.broadcast %shift_left3A_577 : i32 to vector<16xi32>
      %shift_left3A_579 = arith.shli %shift_right_arithmetic3A_576, %shift_left3A_578 : vector<16xi32>
      %and3A_580 = arith.constant 127 : i32
      %and3A_581 = vector.broadcast %and3A_580 : i32 to vector<16xi32>
      %and3A_582 = arith.andi %gather3A_543, %and3A_581 : vector<16xi32>
      %or3A_583 = arith.ori %shift_left3A_579, %and3A_582 : vector<16xi32>
      %parallel_loop3A_584 = arith.constant 0 : i32
      %parallel_loop3A_585 = arith.constant 32 : i32
      %parallel_loop3A_586 = arith.constant 1 : i32
      scf.for %parallel_loop3A_1163 = %parallel_loop3A_584 to %parallel_loop3A_585 step %parallel_loop3A_586  : i32 {
        %parallel_loop3A_1164 = arith.constant 3 : i32
        %parallel_loop3A_1165 = arith.shrsi %parallel_loop3A_1163, %parallel_loop3A_1164 : i32
        %parallel_loop3A_1166 = arith.constant 7 : i32
        %parallel_loop3A_1167 = arith.andi %parallel_loop3A_1163, %parallel_loop3A_1166 : i32
        %parallel_loop3A_1168 = arith.constant 14 : i32
        %parallel_loop3A_1169 = arith.shli %parallel_loop3A_1165, %parallel_loop3A_1168 : i32
        %parallel_loop3A_1170 = arith.constant 7 : i32
        %parallel_loop3A_1171 = arith.shli %parallel_loop3A_1167, %parallel_loop3A_1170 : i32
        %parallel_loop3A_1172 = arith.ori %parallel_loop3A_1169, %parallel_loop3A_1171 : i32
        %parallel_loop3A_1173 = tpu.assume_multiple %parallel_loop3A_1172, 128 : i32
        %parallel_loop3A_1174 = tpu.memref_slice %arg6[%parallel_loop3A_1173] : memref<65536xf32, #tpu.memory_space<vmem>> -> memref<15488xf32, #tpu.memory_space<vmem>>
        %parallel_loop3A_1175 = tpu.vector_load_idx %parallel_loop3A_1174[%or3A_553] : memref<15488xf32, #tpu.memory_space<vmem>>[vector<16xi32>], vector<16xf32>,
        %parallel_loop3A_1176 = tpu.memref_slice %arg6[%parallel_loop3A_1173] : memref<65536xf32, #tpu.memory_space<vmem>> -> memref<15488xf32, #tpu.memory_space<vmem>>
        %parallel_loop3A_1177 = tpu.vector_load_idx %parallel_loop3A_1176[%or3A_563] : memref<15488xf32, #tpu.memory_space<vmem>>[vector<16xi32>], vector<16xf32>,
        %parallel_loop3A_1178 = tpu.memref_slice %arg6[%parallel_loop3A_1173] : memref<65536xf32, #tpu.memory_space<vmem>> -> memref<15488xf32, #tpu.memory_space<vmem>>
        %parallel_loop3A_1179 = tpu.vector_load_idx %parallel_loop3A_1178[%or3A_573] : memref<15488xf32, #tpu.memory_space<vmem>>[vector<16xi32>], vector<16xf32>,
        %parallel_loop3A_1180 = tpu.memref_slice %arg6[%parallel_loop3A_1173] : memref<65536xf32, #tpu.memory_space<vmem>> -> memref<15488xf32, #tpu.memory_space<vmem>>
        %parallel_loop3A_1181 = tpu.vector_load_idx %parallel_loop3A_1180[%or3A_583] : memref<15488xf32, #tpu.memory_space<vmem>>[vector<16xi32>], vector<16xf32>,
        %parallel_loop3A_1182 = arith.mulf %parallel_loop3A_1181, %sub3A_524 : vector<16xf32>
        %parallel_loop3A_1183 = arith.addf %gather3A_454, %parallel_loop3A_1182 : vector<16xf32>
        %parallel_loop3A_1184 = arith.mulf %parallel_loop3A_1181, %sub3A_525 : vector<16xf32>
        %parallel_loop3A_1185 = arith.addf %sub3A_500, %parallel_loop3A_1184 : vector<16xf32>
        %parallel_loop3A_1186 = arith.mulf %parallel_loop3A_1181, %sub3A_526 : vector<16xf32>
        %parallel_loop3A_1187 = arith.addf %sub3A_508, %parallel_loop3A_1186 : vector<16xf32>
        %parallel_loop3A_1188 = arith.mulf %parallel_loop3A_1181, %sub3A_527 : vector<16xf32>
        %parallel_loop3A_1189 = arith.addf %sub3A_509, %parallel_loop3A_1188 : vector<16xf32>
        %parallel_loop3A_1190 = arith.mulf %parallel_loop3A_1181, %sub3A_528 : vector<16xf32>
        %parallel_loop3A_1191 = arith.addf %sub3A_516, %parallel_loop3A_1190 : vector<16xf32>
        %parallel_loop3A_1192 = arith.mulf %parallel_loop3A_1181, %sub3A_529 : vector<16xf32>
        %parallel_loop3A_1193 = arith.addf %sub3A_517, %parallel_loop3A_1192 : vector<16xf32>
        %parallel_loop3A_1194 = arith.mulf %parallel_loop3A_1181, %sub3A_530 : vector<16xf32>
        %parallel_loop3A_1195 = arith.addf %sub3A_518, %parallel_loop3A_1194 : vector<16xf32>
        %parallel_loop3A_1196 = arith.mulf %parallel_loop3A_1181, %sub3A_531 : vector<16xf32>
        %parallel_loop3A_1197 = arith.addf %sub3A_519, %parallel_loop3A_1196 : vector<16xf32>
        %parallel_loop3A_1198 = arith.mulf %parallel_loop3A_1179, %parallel_loop3A_1191 : vector<16xf32>
        %parallel_loop3A_1199 = arith.addf %parallel_loop3A_1183, %parallel_loop3A_1198 : vector<16xf32>
        %parallel_loop3A_1200 = arith.mulf %parallel_loop3A_1179, %parallel_loop3A_1193 : vector<16xf32>
        %parallel_loop3A_1201 = arith.addf %parallel_loop3A_1185, %parallel_loop3A_1200 : vector<16xf32>
        %parallel_loop3A_1202 = arith.mulf %parallel_loop3A_1179, %parallel_loop3A_1195 : vector<16xf32>
        %parallel_loop3A_1203 = arith.addf %parallel_loop3A_1187, %parallel_loop3A_1202 : vector<16xf32>
        %parallel_loop3A_1204 = arith.mulf %parallel_loop3A_1179, %parallel_loop3A_1197 : vector<16xf32>
        %parallel_loop3A_1205 = arith.addf %parallel_loop3A_1189, %parallel_loop3A_1204 : vector<16xf32>
        %parallel_loop3A_1206 = arith.mulf %parallel_loop3A_1177, %parallel_loop3A_1203 : vector<16xf32>
        %parallel_loop3A_1207 = arith.addf %parallel_loop3A_1199, %parallel_loop3A_1206 : vector<16xf32>
        %parallel_loop3A_1208 = arith.mulf %parallel_loop3A_1177, %parallel_loop3A_1205 : vector<16xf32>
        %parallel_loop3A_1209 = arith.addf %parallel_loop3A_1201, %parallel_loop3A_1208 : vector<16xf32>
        %parallel_loop3A_1210 = arith.mulf %parallel_loop3A_1175, %parallel_loop3A_1209 : vector<16xf32>
        %parallel_loop3A_1211 = arith.addf %parallel_loop3A_1207, %parallel_loop3A_1210 : vector<16xf32>
        %parallel_loop3A_1212 = arith.constant 0 : i32
        %parallel_loop3A_1213 = arith.constant 0 : i32
        %parallel_loop3A_1214 = arith.constant 0 : i32
        %parallel_loop3A_1215 = tpu.memref_slice %arg9[%and3A_37, %parallel_loop3A_1212, %parallel_loop3A_1213, %parallel_loop3A_1214] : memref<2x4x8x128xf32, #tpu.memory_space<vmem>> -> memref<1x4x8x128xf32, #tpu.memory_space<vmem>>
        %parallel_loop3A_1216 = tpu.memref_squeeze %parallel_loop3A_1215 : memref<1x4x8x128xf32, #tpu.memory_space<vmem>> -> memref<4x8x128xf32, #tpu.memory_space<vmem>>
        %parallel_loop3A_1217 = arith.index_cast %parallel_loop3A_1165 : i32 to index
        %parallel_loop3A_1218 = arith.index_cast %parallel_loop3A_1167 : i32 to index
        %parallel_loop3A_1219 = arith.constant 48 : index
        %parallel_loop3A_1220 = tpu.vector_load %parallel_loop3A_1216[%parallel_loop3A_1217, %parallel_loop3A_1218, %parallel_loop3A_1219] {strides = array<i32>} : memref<4x8x128xf32, #tpu.memory_space<vmem>>, vector<16xf32>,
        tpu.vector_store %parallel_loop3A_1216[%parallel_loop3A_1217, %parallel_loop3A_1218, %parallel_loop3A_1219], %parallel_loop3A_1211 {strides = array<i32>} : memref<4x8x128xf32, #tpu.memory_space<vmem>>, vector<16xf32>,
      } {sc.loop_unroll_factor = 4 : i64, sc.parallel_access}
      %add3A_587 = arith.constant 64 : i32
      %add3A_588 = arith.addi %mul3A_36, %add3A_587 : i32
      %add3A_589 = vector.broadcast %add3A_588 : i32 to vector<16xi32>
      %add3A_590 = arith.addi %iota3A, %add3A_589 : vector<16xi32>
      %broadcast_in_dim3A_591 = arith.constant 0 : i32
      %broadcast_in_dim3A_592 = vector.broadcast %broadcast_in_dim3A_591 : i32 to vector<16xi32>
      %gather3A_593 = tpu.vector_load_idx %arg7[%add3A_590, %broadcast_in_dim3A_592] : memref<2048x16xf32, #tpu.memory_space<vmem>>[vector<16xi32>, vector<16xi32>], vector<16xf32>,
      %broadcast_in_dim3A_594 = arith.constant 1 : i32
      %broadcast_in_dim3A_595 = vector.broadcast %broadcast_in_dim3A_594 : i32 to vector<16xi32>
      %gather3A_596 = tpu.vector_load_idx %arg7[%add3A_590, %broadcast_in_dim3A_595] : memref<2048x16xf32, #tpu.memory_space<vmem>>[vector<16xi32>, vector<16xi32>], vector<16xf32>,
      %broadcast_in_dim3A_597 = arith.constant 2 : i32
      %broadcast_in_dim3A_598 = vector.broadcast %broadcast_in_dim3A_597 : i32 to vector<16xi32>
      %gather3A_599 = tpu.vector_load_idx %arg7[%add3A_590, %broadcast_in_dim3A_598] : memref<2048x16xf32, #tpu.memory_space<vmem>>[vector<16xi32>, vector<16xi32>], vector<16xf32>,
      %broadcast_in_dim3A_600 = arith.constant 3 : i32
      %broadcast_in_dim3A_601 = vector.broadcast %broadcast_in_dim3A_600 : i32 to vector<16xi32>
      %gather3A_602 = tpu.vector_load_idx %arg7[%add3A_590, %broadcast_in_dim3A_601] : memref<2048x16xf32, #tpu.memory_space<vmem>>[vector<16xi32>, vector<16xi32>], vector<16xf32>,
      %broadcast_in_dim3A_603 = arith.constant 4 : i32
      %broadcast_in_dim3A_604 = vector.broadcast %broadcast_in_dim3A_603 : i32 to vector<16xi32>
      %gather3A_605 = tpu.vector_load_idx %arg7[%add3A_590, %broadcast_in_dim3A_604] : memref<2048x16xf32, #tpu.memory_space<vmem>>[vector<16xi32>, vector<16xi32>], vector<16xf32>,
      %broadcast_in_dim3A_606 = arith.constant 5 : i32
      %broadcast_in_dim3A_607 = vector.broadcast %broadcast_in_dim3A_606 : i32 to vector<16xi32>
      %gather3A_608 = tpu.vector_load_idx %arg7[%add3A_590, %broadcast_in_dim3A_607] : memref<2048x16xf32, #tpu.memory_space<vmem>>[vector<16xi32>, vector<16xi32>], vector<16xf32>,
      %broadcast_in_dim3A_609 = arith.constant 6 : i32
      %broadcast_in_dim3A_610 = vector.broadcast %broadcast_in_dim3A_609 : i32 to vector<16xi32>
      %gather3A_611 = tpu.vector_load_idx %arg7[%add3A_590, %broadcast_in_dim3A_610] : memref<2048x16xf32, #tpu.memory_space<vmem>>[vector<16xi32>, vector<16xi32>], vector<16xf32>,
      %broadcast_in_dim3A_612 = arith.constant 7 : i32
      %broadcast_in_dim3A_613 = vector.broadcast %broadcast_in_dim3A_612 : i32 to vector<16xi32>
      %gather3A_614 = tpu.vector_load_idx %arg7[%add3A_590, %broadcast_in_dim3A_613] : memref<2048x16xf32, #tpu.memory_space<vmem>>[vector<16xi32>, vector<16xi32>], vector<16xf32>,
      %broadcast_in_dim3A_615 = arith.constant 8 : i32
      %broadcast_in_dim3A_616 = vector.broadcast %broadcast_in_dim3A_615 : i32 to vector<16xi32>
      %gather3A_617 = tpu.vector_load_idx %arg7[%add3A_590, %broadcast_in_dim3A_616] : memref<2048x16xf32, #tpu.memory_space<vmem>>[vector<16xi32>, vector<16xi32>], vector<16xf32>,
      %broadcast_in_dim3A_618 = arith.constant 9 : i32
      %broadcast_in_dim3A_619 = vector.broadcast %broadcast_in_dim3A_618 : i32 to vector<16xi32>
      %gather3A_620 = tpu.vector_load_idx %arg7[%add3A_590, %broadcast_in_dim3A_619] : memref<2048x16xf32, #tpu.memory_space<vmem>>[vector<16xi32>, vector<16xi32>], vector<16xf32>,
      %broadcast_in_dim3A_621 = arith.constant 10 : i32
      %broadcast_in_dim3A_622 = vector.broadcast %broadcast_in_dim3A_621 : i32 to vector<16xi32>
      %gather3A_623 = tpu.vector_load_idx %arg7[%add3A_590, %broadcast_in_dim3A_622] : memref<2048x16xf32, #tpu.memory_space<vmem>>[vector<16xi32>, vector<16xi32>], vector<16xf32>,
      %broadcast_in_dim3A_624 = arith.constant 11 : i32
      %broadcast_in_dim3A_625 = vector.broadcast %broadcast_in_dim3A_624 : i32 to vector<16xi32>
      %gather3A_626 = tpu.vector_load_idx %arg7[%add3A_590, %broadcast_in_dim3A_625] : memref<2048x16xf32, #tpu.memory_space<vmem>>[vector<16xi32>, vector<16xi32>], vector<16xf32>,
      %broadcast_in_dim3A_627 = arith.constant 12 : i32
      %broadcast_in_dim3A_628 = vector.broadcast %broadcast_in_dim3A_627 : i32 to vector<16xi32>
      %gather3A_629 = tpu.vector_load_idx %arg7[%add3A_590, %broadcast_in_dim3A_628] : memref<2048x16xf32, #tpu.memory_space<vmem>>[vector<16xi32>, vector<16xi32>], vector<16xf32>,
      %broadcast_in_dim3A_630 = arith.constant 13 : i32
      %broadcast_in_dim3A_631 = vector.broadcast %broadcast_in_dim3A_630 : i32 to vector<16xi32>
      %gather3A_632 = tpu.vector_load_idx %arg7[%add3A_590, %broadcast_in_dim3A_631] : memref<2048x16xf32, #tpu.memory_space<vmem>>[vector<16xi32>, vector<16xi32>], vector<16xf32>,
      %broadcast_in_dim3A_633 = arith.constant 14 : i32
      %broadcast_in_dim3A_634 = vector.broadcast %broadcast_in_dim3A_633 : i32 to vector<16xi32>
      %gather3A_635 = tpu.vector_load_idx %arg7[%add3A_590, %broadcast_in_dim3A_634] : memref<2048x16xf32, #tpu.memory_space<vmem>>[vector<16xi32>, vector<16xi32>], vector<16xf32>,
      %broadcast_in_dim3A_636 = arith.constant 15 : i32
      %broadcast_in_dim3A_637 = vector.broadcast %broadcast_in_dim3A_636 : i32 to vector<16xi32>
      %gather3A_638 = tpu.vector_load_idx %arg7[%add3A_590, %broadcast_in_dim3A_637] : memref<2048x16xf32, #tpu.memory_space<vmem>>[vector<16xi32>, vector<16xi32>], vector<16xf32>,
      %sub3A_639 = arith.subf %gather3A_596, %gather3A_593 : vector<16xf32>
      %sub3A_640 = arith.subf %gather3A_602, %gather3A_599 : vector<16xf32>
      %sub3A_641 = arith.subf %gather3A_608, %gather3A_605 : vector<16xf32>
      %sub3A_642 = arith.subf %gather3A_614, %gather3A_611 : vector<16xf32>
      %sub3A_643 = arith.subf %gather3A_620, %gather3A_617 : vector<16xf32>
      %sub3A_644 = arith.subf %gather3A_626, %gather3A_623 : vector<16xf32>
      %sub3A_645 = arith.subf %gather3A_632, %gather3A_629 : vector<16xf32>
      %sub3A_646 = arith.subf %gather3A_638, %gather3A_635 : vector<16xf32>
      %sub3A_647 = arith.subf %gather3A_599, %gather3A_593 : vector<16xf32>
      %sub3A_648 = arith.subf %sub3A_640, %sub3A_639 : vector<16xf32>
      %sub3A_649 = arith.subf %gather3A_611, %gather3A_605 : vector<16xf32>
      %sub3A_650 = arith.subf %sub3A_642, %sub3A_641 : vector<16xf32>
      %sub3A_651 = arith.subf %gather3A_623, %gather3A_617 : vector<16xf32>
      %sub3A_652 = arith.subf %sub3A_644, %sub3A_643 : vector<16xf32>
      %sub3A_653 = arith.subf %gather3A_635, %gather3A_629 : vector<16xf32>
      %sub3A_654 = arith.subf %sub3A_646, %sub3A_645 : vector<16xf32>
      %sub3A_655 = arith.subf %gather3A_605, %gather3A_593 : vector<16xf32>
      %sub3A_656 = arith.subf %sub3A_641, %sub3A_639 : vector<16xf32>
      %sub3A_657 = arith.subf %sub3A_649, %sub3A_647 : vector<16xf32>
      %sub3A_658 = arith.subf %sub3A_650, %sub3A_648 : vector<16xf32>
      %sub3A_659 = arith.subf %gather3A_629, %gather3A_617 : vector<16xf32>
      %sub3A_660 = arith.subf %sub3A_645, %sub3A_643 : vector<16xf32>
      %sub3A_661 = arith.subf %sub3A_653, %sub3A_651 : vector<16xf32>
      %sub3A_662 = arith.subf %sub3A_654, %sub3A_652 : vector<16xf32>
      %sub3A_663 = arith.subf %gather3A_617, %gather3A_593 : vector<16xf32>
      %sub3A_664 = arith.subf %sub3A_643, %sub3A_639 : vector<16xf32>
      %sub3A_665 = arith.subf %sub3A_651, %sub3A_647 : vector<16xf32>
      %sub3A_666 = arith.subf %sub3A_652, %sub3A_648 : vector<16xf32>
      %sub3A_667 = arith.subf %sub3A_659, %sub3A_655 : vector<16xf32>
      %sub3A_668 = arith.subf %sub3A_660, %sub3A_656 : vector<16xf32>
      %sub3A_669 = arith.subf %sub3A_661, %sub3A_657 : vector<16xf32>
      %sub3A_670 = arith.subf %sub3A_662, %sub3A_658 : vector<16xf32>
      %broadcast_in_dim3A_671 = arith.constant 0 : i32
      %broadcast_in_dim3A_672 = vector.broadcast %broadcast_in_dim3A_671 : i32 to vector<16xi32>
      %gather3A_673 = tpu.vector_load_idx %arg8[%add3A_590, %broadcast_in_dim3A_672] : memref<2048x4xi32, #tpu.memory_space<vmem>>[vector<16xi32>, vector<16xi32>], vector<16xi32>,
      %broadcast_in_dim3A_674 = arith.constant 1 : i32
      %broadcast_in_dim3A_675 = vector.broadcast %broadcast_in_dim3A_674 : i32 to vector<16xi32>
      %gather3A_676 = tpu.vector_load_idx %arg8[%add3A_590, %broadcast_in_dim3A_675] : memref<2048x4xi32, #tpu.memory_space<vmem>>[vector<16xi32>, vector<16xi32>], vector<16xi32>,
      %broadcast_in_dim3A_677 = arith.constant 2 : i32
      %broadcast_in_dim3A_678 = vector.broadcast %broadcast_in_dim3A_677 : i32 to vector<16xi32>
      %gather3A_679 = tpu.vector_load_idx %arg8[%add3A_590, %broadcast_in_dim3A_678] : memref<2048x4xi32, #tpu.memory_space<vmem>>[vector<16xi32>, vector<16xi32>], vector<16xi32>,
      %broadcast_in_dim3A_680 = arith.constant 3 : i32
      %broadcast_in_dim3A_681 = vector.broadcast %broadcast_in_dim3A_680 : i32 to vector<16xi32>
      %gather3A_682 = tpu.vector_load_idx %arg8[%add3A_590, %broadcast_in_dim3A_681] : memref<2048x4xi32, #tpu.memory_space<vmem>>[vector<16xi32>, vector<16xi32>], vector<16xi32>,
      %shift_right_arithmetic3A_683 = arith.constant 7 : i32
      %shift_right_arithmetic3A_684 = vector.broadcast %shift_right_arithmetic3A_683 : i32 to vector<16xi32>
      %shift_right_arithmetic3A_685 = arith.shrsi %gather3A_673, %shift_right_arithmetic3A_684 : vector<16xi32>
      %shift_left3A_686 = arith.constant 10 : i32
      %shift_left3A_687 = vector.broadcast %shift_left3A_686 : i32 to vector<16xi32>
      %shift_left3A_688 = arith.shli %shift_right_arithmetic3A_685, %shift_left3A_687 : vector<16xi32>
      %and3A_689 = arith.constant 127 : i32
      %and3A_690 = vector.broadcast %and3A_689 : i32 to vector<16xi32>
      %and3A_691 = arith.andi %gather3A_673, %and3A_690 : vector<16xi32>
      %or3A_692 = arith.ori %shift_left3A_688, %and3A_691 : vector<16xi32>
      %shift_right_arithmetic3A_693 = arith.constant 7 : i32
      %shift_right_arithmetic3A_694 = vector.broadcast %shift_right_arithmetic3A_693 : i32 to vector<16xi32>
      %shift_right_arithmetic3A_695 = arith.shrsi %gather3A_676, %shift_right_arithmetic3A_694 : vector<16xi32>
      %shift_left3A_696 = arith.constant 10 : i32
      %shift_left3A_697 = vector.broadcast %shift_left3A_696 : i32 to vector<16xi32>
      %shift_left3A_698 = arith.shli %shift_right_arithmetic3A_695, %shift_left3A_697 : vector<16xi32>
      %and3A_699 = arith.constant 127 : i32
      %and3A_700 = vector.broadcast %and3A_699 : i32 to vector<16xi32>
      %and3A_701 = arith.andi %gather3A_676, %and3A_700 : vector<16xi32>
      %or3A_702 = arith.ori %shift_left3A_698, %and3A_701 : vector<16xi32>
      %shift_right_arithmetic3A_703 = arith.constant 7 : i32
      %shift_right_arithmetic3A_704 = vector.broadcast %shift_right_arithmetic3A_703 : i32 to vector<16xi32>
      %shift_right_arithmetic3A_705 = arith.shrsi %gather3A_679, %shift_right_arithmetic3A_704 : vector<16xi32>
      %shift_left3A_706 = arith.constant 10 : i32
      %shift_left3A_707 = vector.broadcast %shift_left3A_706 : i32 to vector<16xi32>
      %shift_left3A_708 = arith.shli %shift_right_arithmetic3A_705, %shift_left3A_707 : vector<16xi32>
      %and3A_709 = arith.constant 127 : i32
      %and3A_710 = vector.broadcast %and3A_709 : i32 to vector<16xi32>
      %and3A_711 = arith.andi %gather3A_679, %and3A_710 : vector<16xi32>
      %or3A_712 = arith.ori %shift_left3A_708, %and3A_711 : vector<16xi32>
      %shift_right_arithmetic3A_713 = arith.constant 7 : i32
      %shift_right_arithmetic3A_714 = vector.broadcast %shift_right_arithmetic3A_713 : i32 to vector<16xi32>
      %shift_right_arithmetic3A_715 = arith.shrsi %gather3A_682, %shift_right_arithmetic3A_714 : vector<16xi32>
      %shift_left3A_716 = arith.constant 10 : i32
      %shift_left3A_717 = vector.broadcast %shift_left3A_716 : i32 to vector<16xi32>
      %shift_left3A_718 = arith.shli %shift_right_arithmetic3A_715, %shift_left3A_717 : vector<16xi32>
      %and3A_719 = arith.constant 127 : i32
      %and3A_720 = vector.broadcast %and3A_719 : i32 to vector<16xi32>
      %and3A_721 = arith.andi %gather3A_682, %and3A_720 : vector<16xi32>
      %or3A_722 = arith.ori %shift_left3A_718, %and3A_721 : vector<16xi32>
      %parallel_loop3A_723 = arith.constant 0 : i32
      %parallel_loop3A_724 = arith.constant 32 : i32
      %parallel_loop3A_725 = arith.constant 1 : i32
      scf.for %parallel_loop3A_1163 = %parallel_loop3A_723 to %parallel_loop3A_724 step %parallel_loop3A_725  : i32 {
        %parallel_loop3A_1164 = arith.constant 3 : i32
        %parallel_loop3A_1165 = arith.shrsi %parallel_loop3A_1163, %parallel_loop3A_1164 : i32
        %parallel_loop3A_1166 = arith.constant 7 : i32
        %parallel_loop3A_1167 = arith.andi %parallel_loop3A_1163, %parallel_loop3A_1166 : i32
        %parallel_loop3A_1168 = arith.constant 14 : i32
        %parallel_loop3A_1169 = arith.shli %parallel_loop3A_1165, %parallel_loop3A_1168 : i32
        %parallel_loop3A_1170 = arith.constant 7 : i32
        %parallel_loop3A_1171 = arith.shli %parallel_loop3A_1167, %parallel_loop3A_1170 : i32
        %parallel_loop3A_1172 = arith.ori %parallel_loop3A_1169, %parallel_loop3A_1171 : i32
        %parallel_loop3A_1173 = tpu.assume_multiple %parallel_loop3A_1172, 128 : i32
        %parallel_loop3A_1174 = tpu.memref_slice %arg6[%parallel_loop3A_1173] : memref<65536xf32, #tpu.memory_space<vmem>> -> memref<15488xf32, #tpu.memory_space<vmem>>
        %parallel_loop3A_1175 = tpu.vector_load_idx %parallel_loop3A_1174[%or3A_692] : memref<15488xf32, #tpu.memory_space<vmem>>[vector<16xi32>], vector<16xf32>,
        %parallel_loop3A_1176 = tpu.memref_slice %arg6[%parallel_loop3A_1173] : memref<65536xf32, #tpu.memory_space<vmem>> -> memref<15488xf32, #tpu.memory_space<vmem>>
        %parallel_loop3A_1177 = tpu.vector_load_idx %parallel_loop3A_1176[%or3A_702] : memref<15488xf32, #tpu.memory_space<vmem>>[vector<16xi32>], vector<16xf32>,
        %parallel_loop3A_1178 = tpu.memref_slice %arg6[%parallel_loop3A_1173] : memref<65536xf32, #tpu.memory_space<vmem>> -> memref<15488xf32, #tpu.memory_space<vmem>>
        %parallel_loop3A_1179 = tpu.vector_load_idx %parallel_loop3A_1178[%or3A_712] : memref<15488xf32, #tpu.memory_space<vmem>>[vector<16xi32>], vector<16xf32>,
        %parallel_loop3A_1180 = tpu.memref_slice %arg6[%parallel_loop3A_1173] : memref<65536xf32, #tpu.memory_space<vmem>> -> memref<15488xf32, #tpu.memory_space<vmem>>
        %parallel_loop3A_1181 = tpu.vector_load_idx %parallel_loop3A_1180[%or3A_722] : memref<15488xf32, #tpu.memory_space<vmem>>[vector<16xi32>], vector<16xf32>,
        %parallel_loop3A_1182 = arith.mulf %parallel_loop3A_1181, %sub3A_663 : vector<16xf32>
        %parallel_loop3A_1183 = arith.addf %gather3A_593, %parallel_loop3A_1182 : vector<16xf32>
        %parallel_loop3A_1184 = arith.mulf %parallel_loop3A_1181, %sub3A_664 : vector<16xf32>
        %parallel_loop3A_1185 = arith.addf %sub3A_639, %parallel_loop3A_1184 : vector<16xf32>
        %parallel_loop3A_1186 = arith.mulf %parallel_loop3A_1181, %sub3A_665 : vector<16xf32>
        %parallel_loop3A_1187 = arith.addf %sub3A_647, %parallel_loop3A_1186 : vector<16xf32>
        %parallel_loop3A_1188 = arith.mulf %parallel_loop3A_1181, %sub3A_666 : vector<16xf32>
        %parallel_loop3A_1189 = arith.addf %sub3A_648, %parallel_loop3A_1188 : vector<16xf32>
        %parallel_loop3A_1190 = arith.mulf %parallel_loop3A_1181, %sub3A_667 : vector<16xf32>
        %parallel_loop3A_1191 = arith.addf %sub3A_655, %parallel_loop3A_1190 : vector<16xf32>
        %parallel_loop3A_1192 = arith.mulf %parallel_loop3A_1181, %sub3A_668 : vector<16xf32>
        %parallel_loop3A_1193 = arith.addf %sub3A_656, %parallel_loop3A_1192 : vector<16xf32>
        %parallel_loop3A_1194 = arith.mulf %parallel_loop3A_1181, %sub3A_669 : vector<16xf32>
        %parallel_loop3A_1195 = arith.addf %sub3A_657, %parallel_loop3A_1194 : vector<16xf32>
        %parallel_loop3A_1196 = arith.mulf %parallel_loop3A_1181, %sub3A_670 : vector<16xf32>
        %parallel_loop3A_1197 = arith.addf %sub3A_658, %parallel_loop3A_1196 : vector<16xf32>
        %parallel_loop3A_1198 = arith.mulf %parallel_loop3A_1179, %parallel_loop3A_1191 : vector<16xf32>
        %parallel_loop3A_1199 = arith.addf %parallel_loop3A_1183, %parallel_loop3A_1198 : vector<16xf32>
        %parallel_loop3A_1200 = arith.mulf %parallel_loop3A_1179, %parallel_loop3A_1193 : vector<16xf32>
        %parallel_loop3A_1201 = arith.addf %parallel_loop3A_1185, %parallel_loop3A_1200 : vector<16xf32>
        %parallel_loop3A_1202 = arith.mulf %parallel_loop3A_1179, %parallel_loop3A_1195 : vector<16xf32>
        %parallel_loop3A_1203 = arith.addf %parallel_loop3A_1187, %parallel_loop3A_1202 : vector<16xf32>
        %parallel_loop3A_1204 = arith.mulf %parallel_loop3A_1179, %parallel_loop3A_1197 : vector<16xf32>
        %parallel_loop3A_1205 = arith.addf %parallel_loop3A_1189, %parallel_loop3A_1204 : vector<16xf32>
        %parallel_loop3A_1206 = arith.mulf %parallel_loop3A_1177, %parallel_loop3A_1203 : vector<16xf32>
        %parallel_loop3A_1207 = arith.addf %parallel_loop3A_1199, %parallel_loop3A_1206 : vector<16xf32>
        %parallel_loop3A_1208 = arith.mulf %parallel_loop3A_1177, %parallel_loop3A_1205 : vector<16xf32>
        %parallel_loop3A_1209 = arith.addf %parallel_loop3A_1201, %parallel_loop3A_1208 : vector<16xf32>
        %parallel_loop3A_1210 = arith.mulf %parallel_loop3A_1175, %parallel_loop3A_1209 : vector<16xf32>
        %parallel_loop3A_1211 = arith.addf %parallel_loop3A_1207, %parallel_loop3A_1210 : vector<16xf32>
        %parallel_loop3A_1212 = arith.constant 0 : i32
        %parallel_loop3A_1213 = arith.constant 0 : i32
        %parallel_loop3A_1214 = arith.constant 0 : i32
        %parallel_loop3A_1215 = tpu.memref_slice %arg9[%and3A_37, %parallel_loop3A_1212, %parallel_loop3A_1213, %parallel_loop3A_1214] : memref<2x4x8x128xf32, #tpu.memory_space<vmem>> -> memref<1x4x8x128xf32, #tpu.memory_space<vmem>>
        %parallel_loop3A_1216 = tpu.memref_squeeze %parallel_loop3A_1215 : memref<1x4x8x128xf32, #tpu.memory_space<vmem>> -> memref<4x8x128xf32, #tpu.memory_space<vmem>>
        %parallel_loop3A_1217 = arith.index_cast %parallel_loop3A_1165 : i32 to index
        %parallel_loop3A_1218 = arith.index_cast %parallel_loop3A_1167 : i32 to index
        %parallel_loop3A_1219 = arith.constant 64 : index
        %parallel_loop3A_1220 = tpu.vector_load %parallel_loop3A_1216[%parallel_loop3A_1217, %parallel_loop3A_1218, %parallel_loop3A_1219] {strides = array<i32>} : memref<4x8x128xf32, #tpu.memory_space<vmem>>, vector<16xf32>,
        tpu.vector_store %parallel_loop3A_1216[%parallel_loop3A_1217, %parallel_loop3A_1218, %parallel_loop3A_1219], %parallel_loop3A_1211 {strides = array<i32>} : memref<4x8x128xf32, #tpu.memory_space<vmem>>, vector<16xf32>,
      } {sc.loop_unroll_factor = 4 : i64, sc.parallel_access}
      %add3A_726 = arith.constant 80 : i32
      %add3A_727 = arith.addi %mul3A_36, %add3A_726 : i32
      %add3A_728 = vector.broadcast %add3A_727 : i32 to vector<16xi32>
      %add3A_729 = arith.addi %iota3A, %add3A_728 : vector<16xi32>
      %broadcast_in_dim3A_730 = arith.constant 0 : i32
      %broadcast_in_dim3A_731 = vector.broadcast %broadcast_in_dim3A_730 : i32 to vector<16xi32>
      %gather3A_732 = tpu.vector_load_idx %arg7[%add3A_729, %broadcast_in_dim3A_731] : memref<2048x16xf32, #tpu.memory_space<vmem>>[vector<16xi32>, vector<16xi32>], vector<16xf32>,
      %broadcast_in_dim3A_733 = arith.constant 1 : i32
      %broadcast_in_dim3A_734 = vector.broadcast %broadcast_in_dim3A_733 : i32 to vector<16xi32>
      %gather3A_735 = tpu.vector_load_idx %arg7[%add3A_729, %broadcast_in_dim3A_734] : memref<2048x16xf32, #tpu.memory_space<vmem>>[vector<16xi32>, vector<16xi32>], vector<16xf32>,
      %broadcast_in_dim3A_736 = arith.constant 2 : i32
      %broadcast_in_dim3A_737 = vector.broadcast %broadcast_in_dim3A_736 : i32 to vector<16xi32>
      %gather3A_738 = tpu.vector_load_idx %arg7[%add3A_729, %broadcast_in_dim3A_737] : memref<2048x16xf32, #tpu.memory_space<vmem>>[vector<16xi32>, vector<16xi32>], vector<16xf32>,
      %broadcast_in_dim3A_739 = arith.constant 3 : i32
      %broadcast_in_dim3A_740 = vector.broadcast %broadcast_in_dim3A_739 : i32 to vector<16xi32>
      %gather3A_741 = tpu.vector_load_idx %arg7[%add3A_729, %broadcast_in_dim3A_740] : memref<2048x16xf32, #tpu.memory_space<vmem>>[vector<16xi32>, vector<16xi32>], vector<16xf32>,
      %broadcast_in_dim3A_742 = arith.constant 4 : i32
      %broadcast_in_dim3A_743 = vector.broadcast %broadcast_in_dim3A_742 : i32 to vector<16xi32>
      %gather3A_744 = tpu.vector_load_idx %arg7[%add3A_729, %broadcast_in_dim3A_743] : memref<2048x16xf32, #tpu.memory_space<vmem>>[vector<16xi32>, vector<16xi32>], vector<16xf32>,
      %broadcast_in_dim3A_745 = arith.constant 5 : i32
      %broadcast_in_dim3A_746 = vector.broadcast %broadcast_in_dim3A_745 : i32 to vector<16xi32>
      %gather3A_747 = tpu.vector_load_idx %arg7[%add3A_729, %broadcast_in_dim3A_746] : memref<2048x16xf32, #tpu.memory_space<vmem>>[vector<16xi32>, vector<16xi32>], vector<16xf32>,
      %broadcast_in_dim3A_748 = arith.constant 6 : i32
      %broadcast_in_dim3A_749 = vector.broadcast %broadcast_in_dim3A_748 : i32 to vector<16xi32>
      %gather3A_750 = tpu.vector_load_idx %arg7[%add3A_729, %broadcast_in_dim3A_749] : memref<2048x16xf32, #tpu.memory_space<vmem>>[vector<16xi32>, vector<16xi32>], vector<16xf32>,
      %broadcast_in_dim3A_751 = arith.constant 7 : i32
      %broadcast_in_dim3A_752 = vector.broadcast %broadcast_in_dim3A_751 : i32 to vector<16xi32>
      %gather3A_753 = tpu.vector_load_idx %arg7[%add3A_729, %broadcast_in_dim3A_752] : memref<2048x16xf32, #tpu.memory_space<vmem>>[vector<16xi32>, vector<16xi32>], vector<16xf32>,
      %broadcast_in_dim3A_754 = arith.constant 8 : i32
      %broadcast_in_dim3A_755 = vector.broadcast %broadcast_in_dim3A_754 : i32 to vector<16xi32>
      %gather3A_756 = tpu.vector_load_idx %arg7[%add3A_729, %broadcast_in_dim3A_755] : memref<2048x16xf32, #tpu.memory_space<vmem>>[vector<16xi32>, vector<16xi32>], vector<16xf32>,
      %broadcast_in_dim3A_757 = arith.constant 9 : i32
      %broadcast_in_dim3A_758 = vector.broadcast %broadcast_in_dim3A_757 : i32 to vector<16xi32>
      %gather3A_759 = tpu.vector_load_idx %arg7[%add3A_729, %broadcast_in_dim3A_758] : memref<2048x16xf32, #tpu.memory_space<vmem>>[vector<16xi32>, vector<16xi32>], vector<16xf32>,
      %broadcast_in_dim3A_760 = arith.constant 10 : i32
      %broadcast_in_dim3A_761 = vector.broadcast %broadcast_in_dim3A_760 : i32 to vector<16xi32>
      %gather3A_762 = tpu.vector_load_idx %arg7[%add3A_729, %broadcast_in_dim3A_761] : memref<2048x16xf32, #tpu.memory_space<vmem>>[vector<16xi32>, vector<16xi32>], vector<16xf32>,
      %broadcast_in_dim3A_763 = arith.constant 11 : i32
      %broadcast_in_dim3A_764 = vector.broadcast %broadcast_in_dim3A_763 : i32 to vector<16xi32>
      %gather3A_765 = tpu.vector_load_idx %arg7[%add3A_729, %broadcast_in_dim3A_764] : memref<2048x16xf32, #tpu.memory_space<vmem>>[vector<16xi32>, vector<16xi32>], vector<16xf32>,
      %broadcast_in_dim3A_766 = arith.constant 12 : i32
      %broadcast_in_dim3A_767 = vector.broadcast %broadcast_in_dim3A_766 : i32 to vector<16xi32>
      %gather3A_768 = tpu.vector_load_idx %arg7[%add3A_729, %broadcast_in_dim3A_767] : memref<2048x16xf32, #tpu.memory_space<vmem>>[vector<16xi32>, vector<16xi32>], vector<16xf32>,
      %broadcast_in_dim3A_769 = arith.constant 13 : i32
      %broadcast_in_dim3A_770 = vector.broadcast %broadcast_in_dim3A_769 : i32 to vector<16xi32>
      %gather3A_771 = tpu.vector_load_idx %arg7[%add3A_729, %broadcast_in_dim3A_770] : memref<2048x16xf32, #tpu.memory_space<vmem>>[vector<16xi32>, vector<16xi32>], vector<16xf32>,
      %broadcast_in_dim3A_772 = arith.constant 14 : i32
      %broadcast_in_dim3A_773 = vector.broadcast %broadcast_in_dim3A_772 : i32 to vector<16xi32>
      %gather3A_774 = tpu.vector_load_idx %arg7[%add3A_729, %broadcast_in_dim3A_773] : memref<2048x16xf32, #tpu.memory_space<vmem>>[vector<16xi32>, vector<16xi32>], vector<16xf32>,
      %broadcast_in_dim3A_775 = arith.constant 15 : i32
      %broadcast_in_dim3A_776 = vector.broadcast %broadcast_in_dim3A_775 : i32 to vector<16xi32>
      %gather3A_777 = tpu.vector_load_idx %arg7[%add3A_729, %broadcast_in_dim3A_776] : memref<2048x16xf32, #tpu.memory_space<vmem>>[vector<16xi32>, vector<16xi32>], vector<16xf32>,
      %sub3A_778 = arith.subf %gather3A_735, %gather3A_732 : vector<16xf32>
      %sub3A_779 = arith.subf %gather3A_741, %gather3A_738 : vector<16xf32>
      %sub3A_780 = arith.subf %gather3A_747, %gather3A_744 : vector<16xf32>
      %sub3A_781 = arith.subf %gather3A_753, %gather3A_750 : vector<16xf32>
      %sub3A_782 = arith.subf %gather3A_759, %gather3A_756 : vector<16xf32>
      %sub3A_783 = arith.subf %gather3A_765, %gather3A_762 : vector<16xf32>
      %sub3A_784 = arith.subf %gather3A_771, %gather3A_768 : vector<16xf32>
      %sub3A_785 = arith.subf %gather3A_777, %gather3A_774 : vector<16xf32>
      %sub3A_786 = arith.subf %gather3A_738, %gather3A_732 : vector<16xf32>
      %sub3A_787 = arith.subf %sub3A_779, %sub3A_778 : vector<16xf32>
      %sub3A_788 = arith.subf %gather3A_750, %gather3A_744 : vector<16xf32>
      %sub3A_789 = arith.subf %sub3A_781, %sub3A_780 : vector<16xf32>
      %sub3A_790 = arith.subf %gather3A_762, %gather3A_756 : vector<16xf32>
      %sub3A_791 = arith.subf %sub3A_783, %sub3A_782 : vector<16xf32>
      %sub3A_792 = arith.subf %gather3A_774, %gather3A_768 : vector<16xf32>
      %sub3A_793 = arith.subf %sub3A_785, %sub3A_784 : vector<16xf32>
      %sub3A_794 = arith.subf %gather3A_744, %gather3A_732 : vector<16xf32>
      %sub3A_795 = arith.subf %sub3A_780, %sub3A_778 : vector<16xf32>
      %sub3A_796 = arith.subf %sub3A_788, %sub3A_786 : vector<16xf32>
      %sub3A_797 = arith.subf %sub3A_789, %sub3A_787 : vector<16xf32>
      %sub3A_798 = arith.subf %gather3A_768, %gather3A_756 : vector<16xf32>
      %sub3A_799 = arith.subf %sub3A_784, %sub3A_782 : vector<16xf32>
      %sub3A_800 = arith.subf %sub3A_792, %sub3A_790 : vector<16xf32>
      %sub3A_801 = arith.subf %sub3A_793, %sub3A_791 : vector<16xf32>
      %sub3A_802 = arith.subf %gather3A_756, %gather3A_732 : vector<16xf32>
      %sub3A_803 = arith.subf %sub3A_782, %sub3A_778 : vector<16xf32>
      %sub3A_804 = arith.subf %sub3A_790, %sub3A_786 : vector<16xf32>
      %sub3A_805 = arith.subf %sub3A_791, %sub3A_787 : vector<16xf32>
      %sub3A_806 = arith.subf %sub3A_798, %sub3A_794 : vector<16xf32>
      %sub3A_807 = arith.subf %sub3A_799, %sub3A_795 : vector<16xf32>
      %sub3A_808 = arith.subf %sub3A_800, %sub3A_796 : vector<16xf32>
      %sub3A_809 = arith.subf %sub3A_801, %sub3A_797 : vector<16xf32>
      %broadcast_in_dim3A_810 = arith.constant 0 : i32
      %broadcast_in_dim3A_811 = vector.broadcast %broadcast_in_dim3A_810 : i32 to vector<16xi32>
      %gather3A_812 = tpu.vector_load_idx %arg8[%add3A_729, %broadcast_in_dim3A_811] : memref<2048x4xi32, #tpu.memory_space<vmem>>[vector<16xi32>, vector<16xi32>], vector<16xi32>,
      %broadcast_in_dim3A_813 = arith.constant 1 : i32
      %broadcast_in_dim3A_814 = vector.broadcast %broadcast_in_dim3A_813 : i32 to vector<16xi32>
      %gather3A_815 = tpu.vector_load_idx %arg8[%add3A_729, %broadcast_in_dim3A_814] : memref<2048x4xi32, #tpu.memory_space<vmem>>[vector<16xi32>, vector<16xi32>], vector<16xi32>,
      %broadcast_in_dim3A_816 = arith.constant 2 : i32
      %broadcast_in_dim3A_817 = vector.broadcast %broadcast_in_dim3A_816 : i32 to vector<16xi32>
      %gather3A_818 = tpu.vector_load_idx %arg8[%add3A_729, %broadcast_in_dim3A_817] : memref<2048x4xi32, #tpu.memory_space<vmem>>[vector<16xi32>, vector<16xi32>], vector<16xi32>,
      %broadcast_in_dim3A_819 = arith.constant 3 : i32
      %broadcast_in_dim3A_820 = vector.broadcast %broadcast_in_dim3A_819 : i32 to vector<16xi32>
      %gather3A_821 = tpu.vector_load_idx %arg8[%add3A_729, %broadcast_in_dim3A_820] : memref<2048x4xi32, #tpu.memory_space<vmem>>[vector<16xi32>, vector<16xi32>], vector<16xi32>,
      %shift_right_arithmetic3A_822 = arith.constant 7 : i32
      %shift_right_arithmetic3A_823 = vector.broadcast %shift_right_arithmetic3A_822 : i32 to vector<16xi32>
      %shift_right_arithmetic3A_824 = arith.shrsi %gather3A_812, %shift_right_arithmetic3A_823 : vector<16xi32>
      %shift_left3A_825 = arith.constant 10 : i32
      %shift_left3A_826 = vector.broadcast %shift_left3A_825 : i32 to vector<16xi32>
      %shift_left3A_827 = arith.shli %shift_right_arithmetic3A_824, %shift_left3A_826 : vector<16xi32>
      %and3A_828 = arith.constant 127 : i32
      %and3A_829 = vector.broadcast %and3A_828 : i32 to vector<16xi32>
      %and3A_830 = arith.andi %gather3A_812, %and3A_829 : vector<16xi32>
      %or3A_831 = arith.ori %shift_left3A_827, %and3A_830 : vector<16xi32>
      %shift_right_arithmetic3A_832 = arith.constant 7 : i32
      %shift_right_arithmetic3A_833 = vector.broadcast %shift_right_arithmetic3A_832 : i32 to vector<16xi32>
      %shift_right_arithmetic3A_834 = arith.shrsi %gather3A_815, %shift_right_arithmetic3A_833 : vector<16xi32>
      %shift_left3A_835 = arith.constant 10 : i32
      %shift_left3A_836 = vector.broadcast %shift_left3A_835 : i32 to vector<16xi32>
      %shift_left3A_837 = arith.shli %shift_right_arithmetic3A_834, %shift_left3A_836 : vector<16xi32>
      %and3A_838 = arith.constant 127 : i32
      %and3A_839 = vector.broadcast %and3A_838 : i32 to vector<16xi32>
      %and3A_840 = arith.andi %gather3A_815, %and3A_839 : vector<16xi32>
      %or3A_841 = arith.ori %shift_left3A_837, %and3A_840 : vector<16xi32>
      %shift_right_arithmetic3A_842 = arith.constant 7 : i32
      %shift_right_arithmetic3A_843 = vector.broadcast %shift_right_arithmetic3A_842 : i32 to vector<16xi32>
      %shift_right_arithmetic3A_844 = arith.shrsi %gather3A_818, %shift_right_arithmetic3A_843 : vector<16xi32>
      %shift_left3A_845 = arith.constant 10 : i32
      %shift_left3A_846 = vector.broadcast %shift_left3A_845 : i32 to vector<16xi32>
      %shift_left3A_847 = arith.shli %shift_right_arithmetic3A_844, %shift_left3A_846 : vector<16xi32>
      %and3A_848 = arith.constant 127 : i32
      %and3A_849 = vector.broadcast %and3A_848 : i32 to vector<16xi32>
      %and3A_850 = arith.andi %gather3A_818, %and3A_849 : vector<16xi32>
      %or3A_851 = arith.ori %shift_left3A_847, %and3A_850 : vector<16xi32>
      %shift_right_arithmetic3A_852 = arith.constant 7 : i32
      %shift_right_arithmetic3A_853 = vector.broadcast %shift_right_arithmetic3A_852 : i32 to vector<16xi32>
      %shift_right_arithmetic3A_854 = arith.shrsi %gather3A_821, %shift_right_arithmetic3A_853 : vector<16xi32>
      %shift_left3A_855 = arith.constant 10 : i32
      %shift_left3A_856 = vector.broadcast %shift_left3A_855 : i32 to vector<16xi32>
      %shift_left3A_857 = arith.shli %shift_right_arithmetic3A_854, %shift_left3A_856 : vector<16xi32>
      %and3A_858 = arith.constant 127 : i32
      %and3A_859 = vector.broadcast %and3A_858 : i32 to vector<16xi32>
      %and3A_860 = arith.andi %gather3A_821, %and3A_859 : vector<16xi32>
      %or3A_861 = arith.ori %shift_left3A_857, %and3A_860 : vector<16xi32>
      %parallel_loop3A_862 = arith.constant 0 : i32
      %parallel_loop3A_863 = arith.constant 32 : i32
      %parallel_loop3A_864 = arith.constant 1 : i32
      scf.for %parallel_loop3A_1163 = %parallel_loop3A_862 to %parallel_loop3A_863 step %parallel_loop3A_864  : i32 {
        %parallel_loop3A_1164 = arith.constant 3 : i32
        %parallel_loop3A_1165 = arith.shrsi %parallel_loop3A_1163, %parallel_loop3A_1164 : i32
        %parallel_loop3A_1166 = arith.constant 7 : i32
        %parallel_loop3A_1167 = arith.andi %parallel_loop3A_1163, %parallel_loop3A_1166 : i32
        %parallel_loop3A_1168 = arith.constant 14 : i32
        %parallel_loop3A_1169 = arith.shli %parallel_loop3A_1165, %parallel_loop3A_1168 : i32
        %parallel_loop3A_1170 = arith.constant 7 : i32
        %parallel_loop3A_1171 = arith.shli %parallel_loop3A_1167, %parallel_loop3A_1170 : i32
        %parallel_loop3A_1172 = arith.ori %parallel_loop3A_1169, %parallel_loop3A_1171 : i32
        %parallel_loop3A_1173 = tpu.assume_multiple %parallel_loop3A_1172, 128 : i32
        %parallel_loop3A_1174 = tpu.memref_slice %arg6[%parallel_loop3A_1173] : memref<65536xf32, #tpu.memory_space<vmem>> -> memref<15488xf32, #tpu.memory_space<vmem>>
        %parallel_loop3A_1175 = tpu.vector_load_idx %parallel_loop3A_1174[%or3A_831] : memref<15488xf32, #tpu.memory_space<vmem>>[vector<16xi32>], vector<16xf32>,
        %parallel_loop3A_1176 = tpu.memref_slice %arg6[%parallel_loop3A_1173] : memref<65536xf32, #tpu.memory_space<vmem>> -> memref<15488xf32, #tpu.memory_space<vmem>>
        %parallel_loop3A_1177 = tpu.vector_load_idx %parallel_loop3A_1176[%or3A_841] : memref<15488xf32, #tpu.memory_space<vmem>>[vector<16xi32>], vector<16xf32>,
        %parallel_loop3A_1178 = tpu.memref_slice %arg6[%parallel_loop3A_1173] : memref<65536xf32, #tpu.memory_space<vmem>> -> memref<15488xf32, #tpu.memory_space<vmem>>
        %parallel_loop3A_1179 = tpu.vector_load_idx %parallel_loop3A_1178[%or3A_851] : memref<15488xf32, #tpu.memory_space<vmem>>[vector<16xi32>], vector<16xf32>,
        %parallel_loop3A_1180 = tpu.memref_slice %arg6[%parallel_loop3A_1173] : memref<65536xf32, #tpu.memory_space<vmem>> -> memref<15488xf32, #tpu.memory_space<vmem>>
        %parallel_loop3A_1181 = tpu.vector_load_idx %parallel_loop3A_1180[%or3A_861] : memref<15488xf32, #tpu.memory_space<vmem>>[vector<16xi32>], vector<16xf32>,
        %parallel_loop3A_1182 = arith.mulf %parallel_loop3A_1181, %sub3A_802 : vector<16xf32>
        %parallel_loop3A_1183 = arith.addf %gather3A_732, %parallel_loop3A_1182 : vector<16xf32>
        %parallel_loop3A_1184 = arith.mulf %parallel_loop3A_1181, %sub3A_803 : vector<16xf32>
        %parallel_loop3A_1185 = arith.addf %sub3A_778, %parallel_loop3A_1184 : vector<16xf32>
        %parallel_loop3A_1186 = arith.mulf %parallel_loop3A_1181, %sub3A_804 : vector<16xf32>
        %parallel_loop3A_1187 = arith.addf %sub3A_786, %parallel_loop3A_1186 : vector<16xf32>
        %parallel_loop3A_1188 = arith.mulf %parallel_loop3A_1181, %sub3A_805 : vector<16xf32>
        %parallel_loop3A_1189 = arith.addf %sub3A_787, %parallel_loop3A_1188 : vector<16xf32>
        %parallel_loop3A_1190 = arith.mulf %parallel_loop3A_1181, %sub3A_806 : vector<16xf32>
        %parallel_loop3A_1191 = arith.addf %sub3A_794, %parallel_loop3A_1190 : vector<16xf32>
        %parallel_loop3A_1192 = arith.mulf %parallel_loop3A_1181, %sub3A_807 : vector<16xf32>
        %parallel_loop3A_1193 = arith.addf %sub3A_795, %parallel_loop3A_1192 : vector<16xf32>
        %parallel_loop3A_1194 = arith.mulf %parallel_loop3A_1181, %sub3A_808 : vector<16xf32>
        %parallel_loop3A_1195 = arith.addf %sub3A_796, %parallel_loop3A_1194 : vector<16xf32>
        %parallel_loop3A_1196 = arith.mulf %parallel_loop3A_1181, %sub3A_809 : vector<16xf32>
        %parallel_loop3A_1197 = arith.addf %sub3A_797, %parallel_loop3A_1196 : vector<16xf32>
        %parallel_loop3A_1198 = arith.mulf %parallel_loop3A_1179, %parallel_loop3A_1191 : vector<16xf32>
        %parallel_loop3A_1199 = arith.addf %parallel_loop3A_1183, %parallel_loop3A_1198 : vector<16xf32>
        %parallel_loop3A_1200 = arith.mulf %parallel_loop3A_1179, %parallel_loop3A_1193 : vector<16xf32>
        %parallel_loop3A_1201 = arith.addf %parallel_loop3A_1185, %parallel_loop3A_1200 : vector<16xf32>
        %parallel_loop3A_1202 = arith.mulf %parallel_loop3A_1179, %parallel_loop3A_1195 : vector<16xf32>
        %parallel_loop3A_1203 = arith.addf %parallel_loop3A_1187, %parallel_loop3A_1202 : vector<16xf32>
        %parallel_loop3A_1204 = arith.mulf %parallel_loop3A_1179, %parallel_loop3A_1197 : vector<16xf32>
        %parallel_loop3A_1205 = arith.addf %parallel_loop3A_1189, %parallel_loop3A_1204 : vector<16xf32>
        %parallel_loop3A_1206 = arith.mulf %parallel_loop3A_1177, %parallel_loop3A_1203 : vector<16xf32>
        %parallel_loop3A_1207 = arith.addf %parallel_loop3A_1199, %parallel_loop3A_1206 : vector<16xf32>
        %parallel_loop3A_1208 = arith.mulf %parallel_loop3A_1177, %parallel_loop3A_1205 : vector<16xf32>
        %parallel_loop3A_1209 = arith.addf %parallel_loop3A_1201, %parallel_loop3A_1208 : vector<16xf32>
        %parallel_loop3A_1210 = arith.mulf %parallel_loop3A_1175, %parallel_loop3A_1209 : vector<16xf32>
        %parallel_loop3A_1211 = arith.addf %parallel_loop3A_1207, %parallel_loop3A_1210 : vector<16xf32>
        %parallel_loop3A_1212 = arith.constant 0 : i32
        %parallel_loop3A_1213 = arith.constant 0 : i32
        %parallel_loop3A_1214 = arith.constant 0 : i32
        %parallel_loop3A_1215 = tpu.memref_slice %arg9[%and3A_37, %parallel_loop3A_1212, %parallel_loop3A_1213, %parallel_loop3A_1214] : memref<2x4x8x128xf32, #tpu.memory_space<vmem>> -> memref<1x4x8x128xf32, #tpu.memory_space<vmem>>
        %parallel_loop3A_1216 = tpu.memref_squeeze %parallel_loop3A_1215 : memref<1x4x8x128xf32, #tpu.memory_space<vmem>> -> memref<4x8x128xf32, #tpu.memory_space<vmem>>
        %parallel_loop3A_1217 = arith.index_cast %parallel_loop3A_1165 : i32 to index
        %parallel_loop3A_1218 = arith.index_cast %parallel_loop3A_1167 : i32 to index
        %parallel_loop3A_1219 = arith.constant 80 : index
        %parallel_loop3A_1220 = tpu.vector_load %parallel_loop3A_1216[%parallel_loop3A_1217, %parallel_loop3A_1218, %parallel_loop3A_1219] {strides = array<i32>} : memref<4x8x128xf32, #tpu.memory_space<vmem>>, vector<16xf32>,
        tpu.vector_store %parallel_loop3A_1216[%parallel_loop3A_1217, %parallel_loop3A_1218, %parallel_loop3A_1219], %parallel_loop3A_1211 {strides = array<i32>} : memref<4x8x128xf32, #tpu.memory_space<vmem>>, vector<16xf32>,
      } {sc.loop_unroll_factor = 4 : i64, sc.parallel_access}
      %add3A_865 = arith.constant 96 : i32
      %add3A_866 = arith.addi %mul3A_36, %add3A_865 : i32
      %add3A_867 = vector.broadcast %add3A_866 : i32 to vector<16xi32>
      %add3A_868 = arith.addi %iota3A, %add3A_867 : vector<16xi32>
      %broadcast_in_dim3A_869 = arith.constant 0 : i32
      %broadcast_in_dim3A_870 = vector.broadcast %broadcast_in_dim3A_869 : i32 to vector<16xi32>
      %gather3A_871 = tpu.vector_load_idx %arg7[%add3A_868, %broadcast_in_dim3A_870] : memref<2048x16xf32, #tpu.memory_space<vmem>>[vector<16xi32>, vector<16xi32>], vector<16xf32>,
      %broadcast_in_dim3A_872 = arith.constant 1 : i32
      %broadcast_in_dim3A_873 = vector.broadcast %broadcast_in_dim3A_872 : i32 to vector<16xi32>
      %gather3A_874 = tpu.vector_load_idx %arg7[%add3A_868, %broadcast_in_dim3A_873] : memref<2048x16xf32, #tpu.memory_space<vmem>>[vector<16xi32>, vector<16xi32>], vector<16xf32>,
      %broadcast_in_dim3A_875 = arith.constant 2 : i32
      %broadcast_in_dim3A_876 = vector.broadcast %broadcast_in_dim3A_875 : i32 to vector<16xi32>
      %gather3A_877 = tpu.vector_load_idx %arg7[%add3A_868, %broadcast_in_dim3A_876] : memref<2048x16xf32, #tpu.memory_space<vmem>>[vector<16xi32>, vector<16xi32>], vector<16xf32>,
      %broadcast_in_dim3A_878 = arith.constant 3 : i32
      %broadcast_in_dim3A_879 = vector.broadcast %broadcast_in_dim3A_878 : i32 to vector<16xi32>
      %gather3A_880 = tpu.vector_load_idx %arg7[%add3A_868, %broadcast_in_dim3A_879] : memref<2048x16xf32, #tpu.memory_space<vmem>>[vector<16xi32>, vector<16xi32>], vector<16xf32>,
      %broadcast_in_dim3A_881 = arith.constant 4 : i32
      %broadcast_in_dim3A_882 = vector.broadcast %broadcast_in_dim3A_881 : i32 to vector<16xi32>
      %gather3A_883 = tpu.vector_load_idx %arg7[%add3A_868, %broadcast_in_dim3A_882] : memref<2048x16xf32, #tpu.memory_space<vmem>>[vector<16xi32>, vector<16xi32>], vector<16xf32>,
      %broadcast_in_dim3A_884 = arith.constant 5 : i32
      %broadcast_in_dim3A_885 = vector.broadcast %broadcast_in_dim3A_884 : i32 to vector<16xi32>
      %gather3A_886 = tpu.vector_load_idx %arg7[%add3A_868, %broadcast_in_dim3A_885] : memref<2048x16xf32, #tpu.memory_space<vmem>>[vector<16xi32>, vector<16xi32>], vector<16xf32>,
      %broadcast_in_dim3A_887 = arith.constant 6 : i32
      %broadcast_in_dim3A_888 = vector.broadcast %broadcast_in_dim3A_887 : i32 to vector<16xi32>
      %gather3A_889 = tpu.vector_load_idx %arg7[%add3A_868, %broadcast_in_dim3A_888] : memref<2048x16xf32, #tpu.memory_space<vmem>>[vector<16xi32>, vector<16xi32>], vector<16xf32>,
      %broadcast_in_dim3A_890 = arith.constant 7 : i32
      %broadcast_in_dim3A_891 = vector.broadcast %broadcast_in_dim3A_890 : i32 to vector<16xi32>
      %gather3A_892 = tpu.vector_load_idx %arg7[%add3A_868, %broadcast_in_dim3A_891] : memref<2048x16xf32, #tpu.memory_space<vmem>>[vector<16xi32>, vector<16xi32>], vector<16xf32>,
      %broadcast_in_dim3A_893 = arith.constant 8 : i32
      %broadcast_in_dim3A_894 = vector.broadcast %broadcast_in_dim3A_893 : i32 to vector<16xi32>
      %gather3A_895 = tpu.vector_load_idx %arg7[%add3A_868, %broadcast_in_dim3A_894] : memref<2048x16xf32, #tpu.memory_space<vmem>>[vector<16xi32>, vector<16xi32>], vector<16xf32>,
      %broadcast_in_dim3A_896 = arith.constant 9 : i32
      %broadcast_in_dim3A_897 = vector.broadcast %broadcast_in_dim3A_896 : i32 to vector<16xi32>
      %gather3A_898 = tpu.vector_load_idx %arg7[%add3A_868, %broadcast_in_dim3A_897] : memref<2048x16xf32, #tpu.memory_space<vmem>>[vector<16xi32>, vector<16xi32>], vector<16xf32>,
      %broadcast_in_dim3A_899 = arith.constant 10 : i32
      %broadcast_in_dim3A_900 = vector.broadcast %broadcast_in_dim3A_899 : i32 to vector<16xi32>
      %gather3A_901 = tpu.vector_load_idx %arg7[%add3A_868, %broadcast_in_dim3A_900] : memref<2048x16xf32, #tpu.memory_space<vmem>>[vector<16xi32>, vector<16xi32>], vector<16xf32>,
      %broadcast_in_dim3A_902 = arith.constant 11 : i32
      %broadcast_in_dim3A_903 = vector.broadcast %broadcast_in_dim3A_902 : i32 to vector<16xi32>
      %gather3A_904 = tpu.vector_load_idx %arg7[%add3A_868, %broadcast_in_dim3A_903] : memref<2048x16xf32, #tpu.memory_space<vmem>>[vector<16xi32>, vector<16xi32>], vector<16xf32>,
      %broadcast_in_dim3A_905 = arith.constant 12 : i32
      %broadcast_in_dim3A_906 = vector.broadcast %broadcast_in_dim3A_905 : i32 to vector<16xi32>
      %gather3A_907 = tpu.vector_load_idx %arg7[%add3A_868, %broadcast_in_dim3A_906] : memref<2048x16xf32, #tpu.memory_space<vmem>>[vector<16xi32>, vector<16xi32>], vector<16xf32>,
      %broadcast_in_dim3A_908 = arith.constant 13 : i32
      %broadcast_in_dim3A_909 = vector.broadcast %broadcast_in_dim3A_908 : i32 to vector<16xi32>
      %gather3A_910 = tpu.vector_load_idx %arg7[%add3A_868, %broadcast_in_dim3A_909] : memref<2048x16xf32, #tpu.memory_space<vmem>>[vector<16xi32>, vector<16xi32>], vector<16xf32>,
      %broadcast_in_dim3A_911 = arith.constant 14 : i32
      %broadcast_in_dim3A_912 = vector.broadcast %broadcast_in_dim3A_911 : i32 to vector<16xi32>
      %gather3A_913 = tpu.vector_load_idx %arg7[%add3A_868, %broadcast_in_dim3A_912] : memref<2048x16xf32, #tpu.memory_space<vmem>>[vector<16xi32>, vector<16xi32>], vector<16xf32>,
      %broadcast_in_dim3A_914 = arith.constant 15 : i32
      %broadcast_in_dim3A_915 = vector.broadcast %broadcast_in_dim3A_914 : i32 to vector<16xi32>
      %gather3A_916 = tpu.vector_load_idx %arg7[%add3A_868, %broadcast_in_dim3A_915] : memref<2048x16xf32, #tpu.memory_space<vmem>>[vector<16xi32>, vector<16xi32>], vector<16xf32>,
      %sub3A_917 = arith.subf %gather3A_874, %gather3A_871 : vector<16xf32>
      %sub3A_918 = arith.subf %gather3A_880, %gather3A_877 : vector<16xf32>
      %sub3A_919 = arith.subf %gather3A_886, %gather3A_883 : vector<16xf32>
      %sub3A_920 = arith.subf %gather3A_892, %gather3A_889 : vector<16xf32>
      %sub3A_921 = arith.subf %gather3A_898, %gather3A_895 : vector<16xf32>
      %sub3A_922 = arith.subf %gather3A_904, %gather3A_901 : vector<16xf32>
      %sub3A_923 = arith.subf %gather3A_910, %gather3A_907 : vector<16xf32>
      %sub3A_924 = arith.subf %gather3A_916, %gather3A_913 : vector<16xf32>
      %sub3A_925 = arith.subf %gather3A_877, %gather3A_871 : vector<16xf32>
      %sub3A_926 = arith.subf %sub3A_918, %sub3A_917 : vector<16xf32>
      %sub3A_927 = arith.subf %gather3A_889, %gather3A_883 : vector<16xf32>
      %sub3A_928 = arith.subf %sub3A_920, %sub3A_919 : vector<16xf32>
      %sub3A_929 = arith.subf %gather3A_901, %gather3A_895 : vector<16xf32>
      %sub3A_930 = arith.subf %sub3A_922, %sub3A_921 : vector<16xf32>
      %sub3A_931 = arith.subf %gather3A_913, %gather3A_907 : vector<16xf32>
      %sub3A_932 = arith.subf %sub3A_924, %sub3A_923 : vector<16xf32>
      %sub3A_933 = arith.subf %gather3A_883, %gather3A_871 : vector<16xf32>
      %sub3A_934 = arith.subf %sub3A_919, %sub3A_917 : vector<16xf32>
      %sub3A_935 = arith.subf %sub3A_927, %sub3A_925 : vector<16xf32>
      %sub3A_936 = arith.subf %sub3A_928, %sub3A_926 : vector<16xf32>
      %sub3A_937 = arith.subf %gather3A_907, %gather3A_895 : vector<16xf32>
      %sub3A_938 = arith.subf %sub3A_923, %sub3A_921 : vector<16xf32>
      %sub3A_939 = arith.subf %sub3A_931, %sub3A_929 : vector<16xf32>
      %sub3A_940 = arith.subf %sub3A_932, %sub3A_930 : vector<16xf32>
      %sub3A_941 = arith.subf %gather3A_895, %gather3A_871 : vector<16xf32>
      %sub3A_942 = arith.subf %sub3A_921, %sub3A_917 : vector<16xf32>
      %sub3A_943 = arith.subf %sub3A_929, %sub3A_925 : vector<16xf32>
      %sub3A_944 = arith.subf %sub3A_930, %sub3A_926 : vector<16xf32>
      %sub3A_945 = arith.subf %sub3A_937, %sub3A_933 : vector<16xf32>
      %sub3A_946 = arith.subf %sub3A_938, %sub3A_934 : vector<16xf32>
      %sub3A_947 = arith.subf %sub3A_939, %sub3A_935 : vector<16xf32>
      %sub3A_948 = arith.subf %sub3A_940, %sub3A_936 : vector<16xf32>
      %broadcast_in_dim3A_949 = arith.constant 0 : i32
      %broadcast_in_dim3A_950 = vector.broadcast %broadcast_in_dim3A_949 : i32 to vector<16xi32>
      %gather3A_951 = tpu.vector_load_idx %arg8[%add3A_868, %broadcast_in_dim3A_950] : memref<2048x4xi32, #tpu.memory_space<vmem>>[vector<16xi32>, vector<16xi32>], vector<16xi32>,
      %broadcast_in_dim3A_952 = arith.constant 1 : i32
      %broadcast_in_dim3A_953 = vector.broadcast %broadcast_in_dim3A_952 : i32 to vector<16xi32>
      %gather3A_954 = tpu.vector_load_idx %arg8[%add3A_868, %broadcast_in_dim3A_953] : memref<2048x4xi32, #tpu.memory_space<vmem>>[vector<16xi32>, vector<16xi32>], vector<16xi32>,
      %broadcast_in_dim3A_955 = arith.constant 2 : i32
      %broadcast_in_dim3A_956 = vector.broadcast %broadcast_in_dim3A_955 : i32 to vector<16xi32>
      %gather3A_957 = tpu.vector_load_idx %arg8[%add3A_868, %broadcast_in_dim3A_956] : memref<2048x4xi32, #tpu.memory_space<vmem>>[vector<16xi32>, vector<16xi32>], vector<16xi32>,
      %broadcast_in_dim3A_958 = arith.constant 3 : i32
      %broadcast_in_dim3A_959 = vector.broadcast %broadcast_in_dim3A_958 : i32 to vector<16xi32>
      %gather3A_960 = tpu.vector_load_idx %arg8[%add3A_868, %broadcast_in_dim3A_959] : memref<2048x4xi32, #tpu.memory_space<vmem>>[vector<16xi32>, vector<16xi32>], vector<16xi32>,
      %shift_right_arithmetic3A_961 = arith.constant 7 : i32
      %shift_right_arithmetic3A_962 = vector.broadcast %shift_right_arithmetic3A_961 : i32 to vector<16xi32>
      %shift_right_arithmetic3A_963 = arith.shrsi %gather3A_951, %shift_right_arithmetic3A_962 : vector<16xi32>
      %shift_left3A_964 = arith.constant 10 : i32
      %shift_left3A_965 = vector.broadcast %shift_left3A_964 : i32 to vector<16xi32>
      %shift_left3A_966 = arith.shli %shift_right_arithmetic3A_963, %shift_left3A_965 : vector<16xi32>
      %and3A_967 = arith.constant 127 : i32
      %and3A_968 = vector.broadcast %and3A_967 : i32 to vector<16xi32>
      %and3A_969 = arith.andi %gather3A_951, %and3A_968 : vector<16xi32>
      %or3A_970 = arith.ori %shift_left3A_966, %and3A_969 : vector<16xi32>
      %shift_right_arithmetic3A_971 = arith.constant 7 : i32
      %shift_right_arithmetic3A_972 = vector.broadcast %shift_right_arithmetic3A_971 : i32 to vector<16xi32>
      %shift_right_arithmetic3A_973 = arith.shrsi %gather3A_954, %shift_right_arithmetic3A_972 : vector<16xi32>
      %shift_left3A_974 = arith.constant 10 : i32
      %shift_left3A_975 = vector.broadcast %shift_left3A_974 : i32 to vector<16xi32>
      %shift_left3A_976 = arith.shli %shift_right_arithmetic3A_973, %shift_left3A_975 : vector<16xi32>
      %and3A_977 = arith.constant 127 : i32
      %and3A_978 = vector.broadcast %and3A_977 : i32 to vector<16xi32>
      %and3A_979 = arith.andi %gather3A_954, %and3A_978 : vector<16xi32>
      %or3A_980 = arith.ori %shift_left3A_976, %and3A_979 : vector<16xi32>
      %shift_right_arithmetic3A_981 = arith.constant 7 : i32
      %shift_right_arithmetic3A_982 = vector.broadcast %shift_right_arithmetic3A_981 : i32 to vector<16xi32>
      %shift_right_arithmetic3A_983 = arith.shrsi %gather3A_957, %shift_right_arithmetic3A_982 : vector<16xi32>
      %shift_left3A_984 = arith.constant 10 : i32
      %shift_left3A_985 = vector.broadcast %shift_left3A_984 : i32 to vector<16xi32>
      %shift_left3A_986 = arith.shli %shift_right_arithmetic3A_983, %shift_left3A_985 : vector<16xi32>
      %and3A_987 = arith.constant 127 : i32
      %and3A_988 = vector.broadcast %and3A_987 : i32 to vector<16xi32>
      %and3A_989 = arith.andi %gather3A_957, %and3A_988 : vector<16xi32>
      %or3A_990 = arith.ori %shift_left3A_986, %and3A_989 : vector<16xi32>
      %shift_right_arithmetic3A_991 = arith.constant 7 : i32
      %shift_right_arithmetic3A_992 = vector.broadcast %shift_right_arithmetic3A_991 : i32 to vector<16xi32>
      %shift_right_arithmetic3A_993 = arith.shrsi %gather3A_960, %shift_right_arithmetic3A_992 : vector<16xi32>
      %shift_left3A_994 = arith.constant 10 : i32
      %shift_left3A_995 = vector.broadcast %shift_left3A_994 : i32 to vector<16xi32>
      %shift_left3A_996 = arith.shli %shift_right_arithmetic3A_993, %shift_left3A_995 : vector<16xi32>
      %and3A_997 = arith.constant 127 : i32
      %and3A_998 = vector.broadcast %and3A_997 : i32 to vector<16xi32>
      %and3A_999 = arith.andi %gather3A_960, %and3A_998 : vector<16xi32>
      %or3A_1000 = arith.ori %shift_left3A_996, %and3A_999 : vector<16xi32>
      %parallel_loop3A_1001 = arith.constant 0 : i32
      %parallel_loop3A_1002 = arith.constant 32 : i32
      %parallel_loop3A_1003 = arith.constant 1 : i32
      scf.for %parallel_loop3A_1163 = %parallel_loop3A_1001 to %parallel_loop3A_1002 step %parallel_loop3A_1003  : i32 {
        %parallel_loop3A_1164 = arith.constant 3 : i32
        %parallel_loop3A_1165 = arith.shrsi %parallel_loop3A_1163, %parallel_loop3A_1164 : i32
        %parallel_loop3A_1166 = arith.constant 7 : i32
        %parallel_loop3A_1167 = arith.andi %parallel_loop3A_1163, %parallel_loop3A_1166 : i32
        %parallel_loop3A_1168 = arith.constant 14 : i32
        %parallel_loop3A_1169 = arith.shli %parallel_loop3A_1165, %parallel_loop3A_1168 : i32
        %parallel_loop3A_1170 = arith.constant 7 : i32
        %parallel_loop3A_1171 = arith.shli %parallel_loop3A_1167, %parallel_loop3A_1170 : i32
        %parallel_loop3A_1172 = arith.ori %parallel_loop3A_1169, %parallel_loop3A_1171 : i32
        %parallel_loop3A_1173 = tpu.assume_multiple %parallel_loop3A_1172, 128 : i32
        %parallel_loop3A_1174 = tpu.memref_slice %arg6[%parallel_loop3A_1173] : memref<65536xf32, #tpu.memory_space<vmem>> -> memref<15488xf32, #tpu.memory_space<vmem>>
        %parallel_loop3A_1175 = tpu.vector_load_idx %parallel_loop3A_1174[%or3A_970] : memref<15488xf32, #tpu.memory_space<vmem>>[vector<16xi32>], vector<16xf32>,
        %parallel_loop3A_1176 = tpu.memref_slice %arg6[%parallel_loop3A_1173] : memref<65536xf32, #tpu.memory_space<vmem>> -> memref<15488xf32, #tpu.memory_space<vmem>>
        %parallel_loop3A_1177 = tpu.vector_load_idx %parallel_loop3A_1176[%or3A_980] : memref<15488xf32, #tpu.memory_space<vmem>>[vector<16xi32>], vector<16xf32>,
        %parallel_loop3A_1178 = tpu.memref_slice %arg6[%parallel_loop3A_1173] : memref<65536xf32, #tpu.memory_space<vmem>> -> memref<15488xf32, #tpu.memory_space<vmem>>
        %parallel_loop3A_1179 = tpu.vector_load_idx %parallel_loop3A_1178[%or3A_990] : memref<15488xf32, #tpu.memory_space<vmem>>[vector<16xi32>], vector<16xf32>,
        %parallel_loop3A_1180 = tpu.memref_slice %arg6[%parallel_loop3A_1173] : memref<65536xf32, #tpu.memory_space<vmem>> -> memref<15488xf32, #tpu.memory_space<vmem>>
        %parallel_loop3A_1181 = tpu.vector_load_idx %parallel_loop3A_1180[%or3A_1000] : memref<15488xf32, #tpu.memory_space<vmem>>[vector<16xi32>], vector<16xf32>,
        %parallel_loop3A_1182 = arith.mulf %parallel_loop3A_1181, %sub3A_941 : vector<16xf32>
        %parallel_loop3A_1183 = arith.addf %gather3A_871, %parallel_loop3A_1182 : vector<16xf32>
        %parallel_loop3A_1184 = arith.mulf %parallel_loop3A_1181, %sub3A_942 : vector<16xf32>
        %parallel_loop3A_1185 = arith.addf %sub3A_917, %parallel_loop3A_1184 : vector<16xf32>
        %parallel_loop3A_1186 = arith.mulf %parallel_loop3A_1181, %sub3A_943 : vector<16xf32>
        %parallel_loop3A_1187 = arith.addf %sub3A_925, %parallel_loop3A_1186 : vector<16xf32>
        %parallel_loop3A_1188 = arith.mulf %parallel_loop3A_1181, %sub3A_944 : vector<16xf32>
        %parallel_loop3A_1189 = arith.addf %sub3A_926, %parallel_loop3A_1188 : vector<16xf32>
        %parallel_loop3A_1190 = arith.mulf %parallel_loop3A_1181, %sub3A_945 : vector<16xf32>
        %parallel_loop3A_1191 = arith.addf %sub3A_933, %parallel_loop3A_1190 : vector<16xf32>
        %parallel_loop3A_1192 = arith.mulf %parallel_loop3A_1181, %sub3A_946 : vector<16xf32>
        %parallel_loop3A_1193 = arith.addf %sub3A_934, %parallel_loop3A_1192 : vector<16xf32>
        %parallel_loop3A_1194 = arith.mulf %parallel_loop3A_1181, %sub3A_947 : vector<16xf32>
        %parallel_loop3A_1195 = arith.addf %sub3A_935, %parallel_loop3A_1194 : vector<16xf32>
        %parallel_loop3A_1196 = arith.mulf %parallel_loop3A_1181, %sub3A_948 : vector<16xf32>
        %parallel_loop3A_1197 = arith.addf %sub3A_936, %parallel_loop3A_1196 : vector<16xf32>
        %parallel_loop3A_1198 = arith.mulf %parallel_loop3A_1179, %parallel_loop3A_1191 : vector<16xf32>
        %parallel_loop3A_1199 = arith.addf %parallel_loop3A_1183, %parallel_loop3A_1198 : vector<16xf32>
        %parallel_loop3A_1200 = arith.mulf %parallel_loop3A_1179, %parallel_loop3A_1193 : vector<16xf32>
        %parallel_loop3A_1201 = arith.addf %parallel_loop3A_1185, %parallel_loop3A_1200 : vector<16xf32>
        %parallel_loop3A_1202 = arith.mulf %parallel_loop3A_1179, %parallel_loop3A_1195 : vector<16xf32>
        %parallel_loop3A_1203 = arith.addf %parallel_loop3A_1187, %parallel_loop3A_1202 : vector<16xf32>
        %parallel_loop3A_1204 = arith.mulf %parallel_loop3A_1179, %parallel_loop3A_1197 : vector<16xf32>
        %parallel_loop3A_1205 = arith.addf %parallel_loop3A_1189, %parallel_loop3A_1204 : vector<16xf32>
        %parallel_loop3A_1206 = arith.mulf %parallel_loop3A_1177, %parallel_loop3A_1203 : vector<16xf32>
        %parallel_loop3A_1207 = arith.addf %parallel_loop3A_1199, %parallel_loop3A_1206 : vector<16xf32>
        %parallel_loop3A_1208 = arith.mulf %parallel_loop3A_1177, %parallel_loop3A_1205 : vector<16xf32>
        %parallel_loop3A_1209 = arith.addf %parallel_loop3A_1201, %parallel_loop3A_1208 : vector<16xf32>
        %parallel_loop3A_1210 = arith.mulf %parallel_loop3A_1175, %parallel_loop3A_1209 : vector<16xf32>
        %parallel_loop3A_1211 = arith.addf %parallel_loop3A_1207, %parallel_loop3A_1210 : vector<16xf32>
        %parallel_loop3A_1212 = arith.constant 0 : i32
        %parallel_loop3A_1213 = arith.constant 0 : i32
        %parallel_loop3A_1214 = arith.constant 0 : i32
        %parallel_loop3A_1215 = tpu.memref_slice %arg9[%and3A_37, %parallel_loop3A_1212, %parallel_loop3A_1213, %parallel_loop3A_1214] : memref<2x4x8x128xf32, #tpu.memory_space<vmem>> -> memref<1x4x8x128xf32, #tpu.memory_space<vmem>>
        %parallel_loop3A_1216 = tpu.memref_squeeze %parallel_loop3A_1215 : memref<1x4x8x128xf32, #tpu.memory_space<vmem>> -> memref<4x8x128xf32, #tpu.memory_space<vmem>>
        %parallel_loop3A_1217 = arith.index_cast %parallel_loop3A_1165 : i32 to index
        %parallel_loop3A_1218 = arith.index_cast %parallel_loop3A_1167 : i32 to index
        %parallel_loop3A_1219 = arith.constant 96 : index
        %parallel_loop3A_1220 = tpu.vector_load %parallel_loop3A_1216[%parallel_loop3A_1217, %parallel_loop3A_1218, %parallel_loop3A_1219] {strides = array<i32>} : memref<4x8x128xf32, #tpu.memory_space<vmem>>, vector<16xf32>,
        tpu.vector_store %parallel_loop3A_1216[%parallel_loop3A_1217, %parallel_loop3A_1218, %parallel_loop3A_1219], %parallel_loop3A_1211 {strides = array<i32>} : memref<4x8x128xf32, #tpu.memory_space<vmem>>, vector<16xf32>,
      } {sc.loop_unroll_factor = 4 : i64, sc.parallel_access}
      %add3A_1004 = arith.constant 112 : i32
      %add3A_1005 = arith.addi %mul3A_36, %add3A_1004 : i32
      %add3A_1006 = vector.broadcast %add3A_1005 : i32 to vector<16xi32>
      %add3A_1007 = arith.addi %iota3A, %add3A_1006 : vector<16xi32>
      %broadcast_in_dim3A_1008 = arith.constant 0 : i32
      %broadcast_in_dim3A_1009 = vector.broadcast %broadcast_in_dim3A_1008 : i32 to vector<16xi32>
      %gather3A_1010 = tpu.vector_load_idx %arg7[%add3A_1007, %broadcast_in_dim3A_1009] : memref<2048x16xf32, #tpu.memory_space<vmem>>[vector<16xi32>, vector<16xi32>], vector<16xf32>,
      %broadcast_in_dim3A_1011 = arith.constant 1 : i32
      %broadcast_in_dim3A_1012 = vector.broadcast %broadcast_in_dim3A_1011 : i32 to vector<16xi32>
      %gather3A_1013 = tpu.vector_load_idx %arg7[%add3A_1007, %broadcast_in_dim3A_1012] : memref<2048x16xf32, #tpu.memory_space<vmem>>[vector<16xi32>, vector<16xi32>], vector<16xf32>,
      %broadcast_in_dim3A_1014 = arith.constant 2 : i32
      %broadcast_in_dim3A_1015 = vector.broadcast %broadcast_in_dim3A_1014 : i32 to vector<16xi32>
      %gather3A_1016 = tpu.vector_load_idx %arg7[%add3A_1007, %broadcast_in_dim3A_1015] : memref<2048x16xf32, #tpu.memory_space<vmem>>[vector<16xi32>, vector<16xi32>], vector<16xf32>,
      %broadcast_in_dim3A_1017 = arith.constant 3 : i32
      %broadcast_in_dim3A_1018 = vector.broadcast %broadcast_in_dim3A_1017 : i32 to vector<16xi32>
      %gather3A_1019 = tpu.vector_load_idx %arg7[%add3A_1007, %broadcast_in_dim3A_1018] : memref<2048x16xf32, #tpu.memory_space<vmem>>[vector<16xi32>, vector<16xi32>], vector<16xf32>,
      %broadcast_in_dim3A_1020 = arith.constant 4 : i32
      %broadcast_in_dim3A_1021 = vector.broadcast %broadcast_in_dim3A_1020 : i32 to vector<16xi32>
      %gather3A_1022 = tpu.vector_load_idx %arg7[%add3A_1007, %broadcast_in_dim3A_1021] : memref<2048x16xf32, #tpu.memory_space<vmem>>[vector<16xi32>, vector<16xi32>], vector<16xf32>,
      %broadcast_in_dim3A_1023 = arith.constant 5 : i32
      %broadcast_in_dim3A_1024 = vector.broadcast %broadcast_in_dim3A_1023 : i32 to vector<16xi32>
      %gather3A_1025 = tpu.vector_load_idx %arg7[%add3A_1007, %broadcast_in_dim3A_1024] : memref<2048x16xf32, #tpu.memory_space<vmem>>[vector<16xi32>, vector<16xi32>], vector<16xf32>,
      %broadcast_in_dim3A_1026 = arith.constant 6 : i32
      %broadcast_in_dim3A_1027 = vector.broadcast %broadcast_in_dim3A_1026 : i32 to vector<16xi32>
      %gather3A_1028 = tpu.vector_load_idx %arg7[%add3A_1007, %broadcast_in_dim3A_1027] : memref<2048x16xf32, #tpu.memory_space<vmem>>[vector<16xi32>, vector<16xi32>], vector<16xf32>,
      %broadcast_in_dim3A_1029 = arith.constant 7 : i32
      %broadcast_in_dim3A_1030 = vector.broadcast %broadcast_in_dim3A_1029 : i32 to vector<16xi32>
      %gather3A_1031 = tpu.vector_load_idx %arg7[%add3A_1007, %broadcast_in_dim3A_1030] : memref<2048x16xf32, #tpu.memory_space<vmem>>[vector<16xi32>, vector<16xi32>], vector<16xf32>,
      %broadcast_in_dim3A_1032 = arith.constant 8 : i32
      %broadcast_in_dim3A_1033 = vector.broadcast %broadcast_in_dim3A_1032 : i32 to vector<16xi32>
      %gather3A_1034 = tpu.vector_load_idx %arg7[%add3A_1007, %broadcast_in_dim3A_1033] : memref<2048x16xf32, #tpu.memory_space<vmem>>[vector<16xi32>, vector<16xi32>], vector<16xf32>,
      %broadcast_in_dim3A_1035 = arith.constant 9 : i32
      %broadcast_in_dim3A_1036 = vector.broadcast %broadcast_in_dim3A_1035 : i32 to vector<16xi32>
      %gather3A_1037 = tpu.vector_load_idx %arg7[%add3A_1007, %broadcast_in_dim3A_1036] : memref<2048x16xf32, #tpu.memory_space<vmem>>[vector<16xi32>, vector<16xi32>], vector<16xf32>,
      %broadcast_in_dim3A_1038 = arith.constant 10 : i32
      %broadcast_in_dim3A_1039 = vector.broadcast %broadcast_in_dim3A_1038 : i32 to vector<16xi32>
      %gather3A_1040 = tpu.vector_load_idx %arg7[%add3A_1007, %broadcast_in_dim3A_1039] : memref<2048x16xf32, #tpu.memory_space<vmem>>[vector<16xi32>, vector<16xi32>], vector<16xf32>,
      %broadcast_in_dim3A_1041 = arith.constant 11 : i32
      %broadcast_in_dim3A_1042 = vector.broadcast %broadcast_in_dim3A_1041 : i32 to vector<16xi32>
      %gather3A_1043 = tpu.vector_load_idx %arg7[%add3A_1007, %broadcast_in_dim3A_1042] : memref<2048x16xf32, #tpu.memory_space<vmem>>[vector<16xi32>, vector<16xi32>], vector<16xf32>,
      %broadcast_in_dim3A_1044 = arith.constant 12 : i32
      %broadcast_in_dim3A_1045 = vector.broadcast %broadcast_in_dim3A_1044 : i32 to vector<16xi32>
      %gather3A_1046 = tpu.vector_load_idx %arg7[%add3A_1007, %broadcast_in_dim3A_1045] : memref<2048x16xf32, #tpu.memory_space<vmem>>[vector<16xi32>, vector<16xi32>], vector<16xf32>,
      %broadcast_in_dim3A_1047 = arith.constant 13 : i32
      %broadcast_in_dim3A_1048 = vector.broadcast %broadcast_in_dim3A_1047 : i32 to vector<16xi32>
      %gather3A_1049 = tpu.vector_load_idx %arg7[%add3A_1007, %broadcast_in_dim3A_1048] : memref<2048x16xf32, #tpu.memory_space<vmem>>[vector<16xi32>, vector<16xi32>], vector<16xf32>,
      %broadcast_in_dim3A_1050 = arith.constant 14 : i32
      %broadcast_in_dim3A_1051 = vector.broadcast %broadcast_in_dim3A_1050 : i32 to vector<16xi32>
      %gather3A_1052 = tpu.vector_load_idx %arg7[%add3A_1007, %broadcast_in_dim3A_1051] : memref<2048x16xf32, #tpu.memory_space<vmem>>[vector<16xi32>, vector<16xi32>], vector<16xf32>,
      %broadcast_in_dim3A_1053 = arith.constant 15 : i32
      %broadcast_in_dim3A_1054 = vector.broadcast %broadcast_in_dim3A_1053 : i32 to vector<16xi32>
      %gather3A_1055 = tpu.vector_load_idx %arg7[%add3A_1007, %broadcast_in_dim3A_1054] : memref<2048x16xf32, #tpu.memory_space<vmem>>[vector<16xi32>, vector<16xi32>], vector<16xf32>,
      %sub3A_1056 = arith.subf %gather3A_1013, %gather3A_1010 : vector<16xf32>
      %sub3A_1057 = arith.subf %gather3A_1019, %gather3A_1016 : vector<16xf32>
      %sub3A_1058 = arith.subf %gather3A_1025, %gather3A_1022 : vector<16xf32>
      %sub3A_1059 = arith.subf %gather3A_1031, %gather3A_1028 : vector<16xf32>
      %sub3A_1060 = arith.subf %gather3A_1037, %gather3A_1034 : vector<16xf32>
      %sub3A_1061 = arith.subf %gather3A_1043, %gather3A_1040 : vector<16xf32>
      %sub3A_1062 = arith.subf %gather3A_1049, %gather3A_1046 : vector<16xf32>
      %sub3A_1063 = arith.subf %gather3A_1055, %gather3A_1052 : vector<16xf32>
      %sub3A_1064 = arith.subf %gather3A_1016, %gather3A_1010 : vector<16xf32>
      %sub3A_1065 = arith.subf %sub3A_1057, %sub3A_1056 : vector<16xf32>
      %sub3A_1066 = arith.subf %gather3A_1028, %gather3A_1022 : vector<16xf32>
      %sub3A_1067 = arith.subf %sub3A_1059, %sub3A_1058 : vector<16xf32>
      %sub3A_1068 = arith.subf %gather3A_1040, %gather3A_1034 : vector<16xf32>
      %sub3A_1069 = arith.subf %sub3A_1061, %sub3A_1060 : vector<16xf32>
      %sub3A_1070 = arith.subf %gather3A_1052, %gather3A_1046 : vector<16xf32>
      %sub3A_1071 = arith.subf %sub3A_1063, %sub3A_1062 : vector<16xf32>
      %sub3A_1072 = arith.subf %gather3A_1022, %gather3A_1010 : vector<16xf32>
      %sub3A_1073 = arith.subf %sub3A_1058, %sub3A_1056 : vector<16xf32>
      %sub3A_1074 = arith.subf %sub3A_1066, %sub3A_1064 : vector<16xf32>
      %sub3A_1075 = arith.subf %sub3A_1067, %sub3A_1065 : vector<16xf32>
      %sub3A_1076 = arith.subf %gather3A_1046, %gather3A_1034 : vector<16xf32>
      %sub3A_1077 = arith.subf %sub3A_1062, %sub3A_1060 : vector<16xf32>
      %sub3A_1078 = arith.subf %sub3A_1070, %sub3A_1068 : vector<16xf32>
      %sub3A_1079 = arith.subf %sub3A_1071, %sub3A_1069 : vector<16xf32>
      %sub3A_1080 = arith.subf %gather3A_1034, %gather3A_1010 : vector<16xf32>
      %sub3A_1081 = arith.subf %sub3A_1060, %sub3A_1056 : vector<16xf32>
      %sub3A_1082 = arith.subf %sub3A_1068, %sub3A_1064 : vector<16xf32>
      %sub3A_1083 = arith.subf %sub3A_1069, %sub3A_1065 : vector<16xf32>
      %sub3A_1084 = arith.subf %sub3A_1076, %sub3A_1072 : vector<16xf32>
      %sub3A_1085 = arith.subf %sub3A_1077, %sub3A_1073 : vector<16xf32>
      %sub3A_1086 = arith.subf %sub3A_1078, %sub3A_1074 : vector<16xf32>
      %sub3A_1087 = arith.subf %sub3A_1079, %sub3A_1075 : vector<16xf32>
      %broadcast_in_dim3A_1088 = arith.constant 0 : i32
      %broadcast_in_dim3A_1089 = vector.broadcast %broadcast_in_dim3A_1088 : i32 to vector<16xi32>
      %gather3A_1090 = tpu.vector_load_idx %arg8[%add3A_1007, %broadcast_in_dim3A_1089] : memref<2048x4xi32, #tpu.memory_space<vmem>>[vector<16xi32>, vector<16xi32>], vector<16xi32>,
      %broadcast_in_dim3A_1091 = arith.constant 1 : i32
      %broadcast_in_dim3A_1092 = vector.broadcast %broadcast_in_dim3A_1091 : i32 to vector<16xi32>
      %gather3A_1093 = tpu.vector_load_idx %arg8[%add3A_1007, %broadcast_in_dim3A_1092] : memref<2048x4xi32, #tpu.memory_space<vmem>>[vector<16xi32>, vector<16xi32>], vector<16xi32>,
      %broadcast_in_dim3A_1094 = arith.constant 2 : i32
      %broadcast_in_dim3A_1095 = vector.broadcast %broadcast_in_dim3A_1094 : i32 to vector<16xi32>
      %gather3A_1096 = tpu.vector_load_idx %arg8[%add3A_1007, %broadcast_in_dim3A_1095] : memref<2048x4xi32, #tpu.memory_space<vmem>>[vector<16xi32>, vector<16xi32>], vector<16xi32>,
      %broadcast_in_dim3A_1097 = arith.constant 3 : i32
      %broadcast_in_dim3A_1098 = vector.broadcast %broadcast_in_dim3A_1097 : i32 to vector<16xi32>
      %gather3A_1099 = tpu.vector_load_idx %arg8[%add3A_1007, %broadcast_in_dim3A_1098] : memref<2048x4xi32, #tpu.memory_space<vmem>>[vector<16xi32>, vector<16xi32>], vector<16xi32>,
      %shift_right_arithmetic3A_1100 = arith.constant 7 : i32
      %shift_right_arithmetic3A_1101 = vector.broadcast %shift_right_arithmetic3A_1100 : i32 to vector<16xi32>
      %shift_right_arithmetic3A_1102 = arith.shrsi %gather3A_1090, %shift_right_arithmetic3A_1101 : vector<16xi32>
      %shift_left3A_1103 = arith.constant 10 : i32
      %shift_left3A_1104 = vector.broadcast %shift_left3A_1103 : i32 to vector<16xi32>
      %shift_left3A_1105 = arith.shli %shift_right_arithmetic3A_1102, %shift_left3A_1104 : vector<16xi32>
      %and3A_1106 = arith.constant 127 : i32
      %and3A_1107 = vector.broadcast %and3A_1106 : i32 to vector<16xi32>
      %and3A_1108 = arith.andi %gather3A_1090, %and3A_1107 : vector<16xi32>
      %or3A_1109 = arith.ori %shift_left3A_1105, %and3A_1108 : vector<16xi32>
      %shift_right_arithmetic3A_1110 = arith.constant 7 : i32
      %shift_right_arithmetic3A_1111 = vector.broadcast %shift_right_arithmetic3A_1110 : i32 to vector<16xi32>
      %shift_right_arithmetic3A_1112 = arith.shrsi %gather3A_1093, %shift_right_arithmetic3A_1111 : vector<16xi32>
      %shift_left3A_1113 = arith.constant 10 : i32
      %shift_left3A_1114 = vector.broadcast %shift_left3A_1113 : i32 to vector<16xi32>
      %shift_left3A_1115 = arith.shli %shift_right_arithmetic3A_1112, %shift_left3A_1114 : vector<16xi32>
      %and3A_1116 = arith.constant 127 : i32
      %and3A_1117 = vector.broadcast %and3A_1116 : i32 to vector<16xi32>
      %and3A_1118 = arith.andi %gather3A_1093, %and3A_1117 : vector<16xi32>
      %or3A_1119 = arith.ori %shift_left3A_1115, %and3A_1118 : vector<16xi32>
      %shift_right_arithmetic3A_1120 = arith.constant 7 : i32
      %shift_right_arithmetic3A_1121 = vector.broadcast %shift_right_arithmetic3A_1120 : i32 to vector<16xi32>
      %shift_right_arithmetic3A_1122 = arith.shrsi %gather3A_1096, %shift_right_arithmetic3A_1121 : vector<16xi32>
      %shift_left3A_1123 = arith.constant 10 : i32
      %shift_left3A_1124 = vector.broadcast %shift_left3A_1123 : i32 to vector<16xi32>
      %shift_left3A_1125 = arith.shli %shift_right_arithmetic3A_1122, %shift_left3A_1124 : vector<16xi32>
      %and3A_1126 = arith.constant 127 : i32
      %and3A_1127 = vector.broadcast %and3A_1126 : i32 to vector<16xi32>
      %and3A_1128 = arith.andi %gather3A_1096, %and3A_1127 : vector<16xi32>
      %or3A_1129 = arith.ori %shift_left3A_1125, %and3A_1128 : vector<16xi32>
      %shift_right_arithmetic3A_1130 = arith.constant 7 : i32
      %shift_right_arithmetic3A_1131 = vector.broadcast %shift_right_arithmetic3A_1130 : i32 to vector<16xi32>
      %shift_right_arithmetic3A_1132 = arith.shrsi %gather3A_1099, %shift_right_arithmetic3A_1131 : vector<16xi32>
      %shift_left3A_1133 = arith.constant 10 : i32
      %shift_left3A_1134 = vector.broadcast %shift_left3A_1133 : i32 to vector<16xi32>
      %shift_left3A_1135 = arith.shli %shift_right_arithmetic3A_1132, %shift_left3A_1134 : vector<16xi32>
      %and3A_1136 = arith.constant 127 : i32
      %and3A_1137 = vector.broadcast %and3A_1136 : i32 to vector<16xi32>
      %and3A_1138 = arith.andi %gather3A_1099, %and3A_1137 : vector<16xi32>
      %or3A_1139 = arith.ori %shift_left3A_1135, %and3A_1138 : vector<16xi32>
      %parallel_loop3A_1140 = arith.constant 0 : i32
      %parallel_loop3A_1141 = arith.constant 32 : i32
      %parallel_loop3A_1142 = arith.constant 1 : i32
      scf.for %parallel_loop3A_1163 = %parallel_loop3A_1140 to %parallel_loop3A_1141 step %parallel_loop3A_1142  : i32 {
        %parallel_loop3A_1164 = arith.constant 3 : i32
        %parallel_loop3A_1165 = arith.shrsi %parallel_loop3A_1163, %parallel_loop3A_1164 : i32
        %parallel_loop3A_1166 = arith.constant 7 : i32
        %parallel_loop3A_1167 = arith.andi %parallel_loop3A_1163, %parallel_loop3A_1166 : i32
        %parallel_loop3A_1168 = arith.constant 14 : i32
        %parallel_loop3A_1169 = arith.shli %parallel_loop3A_1165, %parallel_loop3A_1168 : i32
        %parallel_loop3A_1170 = arith.constant 7 : i32
        %parallel_loop3A_1171 = arith.shli %parallel_loop3A_1167, %parallel_loop3A_1170 : i32
        %parallel_loop3A_1172 = arith.ori %parallel_loop3A_1169, %parallel_loop3A_1171 : i32
        %parallel_loop3A_1173 = tpu.assume_multiple %parallel_loop3A_1172, 128 : i32
        %parallel_loop3A_1174 = tpu.memref_slice %arg6[%parallel_loop3A_1173] : memref<65536xf32, #tpu.memory_space<vmem>> -> memref<15488xf32, #tpu.memory_space<vmem>>
        %parallel_loop3A_1175 = tpu.vector_load_idx %parallel_loop3A_1174[%or3A_1109] : memref<15488xf32, #tpu.memory_space<vmem>>[vector<16xi32>], vector<16xf32>,
        %parallel_loop3A_1176 = tpu.memref_slice %arg6[%parallel_loop3A_1173] : memref<65536xf32, #tpu.memory_space<vmem>> -> memref<15488xf32, #tpu.memory_space<vmem>>
        %parallel_loop3A_1177 = tpu.vector_load_idx %parallel_loop3A_1176[%or3A_1119] : memref<15488xf32, #tpu.memory_space<vmem>>[vector<16xi32>], vector<16xf32>,
        %parallel_loop3A_1178 = tpu.memref_slice %arg6[%parallel_loop3A_1173] : memref<65536xf32, #tpu.memory_space<vmem>> -> memref<15488xf32, #tpu.memory_space<vmem>>
        %parallel_loop3A_1179 = tpu.vector_load_idx %parallel_loop3A_1178[%or3A_1129] : memref<15488xf32, #tpu.memory_space<vmem>>[vector<16xi32>], vector<16xf32>,
        %parallel_loop3A_1180 = tpu.memref_slice %arg6[%parallel_loop3A_1173] : memref<65536xf32, #tpu.memory_space<vmem>> -> memref<15488xf32, #tpu.memory_space<vmem>>
        %parallel_loop3A_1181 = tpu.vector_load_idx %parallel_loop3A_1180[%or3A_1139] : memref<15488xf32, #tpu.memory_space<vmem>>[vector<16xi32>], vector<16xf32>,
        %parallel_loop3A_1182 = arith.mulf %parallel_loop3A_1181, %sub3A_1080 : vector<16xf32>
        %parallel_loop3A_1183 = arith.addf %gather3A_1010, %parallel_loop3A_1182 : vector<16xf32>
        %parallel_loop3A_1184 = arith.mulf %parallel_loop3A_1181, %sub3A_1081 : vector<16xf32>
        %parallel_loop3A_1185 = arith.addf %sub3A_1056, %parallel_loop3A_1184 : vector<16xf32>
        %parallel_loop3A_1186 = arith.mulf %parallel_loop3A_1181, %sub3A_1082 : vector<16xf32>
        %parallel_loop3A_1187 = arith.addf %sub3A_1064, %parallel_loop3A_1186 : vector<16xf32>
        %parallel_loop3A_1188 = arith.mulf %parallel_loop3A_1181, %sub3A_1083 : vector<16xf32>
        %parallel_loop3A_1189 = arith.addf %sub3A_1065, %parallel_loop3A_1188 : vector<16xf32>
        %parallel_loop3A_1190 = arith.mulf %parallel_loop3A_1181, %sub3A_1084 : vector<16xf32>
        %parallel_loop3A_1191 = arith.addf %sub3A_1072, %parallel_loop3A_1190 : vector<16xf32>
        %parallel_loop3A_1192 = arith.mulf %parallel_loop3A_1181, %sub3A_1085 : vector<16xf32>
        %parallel_loop3A_1193 = arith.addf %sub3A_1073, %parallel_loop3A_1192 : vector<16xf32>
        %parallel_loop3A_1194 = arith.mulf %parallel_loop3A_1181, %sub3A_1086 : vector<16xf32>
        %parallel_loop3A_1195 = arith.addf %sub3A_1074, %parallel_loop3A_1194 : vector<16xf32>
        %parallel_loop3A_1196 = arith.mulf %parallel_loop3A_1181, %sub3A_1087 : vector<16xf32>
        %parallel_loop3A_1197 = arith.addf %sub3A_1075, %parallel_loop3A_1196 : vector<16xf32>
        %parallel_loop3A_1198 = arith.mulf %parallel_loop3A_1179, %parallel_loop3A_1191 : vector<16xf32>
        %parallel_loop3A_1199 = arith.addf %parallel_loop3A_1183, %parallel_loop3A_1198 : vector<16xf32>
        %parallel_loop3A_1200 = arith.mulf %parallel_loop3A_1179, %parallel_loop3A_1193 : vector<16xf32>
        %parallel_loop3A_1201 = arith.addf %parallel_loop3A_1185, %parallel_loop3A_1200 : vector<16xf32>
        %parallel_loop3A_1202 = arith.mulf %parallel_loop3A_1179, %parallel_loop3A_1195 : vector<16xf32>
        %parallel_loop3A_1203 = arith.addf %parallel_loop3A_1187, %parallel_loop3A_1202 : vector<16xf32>
        %parallel_loop3A_1204 = arith.mulf %parallel_loop3A_1179, %parallel_loop3A_1197 : vector<16xf32>
        %parallel_loop3A_1205 = arith.addf %parallel_loop3A_1189, %parallel_loop3A_1204 : vector<16xf32>
        %parallel_loop3A_1206 = arith.mulf %parallel_loop3A_1177, %parallel_loop3A_1203 : vector<16xf32>
        %parallel_loop3A_1207 = arith.addf %parallel_loop3A_1199, %parallel_loop3A_1206 : vector<16xf32>
        %parallel_loop3A_1208 = arith.mulf %parallel_loop3A_1177, %parallel_loop3A_1205 : vector<16xf32>
        %parallel_loop3A_1209 = arith.addf %parallel_loop3A_1201, %parallel_loop3A_1208 : vector<16xf32>
        %parallel_loop3A_1210 = arith.mulf %parallel_loop3A_1175, %parallel_loop3A_1209 : vector<16xf32>
        %parallel_loop3A_1211 = arith.addf %parallel_loop3A_1207, %parallel_loop3A_1210 : vector<16xf32>
        %parallel_loop3A_1212 = arith.constant 0 : i32
        %parallel_loop3A_1213 = arith.constant 0 : i32
        %parallel_loop3A_1214 = arith.constant 0 : i32
        %parallel_loop3A_1215 = tpu.memref_slice %arg9[%and3A_37, %parallel_loop3A_1212, %parallel_loop3A_1213, %parallel_loop3A_1214] : memref<2x4x8x128xf32, #tpu.memory_space<vmem>> -> memref<1x4x8x128xf32, #tpu.memory_space<vmem>>
        %parallel_loop3A_1216 = tpu.memref_squeeze %parallel_loop3A_1215 : memref<1x4x8x128xf32, #tpu.memory_space<vmem>> -> memref<4x8x128xf32, #tpu.memory_space<vmem>>
        %parallel_loop3A_1217 = arith.index_cast %parallel_loop3A_1165 : i32 to index
        %parallel_loop3A_1218 = arith.index_cast %parallel_loop3A_1167 : i32 to index
        %parallel_loop3A_1219 = arith.constant 112 : index
        %parallel_loop3A_1220 = tpu.vector_load %parallel_loop3A_1216[%parallel_loop3A_1217, %parallel_loop3A_1218, %parallel_loop3A_1219] {strides = array<i32>} : memref<4x8x128xf32, #tpu.memory_space<vmem>>, vector<16xf32>,
        tpu.vector_store %parallel_loop3A_1216[%parallel_loop3A_1217, %parallel_loop3A_1218, %parallel_loop3A_1219], %parallel_loop3A_1211 {strides = array<i32>} : memref<4x8x128xf32, #tpu.memory_space<vmem>>, vector<16xf32>,
      } {sc.loop_unroll_factor = 4 : i64, sc.parallel_access}
      %gt3A = arith.constant 0 : i32
      %gt3A_1143 = arith.cmpi sgt, %scan3A_34, %gt3A : i32
      %convert_element_type3A = arith.extui %gt3A_1143 : i1 to i32
      %cond3A = arith.constant 0 : i32
      %cond3A_1144 = arith.cmpi ne, %convert_element_type3A, %cond3A : i32
      scf.if %cond3A_1144 {
        %dma_wait3A_1163 = arith.constant 0 : i32
        %dma_wait3A_1164 = arith.constant 0 : i32
        %dma_wait3A_1165 = arith.constant 0 : i32
        %dma_wait3A_1166 = tpu.memref_slice %arg9[%and3A_37, %dma_wait3A_1163, %dma_wait3A_1164, %dma_wait3A_1165] : memref<2x4x8x128xf32, #tpu.memory_space<vmem>> -> memref<1x4x8x128xf32, #tpu.memory_space<vmem>>
        %dma_wait3A_1167 = tpu.memref_squeeze %dma_wait3A_1166 : memref<1x4x8x128xf32, #tpu.memory_space<vmem>> -> memref<4x8x128xf32, #tpu.memory_space<vmem>>
        %dma_wait3A_1168 = arith.constant 0 : i32
        %dma_wait3A_1169 = arith.constant 0 : i32
        %dma_wait3A_1170 = tpu.memref_slice %arg5[%mul3A_2, %scan3A_34, %dma_wait3A_1168, %dma_wait3A_1169] : memref<128x16x8x128xf32, #tpu.memory_space<hbm>> -> memref<4x1x8x128xf32, #tpu.memory_space<hbm>>
        %dma_wait3A_1171 = tpu.memref_squeeze %dma_wait3A_1170 : memref<4x1x8x128xf32, #tpu.memory_space<hbm>> -> memref<4x8x128xf32, #tpu.memory_space<hbm>>
        %dma_wait3A_1172 = arith.constant 0 : i32
        %dma_wait3A_1173 = arith.constant 0 : i32
        %dma_wait3A_1174 = tpu.memref_slice %arg5[%mul3A_2, %scan3A_34, %dma_wait3A_1172, %dma_wait3A_1173] : memref<128x16x8x128xf32, #tpu.memory_space<hbm>> -> memref<4x1x8x128xf32, #tpu.memory_space<hbm>>
        %dma_wait3A_1175 = tpu.memref_squeeze %dma_wait3A_1174 : memref<4x1x8x128xf32, #tpu.memory_space<hbm>> -> memref<4x8x128xf32, #tpu.memory_space<hbm>>
        %dma_wait3A_1176 = arith.constant 0 : i32
        %dma_wait3A_1177 = arith.constant 0 : i32
        %dma_wait3A_1178 = arith.constant 0 : i32
        %dma_wait3A_1179 = tpu.memref_slice %arg9[%and3A_37, %dma_wait3A_1176, %dma_wait3A_1177, %dma_wait3A_1178] : memref<2x4x8x128xf32, #tpu.memory_space<vmem>> -> memref<1x4x8x128xf32, #tpu.memory_space<vmem>>
        %dma_wait3A_1180 = tpu.memref_squeeze %dma_wait3A_1179 : memref<1x4x8x128xf32, #tpu.memory_space<vmem>> -> memref<4x8x128xf32, #tpu.memory_space<vmem>>
        tpu.wait_dma2 semaphore(%arg10 : memref<!tpu.dma_semaphore, #tpu.memory_space<semaphore_mem>>) src(%dma_wait3A_1180 : memref<4x8x128xf32, #tpu.memory_space<vmem>>) dst(%dma_wait3A_1175 : memref<4x8x128xf32, #tpu.memory_space<hbm>>)
      } else {
      }
      %dma_start3A_1145 = arith.constant 0 : i32
      %dma_start3A_1146 = arith.constant 0 : i32
      %dma_start3A_1147 = arith.constant 0 : i32
      %dma_start3A_1148 = tpu.memref_slice %arg9[%and3A_37, %dma_start3A_1145, %dma_start3A_1146, %dma_start3A_1147] : memref<2x4x8x128xf32, #tpu.memory_space<vmem>> -> memref<1x4x8x128xf32, #tpu.memory_space<vmem>>
      %dma_start3A_1149 = tpu.memref_squeeze %dma_start3A_1148 : memref<1x4x8x128xf32, #tpu.memory_space<vmem>> -> memref<4x8x128xf32, #tpu.memory_space<vmem>>
      %dma_start3A_1150 = arith.constant 0 : i32
      %dma_start3A_1151 = arith.constant 0 : i32
      %dma_start3A_1152 = tpu.memref_slice %arg5[%mul3A_2, %scan3A_34, %dma_start3A_1150, %dma_start3A_1151] : memref<128x16x8x128xf32, #tpu.memory_space<hbm>> -> memref<4x1x8x128xf32, #tpu.memory_space<hbm>>
      %dma_start3A_1153 = tpu.memref_squeeze %dma_start3A_1152 : memref<4x1x8x128xf32, #tpu.memory_space<hbm>> -> memref<4x8x128xf32, #tpu.memory_space<hbm>>
      %dma_start3A_1154 = arith.constant 0 : i32
      %dma_start3A_1155 = arith.constant 0 : i32
      %dma_start3A_1156 = tpu.memref_slice %arg5[%mul3A_2, %scan3A_34, %dma_start3A_1154, %dma_start3A_1155] : memref<128x16x8x128xf32, #tpu.memory_space<hbm>> -> memref<4x1x8x128xf32, #tpu.memory_space<hbm>>
      %dma_start3A_1157 = tpu.memref_squeeze %dma_start3A_1156 : memref<4x1x8x128xf32, #tpu.memory_space<hbm>> -> memref<4x8x128xf32, #tpu.memory_space<hbm>>
      %dma_start3A_1158 = arith.constant 0 : i32
      %dma_start3A_1159 = arith.constant 0 : i32
      %dma_start3A_1160 = arith.constant 0 : i32
      %dma_start3A_1161 = tpu.memref_slice %arg9[%and3A_37, %dma_start3A_1158, %dma_start3A_1159, %dma_start3A_1160] : memref<2x4x8x128xf32, #tpu.memory_space<vmem>> -> memref<1x4x8x128xf32, #tpu.memory_space<vmem>>
      %dma_start3A_1162 = tpu.memref_squeeze %dma_start3A_1161 : memref<1x4x8x128xf32, #tpu.memory_space<vmem>> -> memref<4x8x128xf32, #tpu.memory_space<vmem>>
      tpu.enqueue_dma source(%dma_start3A_1162 : memref<4x8x128xf32, #tpu.memory_space<vmem>>) target(%dma_start3A_1157 : memref<4x8x128xf32, #tpu.memory_space<hbm>>) target_semaphore(%arg10 : memref<!tpu.dma_semaphore, #tpu.memory_space<semaphore_mem>>)
    }
    %scan3A_13 = arith.constant 16 : i32
    %dma_wait3A_14 = arith.constant 1 : i32
    %dma_wait3A_15 = arith.constant 15 : i32
    %dma_wait3A_16 = arith.constant 0 : i32
    %dma_wait3A_17 = arith.constant 0 : i32
    %dma_wait3A_18 = arith.constant 0 : i32
    %dma_wait3A_19 = tpu.memref_slice %arg9[%dma_wait3A_14, %dma_wait3A_16, %dma_wait3A_17, %dma_wait3A_18] : memref<2x4x8x128xf32, #tpu.memory_space<vmem>> -> memref<1x4x8x128xf32, #tpu.memory_space<vmem>>
    %dma_wait3A_20 = tpu.memref_squeeze %dma_wait3A_19 : memref<1x4x8x128xf32, #tpu.memory_space<vmem>> -> memref<4x8x128xf32, #tpu.memory_space<vmem>>
    %dma_wait3A_21 = arith.constant 0 : i32
    %dma_wait3A_22 = arith.constant 0 : i32
    %dma_wait3A_23 = tpu.memref_slice %arg5[%mul3A_2, %dma_wait3A_15, %dma_wait3A_21, %dma_wait3A_22] : memref<128x16x8x128xf32, #tpu.memory_space<hbm>> -> memref<4x1x8x128xf32, #tpu.memory_space<hbm>>
    %dma_wait3A_24 = tpu.memref_squeeze %dma_wait3A_23 : memref<4x1x8x128xf32, #tpu.memory_space<hbm>> -> memref<4x8x128xf32, #tpu.memory_space<hbm>>
    %dma_wait3A_25 = arith.constant 0 : i32
    %dma_wait3A_26 = arith.constant 0 : i32
    %dma_wait3A_27 = tpu.memref_slice %arg5[%mul3A_2, %dma_wait3A_15, %dma_wait3A_25, %dma_wait3A_26] : memref<128x16x8x128xf32, #tpu.memory_space<hbm>> -> memref<4x1x8x128xf32, #tpu.memory_space<hbm>>
    %dma_wait3A_28 = tpu.memref_squeeze %dma_wait3A_27 : memref<4x1x8x128xf32, #tpu.memory_space<hbm>> -> memref<4x8x128xf32, #tpu.memory_space<hbm>>
    %dma_wait3A_29 = arith.constant 0 : i32
    %dma_wait3A_30 = arith.constant 0 : i32
    %dma_wait3A_31 = arith.constant 0 : i32
    %dma_wait3A_32 = tpu.memref_slice %arg9[%dma_wait3A_14, %dma_wait3A_29, %dma_wait3A_30, %dma_wait3A_31] : memref<2x4x8x128xf32, #tpu.memory_space<vmem>> -> memref<1x4x8x128xf32, #tpu.memory_space<vmem>>
    %dma_wait3A_33 = tpu.memref_squeeze %dma_wait3A_32 : memref<1x4x8x128xf32, #tpu.memory_space<vmem>> -> memref<4x8x128xf32, #tpu.memory_space<vmem>>
    tpu.wait_dma2 semaphore(%arg10 : memref<!tpu.dma_semaphore, #tpu.memory_space<semaphore_mem>>) src(%dma_wait3A_33 : memref<4x8x128xf32, #tpu.memory_space<vmem>>) dst(%dma_wait3A_28 : memref<4x8x128xf32, #tpu.memory_space<hbm>>)
    return
  }
}

</mosaic_0001>

<sc_bundles>
// kernel: kernel.3.cloned.1.call-start
scs
__scs_entry_jumppad:
0x0: {  	(pc) =	sbr.rel $0x88, $3  }
0x1: {  	(tag) =	ssettag $0x0;
	lr =	simm.s32 $0x1  }
0x2: {  	[smem:$0x3F9E] =	sst lr;
	_ =	strace $0xD0000000  }
0x3: {  	_ = 	snop  }
0x4: {  	_ = 	snop  }
0x5: {  	_ = 	snop  }
0x6: {  	_ = 	snop  }
0x7: {  	_ = 	snop  }
__scs_overlays_trampoline_lowered:
0x8: {  	[smem:$0x3FAD] =	sst s0  }
0x9: {  	[smem:$0x3FAE] =	sst s1  }
0xa: {  	[smem:$0x3FAF] =	sst s2  }
0xb: {  	[smem:$0x3FB0] =	sst s3  }
0xc: {  	[smem:$0x3FB1] =	sst s4  }
0xd: {  	[smem:$0x3FB2] =	sst s5  }
0xe: {  	[smem:$0x3FB3] =	sst s6  }
0xf: {  	[smem:$0x3FB4] =	sst s7  }
0x10: {  	[smem:$0x3FB5] =	sst s8  }
0x11: {  	[smem:$0x3FB6] =	sst s9;
	s0 =	simm.s32 @!p0 $0x0  }
0x12: {  	s1 =	sld [smem:$0x3F9C];
	s0 =	simm.s32 @p0 $0x1  }
0x13: {  	[smem:$0x3FB7] =	sst s0;
	s0 =	simm.s32 @!p1 $0x0  }
0x14: {  	s2 =	sld [smem:$0x3F9B];
	s0 =	simm.s32 @p1 $0x1  }
0x15: {  	[smem:$0x3FB8] =	sst s0;
	s0 =	simm.s32 @!p2 $0x0  }
0x16: {  	s3 =	sld [smem:$0x3FDB];
	s0 =	simm.s32 @p2 $0x1  }
0x17: {  	s4 =	simm.s32 $0x1BF5;
	[smem:$0x3FBA] =	sst s0  }
0x18: {  	s0 =	sld [smem:$0x3F9D];
	_ =	swait.ge [sflag:s4], $0x0  }
0x19: {  	s7 =	sld [smem:$0x3F9E]  }
0x1a: {  	s8 =	sadd.s32 $0xFFFFE003, lr  }
0x1b: {  	s9 =	sadd.s32 $0xFFFFFEF7, lr;
	s5 =	simm.s32 $0xFFFFFFFF;
	p2 =	slt.u32 s8, $0xFFFFF086  }
0x1c: {  	p1 =	slt.u32 s9, $0xF7A;
	s5 =	simm.s32 @!p2 $0x0  }
0x1d: {  	s5 =	simm.s32 @p1 $0x1;
	p0 =	seq.s32 s7, s2  }
0x1e: {  	s7 =	smul.u32 @!p0 $0xF7A, s2;
	p2 =	seq.s32 @!p0 s5, $0x0  }
0x1f: {  	s9 =	smul.u32 $0xF7A, s1;
	s8 =	simm.s32 @!p0 $0x1BF5;
	p2 =	por !p2, p0  }
0x20: {  	[sflag:s8] =	ssyncset.s32 @!p0 $0xFFFFF086;
	s6 =	sadd.s32 @!p0 s3, s7;
	s7 =	simm.s32 @!p0 $0x108  }
0x21: {  	s3 =	sadd.s32 s3, s9;
	s6 =	sadd.s32 @!p0 $0x88, s6;
	s7 =	simm.s32 @p2 $0x1082  }
0x22: {  	[simem:s7], [sflag:s8] =	dma.local @!p0 [hbm:s6], $0xF7A  }
0x23: {  	s9 =	sor.u32 $0xD0000000, s2;
	s6 =	simm.s32 $0x108;
	_ =	swait.ge @!p0 [sflag:s8], $0x0  }
0x24: {  	s3 =	sadd.s32 $0x88, s3;
	s6 =	simm.s32 @!p1 $0x1082;
	[sflag:s4] =	ssyncset.s32 $0xFFFFF086  }
0x25: {  	[simem:s6], [sflag:s4] =	dma.local [hbm:s3], $0xF7A  }
0x26: {  	[smem:$0x3F9E] =	sst s1;
	(tag) =	ssettag s2;
	_ =	strace s9  }
0x27: {  	s1 =	sld [smem:$0x3FAE]  }
0x28: {  	s2 =	sld [smem:$0x3FAF]  }
0x29: {  	s4 =	sld [smem:$0x3FB1]  }
0x2a: {  	p0 =	seq.s32 s5, $0x0;
	s5 =	sld [smem:$0x3FB2]  }
0x2b: {  	s6 =	sld [smem:$0x3FB3]  }
0x2c: {  	s7 =	sld [smem:$0x3FB4]  }
0x2d: {  	s3 =	simm.s32 $0x108;
	s8 =	sld [smem:$0x3FB5]  }
0x2e: {  	s3 =	simm.s32 @!p0 $0x1082;
	s9 =	sld [smem:$0x3FB6]  }
0x2f: {  	lr =	sadd.s32 s0, s3;
	s0 =	sld [smem:$0x3FAD]  }
0x30: {  	s3 =	sld [smem:$0x3FB0]  }
0x31: {  	[smem:$0x3FB9] =	sst s10  }
0x32: {  	s10 =	sld [smem:$0x3FB7];
	_ =	sdelay $0x3  }
0x33: {  	p0 =	seq.s32 s10, $0x1;
	s10 =	sld [smem:$0x3FB9];
	_ =	sdelay $0x3  }
0x34: {  	[smem:$0x3FB9] =	sst s10  }
0x35: {  	s10 =	sld [smem:$0x3FB8];
	_ =	sdelay $0x3  }
0x36: {  	p1 =	seq.s32 s10, $0x1;
	s10 =	sld [smem:$0x3FB9];
	_ =	sdelay $0x3  }
0x37: {  	[smem:$0x3FB9] =	sst s10  }
0x38: {  	s10 =	sld [smem:$0x3FBA]  }
0x39: {  	_ = 	snop;
	(pc) =	sbr.ind lr, $3  }
0x3a: {  	_ = 	snop  }
0x3b: {  	_ = 	snop  }
0x3c: {  	p2 =	seq.s32 s10, $0x1;
	s10 =	sld [smem:$0x3FB9]  }
0x3d: {  	_ =	shalt  }
0x3e: {  	_ =	shalt  }
0x3f: {  	_ =	shalt  }
0x40: {  	_ =	shalt  }
0x41: {  	_ =	shalt  }
0x42: {  	_ =	shalt  }
0x43: {  	_ =	shalt  }
0x44: {  	_ =	shalt  }
0x45: {  	_ =	shalt  }
0x46: {  	_ =	shalt  }
0x47: {  	_ =	shalt  }
0x48: {  	_ =	shalt  }
0x49: {  	_ =	shalt  }
0x4a: {  	_ =	shalt  }
0x4b: {  	_ =	shalt  }
0x4c: {  	_ =	shalt  }
0x4d: {  	_ =	shalt  }
0x4e: {  	_ =	shalt  }
0x4f: {  	_ =	shalt  }
0x50: {  	_ =	shalt  }
0x51: {  	_ =	shalt  }
0x52: {  	_ =	shalt  }
0x53: {  	_ =	shalt  }
0x54: {  	_ =	shalt  }
0x55: {  	_ =	shalt  }
0x56: {  	_ =	shalt  }
0x57: {  	_ =	shalt  }
0x58: {  	_ =	shalt  }
0x59: {  	_ =	shalt  }
0x5a: {  	_ =	shalt  }
0x5b: {  	_ =	shalt  }
0x5c: {  	_ =	shalt  }
0x5d: {  	_ =	shalt  }
0x5e: {  	_ =	shalt  }
0x5f: {  	_ =	shalt  }
0x60: {  	_ =	shalt  }
0x61: {  	_ =	shalt  }
0x62: {  	_ =	shalt  }
0x63: {  	_ =	shalt  }
0x64: {  	_ =	shalt  }
0x65: {  	_ =	shalt  }
0x66: {  	_ =	shalt  }
0x67: {  	_ =	shalt  }
0x68: {  	_ =	shalt  }
0x69: {  	_ =	shalt  }
0x6a: {  	_ =	shalt  }
0x6b: {  	_ =	shalt  }
0x6c: {  	_ =	shalt  }
0x6d: {  	_ =	shalt  }
0x6e: {  	_ =	shalt  }
0x6f: {  	_ =	shalt  }
0x70: {  	_ =	shalt  }
0x71: {  	_ =	shalt  }
0x72: {  	_ =	shalt  }
0x73: {  	_ =	shalt  }
0x74: {  	_ =	shalt  }
0x75: {  	_ =	shalt  }
0x76: {  	_ =	shalt  }
0x77: {  	_ =	shalt  }
0x78: {  	_ =	shalt  }
0x79: {  	_ =	shalt  }
0x7a: {  	_ =	shalt  }
0x7b: {  	_ =	shalt  }
0x7c: {  	_ =	shalt  }
0x7d: {  	_ =	shalt  }
0x7e: {  	_ =	shalt  }
0x7f: {  	_ =	shalt  }
0x80: {  	_ =	shalt  }
0x81: {  	_ =	shalt  }
0x82: {  	_ =	shalt  }
0x83: {  	_ =	shalt  }
0x84: {  	_ =	shalt  }
0x85: {  	_ =	shalt  }
0x86: {  	_ =	shalt  }
0x87: {  	_ =	shalt  }
.Lfunc_end0:
.L_simem_size_0:
called_computation_lowered:
.L_overlay_start_0:
0x88: {  	s2 =	sld [smem:$0x3FD9]  }
0x89: {  	s3 =	sld [smem:$0x3FFE];
	_ =	sdelay $0x1  }
0x8a: {  	s1 =	srdreg.scid  }
0x8b: {  	s0 =	sand.u32 $0x1, s1  }
0x8c: {  	s17 =	sshll.u32 s0, $0xA;
	s2 =	sadd.s32 s3, s2  }
0x8d: {  	s2 =	sadd.s32 s2, s17  }
0x8e: {  	[smem:$0x3FC5] =	sst s2  }
0x8f: {  	_ = 	snop  }
0x90: {  	s2 =	sld [smem:$0x3FC9]  }
0x91: {  	s18 =	sld [smem:$0x3FD0];
	(tm) =	ssettm $0x1  }
0x92: {  	s4 =	sld [smem:$0x3FFB];
	_ =	sdelay $0x3  }
0x93: {  	_ =	strace s4  }
0x94: {  	s4 =	sld [smem:$0x3FFC];
	_ =	sdelay $0x3  }
0x95: {  	_ =	strace s4  }
0x96: {  	s4 =	sld [smem:$0x3FFD];
	_ =	sdelay $0x3  }
0x97: {  	_ =	strace s4  }
0x98: {  	_ =	strace $0x8FFFFFFF  }
0x99: {  	s19 =	sld [smem:$0x3FDB];
	_ =	sdelay $0x1  }
0x9a: {  	s5 =	simm.s32 $_scs_section_size  }
0x9b: {  	s6 =	simm.s32 $_size__tile_overlayer_lowered;
	s7 =	simm.s32 $_tile_overlayer_lowered  }
0x9c: {  	s22 =	simm.s32 $0x1BFF;
	s21 =	sshll.u32 s7, $0x1;
	s4 =	sadd.s32 s5, s19  }
0x9d: {  	s8 =	simm.s32 $0x0;
	s20 =	sshll.u32 s6, $0x1;
	s6 =	sadd.s32 s21, s4  }
0x9e: {  	[timem:s8], [sflag:s22] =	dma.local [hbm:s6], s20  }
0x9f: {  	_ =	swait.ge [sflag:s22], s20  }
0xa0: {  	s5 =	ssub.s32 $0x0, s20;
	[sflag:s22] =	ssyncset.done $0x0  }
0xa1: {  	[sflag:s22] =	ssyncadd.s32 s5;
	_ =	sdelay $0x1  }
0xa2: {  	s23 =	simm.s32 $0x1B8B  }
0xa3: {  	_ =	swait.ge [sflag:s23], $0x1  }
0xa4: {  	[sflag:s23] =	ssyncset.done $0x0  }
0xa5: {  	s25 =	simm.s32 $0x1B8E;
	s24 =	sld [smem:$0x3FFE];
	[sflag:s23] =	ssyncadd.s32 $0xFFFFFFFF  }
0xa6: {  	s26 =	simm.s32 $execute0_lowered;
	[smem:$0x3FD2] =	sst s25  }
0xa7: {  	s6 =	sshll.u32 s26, $0x1;
	_ =	strace $0x80000046;
	[dreg:$0x1] =	wrdreg $0xFFFFFFFF  }
0xa8: {  	s28 =	simm.s32 $_size_execute0_lowered;
	s4 =	sadd.s32 s4, s6;
	[dreg:$0x0] =	wrdreg $0x0  }
0xa9: {  	s6 =	sshll.u32 s28, $0x1;
	[dreg:$0x2] =	wrdreg s4  }
0xaa: {  	[dreg:$0x3] =	wrdreg s6  }
0xab: {  	[dreg:$0x4] =	wrdreg $0xC0  }
0xac: {  	_ =	task [dreg:s8], $0x5FFFF  }
0xad: {  	[dreg:$0x1] =	wrdreg $0xFFFFFFFF  }
0xae: {  	[dreg:$0x0] =	wrdreg $0x60  }
0xaf: {  	[dreg:$0x2] =	wrdreg s2  }
0xb0: {  	[dreg:$0x3] =	wrdreg s24  }
0xb1: {  	[dreg:$0x4] =	wrdreg s18  }
0xb2: {  	[dreg:$0x5] =	wrdreg $0x9  }
0xb3: {  	_ =	task.clear_ibuf [dreg:s8], $0x6FFFF;
	_ =	strace $0x90000046  }
0xb4: {  	s29 =	simm.s32 $0x9;
	_ =	strace $0x80000048  }
0xb5: {  	_ =	swait.ge [sflag:s29], $0x1  }
0xb6: {  	[sflag:s29] =	ssyncadd.s32 $0xFFFFFFFF  }
0xb7: {  	_ =	strace $0x90000048  }
0xb8: {  	_ =	sfence  }
0xb9: {  	s30 =	sld [smem:$0x0];
	_ =	sdelay $0x2  }
0xba: {  	s31 =	sshll.u32 s1, $0xD;
	s1 =	sshrl.u32 s1, $0x2  }
0xbb: {  	s3 =	sand.u32 $0x4000, s31;
	s1 =	sadd.s32 s1, s30  }
0xbc: {  	s0 =	sor.u32 s3, s0;
	s1 =	sshll.u32 s1, $0x11  }
0xbd: {  	s0 =	sor.u32 s1, s0  }
0xbe: {  	s0 =	sadd.s32 $0x8F2B, s0  }
0xbf: {  	[sflag:s0] =	ssyncadd.remote.s32 $0x1  }
0xc0: {  	_ =	sfence.sel $0xFFFF  }
0xc1: {  	[dreg:$0x0] =	wrdreg $0xFFFFFFFF;
	(pc) =	sbr.abs _section_cstart, $3  }
0xc2: {  	[dreg:$0x1] =	wrdreg $0xFFFFFFFF  }
0xc3: {  	_ =	task.clear_ibuf [dreg:s8], $0x2FFFF;
	_ =	strace $0x9FFFFFFF  }
0xc4: {  	(tm) =	ssettm $0x7FFFFFFF  }
0xc5: {  	_ =	shalt  }
tec
execute0_lowered:
.L_overlay_start_1:
0x0: {  	(tag) =	ssettag $0x1  }
0x1: {  	s5 =	rddreg [dreg:$0x0]  }
0x2: {  	s4 =	rddreg [dreg:$0x1]  }
0x3: {  	s6 =	rddreg [dreg:$0x2]  }
0x4: {  	s0 =	rddreg [dreg:$0x3]  }
0x5: {  	s2 =	simm.s32 $0x0;
	s3 =	srdreg.scid;
	s1 =	stileid.u32  }
0x6: {  	s11 =	simm.s32 $0x400;
	s12 =	simm.s32 $0x4000;
	s13 =	simm.s32 $0x1  }
0x7: {  	s14 =	simm.s32 $0x0;
	[smem:$0x7FF] =	sst s2;
	s3 =	sand.u32 $0x1, s3  }
0x8: {  	s8 =	sshll.u32 s1, $0xE;
	_ =	strace $0x80000047;
	s7 =	ssub.s32 $0x2, s3  }
0x9: {  	s9 =	sshll.u32 s3, $0xD;
	s3 =	sadd.s32 $0xC00, s4;
	s4 =	sadd.s32 $0x400, s4  }
0xa: {  	s10 =	sshrl.u32 s7, $0x1;
	s8 =	sor.u32 s9, s8;
	s9 =	simm.s32 $0x18000  }
0xb: {  	s7 =	ssub.s32 s7, s10;
	s5 =	sadd.s32 s5, s8;
	s6 =	sadd.s32 s6, s8  }
0xc: {  	v0 =	vlaneseq.u32;
	s8 =	simm.s32 $0x10000;
	s10 =	simm.s32 $0x2;
	s7 =	smax.u32 s7, $0x1  }
.LBB2_1:
0xd: {  	[tilespmem:s2], [sflag:$0x2] =	stream.linear.gather [hbm4b:s5+s2], $0x10000, $0x38;
	[tilespmem:$0x1E000] =	vst v63  }
0xe: {  	_ = 	snop  }
0xf: {  	[tilespmem:s8], [sflag:$0x2] =	stream.linear.gather [hbm4b:s3+s2], $0x8000, $0x38;
	[tilespmem:$0x1E000] =	vst v63  }
0x10: {  	_ = 	snop  }
0x11: {  	[tilespmem:s9], [sflag:$0x2] =	stream.linear.gather [hbm4b:s4+s2], $0x4000, $0x38;
	[tilespmem:$0x1E000] =	vst v63  }
0x12: {  	_ =	swait.ge [sflag:s10], $0x10000  }
0x13: {  	[sflag:s10] =	ssyncset.done $0x0  }
0x14: {  	[sflag:s10] =	ssyncadd.s32 $0xFFFF0000  }
0x15: {  	_ =	swait.ge [sflag:s10], $0x8000  }
0x16: {  	[sflag:s10] =	ssyncset.done $0x0  }
0x17: {  	[sflag:s10] =	ssyncadd.s32 $0xFFFF8000  }
0x18: {  	_ =	swait.ge [sflag:s10], $0x4000  }
0x19: {  	[sflag:s10] =	ssyncset.done $0x0  }
0x1a: {  	s15 =	simm.s32 $0x0;
	[sflag:s10] =	ssyncadd.s32 $0xFFFFC000  }
.LBB2_2:
0x1b: {  	s16 =	sshll.u32 s15, $0x7  }
0x1c: {  	v2 =	vor.u32 s16, v0  }
0x1d: {  	v3 =	vshll.u32 v2, $0x4  }
0x1e: {  	v4 =	vor.u32 $0x1, v3  }
0x1f: {  	v5 =	vor.u32 $0x2, v3  }
0x20: {  	v6 =	vor.u32 $0x3, v3  }
0x21: {  	v7 =	vor.u32 $0x4, v3  }
0x22: {  	v8 =	vor.u32 $0x5, v3;
	v1 =	vld.idx.msk [tilespmem:v3+s8+$0x0], $0xffff  }
0x23: {  	v9 =	vor.u32 $0x6, v3;
	v4 =	vld.idx.msk [tilespmem:v4+s8+$0x0], $0xffff  }
0x24: {  	v10 =	vor.u32 $0x7, v3;
	v5 =	vld.idx.msk [tilespmem:v5+s8+$0x0], $0xffff  }
0x25: {  	v11 =	vor.u32 $0x8, v3;
	v6 =	vld.idx.msk [tilespmem:v6+s8+$0x0], $0xffff  }
0x26: {  	v12 =	vor.u32 $0x9, v3;
	v7 =	vld.idx.msk [tilespmem:v7+s8+$0x0], $0xffff  }
0x27: {  	v13 =	vor.u32 $0xA, v3;
	v8 =	vld.idx.msk [tilespmem:v8+s8+$0x0], $0xffff  }
0x28: {  	v14 =	vor.u32 $0xB, v3;
	v9 =	vld.idx.msk [tilespmem:v9+s8+$0x0], $0xffff  }
0x29: {  	v15 =	vor.u32 $0xC, v3;
	v10 =	vld.idx.msk [tilespmem:v10+s8+$0x0], $0xffff  }
0x2a: {  	v16 =	vor.u32 $0xD, v3;
	v11 =	vld.idx.msk [tilespmem:v11+s8+$0x0], $0xffff  }
0x2b: {  	v12 =	vld.idx.msk [tilespmem:v12+s8+$0x0], $0xffff  }
0x2c: {  	v17 =	vor.u32 $0xE, v3;
	v13 =	vld.idx.msk [tilespmem:v13+s8+$0x0], $0xffff  }
0x2d: {  	v18 =	vshll.u32 v2, $0x3;
	v3 =	vor.u32 $0xF, v3;
	v14 =	vld.idx.msk [tilespmem:v14+s8+$0x0], $0xffff  }
0x2e: {  	v19 =	vor.u32 $0x3, v18;
	v15 =	vld.idx.msk [tilespmem:v15+s8+$0x0], $0xffff  }
0x2f: {  	v16 =	vld.idx.msk [tilespmem:v16+s8+$0x0], $0xffff;
	_ =	sdelay $0x1  }
0x30: {  	v17 =	vld.idx.msk [tilespmem:v17+s8+$0x0], $0xffff;
	v2 =	vsub.f32 v4, v1;
	v4 =	vsub.f32 v6, v5  }
0x31: {  	v3 =	vld.idx.msk [tilespmem:v3+s8+$0x0], $0xffff;
	v8 =	vsub.f32 v8, v7;
	v10 =	vsub.f32 v10, v9  }
0x32: {  	v19 =	vld.idx.msk [tilespmem:v19+s9+$0x0], $0xffff;
	v12 =	vsub.f32 v12, v11;
	v14 =	vsub.f32 v14, v13  }
0x33: {  	v6 =	vor.u32 $0x2, v18;
	v16 =	vsub.f32 v16, v15;
	v9 =	vsub.f32 v9, v7  }
0x34: {  	v13 =	vsub.f32 v13, v11;
	v4 =	vsub.f32 v4, v2  }
0x35: {  	v10 =	vsub.f32 v10, v8;
	v14 =	vsub.f32 v14, v12  }
0x36: {  	v21 =	vor.u32 $0x1, v18;
	v20 =	vsub.f32 v3, v17;
	v3 =	vsub.f32 v5, v1  }
0x37: {  	v5 =	vshll.u32 v19, $0x3;
	v17 =	vsub.f32 v17, v15;
	v19 =	vand.u32 $0x7F, v19  }
0x38: {  	v15 =	vsub.f32 v15, v11;
	v11 =	vsub.f32 v11, v1;
	v22 =	vld.idx.msk [tilespmem:v6+s9+$0x0], $0xffff;
	v6 =	vand.u32 $0xFFFFFC00, v5  }
0x39: {  	s17 =	simm.s32 $0x0;
	v5 =	vsub.f32 v7, v1;
	v7 =	vsub.f32 v8, v2;
	v6 =	vor.u32 v19, v6  }
0x3a: {  	s17 =	sand.u32 $0x800, s17;
	v23 =	vld.idx.msk [tilespmem:v18+s9+$0x0], $0xffff;
	v20 =	vsub.f32 v20, v16;
	v8 =	vsub.f32 v9, v3  }
0x3b: {  	s18 =	simm.s32 $0x0;
	s19 =	sor.u32 $0x600, s17;
	v19 =	vld.idx.msk [tilespmem:v21+s9+$0x0], $0xffff;
	v9 =	vsub.f32 v10, v4;
	v21 =	vsub.f32 v16, v12  }
0x3c: {  	s23 =	sand.u32 $0x3FFFC000, s18;
	s31 =	sshrl.u32 s19, $0x2;
	v12 =	vsub.f32 v12, v2;
	v15 =	vsub.f32 v15, v5  }
0x3d: {  	s25 =	sor.u32 s31, s23;
	v10 =	vshll.u32 v22, $0x3;
	v16 =	vand.u32 $0x7F, v22;
	v22 =	vsub.f32 v17, v13  }
0x3e: {  	s24 =	sor.u32 $0x200, s17;
	v17 =	vsub.f32 v20, v14;
	v13 =	vsub.f32 v13, v3;
	v24 =	vld.idx.msk [tilespmem:v6+s25+$0x0], $0xffff  }
0x3f: {  	s20 =	sshrl.u32 s24, $0x2;
	v14 =	vsub.f32 v14, v4;
	v20 =	vshll.u32 v23, $0x3;
	v10 =	vand.u32 $0xFFFFFC00, v10  }
0x40: {  	s26 =	sshrl.u32 s17, $0x2;
	s17 =	sor.u32 $0x400, s17;
	s21 =	sor.u32 s20, s23;
	v20 =	vand.u32 $0xFFFFFC00, v20;
	v10 =	vor.u32 v16, v10;
	v16 =	vshll.u32 v19, $0x3  }
0x41: {  	s24 =	sor.u32 s26, s23;
	s22 =	sshrl.u32 s17, $0x2;
	v29 =	vld.idx.msk [tilespmem:v6+s21+$0x0], $0xffff;
	v19 =	vand.u32 $0x7F, v19;
	v18 =	vand.u32 $0xFFFFFC00, v16;
	v16 =	vsub.f32 v17, v9  }
0x42: {  	s23 =	sor.u32 s22, s23;
	v28 =	vld.idx.msk [tilespmem:v6+s24+$0x0], $0xffff;
	v17 =	vor.u32 v19, v18;
	v18 =	vsub.f32 v21, v7;
	v19 =	vsub.f32 v22, v8  }
0x43: {  	v40 =	vld.idx.msk [tilespmem:v6+s23+$0x0], $0xffff;
	v22 =	vand.u32 $0x7F, v23;
	v23 =	vmul.f32 v24, v12;
	v25 =	vmul.f32 v24, v16  }
0x44: {  	v20 =	vor.u32 v22, v20;
	v22 =	vmul.f32 v24, v13;
	v26 =	vmul.f32 v24, v14  }
0x45: {  	v27 =	vmul.f32 v24, v18;
	v30 =	vmul.f32 v24, v19  }
0x46: {  	v32 =	vmul.f32 v24, v15;
	v24 =	vmul.f32 v24, v11  }
0x47: {  	v33 =	vmul.f32 v28, v16;
	v60 =	vmul.f32 v29, v16  }
0x48: {  	v61 =	vmul.f32 v40, v16;
	v34 =	vmul.f32 v28, v18  }
0x49: {  	v35 =	vmul.f32 v29, v18;
	v36 =	vmul.f32 v29, v19  }
0x4a: {  	v62 =	vmul.f32 v40, v18;
	v37 =	vmul.f32 v40, v19  }
0x4b: {  	v38 =	vmul.f32 v28, v12;
	v41 =	vmul.f32 v28, v13;
	v21 =	vld.idx.msk [tilespmem:v10+s25+$0x0], $0xffff;
	v25 =	vadd.f32 v25, v9  }
0x4c: {  	v43 =	vmul.f32 v28, v15;
	v23 =	vadd.f32 v23, v2;
	v26 =	vadd.f32 v26, v4  }
0x4d: {  	v46 =	vmul.f32 v29, v12;
	v27 =	vadd.f32 v27, v7;
	v30 =	vadd.f32 v30, v8  }
0x4e: {  	v48 =	vmul.f32 v29, v15;
	v22 =	vadd.f32 v22, v3;
	v32 =	vadd.f32 v32, v5  }
0x4f: {  	v63 =	vmul.f32 v40, v12;
	v24 =	vadd.f32 v24, v1;
	v35 =	vadd.f32 v35, v7;
	v31 =	vld.idx.msk [tilespmem:v17+s25+$0x0], $0xffff  }
0x50: {  	v39 =	vadd.f32 v36, v8;
	v42 =	vadd.f32 v62, v7;
	v25 =	vmul.f32 v25, v21  }
0x51: {  	v47 =	vadd.f32 v37, v8;
	v54 =	vadd.f32 v38, v2;
	v27 =	vmul.f32 v27, v21  }
0x52: {  	v30 =	vmul.f32 v30, v21;
	v21 =	vmul.f32 v32, v21;
	v25 =	vadd.f32 v25, v26;
	v26 =	vld.idx.msk [tilespmem:v20+s25+$0x0], $0xffff  }
0x53: {  	v50 =	vmul.f32 v40, v13;
	v38 =	vadd.f32 v41, v3;
	v27 =	vadd.f32 v27, v23;
	v23 =	vld.idx.msk [tilespmem:v10+s24+$0x0], $0xffff  }
0x54: {  	v22 =	vadd.f32 v30, v22;
	v24 =	vadd.f32 v21, v24;
	v21 =	vld.idx.msk [tilespmem:v10+s23+$0x0], $0xffff;
	v25 =	vmul.f32 v25, v31  }
0x55: {  	v52 =	vmul.f32 v40, v15;
	v45 =	vadd.f32 v43, v5;
	v41 =	vadd.f32 v46, v2  }
0x56: {  	v32 =	vadd.f32 v60, v9;
	v31 =	vmul.f32 v22, v31;
	v22 =	vld.idx.msk [tilespmem:v10+s21+$0x0], $0xffff;
	v25 =	vadd.f32 v25, v27  }
0x57: {  	v30 =	vadd.f32 v33, v9;
	v33 =	vadd.f32 v61, v9;
	v27 =	vmul.f32 v28, v14  }
0x58: {  	v24 =	vadd.f32 v31, v24;
	v31 =	vmul.f32 v29, v14;
	v25 =	vmul.f32 v25, v26  }
0x59: {  	v30 =	vmul.f32 v30, v23;
	v33 =	vmul.f32 v33, v21;
	v26 =	vadd.f32 v27, v4  }
0x5a: {  	v27 =	vmul.f32 v28, v19;
	v44 =	vadd.f32 v25, v24;
	v25 =	vmul.f32 v40, v14  }
0x5b: {  	v32 =	vmul.f32 v32, v22;
	v37 =	vmul.f32 v35, v22;
	v24 =	vadd.f32 v34, v7  }
0x5c: {  	v35 =	vmul.f32 v42, v21;
	v49 =	vadd.f32 v30, v26;
	v26 =	vld.idx.msk [tilespmem:v17+s24+$0x0], $0xffff;
	v25 =	vadd.f32 v25, v4  }
0x5d: {  	s28 =	sshll.u32 s15, $0xC;
	v31 =	vadd.f32 v31, v4;
	v42 =	vmul.f32 v40, v11;
	v51 =	vmul.f32 v24, v23;
	v24 =	vld.idx.msk [tilespmem:v17+s21+$0x0], $0xffff  }
0x5e: {  	s29 =	simm.s32 $0x0;
	s17 =	sand.u32 $0x1000, s28;
	v27 =	vadd.f32 v27, v8;
	v30 =	vmul.f32 v29, v13;
	v53 =	vadd.f32 v33, v25;
	v25 =	vld.idx.msk [tilespmem:v17+s23+$0x0], $0xffff  }
0x5f: {  	s30 =	sand.u32 $0x3FFFFC00, s29;
	s17 =	sor.u32 $0x1C000, s17;
	v43 =	vadd.f32 v50, v3;
	v34 =	vmul.f32 v39, v22;
	v39 =	vmul.f32 v28, v11  }
0x60: {  	v31 =	vadd.f32 v32, v31;
	v36 =	vmul.f32 v27, v23;
	v27 =	vld.idx.msk [tilespmem:v20+s24+$0x0], $0xffff;
	v46 =	vadd.f32 v30, v3;
	s24 =	sadd.s32 s30, s17  }
0x61: {  	v28 =	vld.idx.msk [tilespmem:v20+s21+$0x0], $0xffff;
	v30 =	vmul.f32 v29, v11;
	s31 =	sadd.s32 s31, s24;
	v33 =	vmul.f32 v47, v21;
	v47 =	vadd.f32 v48, v5  }
0x62: {  	s21 =	simm.s32 $0x0;
	s19 =	sadd.s32 s26, s24;
	v48 =	vadd.f32 v63, v2;
	[tilespmem:s31+$0x0] =	vst v44;
	v44 =	vadd.f32 v51, v54;
	v32 =	vmul.f32 v49, v26  }
0x63: {  	v29 =	vld.idx.msk [tilespmem:v20+s23+$0x0], $0xffff;
	s18 =	sadd.s32 s20, s24;
	s20 =	sadd.s32 s22, s24;
	s22 =	simm.s32 $0x800;
	v49 =	vadd.f32 v52, v5;
	v40 =	vmul.f32 v31, v24;
	v31 =	vmul.f32 v53, v25  }
.LBB2_3:
0x64: {  	s21 =	sadd.s32 $0x4, s21;
	s26 =	sand.u32 $0x800, s22;
	v23 =	vmul.f32 v45, v23;
	v36 =	vadd.f32 v36, v38;
	v37 =	vadd.f32 v37, v41  }
0x65: {  	v22 =	vmul.f32 v47, v22;
	v34 =	vadd.f32 v34, v46;
	v35 =	vadd.f32 v35, v48;
	s23 =	sshll.u32 s21, $0xB;
	s24 =	sor.u32 $0x200, s26;
	s25 =	sor.u32 $0x600, s26  }
0x66: {  	v38 =	vadd.f32 v39, v1;
	v21 =	vmul.f32 v49, v21;
	v33 =	vadd.f32 v33, v43;
	s28 =	sor.u32 $0x400, s26;
	s31 =	sand.u32 $0x3FFFC000, s23;
	s23 =	sshrl.u32 s25, $0x2  }
0x67: {  	v39 =	vadd.f32 v42, v1;
	s25 =	sshrl.u32 s24, $0x2;
	s24 =	sshrl.u32 s28, $0x2;
	v26 =	vmul.f32 v36, v26;
	v36 =	vadd.f32 v30, v1;
	s30 =	sor.u32 s23, s31  }
0x68: {  	s26 =	sshrl.u32 s26, $0x2;
	v42 =	vadd.f32 v32, v44;
	v24 =	vmul.f32 v34, v24;
	v34 =	vadd.f32 v40, v37;
	s29 =	sor.u32 s25, s31;
	s28 =	sor.u32 s24, s31;
	v41 =	vld.idx.msk [tilespmem:v6+s30+$0x0], $0xffff  }
0x69: {  	p0 =	slt.u32 s21, $0x1C;
	v23 =	vadd.f32 v23, v38;
	v25 =	vmul.f32 v33, v25;
	v33 =	vadd.f32 v31, v35;
	s31 =	sor.u32 s26, s31;
	v30 =	vld.idx.msk [tilespmem:v6+s29+$0x0], $0xffff  }
0x6a: {  	v21 =	vadd.f32 v21, v39;
	v27 =	vmul.f32 v42, v27;
	v22 =	vadd.f32 v22, v36;
	v32 =	vld.idx.msk [tilespmem:v6+s31+$0x0], $0xffff  }
0x6b: {  	v26 =	vadd.f32 v26, v23;
	v28 =	vmul.f32 v34, v28;
	v29 =	vmul.f32 v33, v29;
	v31 =	vld.idx.msk [tilespmem:v6+s28+$0x0], $0xffff  }
0x6c: {  	v25 =	vadd.f32 v25, v21;
	v24 =	vadd.f32 v24, v22;
	v33 =	vld.idx.msk [tilespmem:v10+s30+$0x0], $0xffff  }
0x6d: {  	v34 =	vadd.f32 v27, v26;
	v23 =	vld.idx.msk [tilespmem:v10+s31+$0x0], $0xffff  }
0x6e: {  	v35 =	vadd.f32 v28, v24;
	v27 =	vmul.f32 v41, v12;
	v26 =	vmul.f32 v41, v16;
	v22 =	vld.idx.msk [tilespmem:v10+s29+$0x0], $0xffff  }
0x6f: {  	v36 =	vadd.f32 v29, v25;
	v28 =	vmul.f32 v41, v13;
	v24 =	vmul.f32 v41, v14;
	v21 =	vld.idx.msk [tilespmem:v10+s28+$0x0], $0xffff  }
0x70: {  	v25 =	vmul.f32 v41, v18;
	v29 =	vmul.f32 v41, v19;
	v38 =	vadd.f32 v26, v9;
	v37 =	vld.idx.msk [tilespmem:v17+s30+$0x0], $0xffff  }
0x71: {  	v40 =	vmul.f32 v41, v15;
	v39 =	vadd.f32 v27, v2;
	v27 =	vadd.f32 v24, v4;
	v26 =	vld.idx.msk [tilespmem:v17+s31+$0x0], $0xffff  }
0x72: {  	v42 =	vadd.f32 v25, v7;
	v29 =	vadd.f32 v29, v8;
	v38 =	vmul.f32 v38, v33;
	v24 =	vld.idx.msk [tilespmem:v17+s29+$0x0], $0xffff  }
0x73: {  	v41 =	vmul.f32 v41, v11;
	v43 =	vadd.f32 v28, v3;
	v28 =	vadd.f32 v40, v5;
	v25 =	vld.idx.msk [tilespmem:v17+s28+$0x0], $0xffff  }
0x74: {  	v42 =	vmul.f32 v42, v33;
	v29 =	vmul.f32 v29, v33;
	v38 =	vadd.f32 v38, v27;
	v40 =	vld.idx.msk [tilespmem:v20+s30+$0x0], $0xffff  }
0x75: {  	v44 =	vmul.f32 v32, v16;
	v41 =	vadd.f32 v41, v1;
	v33 =	vmul.f32 v28, v33;
	v27 =	vld.idx.msk [tilespmem:v20+s31+$0x0], $0xffff  }
0x76: {  	v39 =	vadd.f32 v42, v39;
	v42 =	vadd.f32 v29, v43;
	v38 =	vmul.f32 v38, v37;
	v28 =	vld.idx.msk [tilespmem:v20+s29+$0x0], $0xffff  }
0x77: {  	v45 =	vmul.f32 v31, v16;
	v43 =	vadd.f32 v44, v9;
	v44 =	vmul.f32 v30, v16;
	v29 =	vld.idx.msk [tilespmem:v20+s28+$0x0], $0xffff  }
0x78: {  	v33 =	vadd.f32 v33, v41;
	v37 =	vmul.f32 v42, v37;
	v38 =	vadd.f32 v38, v39;
	[tilespmem:s19+$0x0] =	vst v34  }
0x79: {  	v41 =	vadd.f32 v45, v9;
	v39 =	vadd.f32 v44, v9;
	v34 =	vmul.f32 v32, v14;
	[tilespmem:s18+$0x0] =	vst v35  }
0x7a: {  	v33 =	vadd.f32 v37, v33;
	v35 =	vmul.f32 v32, v18;
	s18 =	sshll.u32 s21, $0x7;
	v37 =	vmul.f32 v38, v40;
	[tilespmem:s20+$0x0] =	vst v36  }
0x7b: {  	v38 =	vmul.f32 v30, v14;
	v34 =	vadd.f32 v34, v4;
	v36 =	vmul.f32 v32, v19;
	s18 =	sand.u32 $0x3FFFFC00, s18  }
0x7c: {  	v42 =	vmul.f32 v30, v19;
	v40 =	vmul.f32 v30, v18;
	s20 =	sadd.s32 s18, s17;
	v33 =	vadd.f32 v37, v33  }
0x7d: {  	v44 =	vmul.f32 v31, v18;
	v35 =	vadd.f32 v35, v7;
	v37 =	vmul.f32 v31, v14;
	s19 =	sadd.s32 s26, s20;
	s18 =	sadd.s32 s25, s20;
	s23 =	sadd.s32 s23, s20  }
0x7e: {  	v45 =	vmul.f32 v31, v19;
	v43 =	vmul.f32 v43, v23;
	v36 =	vadd.f32 v36, v8;
	s20 =	sadd.s32 s24, s20;
	[tilespmem:s23+$0x0] =	vst v33  }
0x7f: {  	v33 =	vadd.f32 v38, v4;
	v38 =	vmul.f32 v39, v22;
	v39 =	vmul.f32 v41, v21  }
0x80: {  	v42 =	vadd.f32 v42, v8;
	v40 =	vadd.f32 v40, v7;
	v41 =	vmul.f32 v32, v12  }
0x81: {  	v46 =	vmul.f32 v32, v13;
	v44 =	vadd.f32 v44, v7;
	v37 =	vadd.f32 v37, v4  }
0x82: {  	v48 =	vmul.f32 v30, v12;
	v47 =	vmul.f32 v32, v15;
	v49 =	vadd.f32 v45, v8  }
0x83: {  	v51 =	vmul.f32 v30, v15;
	v50 =	vadd.f32 v43, v34;
	v43 =	vmul.f32 v30, v13  }
0x84: {  	v53 =	vmul.f32 v31, v12;
	v54 =	vmul.f32 v31, v13;
	v52 =	vadd.f32 v38, v33  }
0x85: {  	v56 =	vmul.f32 v31, v15;
	v55 =	vmul.f32 v35, v23;
	v57 =	vadd.f32 v39, v37  }
0x86: {  	v36 =	vmul.f32 v36, v23;
	v58 =	vadd.f32 v41, v2;
	v37 =	vmul.f32 v40, v22  }
0x87: {  	v34 =	vmul.f32 v42, v22;
	v35 =	vmul.f32 v44, v21;
	v38 =	vadd.f32 v46, v3  }
.Ltmp0:
0x88: {  	v45 =	vadd.f32 v47, v5;
	v41 =	vadd.f32 v48, v2;
	v33 =	vmul.f32 v49, v21;
	(pc) =	sbr.rel @p0 .LBB2_3-.Ltmp0, $4  }
0x89: {  	v47 =	vadd.f32 v51, v5;
	v39 =	vmul.f32 v32, v11;
	v46 =	vadd.f32 v43, v3  }
0x8a: {  	v30 =	vmul.f32 v30, v11;
	v48 =	vadd.f32 v53, v2;
	v43 =	vadd.f32 v54, v3  }
0x8b: {  	v42 =	vmul.f32 v31, v11;
	v32 =	vmul.f32 v50, v26;
	v49 =	vadd.f32 v56, v5  }
0x8c: {  	s22 =	sadd.s32 $0x800, s22;
	v44 =	vadd.f32 v55, v58;
	v40 =	vmul.f32 v52, v24;
	v31 =	vmul.f32 v57, v25  }
0x8d: {  	v3 =	vadd.f32 v36, v38;
	v4 =	vadd.f32 v37, v41  }
0x8e: {  	v2 =	vmul.f32 v45, v23;
	v6 =	vadd.f32 v34, v46;
	v7 =	vadd.f32 v35, v48  }
0x8f: {  	v5 =	vmul.f32 v47, v22;
	v8 =	vadd.f32 v39, v1;
	v10 =	vadd.f32 v33, v43  }
0x90: {  	v9 =	vmul.f32 v49, v21;
	v11 =	vadd.f32 v30, v1;
	v1 =	vadd.f32 v42, v1  }
0x91: {  	v12 =	vadd.f32 v32, v44;
	v3 =	vmul.f32 v3, v26;
	v4 =	vadd.f32 v40, v4  }
0x92: {  	v6 =	vmul.f32 v6, v24;
	v2 =	vadd.f32 v2, v8;
	v7 =	vadd.f32 v31, v7  }
0x93: {  	v8 =	vmul.f32 v10, v25;
	v5 =	vadd.f32 v5, v11;
	v1 =	vadd.f32 v9, v1  }
0x94: {  	s21 =	sor.u32 $0x10, s16;
	v10 =	vmul.f32 v12, v27;
	v2 =	vadd.f32 v3, v2;
	v3 =	vmul.f32 v4, v28  }
0x95: {  	v4 =	vmul.f32 v7, v29;
	v5 =	vadd.f32 v6, v5;
	v6 =	vor.u32 s21, v0  }
0x96: {  	v1 =	vadd.f32 v8, v1;
	v7 =	vshll.u32 v6, $0x4;
	v2 =	vadd.f32 v10, v2  }
0x97: {  	v3 =	vadd.f32 v3, v5;
	v5 =	vor.u32 $0x1, v7  }
0x98: {  	v1 =	vadd.f32 v4, v1;
	v4 =	vor.u32 $0x4, v7;
	[tilespmem:s19+$0x0] =	vst v2  }
0x99: {  	v8 =	vor.u32 $0x5, v7;
	[tilespmem:s18+$0x0] =	vst v3  }
0x9a: {  	v9 =	vor.u32 $0x6, v7;
	[tilespmem:s20+$0x0] =	vst v1  }
0x9b: {  	v2 =	vor.u32 $0x2, v7;
	v1 =	vld.idx.msk [tilespmem:v7+s8+$0x0], $0xffff  }
0x9c: {  	v11 =	vor.u32 $0x8, v7;
	v5 =	vld.idx.msk [tilespmem:v5+s8+$0x0], $0xffff  }
0x9d: {  	v13 =	vor.u32 $0xA, v7;
	v12 =	vld.idx.msk [tilespmem:v4+s8+$0x0], $0xffff  }
0x9e: {  	v14 =	vor.u32 $0xB, v7;
	v8 =	vld.idx.msk [tilespmem:v8+s8+$0x0], $0xffff  }
0x9f: {  	v16 =	vor.u32 $0xD, v7;
	v9 =	vld.idx.msk [tilespmem:v9+s8+$0x0], $0xffff  }
0xa0: {  	v10 =	vld.idx.msk [tilespmem:v2+s8+$0x0], $0xffff;
	v2 =	vor.u32 $0x7, v7  }
0xa1: {  	v4 =	vor.u32 $0x9, v7;
	v11 =	vld.idx.msk [tilespmem:v11+s8+$0x0], $0xffff  }
0xa2: {  	v3 =	vor.u32 $0x3, v7;
	v13 =	vld.idx.msk [tilespmem:v13+s8+$0x0], $0xffff  }
0xa3: {  	v19 =	vshll.u32 v6, $0x3;
	v17 =	vor.u32 $0xE, v7;
	v14 =	vld.idx.msk [tilespmem:v14+s8+$0x0], $0xffff  }
0xa4: {  	v6 =	vld.idx.msk [tilespmem:v16+s8+$0x0], $0xffff;
	v16 =	vor.u32 $0x3, v19  }
0xa5: {  	v15 =	vld.idx.msk [tilespmem:v2+s8+$0x0], $0xffff;
	v2 =	vor.u32 $0xC, v7  }
0xa6: {  	v4 =	vld.idx.msk [tilespmem:v4+s8+$0x0], $0xffff;
	v7 =	vor.u32 $0xF, v7  }
0xa7: {  	v3 =	vld.idx.msk [tilespmem:v3+s8+$0x0], $0xffff  }
0xa8: {  	v17 =	vld.idx.msk [tilespmem:v17+s8+$0x0], $0xffff  }
0xa9: {  	v16 =	vld.idx.msk [tilespmem:v16+s9+$0x0], $0xffff  }
0xaa: {  	v20 =	vor.u32 $0x2, v19;
	v8 =	vsub.f32 v8, v12;
	v14 =	vsub.f32 v14, v13;
	v18 =	vld.idx.msk [tilespmem:v2+s8+$0x0], $0xffff  }
0xab: {  	v13 =	vsub.f32 v13, v11;
	v21 =	vsub.f32 v4, v11;
	v7 =	vld.idx.msk [tilespmem:v7+s8+$0x0], $0xffff  }
0xac: {  	v2 =	vsub.f32 v5, v1;
	v5 =	vsub.f32 v3, v10  }
0xad: {  	v15 =	vsub.f32 v15, v9;
	v3 =	vsub.f32 v10, v1  }
0xae: {  	v9 =	vsub.f32 v9, v12;
	v14 =	vsub.f32 v14, v21  }
0xaf: {  	v20 =	vld.idx.msk [tilespmem:v20+s9+$0x0], $0xffff;
	v10 =	vor.u32 $0x1, v19;
	v4 =	vsub.f32 v5, v2;
	v15 =	vsub.f32 v15, v8  }
0xb0: {  	v5 =	vshll.u32 v16, $0x3;
	v22 =	vsub.f32 v6, v18;
	v6 =	vsub.f32 v7, v17  }
0xb1: {  	v16 =	vand.u32 $0x7F, v16;
	v17 =	vsub.f32 v17, v18;
	v7 =	vand.u32 $0xFFFFFC00, v5  }
0xb2: {  	s28 =	simm.s32 $0x0;
	v5 =	vsub.f32 v12, v1;
	v23 =	vsub.f32 v6, v22;
	v6 =	vor.u32 v16, v7  }
0xb3: {  	s22 =	sand.u32 $0x800, s28;
	v7 =	vsub.f32 v8, v2;
	v8 =	vsub.f32 v9, v3  }
0xb4: {  	s29 =	simm.s32 $0x0;
	s30 =	sor.u32 $0x600, s22;
	v12 =	vand.u32 $0x7F, v20;
	v16 =	vld.idx.msk [tilespmem:v10+s9+$0x0], $0xffff;
	v9 =	vsub.f32 v15, v4;
	v15 =	vsub.f32 v18, v11  }
0xb5: {  	s23 =	sand.u32 $0x3FFFC000, s29;
	s31 =	sshrl.u32 s30, $0x2;
	v10 =	vshll.u32 v20, $0x3;
	v18 =	vsub.f32 v22, v21;
	v22 =	vld.idx.msk [tilespmem:v19+s9+$0x0], $0xffff;
	v19 =	vsub.f32 v17, v13  }
0xb6: {  	s25 =	sor.u32 s31, s23;
	v11 =	vsub.f32 v11, v1;
	v13 =	vsub.f32 v13, v3;
	v10 =	vand.u32 $0xFFFFFC00, v10  }
0xb7: {  	v17 =	vsub.f32 v23, v14;
	v10 =	vor.u32 v12, v10;
	v12 =	vsub.f32 v21, v2;
	v21 =	vld.idx.msk [tilespmem:v6+s25+$0x0], $0xffff  }
0xb8: {  	s24 =	sor.u32 $0x200, s22;
	s26 =	sshrl.u32 s22, $0x2;
	s22 =	sor.u32 $0x400, s22;
	v14 =	vsub.f32 v14, v4;
	v15 =	vsub.f32 v15, v5  }
0xb9: {  	s22 =	sshrl.u32 s22, $0x2;
	s20 =	sshrl.u32 s24, $0x2;
	s24 =	sor.u32 s26, s23;
	v18 =	vsub.f32 v18, v7;
	v19 =	vsub.f32 v19, v8;
	v20 =	vshll.u32 v16, $0x3  }
0xba: {  	s28 =	sor.u32 s20, s23;
	s23 =	sor.u32 s22, s23;
	v23 =	vand.u32 $0x7F, v16;
	v16 =	vsub.f32 v17, v9;
	v28 =	vld.idx.msk [tilespmem:v6+s24+$0x0], $0xffff;
	v20 =	vand.u32 $0xFFFFFC00, v20  }
0xbb: {  	v24 =	vshll.u32 v22, $0x3;
	v22 =	vand.u32 $0x7F, v22;
	v40 =	vld.idx.msk [tilespmem:v6+s23+$0x0], $0xffff;
	v17 =	vor.u32 v23, v20  }
0xbc: {  	v29 =	vld.idx.msk [tilespmem:v6+s28+$0x0], $0xffff;
	v20 =	vand.u32 $0xFFFFFC00, v24;
	v24 =	vmul.f32 v21, v12;
	v25 =	vmul.f32 v21, v16  }
0xbd: {  	v20 =	vor.u32 v22, v20;
	v22 =	vmul.f32 v21, v13;
	v26 =	vmul.f32 v21, v14  }
0xbe: {  	v27 =	vmul.f32 v21, v18;
	v30 =	vmul.f32 v21, v19  }
0xbf: {  	v48 =	vmul.f32 v21, v15;
	v21 =	vmul.f32 v21, v11  }
0xc0: {  	v49 =	vmul.f32 v28, v16;
	v50 =	vmul.f32 v40, v16  }
0xc1: {  	v51 =	vmul.f32 v28, v18;
	v52 =	vmul.f32 v29, v14  }
0xc2: {  	v53 =	vmul.f32 v29, v18;
	v54 =	vmul.f32 v29, v19  }
0xc3: {  	v55 =	vmul.f32 v40, v14;
	v56 =	vmul.f32 v40, v18  }
0xc4: {  	v23 =	vld.idx.msk [tilespmem:v10+s25+$0x0], $0xffff;
	v39 =	vmul.f32 v28, v12;
	v25 =	vadd.f32 v25, v9;
	v24 =	vadd.f32 v24, v2  }
0xc5: {  	v42 =	vmul.f32 v28, v13;
	v26 =	vadd.f32 v26, v4;
	v27 =	vadd.f32 v27, v7  }
0xc6: {  	v58 =	vmul.f32 v28, v15;
	v30 =	vadd.f32 v30, v8;
	v22 =	vadd.f32 v22, v3  }
0xc7: {  	v59 =	vmul.f32 v29, v12;
	v32 =	vadd.f32 v48, v5;
	v21 =	vadd.f32 v21, v1  }
0xc8: {  	v61 =	vmul.f32 v29, v13;
	v31 =	vld.idx.msk [tilespmem:v17+s25+$0x0], $0xffff;
	v33 =	vadd.f32 v50, v9;
	v35 =	vadd.f32 v53, v7  }
0xc9: {  	v41 =	vadd.f32 v54, v8;
	v34 =	vadd.f32 v55, v4;
	v25 =	vmul.f32 v25, v23  }
0xca: {  	v62 =	vmul.f32 v29, v15;
	v57 =	vadd.f32 v56, v7;
	v55 =	vadd.f32 v39, v2  }
0xcb: {  	v39 =	vadd.f32 v42, v3;
	v27 =	vmul.f32 v27, v23;
	v25 =	vadd.f32 v25, v26  }
0xcc: {  	v46 =	vadd.f32 v58, v5;
	v42 =	vadd.f32 v59, v2;
	v30 =	vmul.f32 v30, v23;
	v26 =	vld.idx.msk [tilespmem:v20+s25+$0x0], $0xffff  }
0xcd: {  	v32 =	vmul.f32 v32, v23;
	v24 =	vadd.f32 v27, v24;
	v25 =	vmul.f32 v25, v31  }
0xce: {  	v63 =	vmul.f32 v40, v12;
	v45 =	vadd.f32 v61, v3;
	v23 =	vld.idx.msk [tilespmem:v10+s24+$0x0], $0xffff;
	v22 =	vadd.f32 v30, v22  }
0xcf: {  	v30 =	vmul.f32 v29, v16;
	v32 =	vadd.f32 v32, v21;
	v21 =	vld.idx.msk [tilespmem:v10+s23+$0x0], $0xffff;
	v24 =	vadd.f32 v25, v24  }
0xd0: {  	v47 =	vadd.f32 v62, v5;
	v31 =	vmul.f32 v22, v31;
	v22 =	vld.idx.msk [tilespmem:v10+s28+$0x0], $0xffff;
	v25 =	vmul.f32 v28, v14  }
0xd1: {  	v27 =	vadd.f32 v49, v9;
	v24 =	vmul.f32 v24, v26;
	v26 =	vmul.f32 v28, v19  }
0xd2: {  	v53 =	vmul.f32 v40, v15;
	v30 =	vadd.f32 v30, v9;
	v31 =	vadd.f32 v31, v32  }
0xd3: {  	v25 =	vadd.f32 v25, v4;
	v38 =	vadd.f32 v26, v8;
	v26 =	vmul.f32 v27, v23  }
0xd4: {  	v48 =	vadd.f32 v63, v2;
	v33 =	vmul.f32 v33, v21;
	v31 =	vadd.f32 v24, v31  }
0xd5: {  	v30 =	vmul.f32 v30, v22;
	v24 =	vadd.f32 v51, v7;
	v60 =	vadd.f32 v26, v25;
	v26 =	vld.idx.msk [tilespmem:v17+s24+$0x0], $0xffff  }
0xd6: {  	v32 =	vadd.f32 v52, v4;
	v37 =	vmul.f32 v35, v22;
	v27 =	vmul.f32 v40, v19;
	v25 =	vld.idx.msk [tilespmem:v17+s28+$0x0], $0xffff  }
0xd7: {  	v54 =	vadd.f32 v33, v34;
	v34 =	vmul.f32 v41, v22;
	v52 =	vmul.f32 v24, v23;
	v24 =	vld.idx.msk [tilespmem:v17+s23+$0x0], $0xffff  }
0xd8: {  	s29 =	simm.s32 $0x0;
	v35 =	vmul.f32 v57, v21;
	v41 =	vmul.f32 v40, v11;
	v27 =	vadd.f32 v27, v8  }
0xd9: {  	s30 =	sand.u32 $0x3FFFFC00, s29;
	v51 =	vmul.f32 v40, v13;
	v50 =	vadd.f32 v30, v32;
	v30 =	vmul.f32 v29, v11;
	v29 =	vld.idx.msk [tilespmem:v20+s23+$0x0], $0xffff  }
0xda: {  	v49 =	vadd.f32 v53, v5;
	v36 =	vmul.f32 v38, v23;
	v33 =	vmul.f32 v27, v21;
	v27 =	vld.idx.msk [tilespmem:v20+s24+$0x0], $0xffff;
	s24 =	sadd.s32 s30, s17  }
0xdb: {  	s21 =	simm.s32 $0x0;
	v38 =	vmul.f32 v28, v11;
	v28 =	vld.idx.msk [tilespmem:v20+s28+$0x0], $0xffff;
	v43 =	vadd.f32 v51, v3;
	s19 =	sadd.s32 s26, s24;
	s31 =	sadd.s32 s31, s24;
	v32 =	vmul.f32 v60, v26  }
0xdc: {  	v44 =	vadd.f32 v52, v55;
	s18 =	sadd.s32 s20, s24;
	s20 =	sadd.s32 s22, s24;
	s22 =	simm.s32 $0x800;
	[tilespmem:s31+$0x10] =	vst v31;
	v40 =	vmul.f32 v50, v25;
	v31 =	vmul.f32 v54, v24  }
.LBB2_5:
0xdd: {  	s21 =	sadd.s32 $0x4, s21;
	s26 =	sand.u32 $0x800, s22;
	v23 =	vmul.f32 v46, v23;
	v36 =	vadd.f32 v36, v39;
	v37 =	vadd.f32 v37, v42  }
0xde: {  	v22 =	vmul.f32 v47, v22;
	v34 =	vadd.f32 v34, v45;
	v35 =	vadd.f32 v35, v48;
	s23 =	sshll.u32 s21, $0xB;
	s24 =	sor.u32 $0x200, s26;
	s25 =	sor.u32 $0x600, s26  }
0xdf: {  	v38 =	vadd.f32 v38, v1;
	v21 =	vmul.f32 v49, v21;
	v33 =	vadd.f32 v33, v43;
	s28 =	sor.u32 $0x400, s26;
	s31 =	sand.u32 $0x3FFFC000, s23;
	s23 =	sshrl.u32 s25, $0x2  }
0xe0: {  	v39 =	vadd.f32 v41, v1;
	s25 =	sshrl.u32 s24, $0x2;
	s24 =	sshrl.u32 s28, $0x2;
	v26 =	vmul.f32 v36, v26;
	v36 =	vadd.f32 v30, v1;
	s30 =	sor.u32 s23, s31  }
0xe1: {  	s26 =	sshrl.u32 s26, $0x2;
	v42 =	vadd.f32 v32, v44;
	v25 =	vmul.f32 v34, v25;
	v34 =	vadd.f32 v40, v37;
	s29 =	sor.u32 s25, s31;
	s28 =	sor.u32 s24, s31;
	v41 =	vld.idx.msk [tilespmem:v6+s30+$0x0], $0xffff  }
0xe2: {  	p0 =	slt.u32 s21, $0x1C;
	v23 =	vadd.f32 v23, v38;
	v24 =	vmul.f32 v33, v24;
	v33 =	vadd.f32 v31, v35;
	s31 =	sor.u32 s26, s31;
	v30 =	vld.idx.msk [tilespmem:v6+s29+$0x0], $0xffff  }
0xe3: {  	v21 =	vadd.f32 v21, v39;
	v27 =	vmul.f32 v42, v27;
	v22 =	vadd.f32 v22, v36;
	v32 =	vld.idx.msk [tilespmem:v6+s31+$0x0], $0xffff  }
0xe4: {  	v26 =	vadd.f32 v26, v23;
	v28 =	vmul.f32 v34, v28;
	v29 =	vmul.f32 v33, v29;
	v31 =	vld.idx.msk [tilespmem:v6+s28+$0x0], $0xffff  }
0xe5: {  	v24 =	vadd.f32 v24, v21;
	v25 =	vadd.f32 v25, v22;
	v33 =	vld.idx.msk [tilespmem:v10+s30+$0x0], $0xffff  }
0xe6: {  	v34 =	vadd.f32 v27, v26;
	v23 =	vld.idx.msk [tilespmem:v10+s31+$0x0], $0xffff  }
0xe7: {  	v35 =	vadd.f32 v28, v25;
	v27 =	vmul.f32 v41, v12;
	v26 =	vmul.f32 v41, v16;
	v22 =	vld.idx.msk [tilespmem:v10+s29+$0x0], $0xffff  }
0xe8: {  	v36 =	vadd.f32 v29, v24;
	v28 =	vmul.f32 v41, v13;
	v25 =	vmul.f32 v41, v14;
	v21 =	vld.idx.msk [tilespmem:v10+s28+$0x0], $0xffff  }
0xe9: {  	v24 =	vmul.f32 v41, v18;
	v29 =	vmul.f32 v41, v19;
	v38 =	vadd.f32 v26, v9;
	v37 =	vld.idx.msk [tilespmem:v17+s30+$0x0], $0xffff  }
0xea: {  	v40 =	vmul.f32 v41, v15;
	v39 =	vadd.f32 v27, v2;
	v27 =	vadd.f32 v25, v4;
	v26 =	vld.idx.msk [tilespmem:v17+s31+$0x0], $0xffff  }
0xeb: {  	v42 =	vadd.f32 v24, v7;
	v29 =	vadd.f32 v29, v8;
	v38 =	vmul.f32 v38, v33;
	v25 =	vld.idx.msk [tilespmem:v17+s29+$0x0], $0xffff  }
0xec: {  	v41 =	vmul.f32 v41, v11;
	v43 =	vadd.f32 v28, v3;
	v28 =	vadd.f32 v40, v5;
	v24 =	vld.idx.msk [tilespmem:v17+s28+$0x0], $0xffff  }
0xed: {  	v42 =	vmul.f32 v42, v33;
	v29 =	vmul.f32 v29, v33;
	v38 =	vadd.f32 v38, v27;
	v40 =	vld.idx.msk [tilespmem:v20+s30+$0x0], $0xffff  }
0xee: {  	v44 =	vmul.f32 v32, v16;
	v41 =	vadd.f32 v41, v1;
	v33 =	vmul.f32 v28, v33;
	v27 =	vld.idx.msk [tilespmem:v20+s31+$0x0], $0xffff  }
0xef: {  	v39 =	vadd.f32 v42, v39;
	v42 =	vadd.f32 v29, v43;
	v38 =	vmul.f32 v38, v37;
	v28 =	vld.idx.msk [tilespmem:v20+s29+$0x0], $0xffff  }
0xf0: {  	v45 =	vmul.f32 v31, v16;
	v43 =	vadd.f32 v44, v9;
	v44 =	vmul.f32 v30, v16;
	v29 =	vld.idx.msk [tilespmem:v20+s28+$0x0], $0xffff  }
0xf1: {  	v33 =	vadd.f32 v33, v41;
	v37 =	vmul.f32 v42, v37;
	v38 =	vadd.f32 v38, v39;
	[tilespmem:s19+$0x10] =	vst v34  }
0xf2: {  	v41 =	vadd.f32 v45, v9;
	v39 =	vadd.f32 v44, v9;
	v34 =	vmul.f32 v32, v14;
	[tilespmem:s18+$0x10] =	vst v35  }
0xf3: {  	v33 =	vadd.f32 v37, v33;
	v35 =	vmul.f32 v32, v18;
	s18 =	sshll.u32 s21, $0x7;
	v37 =	vmul.f32 v38, v40;
	[tilespmem:s20+$0x10] =	vst v36  }
0xf4: {  	v38 =	vmul.f32 v30, v14;
	v34 =	vadd.f32 v34, v4;
	v36 =	vmul.f32 v32, v19;
	s18 =	sand.u32 $0x3FFFFC00, s18  }
0xf5: {  	v42 =	vmul.f32 v30, v19;
	v40 =	vmul.f32 v30, v18;
	s20 =	sadd.s32 s18, s17;
	v33 =	vadd.f32 v37, v33  }
0xf6: {  	v44 =	vmul.f32 v31, v18;
	v35 =	vadd.f32 v35, v7;
	v37 =	vmul.f32 v31, v14;
	s19 =	sadd.s32 s26, s20;
	s18 =	sadd.s32 s25, s20;
	s23 =	sadd.s32 s23, s20  }
0xf7: {  	v45 =	vmul.f32 v31, v19;
	v43 =	vmul.f32 v43, v23;
	v36 =	vadd.f32 v36, v8;
	s20 =	sadd.s32 s24, s20;
	[tilespmem:s23+$0x10] =	vst v33  }
0xf8: {  	v33 =	vadd.f32 v38, v4;
	v38 =	vmul.f32 v39, v22;
	v39 =	vmul.f32 v41, v21  }
0xf9: {  	v42 =	vadd.f32 v42, v8;
	v40 =	vadd.f32 v40, v7;
	v41 =	vmul.f32 v32, v12  }
0xfa: {  	v46 =	vmul.f32 v32, v13;
	v44 =	vadd.f32 v44, v7;
	v37 =	vadd.f32 v37, v4  }
0xfb: {  	v48 =	vmul.f32 v30, v12;
	v47 =	vmul.f32 v32, v15;
	v45 =	vadd.f32 v45, v8  }
0xfc: {  	v50 =	vmul.f32 v30, v15;
	v49 =	vadd.f32 v43, v34;
	v43 =	vmul.f32 v30, v13  }
0xfd: {  	v52 =	vmul.f32 v31, v12;
	v53 =	vmul.f32 v31, v13;
	v51 =	vadd.f32 v38, v33  }
0xfe: {  	v55 =	vmul.f32 v31, v15;
	v54 =	vmul.f32 v35, v23;
	v56 =	vadd.f32 v39, v37  }
0xff: {  	v36 =	vmul.f32 v36, v23;
	v57 =	vadd.f32 v41, v2;
	v37 =	vmul.f32 v40, v22  }
0x100: {  	v34 =	vmul.f32 v42, v22;
	v35 =	vmul.f32 v44, v21;
	v39 =	vadd.f32 v46, v3  }
.Ltmp1:
0x101: {  	v42 =	vadd.f32 v48, v2;
	v46 =	vadd.f32 v47, v5;
	v33 =	vmul.f32 v45, v21;
	(pc) =	sbr.rel @p0 .LBB2_5-.Ltmp1, $4  }
0x102: {  	v38 =	vmul.f32 v32, v11;
	v45 =	vadd.f32 v43, v3;
	v47 =	vadd.f32 v50, v5  }
0x103: {  	v30 =	vmul.f32 v30, v11;
	v48 =	vadd.f32 v52, v2;
	v43 =	vadd.f32 v53, v3  }
0x104: {  	v32 =	vmul.f32 v49, v26;
	v41 =	vmul.f32 v31, v11;
	v49 =	vadd.f32 v55, v5  }
0x105: {  	s22 =	sadd.s32 $0x800, s22;
	v44 =	vadd.f32 v54, v57;
	v40 =	vmul.f32 v51, v25;
	v31 =	vmul.f32 v56, v24  }
0x106: {  	v3 =	vadd.f32 v36, v39;
	v4 =	vadd.f32 v37, v42  }
0x107: {  	v2 =	vmul.f32 v46, v23;
	v6 =	vadd.f32 v34, v45;
	v7 =	vadd.f32 v35, v48  }
0x108: {  	v5 =	vmul.f32 v47, v22;
	v8 =	vadd.f32 v38, v1;
	v10 =	vadd.f32 v33, v43  }
0x109: {  	v9 =	vmul.f32 v49, v21;
	v11 =	vadd.f32 v30, v1;
	v1 =	vadd.f32 v41, v1  }
0x10a: {  	v12 =	vadd.f32 v32, v44;
	v3 =	vmul.f32 v3, v26;
	v4 =	vadd.f32 v40, v4  }
0x10b: {  	v6 =	vmul.f32 v6, v25;
	v2 =	vadd.f32 v2, v8;
	v7 =	vadd.f32 v31, v7  }
0x10c: {  	v8 =	vmul.f32 v10, v24;
	v5 =	vadd.f32 v5, v11;
	v1 =	vadd.f32 v9, v1  }
0x10d: {  	s21 =	sor.u32 $0x20, s16;
	v10 =	vmul.f32 v12, v27;
	v2 =	vadd.f32 v3, v2;
	v3 =	vmul.f32 v4, v28  }
0x10e: {  	v4 =	vmul.f32 v7, v29;
	v5 =	vadd.f32 v6, v5;
	v6 =	vor.u32 s21, v0  }
0x10f: {  	v1 =	vadd.f32 v8, v1;
	v7 =	vshll.u32 v6, $0x4;
	v2 =	vadd.f32 v10, v2  }
0x110: {  	v3 =	vadd.f32 v3, v5;
	v5 =	vor.u32 $0x1, v7  }
0x111: {  	v1 =	vadd.f32 v4, v1;
	v4 =	vor.u32 $0x4, v7;
	[tilespmem:s19+$0x10] =	vst v2  }
0x112: {  	v8 =	vor.u32 $0x5, v7;
	[tilespmem:s18+$0x10] =	vst v3  }
0x113: {  	v9 =	vor.u32 $0x6, v7;
	[tilespmem:s20+$0x10] =	vst v1  }
0x114: {  	v2 =	vor.u32 $0x2, v7;
	v1 =	vld.idx.msk [tilespmem:v7+s8+$0x0], $0xffff  }
0x115: {  	v11 =	vor.u32 $0x8, v7;
	v5 =	vld.idx.msk [tilespmem:v5+s8+$0x0], $0xffff  }
0x116: {  	v13 =	vor.u32 $0xA, v7;
	v12 =	vld.idx.msk [tilespmem:v4+s8+$0x0], $0xffff  }
0x117: {  	v14 =	vor.u32 $0xB, v7;
	v8 =	vld.idx.msk [tilespmem:v8+s8+$0x0], $0xffff  }
0x118: {  	v16 =	vor.u32 $0xD, v7;
	v9 =	vld.idx.msk [tilespmem:v9+s8+$0x0], $0xffff  }
0x119: {  	v10 =	vld.idx.msk [tilespmem:v2+s8+$0x0], $0xffff;
	v2 =	vor.u32 $0x7, v7  }
0x11a: {  	v4 =	vor.u32 $0x9, v7;
	v11 =	vld.idx.msk [tilespmem:v11+s8+$0x0], $0xffff  }
0x11b: {  	v3 =	vor.u32 $0x3, v7;
	v13 =	vld.idx.msk [tilespmem:v13+s8+$0x0], $0xffff  }
0x11c: {  	v19 =	vshll.u32 v6, $0x3;
	v17 =	vor.u32 $0xE, v7;
	v14 =	vld.idx.msk [tilespmem:v14+s8+$0x0], $0xffff  }
0x11d: {  	v6 =	vld.idx.msk [tilespmem:v16+s8+$0x0], $0xffff;
	v16 =	vor.u32 $0x3, v19  }
0x11e: {  	v15 =	vld.idx.msk [tilespmem:v2+s8+$0x0], $0xffff;
	v2 =	vor.u32 $0xC, v7  }
0x11f: {  	v4 =	vld.idx.msk [tilespmem:v4+s8+$0x0], $0xffff;
	v7 =	vor.u32 $0xF, v7  }
0x120: {  	v3 =	vld.idx.msk [tilespmem:v3+s8+$0x0], $0xffff  }
0x121: {  	v17 =	vld.idx.msk [tilespmem:v17+s8+$0x0], $0xffff  }
0x122: {  	v16 =	vld.idx.msk [tilespmem:v16+s9+$0x0], $0xffff  }
0x123: {  	v20 =	vor.u32 $0x2, v19;
	v8 =	vsub.f32 v8, v12;
	v14 =	vsub.f32 v14, v13;
	v18 =	vld.idx.msk [tilespmem:v2+s8+$0x0], $0xffff  }
0x124: {  	v13 =	vsub.f32 v13, v11;
	v21 =	vsub.f32 v4, v11;
	v7 =	vld.idx.msk [tilespmem:v7+s8+$0x0], $0xffff  }
0x125: {  	v2 =	vsub.f32 v5, v1;
	v5 =	vsub.f32 v3, v10  }
0x126: {  	v15 =	vsub.f32 v15, v9;
	v3 =	vsub.f32 v10, v1  }
0x127: {  	v9 =	vsub.f32 v9, v12;
	v14 =	vsub.f32 v14, v21  }
0x128: {  	v20 =	vld.idx.msk [tilespmem:v20+s9+$0x0], $0xffff;
	v10 =	vor.u32 $0x1, v19;
	v4 =	vsub.f32 v5, v2;
	v15 =	vsub.f32 v15, v8  }
0x129: {  	v5 =	vshll.u32 v16, $0x3;
	v22 =	vsub.f32 v6, v18;
	v6 =	vsub.f32 v7, v17  }
0x12a: {  	v16 =	vand.u32 $0x7F, v16;
	v17 =	vsub.f32 v17, v18;
	v7 =	vand.u32 $0xFFFFFC00, v5  }
0x12b: {  	s28 =	simm.s32 $0x0;
	v5 =	vsub.f32 v12, v1;
	v23 =	vsub.f32 v6, v22;
	v6 =	vor.u32 v16, v7  }
0x12c: {  	s22 =	sand.u32 $0x800, s28;
	v7 =	vsub.f32 v8, v2;
	v8 =	vsub.f32 v9, v3  }
0x12d: {  	s29 =	simm.s32 $0x0;
	s30 =	sor.u32 $0x600, s22;
	v12 =	vand.u32 $0x7F, v20;
	v16 =	vld.idx.msk [tilespmem:v10+s9+$0x0], $0xffff;
	v9 =	vsub.f32 v15, v4;
	v15 =	vsub.f32 v18, v11  }
0x12e: {  	s23 =	sand.u32 $0x3FFFC000, s29;
	s31 =	sshrl.u32 s30, $0x2;
	v10 =	vshll.u32 v20, $0x3;
	v18 =	vsub.f32 v22, v21;
	v22 =	vld.idx.msk [tilespmem:v19+s9+$0x0], $0xffff;
	v19 =	vsub.f32 v17, v13  }
0x12f: {  	s25 =	sor.u32 s31, s23;
	v11 =	vsub.f32 v11, v1;
	v13 =	vsub.f32 v13, v3;
	v10 =	vand.u32 $0xFFFFFC00, v10  }
0x130: {  	v17 =	vsub.f32 v23, v14;
	v10 =	vor.u32 v12, v10;
	v12 =	vsub.f32 v21, v2;
	v21 =	vld.idx.msk [tilespmem:v6+s25+$0x0], $0xffff  }
0x131: {  	s24 =	sor.u32 $0x200, s22;
	s26 =	sshrl.u32 s22, $0x2;
	s22 =	sor.u32 $0x400, s22;
	v14 =	vsub.f32 v14, v4;
	v15 =	vsub.f32 v15, v5  }
0x132: {  	s22 =	sshrl.u32 s22, $0x2;
	s20 =	sshrl.u32 s24, $0x2;
	s24 =	sor.u32 s26, s23;
	v18 =	vsub.f32 v18, v7;
	v19 =	vsub.f32 v19, v8;
	v20 =	vshll.u32 v16, $0x3  }
0x133: {  	s28 =	sor.u32 s20, s23;
	s23 =	sor.u32 s22, s23;
	v23 =	vand.u32 $0x7F, v16;
	v16 =	vsub.f32 v17, v9;
	v28 =	vld.idx.msk [tilespmem:v6+s24+$0x0], $0xffff;
	v20 =	vand.u32 $0xFFFFFC00, v20  }
0x134: {  	v24 =	vshll.u32 v22, $0x3;
	v22 =	vand.u32 $0x7F, v22;
	v40 =	vld.idx.msk [tilespmem:v6+s23+$0x0], $0xffff;
	v17 =	vor.u32 v23, v20  }
0x135: {  	v29 =	vld.idx.msk [tilespmem:v6+s28+$0x0], $0xffff;
	v20 =	vand.u32 $0xFFFFFC00, v24;
	v24 =	vmul.f32 v21, v12;
	v25 =	vmul.f32 v21, v16  }
0x136: {  	v20 =	vor.u32 v22, v20;
	v22 =	vmul.f32 v21, v13;
	v26 =	vmul.f32 v21, v14  }
0x137: {  	v27 =	vmul.f32 v21, v18;
	v30 =	vmul.f32 v21, v19  }
0x138: {  	v48 =	vmul.f32 v21, v15;
	v21 =	vmul.f32 v21, v11  }
0x139: {  	v49 =	vmul.f32 v28, v16;
	v50 =	vmul.f32 v40, v16  }
0x13a: {  	v51 =	vmul.f32 v28, v18;
	v52 =	vmul.f32 v29, v14  }
0x13b: {  	v53 =	vmul.f32 v29, v18;
	v54 =	vmul.f32 v29, v19  }
0x13c: {  	v55 =	vmul.f32 v40, v14;
	v56 =	vmul.f32 v40, v18  }
0x13d: {  	v23 =	vld.idx.msk [tilespmem:v10+s25+$0x0], $0xffff;
	v39 =	vmul.f32 v28, v12;
	v25 =	vadd.f32 v25, v9;
	v24 =	vadd.f32 v24, v2  }
0x13e: {  	v42 =	vmul.f32 v28, v13;
	v26 =	vadd.f32 v26, v4;
	v27 =	vadd.f32 v27, v7  }
0x13f: {  	v58 =	vmul.f32 v28, v15;
	v30 =	vadd.f32 v30, v8;
	v22 =	vadd.f32 v22, v3  }
0x140: {  	v59 =	vmul.f32 v29, v12;
	v32 =	vadd.f32 v48, v5;
	v21 =	vadd.f32 v21, v1  }
0x141: {  	v61 =	vmul.f32 v29, v13;
	v31 =	vld.idx.msk [tilespmem:v17+s25+$0x0], $0xffff;
	v33 =	vadd.f32 v50, v9;
	v35 =	vadd.f32 v53, v7  }
0x142: {  	v41 =	vadd.f32 v54, v8;
	v34 =	vadd.f32 v55, v4;
	v25 =	vmul.f32 v25, v23  }
0x143: {  	v62 =	vmul.f32 v29, v15;
	v57 =	vadd.f32 v56, v7;
	v55 =	vadd.f32 v39, v2  }
0x144: {  	v39 =	vadd.f32 v42, v3;
	v27 =	vmul.f32 v27, v23;
	v25 =	vadd.f32 v25, v26  }
0x145: {  	v46 =	vadd.f32 v58, v5;
	v42 =	vadd.f32 v59, v2;
	v30 =	vmul.f32 v30, v23;
	v26 =	vld.idx.msk [tilespmem:v20+s25+$0x0], $0xffff  }
0x146: {  	v32 =	vmul.f32 v32, v23;
	v24 =	vadd.f32 v27, v24;
	v25 =	vmul.f32 v25, v31  }
0x147: {  	v63 =	vmul.f32 v40, v12;
	v45 =	vadd.f32 v61, v3;
	v23 =	vld.idx.msk [tilespmem:v10+s24+$0x0], $0xffff;
	v22 =	vadd.f32 v30, v22  }
0x148: {  	v30 =	vmul.f32 v29, v16;
	v32 =	vadd.f32 v32, v21;
	v21 =	vld.idx.msk [tilespmem:v10+s23+$0x0], $0xffff;
	v24 =	vadd.f32 v25, v24  }
0x149: {  	v47 =	vadd.f32 v62, v5;
	v31 =	vmul.f32 v22, v31;
	v22 =	vld.idx.msk [tilespmem:v10+s28+$0x0], $0xffff;
	v25 =	vmul.f32 v28, v14  }
0x14a: {  	v27 =	vadd.f32 v49, v9;
	v24 =	vmul.f32 v24, v26;
	v26 =	vmul.f32 v28, v19  }
0x14b: {  	v53 =	vmul.f32 v40, v15;
	v30 =	vadd.f32 v30, v9;
	v31 =	vadd.f32 v31, v32  }
0x14c: {  	v25 =	vadd.f32 v25, v4;
	v38 =	vadd.f32 v26, v8;
	v26 =	vmul.f32 v27, v23  }
0x14d: {  	v48 =	vadd.f32 v63, v2;
	v33 =	vmul.f32 v33, v21;
	v31 =	vadd.f32 v24, v31  }
0x14e: {  	v30 =	vmul.f32 v30, v22;
	v24 =	vadd.f32 v51, v7;
	v60 =	vadd.f32 v26, v25;
	v26 =	vld.idx.msk [tilespmem:v17+s24+$0x0], $0xffff  }
0x14f: {  	v32 =	vadd.f32 v52, v4;
	v37 =	vmul.f32 v35, v22;
	v27 =	vmul.f32 v40, v19;
	v25 =	vld.idx.msk [tilespmem:v17+s28+$0x0], $0xffff  }
0x150: {  	v54 =	vadd.f32 v33, v34;
	v34 =	vmul.f32 v41, v22;
	v52 =	vmul.f32 v24, v23;
	v24 =	vld.idx.msk [tilespmem:v17+s23+$0x0], $0xffff  }
0x151: {  	s29 =	simm.s32 $0x0;
	v35 =	vmul.f32 v57, v21;
	v41 =	vmul.f32 v40, v11;
	v27 =	vadd.f32 v27, v8  }
0x152: {  	s30 =	sand.u32 $0x3FFFFC00, s29;
	v51 =	vmul.f32 v40, v13;
	v50 =	vadd.f32 v30, v32;
	v30 =	vmul.f32 v29, v11;
	v29 =	vld.idx.msk [tilespmem:v20+s23+$0x0], $0xffff  }
0x153: {  	v49 =	vadd.f32 v53, v5;
	v36 =	vmul.f32 v38, v23;
	v33 =	vmul.f32 v27, v21;
	v27 =	vld.idx.msk [tilespmem:v20+s24+$0x0], $0xffff;
	s24 =	sadd.s32 s30, s17  }
0x154: {  	s21 =	simm.s32 $0x0;
	v38 =	vmul.f32 v28, v11;
	v28 =	vld.idx.msk [tilespmem:v20+s28+$0x0], $0xffff;
	v43 =	vadd.f32 v51, v3;
	s19 =	sadd.s32 s26, s24;
	s31 =	sadd.s32 s31, s24;
	v32 =	vmul.f32 v60, v26  }
0x155: {  	v44 =	vadd.f32 v52, v55;
	s18 =	sadd.s32 s20, s24;
	s20 =	sadd.s32 s22, s24;
	s22 =	simm.s32 $0x800;
	[tilespmem:s31+$0x20] =	vst v31;
	v40 =	vmul.f32 v50, v25;
	v31 =	vmul.f32 v54, v24  }
.LBB2_7:
0x156: {  	s21 =	sadd.s32 $0x4, s21;
	s26 =	sand.u32 $0x800, s22;
	v23 =	vmul.f32 v46, v23;
	v36 =	vadd.f32 v36, v39;
	v37 =	vadd.f32 v37, v42  }
0x157: {  	v22 =	vmul.f32 v47, v22;
	v34 =	vadd.f32 v34, v45;
	v35 =	vadd.f32 v35, v48;
	s23 =	sshll.u32 s21, $0xB;
	s24 =	sor.u32 $0x200, s26;
	s25 =	sor.u32 $0x600, s26  }
0x158: {  	v38 =	vadd.f32 v38, v1;
	v21 =	vmul.f32 v49, v21;
	v33 =	vadd.f32 v33, v43;
	s28 =	sor.u32 $0x400, s26;
	s31 =	sand.u32 $0x3FFFC000, s23;
	s23 =	sshrl.u32 s25, $0x2  }
0x159: {  	v39 =	vadd.f32 v41, v1;
	s25 =	sshrl.u32 s24, $0x2;
	s24 =	sshrl.u32 s28, $0x2;
	v26 =	vmul.f32 v36, v26;
	v36 =	vadd.f32 v30, v1;
	s30 =	sor.u32 s23, s31  }
0x15a: {  	s26 =	sshrl.u32 s26, $0x2;
	v42 =	vadd.f32 v32, v44;
	v25 =	vmul.f32 v34, v25;
	v34 =	vadd.f32 v40, v37;
	s29 =	sor.u32 s25, s31;
	s28 =	sor.u32 s24, s31;
	v41 =	vld.idx.msk [tilespmem:v6+s30+$0x0], $0xffff  }
0x15b: {  	p0 =	slt.u32 s21, $0x1C;
	v23 =	vadd.f32 v23, v38;
	v24 =	vmul.f32 v33, v24;
	v33 =	vadd.f32 v31, v35;
	s31 =	sor.u32 s26, s31;
	v30 =	vld.idx.msk [tilespmem:v6+s29+$0x0], $0xffff  }
0x15c: {  	v21 =	vadd.f32 v21, v39;
	v27 =	vmul.f32 v42, v27;
	v22 =	vadd.f32 v22, v36;
	v32 =	vld.idx.msk [tilespmem:v6+s31+$0x0], $0xffff  }
0x15d: {  	v26 =	vadd.f32 v26, v23;
	v28 =	vmul.f32 v34, v28;
	v29 =	vmul.f32 v33, v29;
	v31 =	vld.idx.msk [tilespmem:v6+s28+$0x0], $0xffff  }
0x15e: {  	v24 =	vadd.f32 v24, v21;
	v25 =	vadd.f32 v25, v22;
	v33 =	vld.idx.msk [tilespmem:v10+s30+$0x0], $0xffff  }
0x15f: {  	v34 =	vadd.f32 v27, v26;
	v23 =	vld.idx.msk [tilespmem:v10+s31+$0x0], $0xffff  }
0x160: {  	v35 =	vadd.f32 v28, v25;
	v27 =	vmul.f32 v41, v12;
	v26 =	vmul.f32 v41, v16;
	v22 =	vld.idx.msk [tilespmem:v10+s29+$0x0], $0xffff  }
0x161: {  	v36 =	vadd.f32 v29, v24;
	v28 =	vmul.f32 v41, v13;
	v25 =	vmul.f32 v41, v14;
	v21 =	vld.idx.msk [tilespmem:v10+s28+$0x0], $0xffff  }
0x162: {  	v24 =	vmul.f32 v41, v18;
	v29 =	vmul.f32 v41, v19;
	v38 =	vadd.f32 v26, v9;
	v37 =	vld.idx.msk [tilespmem:v17+s30+$0x0], $0xffff  }
0x163: {  	v40 =	vmul.f32 v41, v15;
	v39 =	vadd.f32 v27, v2;
	v27 =	vadd.f32 v25, v4;
	v26 =	vld.idx.msk [tilespmem:v17+s31+$0x0], $0xffff  }
0x164: {  	v42 =	vadd.f32 v24, v7;
	v29 =	vadd.f32 v29, v8;
	v38 =	vmul.f32 v38, v33;
	v25 =	vld.idx.msk [tilespmem:v17+s29+$0x0], $0xffff  }
0x165: {  	v41 =	vmul.f32 v41, v11;
	v43 =	vadd.f32 v28, v3;
	v28 =	vadd.f32 v40, v5;
	v24 =	vld.idx.msk [tilespmem:v17+s28+$0x0], $0xffff  }
0x166: {  	v42 =	vmul.f32 v42, v33;
	v29 =	vmul.f32 v29, v33;
	v38 =	vadd.f32 v38, v27;
	v40 =	vld.idx.msk [tilespmem:v20+s30+$0x0], $0xffff  }
0x167: {  	v44 =	vmul.f32 v32, v16;
	v41 =	vadd.f32 v41, v1;
	v33 =	vmul.f32 v28, v33;
	v27 =	vld.idx.msk [tilespmem:v20+s31+$0x0], $0xffff  }
0x168: {  	v39 =	vadd.f32 v42, v39;
	v42 =	vadd.f32 v29, v43;
	v38 =	vmul.f32 v38, v37;
	v28 =	vld.idx.msk [tilespmem:v20+s29+$0x0], $0xffff  }
0x169: {  	v45 =	vmul.f32 v31, v16;
	v43 =	vadd.f32 v44, v9;
	v44 =	vmul.f32 v30, v16;
	v29 =	vld.idx.msk [tilespmem:v20+s28+$0x0], $0xffff  }
0x16a: {  	v33 =	vadd.f32 v33, v41;
	v37 =	vmul.f32 v42, v37;
	v38 =	vadd.f32 v38, v39;
	[tilespmem:s19+$0x20] =	vst v34  }
0x16b: {  	v41 =	vadd.f32 v45, v9;
	v39 =	vadd.f32 v44, v9;
	v34 =	vmul.f32 v32, v14;
	[tilespmem:s18+$0x20] =	vst v35  }
0x16c: {  	v33 =	vadd.f32 v37, v33;
	v35 =	vmul.f32 v32, v18;
	s18 =	sshll.u32 s21, $0x7;
	v37 =	vmul.f32 v38, v40;
	[tilespmem:s20+$0x20] =	vst v36  }
0x16d: {  	v38 =	vmul.f32 v30, v14;
	v34 =	vadd.f32 v34, v4;
	v36 =	vmul.f32 v32, v19;
	s18 =	sand.u32 $0x3FFFFC00, s18  }
0x16e: {  	v42 =	vmul.f32 v30, v19;
	v40 =	vmul.f32 v30, v18;
	s20 =	sadd.s32 s18, s17;
	v33 =	vadd.f32 v37, v33  }
0x16f: {  	v44 =	vmul.f32 v31, v18;
	v35 =	vadd.f32 v35, v7;
	v37 =	vmul.f32 v31, v14;
	s19 =	sadd.s32 s26, s20;
	s18 =	sadd.s32 s25, s20;
	s23 =	sadd.s32 s23, s20  }
0x170: {  	v45 =	vmul.f32 v31, v19;
	v43 =	vmul.f32 v43, v23;
	v36 =	vadd.f32 v36, v8;
	s20 =	sadd.s32 s24, s20;
	[tilespmem:s23+$0x20] =	vst v33  }
0x171: {  	v33 =	vadd.f32 v38, v4;
	v38 =	vmul.f32 v39, v22;
	v39 =	vmul.f32 v41, v21  }
0x172: {  	v42 =	vadd.f32 v42, v8;
	v40 =	vadd.f32 v40, v7;
	v41 =	vmul.f32 v32, v12  }
0x173: {  	v46 =	vmul.f32 v32, v13;
	v44 =	vadd.f32 v44, v7;
	v37 =	vadd.f32 v37, v4  }
0x174: {  	v48 =	vmul.f32 v30, v12;
	v47 =	vmul.f32 v32, v15;
	v45 =	vadd.f32 v45, v8  }
0x175: {  	v50 =	vmul.f32 v30, v15;
	v49 =	vadd.f32 v43, v34;
	v43 =	vmul.f32 v30, v13  }
0x176: {  	v52 =	vmul.f32 v31, v12;
	v53 =	vmul.f32 v31, v13;
	v51 =	vadd.f32 v38, v33  }
0x177: {  	v55 =	vmul.f32 v31, v15;
	v54 =	vmul.f32 v35, v23;
	v56 =	vadd.f32 v39, v37  }
0x178: {  	v36 =	vmul.f32 v36, v23;
	v57 =	vadd.f32 v41, v2;
	v37 =	vmul.f32 v40, v22  }
0x179: {  	v34 =	vmul.f32 v42, v22;
	v35 =	vmul.f32 v44, v21;
	v39 =	vadd.f32 v46, v3  }
.Ltmp2:
0x17a: {  	v42 =	vadd.f32 v48, v2;
	v46 =	vadd.f32 v47, v5;
	v33 =	vmul.f32 v45, v21;
	(pc) =	sbr.rel @p0 .LBB2_7-.Ltmp2, $4  }
0x17b: {  	v38 =	vmul.f32 v32, v11;
	v45 =	vadd.f32 v43, v3;
	v47 =	vadd.f32 v50, v5  }
0x17c: {  	v30 =	vmul.f32 v30, v11;
	v48 =	vadd.f32 v52, v2;
	v43 =	vadd.f32 v53, v3  }
0x17d: {  	v32 =	vmul.f32 v49, v26;
	v41 =	vmul.f32 v31, v11;
	v49 =	vadd.f32 v55, v5  }
0x17e: {  	s22 =	sadd.s32 $0x800, s22;
	v44 =	vadd.f32 v54, v57;
	v40 =	vmul.f32 v51, v25;
	v31 =	vmul.f32 v56, v24  }
0x17f: {  	v3 =	vadd.f32 v36, v39;
	v4 =	vadd.f32 v37, v42  }
0x180: {  	v2 =	vmul.f32 v46, v23;
	v6 =	vadd.f32 v34, v45;
	v7 =	vadd.f32 v35, v48  }
0x181: {  	v5 =	vmul.f32 v47, v22;
	v8 =	vadd.f32 v38, v1;
	v10 =	vadd.f32 v33, v43  }
0x182: {  	v9 =	vmul.f32 v49, v21;
	v11 =	vadd.f32 v30, v1;
	v1 =	vadd.f32 v41, v1  }
0x183: {  	v12 =	vadd.f32 v32, v44;
	v3 =	vmul.f32 v3, v26;
	v4 =	vadd.f32 v40, v4  }
0x184: {  	v6 =	vmul.f32 v6, v25;
	v2 =	vadd.f32 v2, v8;
	v7 =	vadd.f32 v31, v7  }
0x185: {  	v8 =	vmul.f32 v10, v24;
	v5 =	vadd.f32 v5, v11;
	v1 =	vadd.f32 v9, v1  }
0x186: {  	s21 =	sor.u32 $0x30, s16;
	v10 =	vmul.f32 v12, v27;
	v2 =	vadd.f32 v3, v2;
	v3 =	vmul.f32 v4, v28  }
0x187: {  	v4 =	vmul.f32 v7, v29;
	v5 =	vadd.f32 v6, v5;
	v6 =	vor.u32 s21, v0  }
0x188: {  	v1 =	vadd.f32 v8, v1;
	v7 =	vshll.u32 v6, $0x4;
	v2 =	vadd.f32 v10, v2  }
0x189: {  	v3 =	vadd.f32 v3, v5;
	v5 =	vor.u32 $0x1, v7  }
0x18a: {  	v1 =	vadd.f32 v4, v1;
	v4 =	vor.u32 $0x4, v7;
	[tilespmem:s19+$0x20] =	vst v2  }
0x18b: {  	v8 =	vor.u32 $0x5, v7;
	[tilespmem:s18+$0x20] =	vst v3  }
0x18c: {  	v9 =	vor.u32 $0x6, v7;
	[tilespmem:s20+$0x20] =	vst v1  }
0x18d: {  	v2 =	vor.u32 $0x2, v7;
	v1 =	vld.idx.msk [tilespmem:v7+s8+$0x0], $0xffff  }
0x18e: {  	v11 =	vor.u32 $0x8, v7;
	v5 =	vld.idx.msk [tilespmem:v5+s8+$0x0], $0xffff  }
0x18f: {  	v13 =	vor.u32 $0xA, v7;
	v12 =	vld.idx.msk [tilespmem:v4+s8+$0x0], $0xffff  }
0x190: {  	v14 =	vor.u32 $0xB, v7;
	v8 =	vld.idx.msk [tilespmem:v8+s8+$0x0], $0xffff  }
0x191: {  	v16 =	vor.u32 $0xD, v7;
	v9 =	vld.idx.msk [tilespmem:v9+s8+$0x0], $0xffff  }
0x192: {  	v10 =	vld.idx.msk [tilespmem:v2+s8+$0x0], $0xffff;
	v2 =	vor.u32 $0x7, v7  }
0x193: {  	v4 =	vor.u32 $0x9, v7;
	v11 =	vld.idx.msk [tilespmem:v11+s8+$0x0], $0xffff  }
0x194: {  	v3 =	vor.u32 $0x3, v7;
	v13 =	vld.idx.msk [tilespmem:v13+s8+$0x0], $0xffff  }
0x195: {  	v19 =	vshll.u32 v6, $0x3;
	v17 =	vor.u32 $0xE, v7;
	v14 =	vld.idx.msk [tilespmem:v14+s8+$0x0], $0xffff  }
0x196: {  	v6 =	vld.idx.msk [tilespmem:v16+s8+$0x0], $0xffff;
	v16 =	vor.u32 $0x3, v19  }
0x197: {  	v15 =	vld.idx.msk [tilespmem:v2+s8+$0x0], $0xffff;
	v2 =	vor.u32 $0xC, v7  }
0x198: {  	v4 =	vld.idx.msk [tilespmem:v4+s8+$0x0], $0xffff;
	v7 =	vor.u32 $0xF, v7  }
0x199: {  	v3 =	vld.idx.msk [tilespmem:v3+s8+$0x0], $0xffff  }
0x19a: {  	v17 =	vld.idx.msk [tilespmem:v17+s8+$0x0], $0xffff  }
0x19b: {  	v16 =	vld.idx.msk [tilespmem:v16+s9+$0x0], $0xffff  }
0x19c: {  	v20 =	vor.u32 $0x2, v19;
	v8 =	vsub.f32 v8, v12;
	v14 =	vsub.f32 v14, v13;
	v18 =	vld.idx.msk [tilespmem:v2+s8+$0x0], $0xffff  }
0x19d: {  	v13 =	vsub.f32 v13, v11;
	v21 =	vsub.f32 v4, v11;
	v7 =	vld.idx.msk [tilespmem:v7+s8+$0x0], $0xffff  }
0x19e: {  	v2 =	vsub.f32 v5, v1;
	v5 =	vsub.f32 v3, v10  }
0x19f: {  	v15 =	vsub.f32 v15, v9;
	v3 =	vsub.f32 v10, v1  }
0x1a0: {  	v9 =	vsub.f32 v9, v12;
	v14 =	vsub.f32 v14, v21  }
0x1a1: {  	v20 =	vld.idx.msk [tilespmem:v20+s9+$0x0], $0xffff;
	v10 =	vor.u32 $0x1, v19;
	v4 =	vsub.f32 v5, v2;
	v15 =	vsub.f32 v15, v8  }
0x1a2: {  	v5 =	vshll.u32 v16, $0x3;
	v22 =	vsub.f32 v6, v18;
	v6 =	vsub.f32 v7, v17  }
0x1a3: {  	v16 =	vand.u32 $0x7F, v16;
	v17 =	vsub.f32 v17, v18;
	v7 =	vand.u32 $0xFFFFFC00, v5  }
0x1a4: {  	s28 =	simm.s32 $0x0;
	v5 =	vsub.f32 v12, v1;
	v23 =	vsub.f32 v6, v22;
	v6 =	vor.u32 v16, v7  }
0x1a5: {  	s22 =	sand.u32 $0x800, s28;
	v7 =	vsub.f32 v8, v2;
	v8 =	vsub.f32 v9, v3  }
0x1a6: {  	s29 =	simm.s32 $0x0;
	s30 =	sor.u32 $0x600, s22;
	v12 =	vand.u32 $0x7F, v20;
	v16 =	vld.idx.msk [tilespmem:v10+s9+$0x0], $0xffff;
	v9 =	vsub.f32 v15, v4;
	v15 =	vsub.f32 v18, v11  }
0x1a7: {  	s23 =	sand.u32 $0x3FFFC000, s29;
	s31 =	sshrl.u32 s30, $0x2;
	v10 =	vshll.u32 v20, $0x3;
	v18 =	vsub.f32 v22, v21;
	v22 =	vld.idx.msk [tilespmem:v19+s9+$0x0], $0xffff;
	v19 =	vsub.f32 v17, v13  }
0x1a8: {  	s25 =	sor.u32 s31, s23;
	v11 =	vsub.f32 v11, v1;
	v13 =	vsub.f32 v13, v3;
	v10 =	vand.u32 $0xFFFFFC00, v10  }
0x1a9: {  	v17 =	vsub.f32 v23, v14;
	v10 =	vor.u32 v12, v10;
	v12 =	vsub.f32 v21, v2;
	v21 =	vld.idx.msk [tilespmem:v6+s25+$0x0], $0xffff  }
0x1aa: {  	s24 =	sor.u32 $0x200, s22;
	s26 =	sshrl.u32 s22, $0x2;
	s22 =	sor.u32 $0x400, s22;
	v14 =	vsub.f32 v14, v4;
	v15 =	vsub.f32 v15, v5  }
0x1ab: {  	s22 =	sshrl.u32 s22, $0x2;
	s20 =	sshrl.u32 s24, $0x2;
	s24 =	sor.u32 s26, s23;
	v18 =	vsub.f32 v18, v7;
	v19 =	vsub.f32 v19, v8;
	v20 =	vshll.u32 v16, $0x3  }
0x1ac: {  	s28 =	sor.u32 s20, s23;
	s23 =	sor.u32 s22, s23;
	v23 =	vand.u32 $0x7F, v16;
	v16 =	vsub.f32 v17, v9;
	v28 =	vld.idx.msk [tilespmem:v6+s24+$0x0], $0xffff;
	v20 =	vand.u32 $0xFFFFFC00, v20  }
0x1ad: {  	v24 =	vshll.u32 v22, $0x3;
	v22 =	vand.u32 $0x7F, v22;
	v40 =	vld.idx.msk [tilespmem:v6+s23+$0x0], $0xffff;
	v17 =	vor.u32 v23, v20  }
0x1ae: {  	v29 =	vld.idx.msk [tilespmem:v6+s28+$0x0], $0xffff;
	v20 =	vand.u32 $0xFFFFFC00, v24;
	v24 =	vmul.f32 v21, v12;
	v25 =	vmul.f32 v21, v16  }
0x1af: {  	v20 =	vor.u32 v22, v20;
	v22 =	vmul.f32 v21, v13;
	v26 =	vmul.f32 v21, v14  }
0x1b0: {  	v27 =	vmul.f32 v21, v18;
	v30 =	vmul.f32 v21, v19  }
0x1b1: {  	v48 =	vmul.f32 v21, v15;
	v21 =	vmul.f32 v21, v11  }
0x1b2: {  	v49 =	vmul.f32 v28, v16;
	v50 =	vmul.f32 v40, v16  }
0x1b3: {  	v51 =	vmul.f32 v28, v18;
	v52 =	vmul.f32 v29, v14  }
0x1b4: {  	v53 =	vmul.f32 v29, v18;
	v54 =	vmul.f32 v29, v19  }
0x1b5: {  	v55 =	vmul.f32 v40, v14;
	v56 =	vmul.f32 v40, v18  }
0x1b6: {  	v23 =	vld.idx.msk [tilespmem:v10+s25+$0x0], $0xffff;
	v39 =	vmul.f32 v28, v12;
	v25 =	vadd.f32 v25, v9;
	v24 =	vadd.f32 v24, v2  }
0x1b7: {  	v42 =	vmul.f32 v28, v13;
	v26 =	vadd.f32 v26, v4;
	v27 =	vadd.f32 v27, v7  }
0x1b8: {  	v58 =	vmul.f32 v28, v15;
	v30 =	vadd.f32 v30, v8;
	v22 =	vadd.f32 v22, v3  }
0x1b9: {  	v59 =	vmul.f32 v29, v12;
	v32 =	vadd.f32 v48, v5;
	v21 =	vadd.f32 v21, v1  }
0x1ba: {  	v61 =	vmul.f32 v29, v13;
	v31 =	vld.idx.msk [tilespmem:v17+s25+$0x0], $0xffff;
	v33 =	vadd.f32 v50, v9;
	v35 =	vadd.f32 v53, v7  }
0x1bb: {  	v41 =	vadd.f32 v54, v8;
	v34 =	vadd.f32 v55, v4;
	v25 =	vmul.f32 v25, v23  }
0x1bc: {  	v62 =	vmul.f32 v29, v15;
	v57 =	vadd.f32 v56, v7;
	v55 =	vadd.f32 v39, v2  }
0x1bd: {  	v39 =	vadd.f32 v42, v3;
	v27 =	vmul.f32 v27, v23;
	v25 =	vadd.f32 v25, v26  }
0x1be: {  	v46 =	vadd.f32 v58, v5;
	v42 =	vadd.f32 v59, v2;
	v30 =	vmul.f32 v30, v23;
	v26 =	vld.idx.msk [tilespmem:v20+s25+$0x0], $0xffff  }
0x1bf: {  	v32 =	vmul.f32 v32, v23;
	v24 =	vadd.f32 v27, v24;
	v25 =	vmul.f32 v25, v31  }
0x1c0: {  	v63 =	vmul.f32 v40, v12;
	v45 =	vadd.f32 v61, v3;
	v23 =	vld.idx.msk [tilespmem:v10+s24+$0x0], $0xffff;
	v22 =	vadd.f32 v30, v22  }
0x1c1: {  	v30 =	vmul.f32 v29, v16;
	v32 =	vadd.f32 v32, v21;
	v21 =	vld.idx.msk [tilespmem:v10+s23+$0x0], $0xffff;
	v24 =	vadd.f32 v25, v24  }
0x1c2: {  	v47 =	vadd.f32 v62, v5;
	v31 =	vmul.f32 v22, v31;
	v22 =	vld.idx.msk [tilespmem:v10+s28+$0x0], $0xffff;
	v25 =	vmul.f32 v28, v14  }
0x1c3: {  	v27 =	vadd.f32 v49, v9;
	v24 =	vmul.f32 v24, v26;
	v26 =	vmul.f32 v28, v19  }
0x1c4: {  	v53 =	vmul.f32 v40, v15;
	v30 =	vadd.f32 v30, v9;
	v31 =	vadd.f32 v31, v32  }
0x1c5: {  	v25 =	vadd.f32 v25, v4;
	v38 =	vadd.f32 v26, v8;
	v26 =	vmul.f32 v27, v23  }
0x1c6: {  	v48 =	vadd.f32 v63, v2;
	v33 =	vmul.f32 v33, v21;
	v31 =	vadd.f32 v24, v31  }
0x1c7: {  	v30 =	vmul.f32 v30, v22;
	v24 =	vadd.f32 v51, v7;
	v60 =	vadd.f32 v26, v25;
	v26 =	vld.idx.msk [tilespmem:v17+s24+$0x0], $0xffff  }
0x1c8: {  	v32 =	vadd.f32 v52, v4;
	v37 =	vmul.f32 v35, v22;
	v27 =	vmul.f32 v40, v19;
	v25 =	vld.idx.msk [tilespmem:v17+s28+$0x0], $0xffff  }
0x1c9: {  	v54 =	vadd.f32 v33, v34;
	v34 =	vmul.f32 v41, v22;
	v52 =	vmul.f32 v24, v23;
	v24 =	vld.idx.msk [tilespmem:v17+s23+$0x0], $0xffff  }
0x1ca: {  	s29 =	simm.s32 $0x0;
	v35 =	vmul.f32 v57, v21;
	v41 =	vmul.f32 v40, v11;
	v27 =	vadd.f32 v27, v8  }
0x1cb: {  	s30 =	sand.u32 $0x3FFFFC00, s29;
	v51 =	vmul.f32 v40, v13;
	v50 =	vadd.f32 v30, v32;
	v30 =	vmul.f32 v29, v11;
	v29 =	vld.idx.msk [tilespmem:v20+s23+$0x0], $0xffff  }
0x1cc: {  	v49 =	vadd.f32 v53, v5;
	v36 =	vmul.f32 v38, v23;
	v33 =	vmul.f32 v27, v21;
	v27 =	vld.idx.msk [tilespmem:v20+s24+$0x0], $0xffff;
	s24 =	sadd.s32 s30, s17  }
0x1cd: {  	s21 =	simm.s32 $0x0;
	v38 =	vmul.f32 v28, v11;
	v28 =	vld.idx.msk [tilespmem:v20+s28+$0x0], $0xffff;
	v43 =	vadd.f32 v51, v3;
	s19 =	sadd.s32 s26, s24;
	s31 =	sadd.s32 s31, s24;
	v32 =	vmul.f32 v60, v26  }
0x1ce: {  	v44 =	vadd.f32 v52, v55;
	s18 =	sadd.s32 s20, s24;
	s20 =	sadd.s32 s22, s24;
	s22 =	simm.s32 $0x800;
	[tilespmem:s31+$0x30] =	vst v31;
	v40 =	vmul.f32 v50, v25;
	v31 =	vmul.f32 v54, v24  }
.LBB2_9:
0x1cf: {  	s21 =	sadd.s32 $0x4, s21;
	s26 =	sand.u32 $0x800, s22;
	v23 =	vmul.f32 v46, v23;
	v36 =	vadd.f32 v36, v39;
	v37 =	vadd.f32 v37, v42  }
0x1d0: {  	v22 =	vmul.f32 v47, v22;
	v34 =	vadd.f32 v34, v45;
	v35 =	vadd.f32 v35, v48;
	s23 =	sshll.u32 s21, $0xB;
	s24 =	sor.u32 $0x200, s26;
	s25 =	sor.u32 $0x600, s26  }
0x1d1: {  	v38 =	vadd.f32 v38, v1;
	v21 =	vmul.f32 v49, v21;
	v33 =	vadd.f32 v33, v43;
	s28 =	sor.u32 $0x400, s26;
	s31 =	sand.u32 $0x3FFFC000, s23;
	s23 =	sshrl.u32 s25, $0x2  }
0x1d2: {  	v39 =	vadd.f32 v41, v1;
	s25 =	sshrl.u32 s24, $0x2;
	s24 =	sshrl.u32 s28, $0x2;
	v26 =	vmul.f32 v36, v26;
	v36 =	vadd.f32 v30, v1;
	s30 =	sor.u32 s23, s31  }
0x1d3: {  	s26 =	sshrl.u32 s26, $0x2;
	v42 =	vadd.f32 v32, v44;
	v25 =	vmul.f32 v34, v25;
	v34 =	vadd.f32 v40, v37;
	s29 =	sor.u32 s25, s31;
	s28 =	sor.u32 s24, s31;
	v41 =	vld.idx.msk [tilespmem:v6+s30+$0x0], $0xffff  }
0x1d4: {  	p0 =	slt.u32 s21, $0x1C;
	v23 =	vadd.f32 v23, v38;
	v24 =	vmul.f32 v33, v24;
	v33 =	vadd.f32 v31, v35;
	s31 =	sor.u32 s26, s31;
	v30 =	vld.idx.msk [tilespmem:v6+s29+$0x0], $0xffff  }
0x1d5: {  	v21 =	vadd.f32 v21, v39;
	v27 =	vmul.f32 v42, v27;
	v22 =	vadd.f32 v22, v36;
	v32 =	vld.idx.msk [tilespmem:v6+s31+$0x0], $0xffff  }
0x1d6: {  	v26 =	vadd.f32 v26, v23;
	v28 =	vmul.f32 v34, v28;
	v29 =	vmul.f32 v33, v29;
	v31 =	vld.idx.msk [tilespmem:v6+s28+$0x0], $0xffff  }
0x1d7: {  	v24 =	vadd.f32 v24, v21;
	v25 =	vadd.f32 v25, v22;
	v33 =	vld.idx.msk [tilespmem:v10+s30+$0x0], $0xffff  }
0x1d8: {  	v34 =	vadd.f32 v27, v26;
	v23 =	vld.idx.msk [tilespmem:v10+s31+$0x0], $0xffff  }
0x1d9: {  	v35 =	vadd.f32 v28, v25;
	v27 =	vmul.f32 v41, v12;
	v26 =	vmul.f32 v41, v16;
	v22 =	vld.idx.msk [tilespmem:v10+s29+$0x0], $0xffff  }
0x1da: {  	v36 =	vadd.f32 v29, v24;
	v28 =	vmul.f32 v41, v13;
	v25 =	vmul.f32 v41, v14;
	v21 =	vld.idx.msk [tilespmem:v10+s28+$0x0], $0xffff  }
0x1db: {  	v24 =	vmul.f32 v41, v18;
	v29 =	vmul.f32 v41, v19;
	v38 =	vadd.f32 v26, v9;
	v37 =	vld.idx.msk [tilespmem:v17+s30+$0x0], $0xffff  }
0x1dc: {  	v40 =	vmul.f32 v41, v15;
	v39 =	vadd.f32 v27, v2;
	v27 =	vadd.f32 v25, v4;
	v26 =	vld.idx.msk [tilespmem:v17+s31+$0x0], $0xffff  }
0x1dd: {  	v42 =	vadd.f32 v24, v7;
	v29 =	vadd.f32 v29, v8;
	v38 =	vmul.f32 v38, v33;
	v25 =	vld.idx.msk [tilespmem:v17+s29+$0x0], $0xffff  }
0x1de: {  	v41 =	vmul.f32 v41, v11;
	v43 =	vadd.f32 v28, v3;
	v28 =	vadd.f32 v40, v5;
	v24 =	vld.idx.msk [tilespmem:v17+s28+$0x0], $0xffff  }
0x1df: {  	v42 =	vmul.f32 v42, v33;
	v29 =	vmul.f32 v29, v33;
	v38 =	vadd.f32 v38, v27;
	v40 =	vld.idx.msk [tilespmem:v20+s30+$0x0], $0xffff  }
0x1e0: {  	v44 =	vmul.f32 v32, v16;
	v41 =	vadd.f32 v41, v1;
	v33 =	vmul.f32 v28, v33;
	v27 =	vld.idx.msk [tilespmem:v20+s31+$0x0], $0xffff  }
0x1e1: {  	v39 =	vadd.f32 v42, v39;
	v42 =	vadd.f32 v29, v43;
	v38 =	vmul.f32 v38, v37;
	v28 =	vld.idx.msk [tilespmem:v20+s29+$0x0], $0xffff  }
0x1e2: {  	v45 =	vmul.f32 v31, v16;
	v43 =	vadd.f32 v44, v9;
	v44 =	vmul.f32 v30, v16;
	v29 =	vld.idx.msk [tilespmem:v20+s28+$0x0], $0xffff  }
0x1e3: {  	v33 =	vadd.f32 v33, v41;
	v37 =	vmul.f32 v42, v37;
	v38 =	vadd.f32 v38, v39;
	[tilespmem:s19+$0x30] =	vst v34  }
0x1e4: {  	v41 =	vadd.f32 v45, v9;
	v39 =	vadd.f32 v44, v9;
	v34 =	vmul.f32 v32, v14;
	[tilespmem:s18+$0x30] =	vst v35  }
0x1e5: {  	v33 =	vadd.f32 v37, v33;
	v35 =	vmul.f32 v32, v18;
	s18 =	sshll.u32 s21, $0x7;
	v37 =	vmul.f32 v38, v40;
	[tilespmem:s20+$0x30] =	vst v36  }
0x1e6: {  	v38 =	vmul.f32 v30, v14;
	v34 =	vadd.f32 v34, v4;
	v36 =	vmul.f32 v32, v19;
	s18 =	sand.u32 $0x3FFFFC00, s18  }
0x1e7: {  	v42 =	vmul.f32 v30, v19;
	v40 =	vmul.f32 v30, v18;
	s20 =	sadd.s32 s18, s17;
	v33 =	vadd.f32 v37, v33  }
0x1e8: {  	v44 =	vmul.f32 v31, v18;
	v35 =	vadd.f32 v35, v7;
	v37 =	vmul.f32 v31, v14;
	s19 =	sadd.s32 s26, s20;
	s18 =	sadd.s32 s25, s20;
	s23 =	sadd.s32 s23, s20  }
0x1e9: {  	v45 =	vmul.f32 v31, v19;
	v43 =	vmul.f32 v43, v23;
	v36 =	vadd.f32 v36, v8;
	s20 =	sadd.s32 s24, s20;
	[tilespmem:s23+$0x30] =	vst v33  }
0x1ea: {  	v33 =	vadd.f32 v38, v4;
	v38 =	vmul.f32 v39, v22;
	v39 =	vmul.f32 v41, v21  }
0x1eb: {  	v42 =	vadd.f32 v42, v8;
	v40 =	vadd.f32 v40, v7;
	v41 =	vmul.f32 v32, v12  }
0x1ec: {  	v46 =	vmul.f32 v32, v13;
	v44 =	vadd.f32 v44, v7;
	v37 =	vadd.f32 v37, v4  }
0x1ed: {  	v48 =	vmul.f32 v30, v12;
	v47 =	vmul.f32 v32, v15;
	v45 =	vadd.f32 v45, v8  }
0x1ee: {  	v50 =	vmul.f32 v30, v15;
	v49 =	vadd.f32 v43, v34;
	v43 =	vmul.f32 v30, v13  }
0x1ef: {  	v52 =	vmul.f32 v31, v12;
	v53 =	vmul.f32 v31, v13;
	v51 =	vadd.f32 v38, v33  }
0x1f0: {  	v55 =	vmul.f32 v31, v15;
	v54 =	vmul.f32 v35, v23;
	v56 =	vadd.f32 v39, v37  }
0x1f1: {  	v36 =	vmul.f32 v36, v23;
	v57 =	vadd.f32 v41, v2;
	v37 =	vmul.f32 v40, v22  }
0x1f2: {  	v34 =	vmul.f32 v42, v22;
	v35 =	vmul.f32 v44, v21;
	v39 =	vadd.f32 v46, v3  }
.Ltmp3:
0x1f3: {  	v42 =	vadd.f32 v48, v2;
	v46 =	vadd.f32 v47, v5;
	v33 =	vmul.f32 v45, v21;
	(pc) =	sbr.rel @p0 .LBB2_9-.Ltmp3, $4  }
0x1f4: {  	v38 =	vmul.f32 v32, v11;
	v45 =	vadd.f32 v43, v3;
	v47 =	vadd.f32 v50, v5  }
0x1f5: {  	v30 =	vmul.f32 v30, v11;
	v48 =	vadd.f32 v52, v2;
	v43 =	vadd.f32 v53, v3  }
0x1f6: {  	v32 =	vmul.f32 v49, v26;
	v41 =	vmul.f32 v31, v11;
	v49 =	vadd.f32 v55, v5  }
0x1f7: {  	s22 =	sadd.s32 $0x800, s22;
	v44 =	vadd.f32 v54, v57;
	v40 =	vmul.f32 v51, v25;
	v31 =	vmul.f32 v56, v24  }
0x1f8: {  	v3 =	vadd.f32 v36, v39;
	v4 =	vadd.f32 v37, v42  }
0x1f9: {  	v2 =	vmul.f32 v46, v23;
	v6 =	vadd.f32 v34, v45;
	v7 =	vadd.f32 v35, v48  }
0x1fa: {  	v5 =	vmul.f32 v47, v22;
	v8 =	vadd.f32 v38, v1;
	v10 =	vadd.f32 v33, v43  }
0x1fb: {  	v9 =	vmul.f32 v49, v21;
	v11 =	vadd.f32 v30, v1;
	v1 =	vadd.f32 v41, v1  }
0x1fc: {  	v12 =	vadd.f32 v32, v44;
	v3 =	vmul.f32 v3, v26;
	v4 =	vadd.f32 v40, v4  }
0x1fd: {  	v6 =	vmul.f32 v6, v25;
	v2 =	vadd.f32 v2, v8;
	v7 =	vadd.f32 v31, v7  }
0x1fe: {  	v8 =	vmul.f32 v10, v24;
	v5 =	vadd.f32 v5, v11;
	v1 =	vadd.f32 v9, v1  }
0x1ff: {  	s21 =	sor.u32 $0x40, s16;
	v10 =	vmul.f32 v12, v27;
	v2 =	vadd.f32 v3, v2;
	v3 =	vmul.f32 v4, v28  }
0x200: {  	v4 =	vmul.f32 v7, v29;
	v5 =	vadd.f32 v6, v5;
	v6 =	vor.u32 s21, v0  }
0x201: {  	v1 =	vadd.f32 v8, v1;
	v7 =	vshll.u32 v6, $0x4;
	v2 =	vadd.f32 v10, v2  }
0x202: {  	v3 =	vadd.f32 v3, v5;
	v5 =	vor.u32 $0x1, v7  }
0x203: {  	v1 =	vadd.f32 v4, v1;
	v4 =	vor.u32 $0x4, v7;
	[tilespmem:s19+$0x30] =	vst v2  }
0x204: {  	v8 =	vor.u32 $0x5, v7;
	[tilespmem:s18+$0x30] =	vst v3  }
0x205: {  	v9 =	vor.u32 $0x6, v7;
	[tilespmem:s20+$0x30] =	vst v1  }
0x206: {  	v2 =	vor.u32 $0x2, v7;
	v1 =	vld.idx.msk [tilespmem:v7+s8+$0x0], $0xffff  }
0x207: {  	v11 =	vor.u32 $0x8, v7;
	v5 =	vld.idx.msk [tilespmem:v5+s8+$0x0], $0xffff  }
0x208: {  	v13 =	vor.u32 $0xA, v7;
	v12 =	vld.idx.msk [tilespmem:v4+s8+$0x0], $0xffff  }
0x209: {  	v14 =	vor.u32 $0xB, v7;
	v8 =	vld.idx.msk [tilespmem:v8+s8+$0x0], $0xffff  }
0x20a: {  	v16 =	vor.u32 $0xD, v7;
	v9 =	vld.idx.msk [tilespmem:v9+s8+$0x0], $0xffff  }
0x20b: {  	v10 =	vld.idx.msk [tilespmem:v2+s8+$0x0], $0xffff;
	v2 =	vor.u32 $0x7, v7  }
0x20c: {  	v4 =	vor.u32 $0x9, v7;
	v11 =	vld.idx.msk [tilespmem:v11+s8+$0x0], $0xffff  }
0x20d: {  	v3 =	vor.u32 $0x3, v7;
	v13 =	vld.idx.msk [tilespmem:v13+s8+$0x0], $0xffff  }
0x20e: {  	v19 =	vshll.u32 v6, $0x3;
	v17 =	vor.u32 $0xE, v7;
	v14 =	vld.idx.msk [tilespmem:v14+s8+$0x0], $0xffff  }
0x20f: {  	v6 =	vld.idx.msk [tilespmem:v16+s8+$0x0], $0xffff;
	v16 =	vor.u32 $0x3, v19  }
0x210: {  	v15 =	vld.idx.msk [tilespmem:v2+s8+$0x0], $0xffff;
	v2 =	vor.u32 $0xC, v7  }
0x211: {  	v4 =	vld.idx.msk [tilespmem:v4+s8+$0x0], $0xffff;
	v7 =	vor.u32 $0xF, v7  }
0x212: {  	v3 =	vld.idx.msk [tilespmem:v3+s8+$0x0], $0xffff  }
0x213: {  	v17 =	vld.idx.msk [tilespmem:v17+s8+$0x0], $0xffff  }
0x214: {  	v16 =	vld.idx.msk [tilespmem:v16+s9+$0x0], $0xffff  }
0x215: {  	v20 =	vor.u32 $0x2, v19;
	v8 =	vsub.f32 v8, v12;
	v14 =	vsub.f32 v14, v13;
	v18 =	vld.idx.msk [tilespmem:v2+s8+$0x0], $0xffff  }
0x216: {  	v13 =	vsub.f32 v13, v11;
	v21 =	vsub.f32 v4, v11;
	v7 =	vld.idx.msk [tilespmem:v7+s8+$0x0], $0xffff  }
0x217: {  	v2 =	vsub.f32 v5, v1;
	v5 =	vsub.f32 v3, v10  }
0x218: {  	v15 =	vsub.f32 v15, v9;
	v3 =	vsub.f32 v10, v1  }
0x219: {  	v9 =	vsub.f32 v9, v12;
	v14 =	vsub.f32 v14, v21  }
0x21a: {  	v20 =	vld.idx.msk [tilespmem:v20+s9+$0x0], $0xffff;
	v10 =	vor.u32 $0x1, v19;
	v4 =	vsub.f32 v5, v2;
	v15 =	vsub.f32 v15, v8  }
0x21b: {  	v5 =	vshll.u32 v16, $0x3;
	v22 =	vsub.f32 v6, v18;
	v6 =	vsub.f32 v7, v17  }
0x21c: {  	v16 =	vand.u32 $0x7F, v16;
	v17 =	vsub.f32 v17, v18;
	v7 =	vand.u32 $0xFFFFFC00, v5  }
0x21d: {  	s28 =	simm.s32 $0x0;
	v5 =	vsub.f32 v12, v1;
	v23 =	vsub.f32 v6, v22;
	v6 =	vor.u32 v16, v7  }
0x21e: {  	s22 =	sand.u32 $0x800, s28;
	v7 =	vsub.f32 v8, v2;
	v8 =	vsub.f32 v9, v3  }
0x21f: {  	s29 =	simm.s32 $0x0;
	s30 =	sor.u32 $0x600, s22;
	v12 =	vand.u32 $0x7F, v20;
	v16 =	vld.idx.msk [tilespmem:v10+s9+$0x0], $0xffff;
	v9 =	vsub.f32 v15, v4;
	v15 =	vsub.f32 v18, v11  }
0x220: {  	s23 =	sand.u32 $0x3FFFC000, s29;
	s31 =	sshrl.u32 s30, $0x2;
	v10 =	vshll.u32 v20, $0x3;
	v18 =	vsub.f32 v22, v21;
	v22 =	vld.idx.msk [tilespmem:v19+s9+$0x0], $0xffff;
	v19 =	vsub.f32 v17, v13  }
0x221: {  	s25 =	sor.u32 s31, s23;
	v11 =	vsub.f32 v11, v1;
	v13 =	vsub.f32 v13, v3;
	v10 =	vand.u32 $0xFFFFFC00, v10  }
0x222: {  	v17 =	vsub.f32 v23, v14;
	v10 =	vor.u32 v12, v10;
	v12 =	vsub.f32 v21, v2;
	v21 =	vld.idx.msk [tilespmem:v6+s25+$0x0], $0xffff  }
0x223: {  	s24 =	sor.u32 $0x200, s22;
	s26 =	sshrl.u32 s22, $0x2;
	s22 =	sor.u32 $0x400, s22;
	v14 =	vsub.f32 v14, v4;
	v15 =	vsub.f32 v15, v5  }
0x224: {  	s22 =	sshrl.u32 s22, $0x2;
	s20 =	sshrl.u32 s24, $0x2;
	s24 =	sor.u32 s26, s23;
	v18 =	vsub.f32 v18, v7;
	v19 =	vsub.f32 v19, v8;
	v20 =	vshll.u32 v16, $0x3  }
0x225: {  	s28 =	sor.u32 s20, s23;
	s23 =	sor.u32 s22, s23;
	v23 =	vand.u32 $0x7F, v16;
	v16 =	vsub.f32 v17, v9;
	v28 =	vld.idx.msk [tilespmem:v6+s24+$0x0], $0xffff;
	v20 =	vand.u32 $0xFFFFFC00, v20  }
0x226: {  	v24 =	vshll.u32 v22, $0x3;
	v22 =	vand.u32 $0x7F, v22;
	v40 =	vld.idx.msk [tilespmem:v6+s23+$0x0], $0xffff;
	v17 =	vor.u32 v23, v20  }
0x227: {  	v29 =	vld.idx.msk [tilespmem:v6+s28+$0x0], $0xffff;
	v20 =	vand.u32 $0xFFFFFC00, v24;
	v24 =	vmul.f32 v21, v12;
	v25 =	vmul.f32 v21, v16  }
0x228: {  	v20 =	vor.u32 v22, v20;
	v22 =	vmul.f32 v21, v13;
	v26 =	vmul.f32 v21, v14  }
0x229: {  	v27 =	vmul.f32 v21, v18;
	v30 =	vmul.f32 v21, v19  }
0x22a: {  	v48 =	vmul.f32 v21, v15;
	v21 =	vmul.f32 v21, v11  }
0x22b: {  	v49 =	vmul.f32 v28, v16;
	v50 =	vmul.f32 v40, v16  }
0x22c: {  	v51 =	vmul.f32 v28, v18;
	v52 =	vmul.f32 v29, v14  }
0x22d: {  	v53 =	vmul.f32 v29, v18;
	v54 =	vmul.f32 v29, v19  }
0x22e: {  	v55 =	vmul.f32 v40, v14;
	v56 =	vmul.f32 v40, v18  }
0x22f: {  	v23 =	vld.idx.msk [tilespmem:v10+s25+$0x0], $0xffff;
	v39 =	vmul.f32 v28, v12;
	v25 =	vadd.f32 v25, v9;
	v24 =	vadd.f32 v24, v2  }
0x230: {  	v42 =	vmul.f32 v28, v13;
	v26 =	vadd.f32 v26, v4;
	v27 =	vadd.f32 v27, v7  }
0x231: {  	v58 =	vmul.f32 v28, v15;
	v30 =	vadd.f32 v30, v8;
	v22 =	vadd.f32 v22, v3  }
0x232: {  	v59 =	vmul.f32 v29, v12;
	v32 =	vadd.f32 v48, v5;
	v21 =	vadd.f32 v21, v1  }
0x233: {  	v61 =	vmul.f32 v29, v13;
	v31 =	vld.idx.msk [tilespmem:v17+s25+$0x0], $0xffff;
	v33 =	vadd.f32 v50, v9;
	v35 =	vadd.f32 v53, v7  }
0x234: {  	v41 =	vadd.f32 v54, v8;
	v34 =	vadd.f32 v55, v4;
	v25 =	vmul.f32 v25, v23  }
0x235: {  	v62 =	vmul.f32 v29, v15;
	v57 =	vadd.f32 v56, v7;
	v55 =	vadd.f32 v39, v2  }
0x236: {  	v39 =	vadd.f32 v42, v3;
	v27 =	vmul.f32 v27, v23;
	v25 =	vadd.f32 v25, v26  }
0x237: {  	v46 =	vadd.f32 v58, v5;
	v42 =	vadd.f32 v59, v2;
	v30 =	vmul.f32 v30, v23;
	v26 =	vld.idx.msk [tilespmem:v20+s25+$0x0], $0xffff  }
0x238: {  	v32 =	vmul.f32 v32, v23;
	v24 =	vadd.f32 v27, v24;
	v25 =	vmul.f32 v25, v31  }
0x239: {  	v63 =	vmul.f32 v40, v12;
	v45 =	vadd.f32 v61, v3;
	v23 =	vld.idx.msk [tilespmem:v10+s24+$0x0], $0xffff;
	v22 =	vadd.f32 v30, v22  }
0x23a: {  	v30 =	vmul.f32 v29, v16;
	v32 =	vadd.f32 v32, v21;
	v21 =	vld.idx.msk [tilespmem:v10+s23+$0x0], $0xffff;
	v24 =	vadd.f32 v25, v24  }
0x23b: {  	v47 =	vadd.f32 v62, v5;
	v31 =	vmul.f32 v22, v31;
	v22 =	vld.idx.msk [tilespmem:v10+s28+$0x0], $0xffff;
	v25 =	vmul.f32 v28, v14  }
0x23c: {  	v27 =	vadd.f32 v49, v9;
	v24 =	vmul.f32 v24, v26;
	v26 =	vmul.f32 v28, v19  }
0x23d: {  	v53 =	vmul.f32 v40, v15;
	v30 =	vadd.f32 v30, v9;
	v31 =	vadd.f32 v31, v32  }
0x23e: {  	v25 =	vadd.f32 v25, v4;
	v38 =	vadd.f32 v26, v8;
	v26 =	vmul.f32 v27, v23  }
0x23f: {  	v48 =	vadd.f32 v63, v2;
	v33 =	vmul.f32 v33, v21;
	v31 =	vadd.f32 v24, v31  }
0x240: {  	v30 =	vmul.f32 v30, v22;
	v24 =	vadd.f32 v51, v7;
	v60 =	vadd.f32 v26, v25;
	v26 =	vld.idx.msk [tilespmem:v17+s24+$0x0], $0xffff  }
0x241: {  	v32 =	vadd.f32 v52, v4;
	v37 =	vmul.f32 v35, v22;
	v27 =	vmul.f32 v40, v19;
	v25 =	vld.idx.msk [tilespmem:v17+s28+$0x0], $0xffff  }
0x242: {  	v54 =	vadd.f32 v33, v34;
	v34 =	vmul.f32 v41, v22;
	v52 =	vmul.f32 v24, v23;
	v24 =	vld.idx.msk [tilespmem:v17+s23+$0x0], $0xffff  }
0x243: {  	s29 =	simm.s32 $0x0;
	v35 =	vmul.f32 v57, v21;
	v41 =	vmul.f32 v40, v11;
	v27 =	vadd.f32 v27, v8  }
0x244: {  	s30 =	sand.u32 $0x3FFFFC00, s29;
	v51 =	vmul.f32 v40, v13;
	v50 =	vadd.f32 v30, v32;
	v30 =	vmul.f32 v29, v11;
	v29 =	vld.idx.msk [tilespmem:v20+s23+$0x0], $0xffff  }
0x245: {  	v49 =	vadd.f32 v53, v5;
	v36 =	vmul.f32 v38, v23;
	v33 =	vmul.f32 v27, v21;
	v27 =	vld.idx.msk [tilespmem:v20+s24+$0x0], $0xffff;
	s24 =	sadd.s32 s30, s17  }
0x246: {  	s21 =	simm.s32 $0x0;
	v38 =	vmul.f32 v28, v11;
	v28 =	vld.idx.msk [tilespmem:v20+s28+$0x0], $0xffff;
	v43 =	vadd.f32 v51, v3;
	s19 =	sadd.s32 s26, s24;
	s31 =	sadd.s32 s31, s24;
	v32 =	vmul.f32 v60, v26  }
0x247: {  	v44 =	vadd.f32 v52, v55;
	s18 =	sadd.s32 s20, s24;
	s20 =	sadd.s32 s22, s24;
	s22 =	simm.s32 $0x800;
	[tilespmem:s31+$0x40] =	vst v31;
	v40 =	vmul.f32 v50, v25;
	v31 =	vmul.f32 v54, v24  }
.LBB2_11:
0x248: {  	s21 =	sadd.s32 $0x4, s21;
	s26 =	sand.u32 $0x800, s22;
	v23 =	vmul.f32 v46, v23;
	v36 =	vadd.f32 v36, v39;
	v37 =	vadd.f32 v37, v42  }
0x249: {  	v22 =	vmul.f32 v47, v22;
	v34 =	vadd.f32 v34, v45;
	v35 =	vadd.f32 v35, v48;
	s23 =	sshll.u32 s21, $0xB;
	s24 =	sor.u32 $0x200, s26;
	s25 =	sor.u32 $0x600, s26  }
0x24a: {  	v38 =	vadd.f32 v38, v1;
	v21 =	vmul.f32 v49, v21;
	v33 =	vadd.f32 v33, v43;
	s28 =	sor.u32 $0x400, s26;
	s31 =	sand.u32 $0x3FFFC000, s23;
	s23 =	sshrl.u32 s25, $0x2  }
0x24b: {  	v39 =	vadd.f32 v41, v1;
	s25 =	sshrl.u32 s24, $0x2;
	s24 =	sshrl.u32 s28, $0x2;
	v26 =	vmul.f32 v36, v26;
	v36 =	vadd.f32 v30, v1;
	s30 =	sor.u32 s23, s31  }
0x24c: {  	s26 =	sshrl.u32 s26, $0x2;
	v42 =	vadd.f32 v32, v44;
	v25 =	vmul.f32 v34, v25;
	v34 =	vadd.f32 v40, v37;
	s29 =	sor.u32 s25, s31;
	s28 =	sor.u32 s24, s31;
	v41 =	vld.idx.msk [tilespmem:v6+s30+$0x0], $0xffff  }
0x24d: {  	p0 =	slt.u32 s21, $0x1C;
	v23 =	vadd.f32 v23, v38;
	v24 =	vmul.f32 v33, v24;
	v33 =	vadd.f32 v31, v35;
	s31 =	sor.u32 s26, s31;
	v30 =	vld.idx.msk [tilespmem:v6+s29+$0x0], $0xffff  }
0x24e: {  	v21 =	vadd.f32 v21, v39;
	v27 =	vmul.f32 v42, v27;
	v22 =	vadd.f32 v22, v36;
	v32 =	vld.idx.msk [tilespmem:v6+s31+$0x0], $0xffff  }
0x24f: {  	v26 =	vadd.f32 v26, v23;
	v28 =	vmul.f32 v34, v28;
	v29 =	vmul.f32 v33, v29;
	v31 =	vld.idx.msk [tilespmem:v6+s28+$0x0], $0xffff  }
0x250: {  	v24 =	vadd.f32 v24, v21;
	v25 =	vadd.f32 v25, v22;
	v33 =	vld.idx.msk [tilespmem:v10+s30+$0x0], $0xffff  }
0x251: {  	v34 =	vadd.f32 v27, v26;
	v23 =	vld.idx.msk [tilespmem:v10+s31+$0x0], $0xffff  }
0x252: {  	v35 =	vadd.f32 v28, v25;
	v27 =	vmul.f32 v41, v12;
	v26 =	vmul.f32 v41, v16;
	v22 =	vld.idx.msk [tilespmem:v10+s29+$0x0], $0xffff  }
0x253: {  	v36 =	vadd.f32 v29, v24;
	v28 =	vmul.f32 v41, v13;
	v25 =	vmul.f32 v41, v14;
	v21 =	vld.idx.msk [tilespmem:v10+s28+$0x0], $0xffff  }
0x254: {  	v24 =	vmul.f32 v41, v18;
	v29 =	vmul.f32 v41, v19;
	v38 =	vadd.f32 v26, v9;
	v37 =	vld.idx.msk [tilespmem:v17+s30+$0x0], $0xffff  }
0x255: {  	v40 =	vmul.f32 v41, v15;
	v39 =	vadd.f32 v27, v2;
	v27 =	vadd.f32 v25, v4;
	v26 =	vld.idx.msk [tilespmem:v17+s31+$0x0], $0xffff  }
0x256: {  	v42 =	vadd.f32 v24, v7;
	v29 =	vadd.f32 v29, v8;
	v38 =	vmul.f32 v38, v33;
	v25 =	vld.idx.msk [tilespmem:v17+s29+$0x0], $0xffff  }
0x257: {  	v41 =	vmul.f32 v41, v11;
	v43 =	vadd.f32 v28, v3;
	v28 =	vadd.f32 v40, v5;
	v24 =	vld.idx.msk [tilespmem:v17+s28+$0x0], $0xffff  }
0x258: {  	v42 =	vmul.f32 v42, v33;
	v29 =	vmul.f32 v29, v33;
	v38 =	vadd.f32 v38, v27;
	v40 =	vld.idx.msk [tilespmem:v20+s30+$0x0], $0xffff  }
0x259: {  	v44 =	vmul.f32 v32, v16;
	v41 =	vadd.f32 v41, v1;
	v33 =	vmul.f32 v28, v33;
	v27 =	vld.idx.msk [tilespmem:v20+s31+$0x0], $0xffff  }
0x25a: {  	v39 =	vadd.f32 v42, v39;
	v42 =	vadd.f32 v29, v43;
	v38 =	vmul.f32 v38, v37;
	v28 =	vld.idx.msk [tilespmem:v20+s29+$0x0], $0xffff  }
0x25b: {  	v45 =	vmul.f32 v31, v16;
	v43 =	vadd.f32 v44, v9;
	v44 =	vmul.f32 v30, v16;
	v29 =	vld.idx.msk [tilespmem:v20+s28+$0x0], $0xffff  }
0x25c: {  	v33 =	vadd.f32 v33, v41;
	v37 =	vmul.f32 v42, v37;
	v38 =	vadd.f32 v38, v39;
	[tilespmem:s19+$0x40] =	vst v34  }
0x25d: {  	v41 =	vadd.f32 v45, v9;
	v39 =	vadd.f32 v44, v9;
	v34 =	vmul.f32 v32, v14;
	[tilespmem:s18+$0x40] =	vst v35  }
0x25e: {  	v33 =	vadd.f32 v37, v33;
	v35 =	vmul.f32 v32, v18;
	s18 =	sshll.u32 s21, $0x7;
	v37 =	vmul.f32 v38, v40;
	[tilespmem:s20+$0x40] =	vst v36  }
0x25f: {  	v38 =	vmul.f32 v30, v14;
	v34 =	vadd.f32 v34, v4;
	v36 =	vmul.f32 v32, v19;
	s18 =	sand.u32 $0x3FFFFC00, s18  }
0x260: {  	v42 =	vmul.f32 v30, v19;
	v40 =	vmul.f32 v30, v18;
	s20 =	sadd.s32 s18, s17;
	v33 =	vadd.f32 v37, v33  }
0x261: {  	v44 =	vmul.f32 v31, v18;
	v35 =	vadd.f32 v35, v7;
	v37 =	vmul.f32 v31, v14;
	s19 =	sadd.s32 s26, s20;
	s18 =	sadd.s32 s25, s20;
	s23 =	sadd.s32 s23, s20  }
0x262: {  	v45 =	vmul.f32 v31, v19;
	v43 =	vmul.f32 v43, v23;
	v36 =	vadd.f32 v36, v8;
	s20 =	sadd.s32 s24, s20;
	[tilespmem:s23+$0x40] =	vst v33  }
0x263: {  	v33 =	vadd.f32 v38, v4;
	v38 =	vmul.f32 v39, v22;
	v39 =	vmul.f32 v41, v21  }
0x264: {  	v42 =	vadd.f32 v42, v8;
	v40 =	vadd.f32 v40, v7;
	v41 =	vmul.f32 v32, v12  }
0x265: {  	v46 =	vmul.f32 v32, v13;
	v44 =	vadd.f32 v44, v7;
	v37 =	vadd.f32 v37, v4  }
0x266: {  	v48 =	vmul.f32 v30, v12;
	v47 =	vmul.f32 v32, v15;
	v45 =	vadd.f32 v45, v8  }
0x267: {  	v50 =	vmul.f32 v30, v15;
	v49 =	vadd.f32 v43, v34;
	v43 =	vmul.f32 v30, v13  }
0x268: {  	v52 =	vmul.f32 v31, v12;
	v53 =	vmul.f32 v31, v13;
	v51 =	vadd.f32 v38, v33  }
0x269: {  	v55 =	vmul.f32 v31, v15;
	v54 =	vmul.f32 v35, v23;
	v56 =	vadd.f32 v39, v37  }
0x26a: {  	v36 =	vmul.f32 v36, v23;
	v57 =	vadd.f32 v41, v2;
	v37 =	vmul.f32 v40, v22  }
0x26b: {  	v34 =	vmul.f32 v42, v22;
	v35 =	vmul.f32 v44, v21;
	v39 =	vadd.f32 v46, v3  }
.Ltmp4:
0x26c: {  	v42 =	vadd.f32 v48, v2;
	v46 =	vadd.f32 v47, v5;
	v33 =	vmul.f32 v45, v21;
	(pc) =	sbr.rel @p0 .LBB2_11-.Ltmp4, $4  }
0x26d: {  	v38 =	vmul.f32 v32, v11;
	v45 =	vadd.f32 v43, v3;
	v47 =	vadd.f32 v50, v5  }
0x26e: {  	v30 =	vmul.f32 v30, v11;
	v48 =	vadd.f32 v52, v2;
	v43 =	vadd.f32 v53, v3  }
0x26f: {  	v32 =	vmul.f32 v49, v26;
	v41 =	vmul.f32 v31, v11;
	v49 =	vadd.f32 v55, v5  }
0x270: {  	s22 =	sadd.s32 $0x800, s22;
	v44 =	vadd.f32 v54, v57;
	v40 =	vmul.f32 v51, v25;
	v31 =	vmul.f32 v56, v24  }
0x271: {  	v3 =	vadd.f32 v36, v39;
	v4 =	vadd.f32 v37, v42  }
0x272: {  	v2 =	vmul.f32 v46, v23;
	v6 =	vadd.f32 v34, v45;
	v7 =	vadd.f32 v35, v48  }
0x273: {  	v5 =	vmul.f32 v47, v22;
	v8 =	vadd.f32 v38, v1;
	v10 =	vadd.f32 v33, v43  }
0x274: {  	v9 =	vmul.f32 v49, v21;
	v11 =	vadd.f32 v30, v1;
	v1 =	vadd.f32 v41, v1  }
0x275: {  	v12 =	vadd.f32 v32, v44;
	v3 =	vmul.f32 v3, v26;
	v4 =	vadd.f32 v40, v4  }
0x276: {  	v6 =	vmul.f32 v6, v25;
	v2 =	vadd.f32 v2, v8;
	v7 =	vadd.f32 v31, v7  }
0x277: {  	v8 =	vmul.f32 v10, v24;
	v5 =	vadd.f32 v5, v11;
	v1 =	vadd.f32 v9, v1  }
0x278: {  	s21 =	sor.u32 $0x50, s16;
	v10 =	vmul.f32 v12, v27;
	v2 =	vadd.f32 v3, v2;
	v3 =	vmul.f32 v4, v28  }
0x279: {  	v4 =	vmul.f32 v7, v29;
	v5 =	vadd.f32 v6, v5;
	v6 =	vor.u32 s21, v0  }
0x27a: {  	v1 =	vadd.f32 v8, v1;
	v7 =	vshll.u32 v6, $0x4;
	v2 =	vadd.f32 v10, v2  }
0x27b: {  	v3 =	vadd.f32 v3, v5;
	v5 =	vor.u32 $0x1, v7  }
0x27c: {  	v1 =	vadd.f32 v4, v1;
	v4 =	vor.u32 $0x4, v7;
	[tilespmem:s19+$0x40] =	vst v2  }
0x27d: {  	v8 =	vor.u32 $0x5, v7;
	[tilespmem:s18+$0x40] =	vst v3  }
0x27e: {  	v9 =	vor.u32 $0x6, v7;
	[tilespmem:s20+$0x40] =	vst v1  }
0x27f: {  	v2 =	vor.u32 $0x2, v7;
	v1 =	vld.idx.msk [tilespmem:v7+s8+$0x0], $0xffff  }
0x280: {  	v11 =	vor.u32 $0x8, v7;
	v5 =	vld.idx.msk [tilespmem:v5+s8+$0x0], $0xffff  }
0x281: {  	v13 =	vor.u32 $0xA, v7;
	v12 =	vld.idx.msk [tilespmem:v4+s8+$0x0], $0xffff  }
0x282: {  	v14 =	vor.u32 $0xB, v7;
	v8 =	vld.idx.msk [tilespmem:v8+s8+$0x0], $0xffff  }
0x283: {  	v16 =	vor.u32 $0xD, v7;
	v9 =	vld.idx.msk [tilespmem:v9+s8+$0x0], $0xffff  }
0x284: {  	v10 =	vld.idx.msk [tilespmem:v2+s8+$0x0], $0xffff;
	v2 =	vor.u32 $0x7, v7  }
0x285: {  	v4 =	vor.u32 $0x9, v7;
	v11 =	vld.idx.msk [tilespmem:v11+s8+$0x0], $0xffff  }
0x286: {  	v3 =	vor.u32 $0x3, v7;
	v13 =	vld.idx.msk [tilespmem:v13+s8+$0x0], $0xffff  }
0x287: {  	v19 =	vshll.u32 v6, $0x3;
	v17 =	vor.u32 $0xE, v7;
	v14 =	vld.idx.msk [tilespmem:v14+s8+$0x0], $0xffff  }
0x288: {  	v6 =	vld.idx.msk [tilespmem:v16+s8+$0x0], $0xffff;
	v16 =	vor.u32 $0x3, v19  }
0x289: {  	v15 =	vld.idx.msk [tilespmem:v2+s8+$0x0], $0xffff;
	v2 =	vor.u32 $0xC, v7  }
0x28a: {  	v4 =	vld.idx.msk [tilespmem:v4+s8+$0x0], $0xffff;
	v7 =	vor.u32 $0xF, v7  }
0x28b: {  	v3 =	vld.idx.msk [tilespmem:v3+s8+$0x0], $0xffff  }
0x28c: {  	v17 =	vld.idx.msk [tilespmem:v17+s8+$0x0], $0xffff  }
0x28d: {  	v16 =	vld.idx.msk [tilespmem:v16+s9+$0x0], $0xffff  }
0x28e: {  	v20 =	vor.u32 $0x2, v19;
	v8 =	vsub.f32 v8, v12;
	v14 =	vsub.f32 v14, v13;
	v18 =	vld.idx.msk [tilespmem:v2+s8+$0x0], $0xffff  }
0x28f: {  	v13 =	vsub.f32 v13, v11;
	v21 =	vsub.f32 v4, v11;
	v7 =	vld.idx.msk [tilespmem:v7+s8+$0x0], $0xffff  }
0x290: {  	v2 =	vsub.f32 v5, v1;
	v5 =	vsub.f32 v3, v10  }
0x291: {  	v15 =	vsub.f32 v15, v9;
	v3 =	vsub.f32 v10, v1  }
0x292: {  	v9 =	vsub.f32 v9, v12;
	v14 =	vsub.f32 v14, v21  }
0x293: {  	v20 =	vld.idx.msk [tilespmem:v20+s9+$0x0], $0xffff;
	v10 =	vor.u32 $0x1, v19;
	v4 =	vsub.f32 v5, v2;
	v15 =	vsub.f32 v15, v8  }
0x294: {  	v5 =	vshll.u32 v16, $0x3;
	v22 =	vsub.f32 v6, v18;
	v6 =	vsub.f32 v7, v17  }
0x295: {  	v16 =	vand.u32 $0x7F, v16;
	v17 =	vsub.f32 v17, v18;
	v7 =	vand.u32 $0xFFFFFC00, v5  }
0x296: {  	s28 =	simm.s32 $0x0;
	v5 =	vsub.f32 v12, v1;
	v23 =	vsub.f32 v6, v22;
	v6 =	vor.u32 v16, v7  }
0x297: {  	s22 =	sand.u32 $0x800, s28;
	v7 =	vsub.f32 v8, v2;
	v8 =	vsub.f32 v9, v3  }
0x298: {  	s29 =	simm.s32 $0x0;
	s30 =	sor.u32 $0x600, s22;
	v12 =	vand.u32 $0x7F, v20;
	v16 =	vld.idx.msk [tilespmem:v10+s9+$0x0], $0xffff;
	v9 =	vsub.f32 v15, v4;
	v15 =	vsub.f32 v18, v11  }
0x299: {  	s23 =	sand.u32 $0x3FFFC000, s29;
	s31 =	sshrl.u32 s30, $0x2;
	v10 =	vshll.u32 v20, $0x3;
	v18 =	vsub.f32 v22, v21;
	v22 =	vld.idx.msk [tilespmem:v19+s9+$0x0], $0xffff;
	v19 =	vsub.f32 v17, v13  }
0x29a: {  	s25 =	sor.u32 s31, s23;
	v11 =	vsub.f32 v11, v1;
	v13 =	vsub.f32 v13, v3;
	v10 =	vand.u32 $0xFFFFFC00, v10  }
0x29b: {  	v17 =	vsub.f32 v23, v14;
	v10 =	vor.u32 v12, v10;
	v12 =	vsub.f32 v21, v2;
	v21 =	vld.idx.msk [tilespmem:v6+s25+$0x0], $0xffff  }
0x29c: {  	s24 =	sor.u32 $0x200, s22;
	s26 =	sshrl.u32 s22, $0x2;
	s22 =	sor.u32 $0x400, s22;
	v14 =	vsub.f32 v14, v4;
	v15 =	vsub.f32 v15, v5  }
0x29d: {  	s22 =	sshrl.u32 s22, $0x2;
	s20 =	sshrl.u32 s24, $0x2;
	s24 =	sor.u32 s26, s23;
	v18 =	vsub.f32 v18, v7;
	v19 =	vsub.f32 v19, v8;
	v20 =	vshll.u32 v16, $0x3  }
0x29e: {  	s28 =	sor.u32 s20, s23;
	s23 =	sor.u32 s22, s23;
	v23 =	vand.u32 $0x7F, v16;
	v16 =	vsub.f32 v17, v9;
	v28 =	vld.idx.msk [tilespmem:v6+s24+$0x0], $0xffff;
	v20 =	vand.u32 $0xFFFFFC00, v20  }
0x29f: {  	v24 =	vshll.u32 v22, $0x3;
	v22 =	vand.u32 $0x7F, v22;
	v40 =	vld.idx.msk [tilespmem:v6+s23+$0x0], $0xffff;
	v17 =	vor.u32 v23, v20  }
0x2a0: {  	v29 =	vld.idx.msk [tilespmem:v6+s28+$0x0], $0xffff;
	v20 =	vand.u32 $0xFFFFFC00, v24;
	v24 =	vmul.f32 v21, v12;
	v25 =	vmul.f32 v21, v16  }
0x2a1: {  	v20 =	vor.u32 v22, v20;
	v22 =	vmul.f32 v21, v13;
	v26 =	vmul.f32 v21, v14  }
0x2a2: {  	v27 =	vmul.f32 v21, v18;
	v30 =	vmul.f32 v21, v19  }
0x2a3: {  	v48 =	vmul.f32 v21, v15;
	v21 =	vmul.f32 v21, v11  }
0x2a4: {  	v49 =	vmul.f32 v28, v16;
	v50 =	vmul.f32 v40, v16  }
0x2a5: {  	v51 =	vmul.f32 v28, v18;
	v52 =	vmul.f32 v29, v14  }
0x2a6: {  	v53 =	vmul.f32 v29, v18;
	v54 =	vmul.f32 v29, v19  }
0x2a7: {  	v55 =	vmul.f32 v40, v14;
	v56 =	vmul.f32 v40, v18  }
0x2a8: {  	v23 =	vld.idx.msk [tilespmem:v10+s25+$0x0], $0xffff;
	v39 =	vmul.f32 v28, v12;
	v25 =	vadd.f32 v25, v9;
	v24 =	vadd.f32 v24, v2  }
0x2a9: {  	v42 =	vmul.f32 v28, v13;
	v26 =	vadd.f32 v26, v4;
	v27 =	vadd.f32 v27, v7  }
0x2aa: {  	v58 =	vmul.f32 v28, v15;
	v30 =	vadd.f32 v30, v8;
	v22 =	vadd.f32 v22, v3  }
0x2ab: {  	v59 =	vmul.f32 v29, v12;
	v32 =	vadd.f32 v48, v5;
	v21 =	vadd.f32 v21, v1  }
0x2ac: {  	v61 =	vmul.f32 v29, v13;
	v31 =	vld.idx.msk [tilespmem:v17+s25+$0x0], $0xffff;
	v33 =	vadd.f32 v50, v9;
	v35 =	vadd.f32 v53, v7  }
0x2ad: {  	v41 =	vadd.f32 v54, v8;
	v34 =	vadd.f32 v55, v4;
	v25 =	vmul.f32 v25, v23  }
0x2ae: {  	v62 =	vmul.f32 v29, v15;
	v57 =	vadd.f32 v56, v7;
	v55 =	vadd.f32 v39, v2  }
0x2af: {  	v39 =	vadd.f32 v42, v3;
	v27 =	vmul.f32 v27, v23;
	v25 =	vadd.f32 v25, v26  }
0x2b0: {  	v46 =	vadd.f32 v58, v5;
	v42 =	vadd.f32 v59, v2;
	v30 =	vmul.f32 v30, v23;
	v26 =	vld.idx.msk [tilespmem:v20+s25+$0x0], $0xffff  }
0x2b1: {  	v32 =	vmul.f32 v32, v23;
	v24 =	vadd.f32 v27, v24;
	v25 =	vmul.f32 v25, v31  }
0x2b2: {  	v63 =	vmul.f32 v40, v12;
	v45 =	vadd.f32 v61, v3;
	v23 =	vld.idx.msk [tilespmem:v10+s24+$0x0], $0xffff;
	v22 =	vadd.f32 v30, v22  }
0x2b3: {  	v30 =	vmul.f32 v29, v16;
	v32 =	vadd.f32 v32, v21;
	v21 =	vld.idx.msk [tilespmem:v10+s23+$0x0], $0xffff;
	v24 =	vadd.f32 v25, v24  }
0x2b4: {  	v47 =	vadd.f32 v62, v5;
	v31 =	vmul.f32 v22, v31;
	v22 =	vld.idx.msk [tilespmem:v10+s28+$0x0], $0xffff;
	v25 =	vmul.f32 v28, v14  }
0x2b5: {  	v27 =	vadd.f32 v49, v9;
	v24 =	vmul.f32 v24, v26;
	v26 =	vmul.f32 v28, v19  }
0x2b6: {  	v53 =	vmul.f32 v40, v15;
	v30 =	vadd.f32 v30, v9;
	v31 =	vadd.f32 v31, v32  }
0x2b7: {  	v25 =	vadd.f32 v25, v4;
	v38 =	vadd.f32 v26, v8;
	v26 =	vmul.f32 v27, v23  }
0x2b8: {  	v48 =	vadd.f32 v63, v2;
	v33 =	vmul.f32 v33, v21;
	v31 =	vadd.f32 v24, v31  }
0x2b9: {  	v30 =	vmul.f32 v30, v22;
	v24 =	vadd.f32 v51, v7;
	v60 =	vadd.f32 v26, v25;
	v26 =	vld.idx.msk [tilespmem:v17+s24+$0x0], $0xffff  }
0x2ba: {  	v32 =	vadd.f32 v52, v4;
	v37 =	vmul.f32 v35, v22;
	v27 =	vmul.f32 v40, v19;
	v25 =	vld.idx.msk [tilespmem:v17+s28+$0x0], $0xffff  }
0x2bb: {  	v54 =	vadd.f32 v33, v34;
	v34 =	vmul.f32 v41, v22;
	v52 =	vmul.f32 v24, v23;
	v24 =	vld.idx.msk [tilespmem:v17+s23+$0x0], $0xffff  }
0x2bc: {  	s29 =	simm.s32 $0x0;
	v35 =	vmul.f32 v57, v21;
	v41 =	vmul.f32 v40, v11;
	v27 =	vadd.f32 v27, v8  }
0x2bd: {  	s30 =	sand.u32 $0x3FFFFC00, s29;
	v51 =	vmul.f32 v40, v13;
	v50 =	vadd.f32 v30, v32;
	v30 =	vmul.f32 v29, v11;
	v29 =	vld.idx.msk [tilespmem:v20+s23+$0x0], $0xffff  }
0x2be: {  	v49 =	vadd.f32 v53, v5;
	v36 =	vmul.f32 v38, v23;
	v33 =	vmul.f32 v27, v21;
	v27 =	vld.idx.msk [tilespmem:v20+s24+$0x0], $0xffff;
	s24 =	sadd.s32 s30, s17  }
0x2bf: {  	s21 =	simm.s32 $0x0;
	v38 =	vmul.f32 v28, v11;
	v28 =	vld.idx.msk [tilespmem:v20+s28+$0x0], $0xffff;
	v43 =	vadd.f32 v51, v3;
	s19 =	sadd.s32 s26, s24;
	s31 =	sadd.s32 s31, s24;
	v32 =	vmul.f32 v60, v26  }
0x2c0: {  	v44 =	vadd.f32 v52, v55;
	s18 =	sadd.s32 s20, s24;
	s20 =	sadd.s32 s22, s24;
	s22 =	simm.s32 $0x800;
	[tilespmem:s31+$0x50] =	vst v31;
	v40 =	vmul.f32 v50, v25;
	v31 =	vmul.f32 v54, v24  }
.LBB2_13:
0x2c1: {  	s21 =	sadd.s32 $0x4, s21;
	s26 =	sand.u32 $0x800, s22;
	v23 =	vmul.f32 v46, v23;
	v36 =	vadd.f32 v36, v39;
	v37 =	vadd.f32 v37, v42  }
0x2c2: {  	v22 =	vmul.f32 v47, v22;
	v34 =	vadd.f32 v34, v45;
	v35 =	vadd.f32 v35, v48;
	s23 =	sshll.u32 s21, $0xB;
	s24 =	sor.u32 $0x200, s26;
	s25 =	sor.u32 $0x600, s26  }
0x2c3: {  	v38 =	vadd.f32 v38, v1;
	v21 =	vmul.f32 v49, v21;
	v33 =	vadd.f32 v33, v43;
	s28 =	sor.u32 $0x400, s26;
	s31 =	sand.u32 $0x3FFFC000, s23;
	s23 =	sshrl.u32 s25, $0x2  }
0x2c4: {  	v39 =	vadd.f32 v41, v1;
	s25 =	sshrl.u32 s24, $0x2;
	s24 =	sshrl.u32 s28, $0x2;
	v26 =	vmul.f32 v36, v26;
	v36 =	vadd.f32 v30, v1;
	s30 =	sor.u32 s23, s31  }
0x2c5: {  	s26 =	sshrl.u32 s26, $0x2;
	v42 =	vadd.f32 v32, v44;
	v25 =	vmul.f32 v34, v25;
	v34 =	vadd.f32 v40, v37;
	s29 =	sor.u32 s25, s31;
	s28 =	sor.u32 s24, s31;
	v41 =	vld.idx.msk [tilespmem:v6+s30+$0x0], $0xffff  }
0x2c6: {  	p0 =	slt.u32 s21, $0x1C;
	v23 =	vadd.f32 v23, v38;
	v24 =	vmul.f32 v33, v24;
	v33 =	vadd.f32 v31, v35;
	s31 =	sor.u32 s26, s31;
	v30 =	vld.idx.msk [tilespmem:v6+s29+$0x0], $0xffff  }
0x2c7: {  	v21 =	vadd.f32 v21, v39;
	v27 =	vmul.f32 v42, v27;
	v22 =	vadd.f32 v22, v36;
	v32 =	vld.idx.msk [tilespmem:v6+s31+$0x0], $0xffff  }
0x2c8: {  	v26 =	vadd.f32 v26, v23;
	v28 =	vmul.f32 v34, v28;
	v29 =	vmul.f32 v33, v29;
	v31 =	vld.idx.msk [tilespmem:v6+s28+$0x0], $0xffff  }
0x2c9: {  	v24 =	vadd.f32 v24, v21;
	v25 =	vadd.f32 v25, v22;
	v33 =	vld.idx.msk [tilespmem:v10+s30+$0x0], $0xffff  }
0x2ca: {  	v34 =	vadd.f32 v27, v26;
	v23 =	vld.idx.msk [tilespmem:v10+s31+$0x0], $0xffff  }
0x2cb: {  	v35 =	vadd.f32 v28, v25;
	v27 =	vmul.f32 v41, v12;
	v26 =	vmul.f32 v41, v16;
	v22 =	vld.idx.msk [tilespmem:v10+s29+$0x0], $0xffff  }
0x2cc: {  	v36 =	vadd.f32 v29, v24;
	v28 =	vmul.f32 v41, v13;
	v25 =	vmul.f32 v41, v14;
	v21 =	vld.idx.msk [tilespmem:v10+s28+$0x0], $0xffff  }
0x2cd: {  	v24 =	vmul.f32 v41, v18;
	v29 =	vmul.f32 v41, v19;
	v38 =	vadd.f32 v26, v9;
	v37 =	vld.idx.msk [tilespmem:v17+s30+$0x0], $0xffff  }
0x2ce: {  	v40 =	vmul.f32 v41, v15;
	v39 =	vadd.f32 v27, v2;
	v27 =	vadd.f32 v25, v4;
	v26 =	vld.idx.msk [tilespmem:v17+s31+$0x0], $0xffff  }
0x2cf: {  	v42 =	vadd.f32 v24, v7;
	v29 =	vadd.f32 v29, v8;
	v38 =	vmul.f32 v38, v33;
	v25 =	vld.idx.msk [tilespmem:v17+s29+$0x0], $0xffff  }
0x2d0: {  	v41 =	vmul.f32 v41, v11;
	v43 =	vadd.f32 v28, v3;
	v28 =	vadd.f32 v40, v5;
	v24 =	vld.idx.msk [tilespmem:v17+s28+$0x0], $0xffff  }
0x2d1: {  	v42 =	vmul.f32 v42, v33;
	v29 =	vmul.f32 v29, v33;
	v38 =	vadd.f32 v38, v27;
	v40 =	vld.idx.msk [tilespmem:v20+s30+$0x0], $0xffff  }
0x2d2: {  	v44 =	vmul.f32 v32, v16;
	v41 =	vadd.f32 v41, v1;
	v33 =	vmul.f32 v28, v33;
	v27 =	vld.idx.msk [tilespmem:v20+s31+$0x0], $0xffff  }
0x2d3: {  	v39 =	vadd.f32 v42, v39;
	v42 =	vadd.f32 v29, v43;
	v38 =	vmul.f32 v38, v37;
	v28 =	vld.idx.msk [tilespmem:v20+s29+$0x0], $0xffff  }
0x2d4: {  	v45 =	vmul.f32 v31, v16;
	v43 =	vadd.f32 v44, v9;
	v44 =	vmul.f32 v30, v16;
	v29 =	vld.idx.msk [tilespmem:v20+s28+$0x0], $0xffff  }
0x2d5: {  	v33 =	vadd.f32 v33, v41;
	v37 =	vmul.f32 v42, v37;
	v38 =	vadd.f32 v38, v39;
	[tilespmem:s19+$0x50] =	vst v34  }
0x2d6: {  	v41 =	vadd.f32 v45, v9;
	v39 =	vadd.f32 v44, v9;
	v34 =	vmul.f32 v32, v14;
	[tilespmem:s18+$0x50] =	vst v35  }
0x2d7: {  	v33 =	vadd.f32 v37, v33;
	v35 =	vmul.f32 v32, v18;
	s18 =	sshll.u32 s21, $0x7;
	v37 =	vmul.f32 v38, v40;
	[tilespmem:s20+$0x50] =	vst v36  }
0x2d8: {  	v38 =	vmul.f32 v30, v14;
	v34 =	vadd.f32 v34, v4;
	v36 =	vmul.f32 v32, v19;
	s18 =	sand.u32 $0x3FFFFC00, s18  }
0x2d9: {  	v42 =	vmul.f32 v30, v19;
	v40 =	vmul.f32 v30, v18;
	s20 =	sadd.s32 s18, s17;
	v33 =	vadd.f32 v37, v33  }
0x2da: {  	v44 =	vmul.f32 v31, v18;
	v35 =	vadd.f32 v35, v7;
	v37 =	vmul.f32 v31, v14;
	s19 =	sadd.s32 s26, s20;
	s18 =	sadd.s32 s25, s20;
	s23 =	sadd.s32 s23, s20  }
0x2db: {  	v45 =	vmul.f32 v31, v19;
	v43 =	vmul.f32 v43, v23;
	v36 =	vadd.f32 v36, v8;
	s20 =	sadd.s32 s24, s20;
	[tilespmem:s23+$0x50] =	vst v33  }
0x2dc: {  	v33 =	vadd.f32 v38, v4;
	v38 =	vmul.f32 v39, v22;
	v39 =	vmul.f32 v41, v21  }
0x2dd: {  	v42 =	vadd.f32 v42, v8;
	v40 =	vadd.f32 v40, v7;
	v41 =	vmul.f32 v32, v12  }
0x2de: {  	v46 =	vmul.f32 v32, v13;
	v44 =	vadd.f32 v44, v7;
	v37 =	vadd.f32 v37, v4  }
0x2df: {  	v48 =	vmul.f32 v30, v12;
	v47 =	vmul.f32 v32, v15;
	v45 =	vadd.f32 v45, v8  }
0x2e0: {  	v50 =	vmul.f32 v30, v15;
	v49 =	vadd.f32 v43, v34;
	v43 =	vmul.f32 v30, v13  }
0x2e1: {  	v52 =	vmul.f32 v31, v12;
	v53 =	vmul.f32 v31, v13;
	v51 =	vadd.f32 v38, v33  }
0x2e2: {  	v55 =	vmul.f32 v31, v15;
	v54 =	vmul.f32 v35, v23;
	v56 =	vadd.f32 v39, v37  }
0x2e3: {  	v36 =	vmul.f32 v36, v23;
	v57 =	vadd.f32 v41, v2;
	v37 =	vmul.f32 v40, v22  }
0x2e4: {  	v34 =	vmul.f32 v42, v22;
	v35 =	vmul.f32 v44, v21;
	v39 =	vadd.f32 v46, v3  }
.Ltmp5:
0x2e5: {  	v42 =	vadd.f32 v48, v2;
	v46 =	vadd.f32 v47, v5;
	v33 =	vmul.f32 v45, v21;
	(pc) =	sbr.rel @p0 .LBB2_13-.Ltmp5, $4  }
0x2e6: {  	v38 =	vmul.f32 v32, v11;
	v45 =	vadd.f32 v43, v3;
	v47 =	vadd.f32 v50, v5  }
0x2e7: {  	v30 =	vmul.f32 v30, v11;
	v48 =	vadd.f32 v52, v2;
	v43 =	vadd.f32 v53, v3  }
0x2e8: {  	v32 =	vmul.f32 v49, v26;
	v41 =	vmul.f32 v31, v11;
	v49 =	vadd.f32 v55, v5  }
0x2e9: {  	s22 =	sadd.s32 $0x800, s22;
	v44 =	vadd.f32 v54, v57;
	v40 =	vmul.f32 v51, v25;
	v31 =	vmul.f32 v56, v24  }
0x2ea: {  	v3 =	vadd.f32 v36, v39;
	v4 =	vadd.f32 v37, v42  }
0x2eb: {  	v2 =	vmul.f32 v46, v23;
	v6 =	vadd.f32 v34, v45;
	v7 =	vadd.f32 v35, v48  }
0x2ec: {  	v5 =	vmul.f32 v47, v22;
	v8 =	vadd.f32 v38, v1;
	v10 =	vadd.f32 v33, v43  }
0x2ed: {  	v9 =	vmul.f32 v49, v21;
	v11 =	vadd.f32 v30, v1;
	v1 =	vadd.f32 v41, v1  }
0x2ee: {  	v12 =	vadd.f32 v32, v44;
	v3 =	vmul.f32 v3, v26;
	v4 =	vadd.f32 v40, v4  }
0x2ef: {  	v6 =	vmul.f32 v6, v25;
	v2 =	vadd.f32 v2, v8;
	v7 =	vadd.f32 v31, v7  }
0x2f0: {  	v8 =	vmul.f32 v10, v24;
	v5 =	vadd.f32 v5, v11;
	v1 =	vadd.f32 v9, v1  }
0x2f1: {  	s21 =	sor.u32 $0x60, s16;
	v10 =	vmul.f32 v12, v27;
	v2 =	vadd.f32 v3, v2;
	v3 =	vmul.f32 v4, v28  }
0x2f2: {  	v4 =	vmul.f32 v7, v29;
	v5 =	vadd.f32 v6, v5;
	v6 =	vor.u32 s21, v0  }
0x2f3: {  	v1 =	vadd.f32 v8, v1;
	v7 =	vshll.u32 v6, $0x4;
	v2 =	vadd.f32 v10, v2  }
0x2f4: {  	v3 =	vadd.f32 v3, v5;
	v5 =	vor.u32 $0x1, v7  }
0x2f5: {  	v1 =	vadd.f32 v4, v1;
	v4 =	vor.u32 $0x4, v7;
	[tilespmem:s19+$0x50] =	vst v2  }
0x2f6: {  	v8 =	vor.u32 $0x5, v7;
	[tilespmem:s18+$0x50] =	vst v3  }
0x2f7: {  	v9 =	vor.u32 $0x6, v7;
	[tilespmem:s20+$0x50] =	vst v1  }
0x2f8: {  	v2 =	vor.u32 $0x2, v7;
	v1 =	vld.idx.msk [tilespmem:v7+s8+$0x0], $0xffff  }
0x2f9: {  	v11 =	vor.u32 $0x8, v7;
	v5 =	vld.idx.msk [tilespmem:v5+s8+$0x0], $0xffff  }
0x2fa: {  	v13 =	vor.u32 $0xA, v7;
	v12 =	vld.idx.msk [tilespmem:v4+s8+$0x0], $0xffff  }
0x2fb: {  	v14 =	vor.u32 $0xB, v7;
	v8 =	vld.idx.msk [tilespmem:v8+s8+$0x0], $0xffff  }
0x2fc: {  	v16 =	vor.u32 $0xD, v7;
	v9 =	vld.idx.msk [tilespmem:v9+s8+$0x0], $0xffff  }
0x2fd: {  	v10 =	vld.idx.msk [tilespmem:v2+s8+$0x0], $0xffff;
	v2 =	vor.u32 $0x7, v7  }
0x2fe: {  	v4 =	vor.u32 $0x9, v7;
	v11 =	vld.idx.msk [tilespmem:v11+s8+$0x0], $0xffff  }
0x2ff: {  	v3 =	vor.u32 $0x3, v7;
	v13 =	vld.idx.msk [tilespmem:v13+s8+$0x0], $0xffff  }
0x300: {  	v19 =	vshll.u32 v6, $0x3;
	v17 =	vor.u32 $0xE, v7;
	v14 =	vld.idx.msk [tilespmem:v14+s8+$0x0], $0xffff  }
0x301: {  	v6 =	vld.idx.msk [tilespmem:v16+s8+$0x0], $0xffff;
	v16 =	vor.u32 $0x3, v19  }
0x302: {  	v15 =	vld.idx.msk [tilespmem:v2+s8+$0x0], $0xffff;
	v2 =	vor.u32 $0xC, v7  }
0x303: {  	v4 =	vld.idx.msk [tilespmem:v4+s8+$0x0], $0xffff;
	v7 =	vor.u32 $0xF, v7  }
0x304: {  	v3 =	vld.idx.msk [tilespmem:v3+s8+$0x0], $0xffff  }
0x305: {  	v17 =	vld.idx.msk [tilespmem:v17+s8+$0x0], $0xffff  }
0x306: {  	v16 =	vld.idx.msk [tilespmem:v16+s9+$0x0], $0xffff  }
0x307: {  	v20 =	vor.u32 $0x2, v19;
	v8 =	vsub.f32 v8, v12;
	v14 =	vsub.f32 v14, v13;
	v18 =	vld.idx.msk [tilespmem:v2+s8+$0x0], $0xffff  }
0x308: {  	v13 =	vsub.f32 v13, v11;
	v21 =	vsub.f32 v4, v11;
	v7 =	vld.idx.msk [tilespmem:v7+s8+$0x0], $0xffff  }
0x309: {  	v2 =	vsub.f32 v5, v1;
	v5 =	vsub.f32 v3, v10  }
0x30a: {  	v15 =	vsub.f32 v15, v9;
	v3 =	vsub.f32 v10, v1  }
0x30b: {  	v9 =	vsub.f32 v9, v12;
	v14 =	vsub.f32 v14, v21  }
0x30c: {  	v20 =	vld.idx.msk [tilespmem:v20+s9+$0x0], $0xffff;
	v10 =	vor.u32 $0x1, v19;
	v4 =	vsub.f32 v5, v2;
	v15 =	vsub.f32 v15, v8  }
0x30d: {  	v5 =	vshll.u32 v16, $0x3;
	v22 =	vsub.f32 v6, v18;
	v6 =	vsub.f32 v7, v17  }
0x30e: {  	v16 =	vand.u32 $0x7F, v16;
	v17 =	vsub.f32 v17, v18;
	v7 =	vand.u32 $0xFFFFFC00, v5  }
0x30f: {  	s28 =	simm.s32 $0x0;
	v5 =	vsub.f32 v12, v1;
	v23 =	vsub.f32 v6, v22;
	v6 =	vor.u32 v16, v7  }
0x310: {  	s22 =	sand.u32 $0x800, s28;
	v7 =	vsub.f32 v8, v2;
	v8 =	vsub.f32 v9, v3  }
0x311: {  	s29 =	simm.s32 $0x0;
	s30 =	sor.u32 $0x600, s22;
	v12 =	vand.u32 $0x7F, v20;
	v16 =	vld.idx.msk [tilespmem:v10+s9+$0x0], $0xffff;
	v9 =	vsub.f32 v15, v4;
	v15 =	vsub.f32 v18, v11  }
0x312: {  	s23 =	sand.u32 $0x3FFFC000, s29;
	s31 =	sshrl.u32 s30, $0x2;
	v10 =	vshll.u32 v20, $0x3;
	v18 =	vsub.f32 v22, v21;
	v22 =	vld.idx.msk [tilespmem:v19+s9+$0x0], $0xffff;
	v19 =	vsub.f32 v17, v13  }
0x313: {  	s25 =	sor.u32 s31, s23;
	v11 =	vsub.f32 v11, v1;
	v13 =	vsub.f32 v13, v3;
	v10 =	vand.u32 $0xFFFFFC00, v10  }
0x314: {  	v17 =	vsub.f32 v23, v14;
	v10 =	vor.u32 v12, v10;
	v12 =	vsub.f32 v21, v2;
	v21 =	vld.idx.msk [tilespmem:v6+s25+$0x0], $0xffff  }
0x315: {  	s24 =	sor.u32 $0x200, s22;
	s26 =	sshrl.u32 s22, $0x2;
	s22 =	sor.u32 $0x400, s22;
	v14 =	vsub.f32 v14, v4;
	v15 =	vsub.f32 v15, v5  }
0x316: {  	s22 =	sshrl.u32 s22, $0x2;
	s20 =	sshrl.u32 s24, $0x2;
	s24 =	sor.u32 s26, s23;
	v18 =	vsub.f32 v18, v7;
	v19 =	vsub.f32 v19, v8;
	v20 =	vshll.u32 v16, $0x3  }
0x317: {  	s28 =	sor.u32 s20, s23;
	s23 =	sor.u32 s22, s23;
	v23 =	vand.u32 $0x7F, v16;
	v16 =	vsub.f32 v17, v9;
	v28 =	vld.idx.msk [tilespmem:v6+s24+$0x0], $0xffff;
	v20 =	vand.u32 $0xFFFFFC00, v20  }
0x318: {  	v24 =	vshll.u32 v22, $0x3;
	v22 =	vand.u32 $0x7F, v22;
	v40 =	vld.idx.msk [tilespmem:v6+s23+$0x0], $0xffff;
	v17 =	vor.u32 v23, v20  }
0x319: {  	v29 =	vld.idx.msk [tilespmem:v6+s28+$0x0], $0xffff;
	v20 =	vand.u32 $0xFFFFFC00, v24;
	v24 =	vmul.f32 v21, v12;
	v25 =	vmul.f32 v21, v16  }
0x31a: {  	v20 =	vor.u32 v22, v20;
	v22 =	vmul.f32 v21, v13;
	v26 =	vmul.f32 v21, v14  }
0x31b: {  	v27 =	vmul.f32 v21, v18;
	v30 =	vmul.f32 v21, v19  }
0x31c: {  	v48 =	vmul.f32 v21, v15;
	v21 =	vmul.f32 v21, v11  }
0x31d: {  	v49 =	vmul.f32 v28, v16;
	v50 =	vmul.f32 v40, v16  }
0x31e: {  	v51 =	vmul.f32 v28, v18;
	v52 =	vmul.f32 v29, v14  }
0x31f: {  	v53 =	vmul.f32 v29, v18;
	v54 =	vmul.f32 v29, v19  }
0x320: {  	v55 =	vmul.f32 v40, v14;
	v56 =	vmul.f32 v40, v18  }
0x321: {  	v23 =	vld.idx.msk [tilespmem:v10+s25+$0x0], $0xffff;
	v39 =	vmul.f32 v28, v12;
	v25 =	vadd.f32 v25, v9;
	v24 =	vadd.f32 v24, v2  }
0x322: {  	v42 =	vmul.f32 v28, v13;
	v26 =	vadd.f32 v26, v4;
	v27 =	vadd.f32 v27, v7  }
0x323: {  	v58 =	vmul.f32 v28, v15;
	v30 =	vadd.f32 v30, v8;
	v22 =	vadd.f32 v22, v3  }
0x324: {  	v59 =	vmul.f32 v29, v12;
	v32 =	vadd.f32 v48, v5;
	v21 =	vadd.f32 v21, v1  }
0x325: {  	v61 =	vmul.f32 v29, v13;
	v31 =	vld.idx.msk [tilespmem:v17+s25+$0x0], $0xffff;
	v33 =	vadd.f32 v50, v9;
	v35 =	vadd.f32 v53, v7  }
0x326: {  	v41 =	vadd.f32 v54, v8;
	v34 =	vadd.f32 v55, v4;
	v25 =	vmul.f32 v25, v23  }
0x327: {  	v62 =	vmul.f32 v29, v15;
	v57 =	vadd.f32 v56, v7;
	v55 =	vadd.f32 v39, v2  }
0x328: {  	v39 =	vadd.f32 v42, v3;
	v27 =	vmul.f32 v27, v23;
	v25 =	vadd.f32 v25, v26  }
0x329: {  	v46 =	vadd.f32 v58, v5;
	v42 =	vadd.f32 v59, v2;
	v30 =	vmul.f32 v30, v23;
	v26 =	vld.idx.msk [tilespmem:v20+s25+$0x0], $0xffff  }
0x32a: {  	v32 =	vmul.f32 v32, v23;
	v24 =	vadd.f32 v27, v24;
	v25 =	vmul.f32 v25, v31  }
0x32b: {  	v63 =	vmul.f32 v40, v12;
	v45 =	vadd.f32 v61, v3;
	v23 =	vld.idx.msk [tilespmem:v10+s24+$0x0], $0xffff;
	v22 =	vadd.f32 v30, v22  }
0x32c: {  	v30 =	vmul.f32 v29, v16;
	v32 =	vadd.f32 v32, v21;
	v21 =	vld.idx.msk [tilespmem:v10+s23+$0x0], $0xffff;
	v24 =	vadd.f32 v25, v24  }
0x32d: {  	v47 =	vadd.f32 v62, v5;
	v31 =	vmul.f32 v22, v31;
	v22 =	vld.idx.msk [tilespmem:v10+s28+$0x0], $0xffff;
	v25 =	vmul.f32 v28, v14  }
0x32e: {  	v27 =	vadd.f32 v49, v9;
	v24 =	vmul.f32 v24, v26;
	v26 =	vmul.f32 v28, v19  }
0x32f: {  	v53 =	vmul.f32 v40, v15;
	v30 =	vadd.f32 v30, v9;
	v31 =	vadd.f32 v31, v32  }
0x330: {  	v25 =	vadd.f32 v25, v4;
	v38 =	vadd.f32 v26, v8;
	v26 =	vmul.f32 v27, v23  }
0x331: {  	v48 =	vadd.f32 v63, v2;
	v33 =	vmul.f32 v33, v21;
	v31 =	vadd.f32 v24, v31  }
0x332: {  	v30 =	vmul.f32 v30, v22;
	v24 =	vadd.f32 v51, v7;
	v60 =	vadd.f32 v26, v25;
	v26 =	vld.idx.msk [tilespmem:v17+s24+$0x0], $0xffff  }
0x333: {  	v32 =	vadd.f32 v52, v4;
	v37 =	vmul.f32 v35, v22;
	v27 =	vmul.f32 v40, v19;
	v25 =	vld.idx.msk [tilespmem:v17+s28+$0x0], $0xffff  }
0x334: {  	v54 =	vadd.f32 v33, v34;
	v34 =	vmul.f32 v41, v22;
	v52 =	vmul.f32 v24, v23;
	v24 =	vld.idx.msk [tilespmem:v17+s23+$0x0], $0xffff  }
0x335: {  	s29 =	simm.s32 $0x0;
	v35 =	vmul.f32 v57, v21;
	v41 =	vmul.f32 v40, v11;
	v27 =	vadd.f32 v27, v8  }
0x336: {  	s30 =	sand.u32 $0x3FFFFC00, s29;
	v51 =	vmul.f32 v40, v13;
	v50 =	vadd.f32 v30, v32;
	v30 =	vmul.f32 v29, v11;
	v29 =	vld.idx.msk [tilespmem:v20+s23+$0x0], $0xffff  }
0x337: {  	v49 =	vadd.f32 v53, v5;
	v36 =	vmul.f32 v38, v23;
	v33 =	vmul.f32 v27, v21;
	v27 =	vld.idx.msk [tilespmem:v20+s24+$0x0], $0xffff;
	s24 =	sadd.s32 s30, s17  }
0x338: {  	s21 =	simm.s32 $0x0;
	v38 =	vmul.f32 v28, v11;
	v28 =	vld.idx.msk [tilespmem:v20+s28+$0x0], $0xffff;
	v43 =	vadd.f32 v51, v3;
	s19 =	sadd.s32 s26, s24;
	s31 =	sadd.s32 s31, s24;
	v32 =	vmul.f32 v60, v26  }
0x339: {  	v44 =	vadd.f32 v52, v55;
	s18 =	sadd.s32 s20, s24;
	s20 =	sadd.s32 s22, s24;
	s22 =	simm.s32 $0x800;
	[tilespmem:s31+$0x60] =	vst v31;
	v40 =	vmul.f32 v50, v25;
	v31 =	vmul.f32 v54, v24  }
.LBB2_15:
0x33a: {  	s21 =	sadd.s32 $0x4, s21;
	s26 =	sand.u32 $0x800, s22;
	v23 =	vmul.f32 v46, v23;
	v36 =	vadd.f32 v36, v39;
	v37 =	vadd.f32 v37, v42  }
0x33b: {  	v22 =	vmul.f32 v47, v22;
	v34 =	vadd.f32 v34, v45;
	v35 =	vadd.f32 v35, v48;
	s23 =	sshll.u32 s21, $0xB;
	s24 =	sor.u32 $0x200, s26;
	s25 =	sor.u32 $0x600, s26  }
0x33c: {  	v38 =	vadd.f32 v38, v1;
	v21 =	vmul.f32 v49, v21;
	v33 =	vadd.f32 v33, v43;
	s28 =	sor.u32 $0x400, s26;
	s31 =	sand.u32 $0x3FFFC000, s23;
	s23 =	sshrl.u32 s25, $0x2  }
0x33d: {  	v39 =	vadd.f32 v41, v1;
	s25 =	sshrl.u32 s24, $0x2;
	s24 =	sshrl.u32 s28, $0x2;
	v26 =	vmul.f32 v36, v26;
	v36 =	vadd.f32 v30, v1;
	s30 =	sor.u32 s23, s31  }
0x33e: {  	s26 =	sshrl.u32 s26, $0x2;
	v42 =	vadd.f32 v32, v44;
	v25 =	vmul.f32 v34, v25;
	v34 =	vadd.f32 v40, v37;
	s29 =	sor.u32 s25, s31;
	s28 =	sor.u32 s24, s31;
	v41 =	vld.idx.msk [tilespmem:v6+s30+$0x0], $0xffff  }
0x33f: {  	p0 =	slt.u32 s21, $0x1C;
	v23 =	vadd.f32 v23, v38;
	v24 =	vmul.f32 v33, v24;
	v33 =	vadd.f32 v31, v35;
	s31 =	sor.u32 s26, s31;
	v30 =	vld.idx.msk [tilespmem:v6+s29+$0x0], $0xffff  }
0x340: {  	v21 =	vadd.f32 v21, v39;
	v27 =	vmul.f32 v42, v27;
	v22 =	vadd.f32 v22, v36;
	v32 =	vld.idx.msk [tilespmem:v6+s31+$0x0], $0xffff  }
0x341: {  	v26 =	vadd.f32 v26, v23;
	v28 =	vmul.f32 v34, v28;
	v29 =	vmul.f32 v33, v29;
	v31 =	vld.idx.msk [tilespmem:v6+s28+$0x0], $0xffff  }
0x342: {  	v24 =	vadd.f32 v24, v21;
	v25 =	vadd.f32 v25, v22;
	v33 =	vld.idx.msk [tilespmem:v10+s30+$0x0], $0xffff  }
0x343: {  	v34 =	vadd.f32 v27, v26;
	v23 =	vld.idx.msk [tilespmem:v10+s31+$0x0], $0xffff  }
0x344: {  	v35 =	vadd.f32 v28, v25;
	v27 =	vmul.f32 v41, v12;
	v26 =	vmul.f32 v41, v16;
	v22 =	vld.idx.msk [tilespmem:v10+s29+$0x0], $0xffff  }
0x345: {  	v36 =	vadd.f32 v29, v24;
	v28 =	vmul.f32 v41, v13;
	v25 =	vmul.f32 v41, v14;
	v21 =	vld.idx.msk [tilespmem:v10+s28+$0x0], $0xffff  }
0x346: {  	v24 =	vmul.f32 v41, v18;
	v29 =	vmul.f32 v41, v19;
	v38 =	vadd.f32 v26, v9;
	v37 =	vld.idx.msk [tilespmem:v17+s30+$0x0], $0xffff  }
0x347: {  	v40 =	vmul.f32 v41, v15;
	v39 =	vadd.f32 v27, v2;
	v27 =	vadd.f32 v25, v4;
	v26 =	vld.idx.msk [tilespmem:v17+s31+$0x0], $0xffff  }
0x348: {  	v42 =	vadd.f32 v24, v7;
	v29 =	vadd.f32 v29, v8;
	v38 =	vmul.f32 v38, v33;
	v25 =	vld.idx.msk [tilespmem:v17+s29+$0x0], $0xffff  }
0x349: {  	v41 =	vmul.f32 v41, v11;
	v43 =	vadd.f32 v28, v3;
	v28 =	vadd.f32 v40, v5;
	v24 =	vld.idx.msk [tilespmem:v17+s28+$0x0], $0xffff  }
0x34a: {  	v42 =	vmul.f32 v42, v33;
	v29 =	vmul.f32 v29, v33;
	v38 =	vadd.f32 v38, v27;
	v40 =	vld.idx.msk [tilespmem:v20+s30+$0x0], $0xffff  }
0x34b: {  	v44 =	vmul.f32 v32, v16;
	v41 =	vadd.f32 v41, v1;
	v33 =	vmul.f32 v28, v33;
	v27 =	vld.idx.msk [tilespmem:v20+s31+$0x0], $0xffff  }
0x34c: {  	v39 =	vadd.f32 v42, v39;
	v42 =	vadd.f32 v29, v43;
	v38 =	vmul.f32 v38, v37;
	v28 =	vld.idx.msk [tilespmem:v20+s29+$0x0], $0xffff  }
0x34d: {  	v45 =	vmul.f32 v31, v16;
	v43 =	vadd.f32 v44, v9;
	v44 =	vmul.f32 v30, v16;
	v29 =	vld.idx.msk [tilespmem:v20+s28+$0x0], $0xffff  }
0x34e: {  	v33 =	vadd.f32 v33, v41;
	v37 =	vmul.f32 v42, v37;
	v38 =	vadd.f32 v38, v39;
	[tilespmem:s19+$0x60] =	vst v34  }
0x34f: {  	v41 =	vadd.f32 v45, v9;
	v39 =	vadd.f32 v44, v9;
	v34 =	vmul.f32 v32, v14;
	[tilespmem:s18+$0x60] =	vst v35  }
0x350: {  	v33 =	vadd.f32 v37, v33;
	v35 =	vmul.f32 v32, v18;
	s18 =	sshll.u32 s21, $0x7;
	v37 =	vmul.f32 v38, v40;
	[tilespmem:s20+$0x60] =	vst v36  }
0x351: {  	v38 =	vmul.f32 v30, v14;
	v34 =	vadd.f32 v34, v4;
	v36 =	vmul.f32 v32, v19;
	s18 =	sand.u32 $0x3FFFFC00, s18  }
0x352: {  	v42 =	vmul.f32 v30, v19;
	v40 =	vmul.f32 v30, v18;
	s20 =	sadd.s32 s18, s17;
	v33 =	vadd.f32 v37, v33  }
0x353: {  	v44 =	vmul.f32 v31, v18;
	v35 =	vadd.f32 v35, v7;
	v37 =	vmul.f32 v31, v14;
	s19 =	sadd.s32 s26, s20;
	s18 =	sadd.s32 s25, s20;
	s23 =	sadd.s32 s23, s20  }
0x354: {  	v45 =	vmul.f32 v31, v19;
	v43 =	vmul.f32 v43, v23;
	v36 =	vadd.f32 v36, v8;
	s20 =	sadd.s32 s24, s20;
	[tilespmem:s23+$0x60] =	vst v33  }
0x355: {  	v33 =	vadd.f32 v38, v4;
	v38 =	vmul.f32 v39, v22;
	v39 =	vmul.f32 v41, v21  }
0x356: {  	v42 =	vadd.f32 v42, v8;
	v40 =	vadd.f32 v40, v7;
	v41 =	vmul.f32 v32, v12  }
0x357: {  	v46 =	vmul.f32 v32, v13;
	v44 =	vadd.f32 v44, v7;
	v37 =	vadd.f32 v37, v4  }
0x358: {  	v48 =	vmul.f32 v30, v12;
	v47 =	vmul.f32 v32, v15;
	v45 =	vadd.f32 v45, v8  }
0x359: {  	v50 =	vmul.f32 v30, v15;
	v49 =	vadd.f32 v43, v34;
	v43 =	vmul.f32 v30, v13  }
0x35a: {  	v52 =	vmul.f32 v31, v12;
	v53 =	vmul.f32 v31, v13;
	v51 =	vadd.f32 v38, v33  }
0x35b: {  	v55 =	vmul.f32 v31, v15;
	v54 =	vmul.f32 v35, v23;
	v56 =	vadd.f32 v39, v37  }
0x35c: {  	v36 =	vmul.f32 v36, v23;
	v57 =	vadd.f32 v41, v2;
	v37 =	vmul.f32 v40, v22  }
0x35d: {  	v34 =	vmul.f32 v42, v22;
	v35 =	vmul.f32 v44, v21;
	v39 =	vadd.f32 v46, v3  }
.Ltmp6:
0x35e: {  	v42 =	vadd.f32 v48, v2;
	v46 =	vadd.f32 v47, v5;
	v33 =	vmul.f32 v45, v21;
	(pc) =	sbr.rel @p0 .LBB2_15-.Ltmp6, $4  }
0x35f: {  	v38 =	vmul.f32 v32, v11;
	v45 =	vadd.f32 v43, v3;
	v47 =	vadd.f32 v50, v5  }
0x360: {  	v30 =	vmul.f32 v30, v11;
	v48 =	vadd.f32 v52, v2;
	v43 =	vadd.f32 v53, v3  }
0x361: {  	v32 =	vmul.f32 v49, v26;
	v41 =	vmul.f32 v31, v11;
	v49 =	vadd.f32 v55, v5  }
0x362: {  	s22 =	sadd.s32 $0x800, s22;
	v44 =	vadd.f32 v54, v57;
	v40 =	vmul.f32 v51, v25;
	v31 =	vmul.f32 v56, v24  }
0x363: {  	v3 =	vadd.f32 v36, v39;
	v4 =	vadd.f32 v37, v42  }
0x364: {  	v2 =	vmul.f32 v46, v23;
	v6 =	vadd.f32 v34, v45;
	v7 =	vadd.f32 v35, v48  }
0x365: {  	v5 =	vmul.f32 v47, v22;
	v8 =	vadd.f32 v38, v1;
	v10 =	vadd.f32 v33, v43  }
0x366: {  	v9 =	vmul.f32 v49, v21;
	v11 =	vadd.f32 v30, v1;
	v1 =	vadd.f32 v41, v1  }
0x367: {  	v12 =	vadd.f32 v32, v44;
	v3 =	vmul.f32 v3, v26;
	v4 =	vadd.f32 v40, v4  }
0x368: {  	v6 =	vmul.f32 v6, v25;
	v2 =	vadd.f32 v2, v8;
	v7 =	vadd.f32 v31, v7  }
0x369: {  	v8 =	vmul.f32 v10, v24;
	v5 =	vadd.f32 v5, v11;
	v1 =	vadd.f32 v9, v1  }
0x36a: {  	s21 =	sor.u32 $0x70, s16;
	v10 =	vmul.f32 v12, v27;
	v2 =	vadd.f32 v3, v2;
	v3 =	vmul.f32 v4, v28  }
0x36b: {  	v4 =	vmul.f32 v7, v29;
	v5 =	vadd.f32 v6, v5;
	v6 =	vor.u32 s21, v0  }
0x36c: {  	v1 =	vadd.f32 v8, v1;
	v7 =	vshll.u32 v6, $0x4;
	v2 =	vadd.f32 v10, v2  }
0x36d: {  	v3 =	vadd.f32 v3, v5;
	v5 =	vor.u32 $0x1, v7  }
0x36e: {  	v1 =	vadd.f32 v4, v1;
	v4 =	vor.u32 $0x4, v7;
	[tilespmem:s19+$0x60] =	vst v2  }
0x36f: {  	v8 =	vor.u32 $0x5, v7;
	[tilespmem:s18+$0x60] =	vst v3  }
0x370: {  	v9 =	vor.u32 $0x6, v7;
	[tilespmem:s20+$0x60] =	vst v1  }
0x371: {  	v2 =	vor.u32 $0x2, v7;
	v1 =	vld.idx.msk [tilespmem:v7+s8+$0x0], $0xffff  }
0x372: {  	v11 =	vor.u32 $0x8, v7;
	v5 =	vld.idx.msk [tilespmem:v5+s8+$0x0], $0xffff  }
0x373: {  	v13 =	vor.u32 $0xA, v7;
	v12 =	vld.idx.msk [tilespmem:v4+s8+$0x0], $0xffff  }
0x374: {  	v14 =	vor.u32 $0xB, v7;
	v8 =	vld.idx.msk [tilespmem:v8+s8+$0x0], $0xffff  }
0x375: {  	v16 =	vor.u32 $0xD, v7;
	v9 =	vld.idx.msk [tilespmem:v9+s8+$0x0], $0xffff  }
0x376: {  	v10 =	vld.idx.msk [tilespmem:v2+s8+$0x0], $0xffff;
	v2 =	vor.u32 $0x7, v7  }
0x377: {  	v4 =	vor.u32 $0x9, v7;
	v11 =	vld.idx.msk [tilespmem:v11+s8+$0x0], $0xffff  }
0x378: {  	v3 =	vor.u32 $0x3, v7;
	v13 =	vld.idx.msk [tilespmem:v13+s8+$0x0], $0xffff  }
0x379: {  	v19 =	vshll.u32 v6, $0x3;
	v17 =	vor.u32 $0xE, v7;
	v14 =	vld.idx.msk [tilespmem:v14+s8+$0x0], $0xffff  }
0x37a: {  	v6 =	vld.idx.msk [tilespmem:v16+s8+$0x0], $0xffff;
	v16 =	vor.u32 $0x3, v19  }
0x37b: {  	v15 =	vld.idx.msk [tilespmem:v2+s8+$0x0], $0xffff;
	v2 =	vor.u32 $0xC, v7  }
0x37c: {  	v4 =	vld.idx.msk [tilespmem:v4+s8+$0x0], $0xffff;
	v7 =	vor.u32 $0xF, v7  }
0x37d: {  	v3 =	vld.idx.msk [tilespmem:v3+s8+$0x0], $0xffff  }
0x37e: {  	v17 =	vld.idx.msk [tilespmem:v17+s8+$0x0], $0xffff  }
0x37f: {  	v16 =	vld.idx.msk [tilespmem:v16+s9+$0x0], $0xffff  }
0x380: {  	v20 =	vor.u32 $0x2, v19;
	v8 =	vsub.f32 v8, v12;
	v14 =	vsub.f32 v14, v13;
	v18 =	vld.idx.msk [tilespmem:v2+s8+$0x0], $0xffff  }
0x381: {  	v13 =	vsub.f32 v13, v11;
	v21 =	vsub.f32 v4, v11;
	v7 =	vld.idx.msk [tilespmem:v7+s8+$0x0], $0xffff  }
0x382: {  	v2 =	vsub.f32 v5, v1;
	v5 =	vsub.f32 v3, v10  }
0x383: {  	v15 =	vsub.f32 v15, v9;
	v3 =	vsub.f32 v10, v1  }
0x384: {  	v9 =	vsub.f32 v9, v12;
	v14 =	vsub.f32 v14, v21  }
0x385: {  	v20 =	vld.idx.msk [tilespmem:v20+s9+$0x0], $0xffff;
	v10 =	vor.u32 $0x1, v19;
	v4 =	vsub.f32 v5, v2;
	v15 =	vsub.f32 v15, v8  }
0x386: {  	v5 =	vshll.u32 v16, $0x3;
	v22 =	vsub.f32 v6, v18;
	v6 =	vsub.f32 v7, v17  }
0x387: {  	v16 =	vand.u32 $0x7F, v16;
	v17 =	vsub.f32 v17, v18;
	v7 =	vand.u32 $0xFFFFFC00, v5  }
0x388: {  	s19 =	simm.s32 $0x0;
	v5 =	vsub.f32 v12, v1;
	v23 =	vsub.f32 v6, v22;
	v6 =	vor.u32 v16, v7  }
0x389: {  	s22 =	sand.u32 $0x800, s19;
	v7 =	vsub.f32 v8, v2;
	v8 =	vsub.f32 v9, v3  }
0x38a: {  	s20 =	simm.s32 $0x0;
	s21 =	sor.u32 $0x600, s22;
	v12 =	vand.u32 $0x7F, v20;
	v16 =	vld.idx.msk [tilespmem:v10+s9+$0x0], $0xffff;
	v9 =	vsub.f32 v15, v4;
	v15 =	vsub.f32 v18, v11  }
0x38b: {  	s23 =	sand.u32 $0x3FFFC000, s20;
	s19 =	sshrl.u32 s21, $0x2;
	v10 =	vshll.u32 v20, $0x3;
	v18 =	vsub.f32 v22, v21;
	v22 =	vld.idx.msk [tilespmem:v19+s9+$0x0], $0xffff;
	v19 =	vsub.f32 v17, v13  }
0x38c: {  	s25 =	sor.u32 s19, s23;
	v11 =	vsub.f32 v11, v1;
	v13 =	vsub.f32 v13, v3;
	v10 =	vand.u32 $0xFFFFFC00, v10  }
0x38d: {  	v17 =	vsub.f32 v23, v14;
	v10 =	vor.u32 v12, v10;
	v12 =	vsub.f32 v21, v2;
	v21 =	vld.idx.msk [tilespmem:v6+s25+$0x0], $0xffff  }
0x38e: {  	s24 =	sor.u32 $0x200, s22;
	s26 =	sshrl.u32 s22, $0x2;
	s22 =	sor.u32 $0x400, s22;
	v14 =	vsub.f32 v14, v4;
	v15 =	vsub.f32 v15, v5  }
0x38f: {  	s20 =	sshrl.u32 s24, $0x2;
	s24 =	sor.u32 s26, s23;
	s22 =	sshrl.u32 s22, $0x2;
	v18 =	vsub.f32 v18, v7;
	v19 =	vsub.f32 v19, v8;
	v20 =	vshll.u32 v16, $0x3  }
0x390: {  	s28 =	sor.u32 s20, s23;
	s23 =	sor.u32 s22, s23;
	v23 =	vand.u32 $0x7F, v16;
	v16 =	vsub.f32 v17, v9;
	v28 =	vld.idx.msk [tilespmem:v6+s24+$0x0], $0xffff;
	v20 =	vand.u32 $0xFFFFFC00, v20  }
0x391: {  	v24 =	vshll.u32 v22, $0x3;
	v22 =	vand.u32 $0x7F, v22;
	v40 =	vld.idx.msk [tilespmem:v6+s23+$0x0], $0xffff;
	v17 =	vor.u32 v23, v20  }
0x392: {  	v29 =	vld.idx.msk [tilespmem:v6+s28+$0x0], $0xffff;
	v20 =	vand.u32 $0xFFFFFC00, v24;
	v24 =	vmul.f32 v21, v12;
	v25 =	vmul.f32 v21, v16  }
0x393: {  	v20 =	vor.u32 v22, v20;
	v22 =	vmul.f32 v21, v13;
	v26 =	vmul.f32 v21, v14  }
0x394: {  	v27 =	vmul.f32 v21, v18;
	v30 =	vmul.f32 v21, v19  }
0x395: {  	v48 =	vmul.f32 v21, v15;
	v21 =	vmul.f32 v21, v11  }
0x396: {  	v49 =	vmul.f32 v28, v16;
	v50 =	vmul.f32 v40, v16  }
0x397: {  	v51 =	vmul.f32 v28, v18;
	v52 =	vmul.f32 v29, v14  }
0x398: {  	v53 =	vmul.f32 v29, v18;
	v54 =	vmul.f32 v29, v19  }
0x399: {  	v55 =	vmul.f32 v40, v14;
	v56 =	vmul.f32 v40, v18  }
0x39a: {  	v23 =	vld.idx.msk [tilespmem:v10+s25+$0x0], $0xffff;
	v39 =	vmul.f32 v28, v12;
	v25 =	vadd.f32 v25, v9;
	v24 =	vadd.f32 v24, v2  }
0x39b: {  	v42 =	vmul.f32 v28, v13;
	v26 =	vadd.f32 v26, v4;
	v27 =	vadd.f32 v27, v7  }
0x39c: {  	v58 =	vmul.f32 v28, v15;
	v30 =	vadd.f32 v30, v8;
	v22 =	vadd.f32 v22, v3  }
0x39d: {  	v59 =	vmul.f32 v29, v12;
	v32 =	vadd.f32 v48, v5;
	v21 =	vadd.f32 v21, v1  }
0x39e: {  	v61 =	vmul.f32 v29, v13;
	v31 =	vld.idx.msk [tilespmem:v17+s25+$0x0], $0xffff;
	v33 =	vadd.f32 v50, v9;
	v35 =	vadd.f32 v53, v7  }
0x39f: {  	v41 =	vadd.f32 v54, v8;
	v34 =	vadd.f32 v55, v4;
	v25 =	vmul.f32 v25, v23  }
0x3a0: {  	v62 =	vmul.f32 v29, v15;
	v57 =	vadd.f32 v56, v7;
	v55 =	vadd.f32 v39, v2  }
0x3a1: {  	v39 =	vadd.f32 v42, v3;
	v27 =	vmul.f32 v27, v23;
	v25 =	vadd.f32 v25, v26  }
0x3a2: {  	v45 =	vadd.f32 v58, v5;
	v42 =	vadd.f32 v59, v2;
	v30 =	vmul.f32 v30, v23;
	v26 =	vld.idx.msk [tilespmem:v20+s25+$0x0], $0xffff  }
0x3a3: {  	v32 =	vmul.f32 v32, v23;
	v24 =	vadd.f32 v27, v24;
	v25 =	vmul.f32 v25, v31  }
0x3a4: {  	v63 =	vmul.f32 v40, v12;
	v46 =	vadd.f32 v61, v3;
	v23 =	vld.idx.msk [tilespmem:v10+s24+$0x0], $0xffff;
	v22 =	vadd.f32 v30, v22  }
0x3a5: {  	v30 =	vmul.f32 v29, v16;
	v32 =	vadd.f32 v32, v21;
	v21 =	vld.idx.msk [tilespmem:v10+s23+$0x0], $0xffff;
	v24 =	vadd.f32 v25, v24  }
0x3a6: {  	v47 =	vadd.f32 v62, v5;
	v31 =	vmul.f32 v22, v31;
	v22 =	vld.idx.msk [tilespmem:v10+s28+$0x0], $0xffff;
	v25 =	vmul.f32 v28, v14  }
0x3a7: {  	v27 =	vadd.f32 v49, v9;
	v24 =	vmul.f32 v24, v26;
	v26 =	vmul.f32 v28, v19  }
0x3a8: {  	v53 =	vmul.f32 v40, v15;
	v30 =	vadd.f32 v30, v9;
	v31 =	vadd.f32 v31, v32  }
0x3a9: {  	v25 =	vadd.f32 v25, v4;
	v38 =	vadd.f32 v26, v8;
	v26 =	vmul.f32 v27, v23  }
0x3aa: {  	v48 =	vadd.f32 v63, v2;
	v33 =	vmul.f32 v33, v21;
	v31 =	vadd.f32 v24, v31  }
0x3ab: {  	v30 =	vmul.f32 v30, v22;
	v24 =	vadd.f32 v51, v7;
	v60 =	vadd.f32 v26, v25;
	v26 =	vld.idx.msk [tilespmem:v17+s24+$0x0], $0xffff  }
0x3ac: {  	v32 =	vadd.f32 v52, v4;
	v36 =	vmul.f32 v35, v22;
	v27 =	vmul.f32 v40, v19;
	v25 =	vld.idx.msk [tilespmem:v17+s28+$0x0], $0xffff  }
0x3ad: {  	v54 =	vadd.f32 v33, v34;
	v35 =	vmul.f32 v41, v22;
	v52 =	vmul.f32 v24, v23;
	v24 =	vld.idx.msk [tilespmem:v17+s23+$0x0], $0xffff  }
0x3ae: {  	s29 =	simm.s32 $0x0;
	v34 =	vmul.f32 v57, v21;
	v41 =	vmul.f32 v40, v11;
	v27 =	vadd.f32 v27, v8  }
0x3af: {  	s30 =	sand.u32 $0x3FFFFC00, s29;
	v51 =	vmul.f32 v40, v13;
	v50 =	vadd.f32 v30, v32;
	v30 =	vmul.f32 v29, v11;
	v29 =	vld.idx.msk [tilespmem:v20+s23+$0x0], $0xffff  }
0x3b0: {  	v49 =	vadd.f32 v53, v5;
	v37 =	vmul.f32 v38, v23;
	v33 =	vmul.f32 v27, v21;
	v27 =	vld.idx.msk [tilespmem:v20+s24+$0x0], $0xffff;
	s24 =	sadd.s32 s30, s17  }
0x3b1: {  	s21 =	simm.s32 $0x0;
	v38 =	vmul.f32 v28, v11;
	v28 =	vld.idx.msk [tilespmem:v20+s28+$0x0], $0xffff;
	v43 =	vadd.f32 v51, v3;
	s18 =	sadd.s32 s26, s24;
	s31 =	sadd.s32 s19, s24;
	v32 =	vmul.f32 v60, v26  }
0x3b2: {  	v44 =	vadd.f32 v52, v55;
	s19 =	sadd.s32 s20, s24;
	s20 =	sadd.s32 s22, s24;
	s22 =	simm.s32 $0x800;
	[tilespmem:s31+$0x70] =	vst v31;
	v40 =	vmul.f32 v50, v25;
	v31 =	vmul.f32 v54, v24  }
.LBB2_17:
0x3b3: {  	s21 =	sadd.s32 $0x4, s21;
	s26 =	sand.u32 $0x800, s22;
	v23 =	vmul.f32 v45, v23;
	v37 =	vadd.f32 v37, v39;
	v36 =	vadd.f32 v36, v42  }
0x3b4: {  	v22 =	vmul.f32 v47, v22;
	v35 =	vadd.f32 v35, v46;
	v34 =	vadd.f32 v34, v48;
	s23 =	sshll.u32 s21, $0xB;
	s24 =	sor.u32 $0x200, s26;
	s25 =	sor.u32 $0x600, s26  }
0x3b5: {  	v38 =	vadd.f32 v38, v1;
	v21 =	vmul.f32 v49, v21;
	v33 =	vadd.f32 v33, v43;
	s28 =	sor.u32 $0x400, s26;
	s31 =	sand.u32 $0x3FFFC000, s23;
	s23 =	sshrl.u32 s25, $0x2  }
0x3b6: {  	v39 =	vadd.f32 v41, v1;
	s25 =	sshrl.u32 s24, $0x2;
	s24 =	sshrl.u32 s28, $0x2;
	v26 =	vmul.f32 v37, v26;
	v37 =	vadd.f32 v30, v1;
	s30 =	sor.u32 s23, s31  }
0x3b7: {  	s26 =	sshrl.u32 s26, $0x2;
	v42 =	vadd.f32 v32, v44;
	v25 =	vmul.f32 v35, v25;
	v35 =	vadd.f32 v40, v36;
	s29 =	sor.u32 s25, s31;
	s28 =	sor.u32 s24, s31;
	v41 =	vld.idx.msk [tilespmem:v6+s30+$0x0], $0xffff  }
0x3b8: {  	p0 =	slt.u32 s21, $0x1C;
	v23 =	vadd.f32 v23, v38;
	v24 =	vmul.f32 v33, v24;
	v33 =	vadd.f32 v31, v34;
	s31 =	sor.u32 s26, s31;
	v30 =	vld.idx.msk [tilespmem:v6+s29+$0x0], $0xffff  }
0x3b9: {  	v21 =	vadd.f32 v21, v39;
	v27 =	vmul.f32 v42, v27;
	v22 =	vadd.f32 v22, v37;
	v32 =	vld.idx.msk [tilespmem:v6+s31+$0x0], $0xffff  }
0x3ba: {  	v26 =	vadd.f32 v26, v23;
	v28 =	vmul.f32 v35, v28;
	v29 =	vmul.f32 v33, v29;
	v31 =	vld.idx.msk [tilespmem:v6+s28+$0x0], $0xffff  }
0x3bb: {  	v24 =	vadd.f32 v24, v21;
	v25 =	vadd.f32 v25, v22;
	v33 =	vld.idx.msk [tilespmem:v10+s30+$0x0], $0xffff  }
0x3bc: {  	v34 =	vadd.f32 v27, v26;
	v23 =	vld.idx.msk [tilespmem:v10+s31+$0x0], $0xffff  }
0x3bd: {  	v35 =	vadd.f32 v28, v25;
	v27 =	vmul.f32 v41, v12;
	v26 =	vmul.f32 v41, v16;
	v22 =	vld.idx.msk [tilespmem:v10+s29+$0x0], $0xffff  }
0x3be: {  	v36 =	vadd.f32 v29, v24;
	v28 =	vmul.f32 v41, v13;
	v25 =	vmul.f32 v41, v14;
	v21 =	vld.idx.msk [tilespmem:v10+s28+$0x0], $0xffff  }
0x3bf: {  	v24 =	vmul.f32 v41, v18;
	v29 =	vmul.f32 v41, v19;
	v38 =	vadd.f32 v26, v9;
	v37 =	vld.idx.msk [tilespmem:v17+s30+$0x0], $0xffff  }
0x3c0: {  	v40 =	vmul.f32 v41, v15;
	v39 =	vadd.f32 v27, v2;
	v27 =	vadd.f32 v25, v4;
	v26 =	vld.idx.msk [tilespmem:v17+s31+$0x0], $0xffff  }
0x3c1: {  	v42 =	vadd.f32 v24, v7;
	v29 =	vadd.f32 v29, v8;
	v38 =	vmul.f32 v38, v33;
	v25 =	vld.idx.msk [tilespmem:v17+s29+$0x0], $0xffff  }
0x3c2: {  	v41 =	vmul.f32 v41, v11;
	v43 =	vadd.f32 v28, v3;
	v28 =	vadd.f32 v40, v5;
	v24 =	vld.idx.msk [tilespmem:v17+s28+$0x0], $0xffff  }
0x3c3: {  	v42 =	vmul.f32 v42, v33;
	v29 =	vmul.f32 v29, v33;
	v38 =	vadd.f32 v38, v27;
	v40 =	vld.idx.msk [tilespmem:v20+s30+$0x0], $0xffff  }
0x3c4: {  	v44 =	vmul.f32 v32, v16;
	v41 =	vadd.f32 v41, v1;
	v33 =	vmul.f32 v28, v33;
	v27 =	vld.idx.msk [tilespmem:v20+s31+$0x0], $0xffff  }
0x3c5: {  	v39 =	vadd.f32 v42, v39;
	v42 =	vadd.f32 v29, v43;
	v38 =	vmul.f32 v38, v37;
	v28 =	vld.idx.msk [tilespmem:v20+s29+$0x0], $0xffff  }
0x3c6: {  	v45 =	vmul.f32 v31, v16;
	v43 =	vadd.f32 v44, v9;
	v44 =	vmul.f32 v30, v16;
	v29 =	vld.idx.msk [tilespmem:v20+s28+$0x0], $0xffff  }
0x3c7: {  	v33 =	vadd.f32 v33, v41;
	v37 =	vmul.f32 v42, v37;
	v38 =	vadd.f32 v38, v39;
	[tilespmem:s18+$0x70] =	vst v34  }
0x3c8: {  	v41 =	vadd.f32 v45, v9;
	v39 =	vadd.f32 v44, v9;
	v34 =	vmul.f32 v32, v14;
	[tilespmem:s19+$0x70] =	vst v35  }
0x3c9: {  	v33 =	vadd.f32 v37, v33;
	s18 =	sshll.u32 s21, $0x7;
	v35 =	vmul.f32 v32, v18;
	v37 =	vmul.f32 v38, v40;
	[tilespmem:s20+$0x70] =	vst v36  }
0x3ca: {  	s18 =	sand.u32 $0x3FFFFC00, s18;
	v38 =	vmul.f32 v30, v14;
	v34 =	vadd.f32 v34, v4;
	v36 =	vmul.f32 v32, v19  }
0x3cb: {  	v42 =	vmul.f32 v30, v19;
	v40 =	vmul.f32 v30, v18;
	s20 =	sadd.s32 s18, s17;
	v33 =	vadd.f32 v37, v33  }
0x3cc: {  	v44 =	vmul.f32 v31, v18;
	v35 =	vadd.f32 v35, v7;
	s18 =	sadd.s32 s26, s20;
	s19 =	sadd.s32 s25, s20;
	v37 =	vmul.f32 v31, v14;
	s23 =	sadd.s32 s23, s20  }
0x3cd: {  	v45 =	vmul.f32 v31, v19;
	v43 =	vmul.f32 v43, v23;
	s20 =	sadd.s32 s24, s20;
	v36 =	vadd.f32 v36, v8;
	[tilespmem:s23+$0x70] =	vst v33  }
0x3ce: {  	v33 =	vadd.f32 v38, v4;
	v38 =	vmul.f32 v39, v22;
	v39 =	vmul.f32 v41, v21  }
0x3cf: {  	v42 =	vadd.f32 v42, v8;
	v40 =	vadd.f32 v40, v7;
	v41 =	vmul.f32 v32, v12  }
0x3d0: {  	v46 =	vmul.f32 v32, v13;
	v44 =	vadd.f32 v44, v7;
	v37 =	vadd.f32 v37, v4  }
0x3d1: {  	v48 =	vmul.f32 v30, v12;
	v47 =	vmul.f32 v32, v15;
	v49 =	vadd.f32 v45, v8  }
0x3d2: {  	v51 =	vmul.f32 v30, v15;
	v50 =	vadd.f32 v43, v34;
	v43 =	vmul.f32 v30, v13  }
0x3d3: {  	v53 =	vmul.f32 v31, v12;
	v54 =	vmul.f32 v31, v13;
	v52 =	vadd.f32 v38, v33  }
0x3d4: {  	v56 =	vmul.f32 v31, v15;
	v55 =	vmul.f32 v35, v23;
	v57 =	vadd.f32 v39, v37  }
0x3d5: {  	v58 =	vadd.f32 v41, v2;
	v37 =	vmul.f32 v36, v23;
	v36 =	vmul.f32 v40, v22  }
0x3d6: {  	v34 =	vmul.f32 v44, v21;
	v35 =	vmul.f32 v42, v22;
	v39 =	vadd.f32 v46, v3  }
.Ltmp7:
0x3d7: {  	v45 =	vadd.f32 v47, v5;
	v42 =	vadd.f32 v48, v2;
	v33 =	vmul.f32 v49, v21;
	(pc) =	sbr.rel @p0 .LBB2_17-.Ltmp7, $4  }
0x3d8: {  	v47 =	vadd.f32 v51, v5;
	v38 =	vmul.f32 v32, v11;
	v46 =	vadd.f32 v43, v3  }
0x3d9: {  	v30 =	vmul.f32 v30, v11;
	v48 =	vadd.f32 v53, v2;
	v43 =	vadd.f32 v54, v3  }
0x3da: {  	v32 =	vmul.f32 v50, v26;
	v41 =	vmul.f32 v31, v11;
	v49 =	vadd.f32 v56, v5  }
0x3db: {  	s22 =	sadd.s32 $0x800, s22;
	v44 =	vadd.f32 v55, v58;
	v40 =	vmul.f32 v52, v25;
	v31 =	vmul.f32 v57, v24  }
0x3dc: {  	v2 =	vadd.f32 v37, v39  }
0x3dd: {  	v3 =	vmul.f32 v45, v23;
	v4 =	vadd.f32 v36, v42;
	v5 =	vadd.f32 v35, v46  }
0x3de: {  	v6 =	vmul.f32 v47, v22;
	v7 =	vadd.f32 v34, v48;
	v8 =	vadd.f32 v38, v1  }
0x3df: {  	v9 =	vmul.f32 v49, v21;
	v10 =	vadd.f32 v33, v43;
	v11 =	vadd.f32 v30, v1  }
0x3e0: {  	v1 =	vadd.f32 v41, v1;
	v12 =	vadd.f32 v32, v44;
	v2 =	vmul.f32 v2, v26  }
0x3e1: {  	v5 =	vmul.f32 v5, v25;
	v4 =	vadd.f32 v40, v4;
	v3 =	vadd.f32 v3, v8  }
0x3e2: {  	v60 =	vmul.f32 v10, v24;
	v7 =	vadd.f32 v31, v7;
	v6 =	vadd.f32 v6, v11  }
0x3e3: {  	v1 =	vadd.f32 v9, v1;
	v61 =	vmul.f32 v12, v27;
	v2 =	vadd.f32 v2, v3  }
0x3e4: {  	v3 =	vmul.f32 v4, v28;
	v62 =	vadd.f32 v5, v6  }
0x3e5: {  	v63 =	vmul.f32 v7, v29;
	v1 =	vadd.f32 v60, v1;
	v2 =	vadd.f32 v61, v2  }
0x3e6: {  	v3 =	vadd.f32 v3, v62  }
0x3e7: {  	v1 =	vadd.f32 v63, v1;
	[tilespmem:s18+$0x70] =	vst v2  }
0x3e8: {  	p0 =	seq.s32 s15, $0x0;
	[tilespmem:s19+$0x70] =	vst v3  }
0x3e9: {  	[tilespmem:s20+$0x70] =	vst v1;
	s18 =	simm.s32 @!p0 $0x1  }
0x3ea: {  	_ =	swait.ge @!p0 [sflag:s18], $0x1000  }
0x3eb: {  	s15 =	sadd.s32 $0x1, s15;
	[sflag:s18] =	ssyncset.done @!p0 $0x0  }
0x3ec: {  	[sflag:s18] =	ssyncadd.s32 @!p0 $0xFFFFF000;
	p0 =	sne.s32 s15, $0x10  }
.Ltmp8:
0x3ed: {  	_ = 	snop;
	(pc) =	sbr.rel @p0 .LBB2_2-.Ltmp8, $3  }
0x3ee: {  	_ =	sdelay $0x1  }
0x3ef: {  	s16 =	sadd.s32 s16, s6  }
0x3f0: {  	[hbm4b:s16+s11] =	stream.strided.scatter [tilespmem:s17], [sflag:$0x1], $0x1000, s12, s11, $0x38;
	[tilespmem:$0x1E000] =	vst v63  }
0x3f1: {  	s14 =	sadd.s32 $0x1, s14  }
0x3f2: {  	p0 =	sne.s32 s14, s7  }
.Ltmp9:
0x3f3: {  	_ = 	snop;
	(pc) =	sbr.rel @p0 .LBB2_1-.Ltmp9, $4  }
0x3f4: {  	_ = 	snop  }
0x3f5: {  	_ =	swait.ge [sflag:s13], $0x1000  }
0x3f6: {  	[sflag:s13] =	ssyncset.done $0x0  }
0x3f7: {  	[sflag:s13] =	ssyncadd.s32 $0xFFFFF000  }
0x3f8: {  	_ =	sfence.sel $0x180000  }
0x3f9: {  	[bflag:$0x0] =	sbarrier.arrive $0xFFFF  }
0x3fa: {  	p0 =	sne.s32 s1, $0x0;
	_ =	strace $0x90000047  }
0x3fb: {  	s0 =	sadd.s32 @!p0 $0x100000, s0;
	[bflag:$0x2] =	sbarrier.arrive $0xFFFF  }
0x3fc: {  	[sflag:s0] =	ssyncadd.tile.s32 @!p0 $0x1;
	_ =	shalt  }
.Lfunc_end2:
_tile_overlayer_lowered:
.L_overlay_start_2:
0x3fd: {  	(tag) =	ssettag $0x2  }
0x3fe: {  	s0 =	rddreg [dreg:$0x0];
	s2 =	stileid.u32  }
0x3ff: {  	s1 =	rddreg [dreg:$0x1];
	p0 =	sne.s32 s2, $0x0  }
0x400: {  	s3 =	rddreg [dreg:$0x2];
	[bflag:$0x3] =	sbarrier.arrive $0xFFFF;
	s2 =	simm.s32 @!p0 $0x1C03  }
0x401: {  	[timem:s3], [sflag:s2] =	dma.local @!p0 [hbm:s0], s1  }
0x402: {  	s0 =	simm.s32 @!p0 $0x3  }
0x403: {  	_ =	swait.ge @!p0 [sflag:s0], s1  }
0x404: {  	s1 =	ssub.s32 @!p0 $0x0, s1;
	[sflag:s0] =	ssyncset.done @!p0 $0x0  }
0x405: {  	[sflag:s0] =	ssyncadd.s32 @!p0 s1  }
0x406: {  	[bflag:$0x3] =	sbarrier.arrive $0xFFFF  }
0x407: {  	_ =	shalt  }

</sc_bundles>
